<compile_context>
chip_gen: v7x
topology: tpu7x:2x2x1
jax: 0.10.2.dev20260603
libtpu: 0.0.44.dev20260713+nightly
codegen_flags: <defaults>
</compile_context>

<pallas_src>
import functools

import jax
import jax.numpy as jnp
from jax import lax
from jax.experimental import pallas as pl
from jax.experimental.pallas import tpu as pltpu
from jax.experimental.pallas import tpu_sc as plsc

NUM_BUCKETS = 1000000
B = 4096
L = 200
D = 32
C = 100
NC = 2
NS = 16
NW = NC * NS
B_PER_W = B // NW
LANES = 16
S = 262144
TBLK = 8192
XROWS = 2 * B


def _tc_relayout(tableT, xT):
    max_blk = (NUM_BUCKETS - 1) // TBLK
    nsteps = S // TBLK
    xcols = B // (nsteps // 2)

    def body(t0, t1, t2, t3, x_ref, o_ref, o2_ref):
        m = jnp.concatenate(
            [t0[...], t1[...], t2[...], t3[...]], axis=0)
        o_ref[...] = m.T
        xt = x_ref[...].T
        o2_ref[...] = ((xt & (S - 1)) << 2) | lax.shift_right_logical(xt, 18)

    def in_map(i, k):
        return (0, jnp.minimum((S // TBLK) * k + i, max_blk))

    return pl.pallas_call(
        body,
        grid=(nsteps,),
        in_specs=[
            pl.BlockSpec((D, TBLK), functools.partial(in_map, k=k))
            for k in range(4)
        ] + [
            pl.BlockSpec((128, xcols),
                         lambda i: (i // (nsteps // 2), i % (nsteps // 2))),
        ],
        out_specs=[
            pl.BlockSpec((TBLK, 128), lambda i: (i, 0)),
            pl.BlockSpec((xcols, 128), lambda i: (i, 0)),
        ],
        out_shape=[
            jax.ShapeDtypeStruct((S, 128), jnp.float32),
            jax.ShapeDtypeStruct((XROWS, 128), jnp.int32),
        ],
    )(tableT, tableT, tableT, tableT, xT)


def _sc_sum_embeddings(x_lin, table):
    mesh = plsc.VectorSubcoreMesh(core_axis_name="c", subcore_axis_name="s")
    NBUF = 8
    TAIL = L - 128

    @functools.partial(
        pl.kernel,
        mesh=mesh,
        out_type=jax.ShapeDtypeStruct((B, D), jnp.float32),
        compiler_params=pltpu.CompilerParams(use_tc_tiling_on_sc=False),
        scratch_types=[
            pltpu.VMEM((2, B_PER_W, 128), jnp.int32),
            pltpu.VMEM((NBUF, L, D), jnp.float32),
            pltpu.VMEM((B_PER_W, D), jnp.float32),
            pltpu.SemaphoreType.DMA((NBUF,)),
        ],
    )
    def sc_kernel(x_hbm, table_hbm, out_hbm, idx_v, rows_v, acc_v, sems):
        wid = lax.axis_index("s") * NC + lax.axis_index("c")
        base = wid * B_PER_W
        pltpu.sync_copy(x_hbm.at[pl.ds(base, B_PER_W)], idx_v.at[0])
        pltpu.sync_copy(x_hbm.at[pl.ds(B + base, B_PER_W)], idx_v.at[1])

        zero = jnp.zeros((LANES,), jnp.float32)

        def fire(r, p):
            pltpu.async_copy(
                table_hbm.at[idx_v.at[0, r]],
                rows_v.at[p, pl.ds(0, 128)], sems.at[p])
            pltpu.async_copy(
                table_hbm.at[idx_v.at[1, r, pl.ds(0, TAIL)]],
                rows_v.at[p, pl.ds(128, TAIL)], sems.at[p])

        def drain(p):
            pltpu.make_async_copy(
                table_hbm.at[pl.ds(0, L)], rows_v.at[p], sems.at[p]).wait()

        def accumulate(r, p):
            def red(jo, acc):
                a00, a01, a10, a11 = acc
                j = jo * 10
                for u in range(0, 10, 2):
                    a00 = a00 + rows_v[p, j + u, pl.ds(0, LANES)]
                    a10 = a10 + rows_v[p, j + u, pl.ds(LANES, LANES)]
                    a01 = a01 + rows_v[p, j + u + 1, pl.ds(0, LANES)]
                    a11 = a11 + rows_v[p, j + u + 1, pl.ds(LANES, LANES)]
                return a00, a01, a10, a11

            a00, a01, a10, a11 = lax.fori_loop(
                0, L // 10, red, (zero, zero, zero, zero))
            acc_v[r, pl.ds(0, LANES)] = a00 + a01
            acc_v[r, pl.ds(LANES, LANES)] = a10 + a11

        for p in range(NBUF):
            fire(p, p)

        def group_body(g, carry):
            r0 = g * NBUF
            for p in range(NBUF):
                drain(p)
                accumulate(r0 + p, p)
                fire(r0 + p + NBUF, p)
            return carry

        lax.fori_loop(0, B_PER_W // NBUF - 1, group_body, 0)

        for p in range(NBUF):
            drain(p)
            accumulate(B_PER_W - NBUF + p, p)

        pltpu.sync_copy(acc_v, out_hbm.at[pl.ds(base, B_PER_W)])

    return sc_kernel(x_lin, table)


def _tc_head(sums, W, b2):

    def body(s_ref, w_ref, b_ref, o_ref):
        o_ref[...] = (
            lax.dot_general(
                w_ref[...] * (1.0 / L), s_ref[...],
                dimension_numbers=(((0,), (1,)), ((), ())),
                precision=lax.Precision.HIGHEST,
                preferred_element_type=jnp.float32)
            + b_ref[...]
        )

    return pl.pallas_call(
        body,
        out_shape=jax.ShapeDtypeStruct((C, B), jnp.float32),
    )(sums, W, b2)


@jax.jit
def kernel(x, table, W, b):
    table_lin, x_lin = _tc_relayout(table.T, x.T)
    sums = _sc_sum_embeddings(x_lin, table_lin.reshape(4 * S, D))
    return _tc_head(sums, W, b.reshape(C, 1)).T

# --- scband reference (transcript-rebuilt; emitter-appended) ---
"""Pipeline reference for scband-fast-text-classifier-14396730376276 (READ-ONLY COPY).

The authoritative reference and input builder live on the scoring server;
editing this copy changes nothing except your own understanding.
"""

import jax, jax.numpy as jnp
import numpy as np

NUM_BUCKETS = 1000000
EMBED_DIM = 32
NUM_CLASSES = 100
BATCH = 4096
SEQ_LEN = 200


def setup_inputs(seed: int = 0) -> dict:
    key = jax.random.key(seed)
    k_x, k_tab, k_w, k_b = jax.random.split(key, 4)
    x = jax.random.randint(k_x, (BATCH, SEQ_LEN), 0, NUM_BUCKETS, dtype=jnp.int64 if jax.config.jax_enable_x64 else jnp.int32).astype(jnp.int32)
    table = jax.random.normal(k_tab, (NUM_BUCKETS, EMBED_DIM), dtype=jnp.float32)
    W = jax.random.normal(k_w, (EMBED_DIM, NUM_CLASSES), dtype=jnp.float32) * (1.0 / np.sqrt(EMBED_DIM))
    b = jax.random.normal(k_b, (NUM_CLASSES,), dtype=jnp.float32) * 0.01
    return {"x": x, "table": table, "W": W, "b": b}


def reference(x, table, W, b):
    # embedding lookup: gather rows of table
    embedded = jnp.take(table, x, axis=0)            # [B, L, D]
    avg_embedded = embedded.mean(axis=1)             # [B, D]
    logits = avg_embedded @ W + b                    # [B, C]
    return logits

if __name__ == "__main__":
    import jax
    _d = setup_inputs()
    print(jax.jit(kernel)(*tuple(_d.values())))

</pallas_src>

<mosaic_0001>
#map = affine_map<(d0, d1) -> (0, 0)>
module attributes {stable_mosaic.version = 14 : i64} {
  func.func @sc_kernel(%arg0: i32, %arg1: i32, %arg2: memref<8192x128xi32, #tpu.memory_space<hbm>>, %arg3: memref<1048576x32xf32, #tpu.memory_space<hbm>>, %arg4: memref<4096x32xf32, #tpu.memory_space<hbm>>, %arg5: memref<2x128x128xi32, #tpu.memory_space<vmem>>, %arg6: memref<8x200x32xf32, #tpu.memory_space<vmem>>, %arg7: memref<128x32xf32, #tpu.memory_space<vmem>>, %arg8: memref<8x!tpu.dma_semaphore, #tpu.memory_space<semaphore_mem>>) attributes {dimension_semantics = [#tpu.dimension_semantics<core_parallel>, #tpu.dimension_semantics<subcore_parallel>], iteration_bounds = array<i64: 2, 16>, scalar_prefetch = 0 : i64, scratch_operands = 4 : i64, tpu.core_type = #tpu.core_type<sc_vector_subcore>, window_params = [{transform_indices = #map}, {transform_indices = #map}, {transform_indices = #map}]} {
    %mul3A = arith.constant 2 : i32
    %mul3A_0 = arith.muli %arg1, %mul3A : i32
    %add3A = arith.addi %mul3A_0, %arg0 : i32
    %mul3A_1 = arith.constant 128 : i32
    %mul3A_2 = arith.muli %add3A, %mul3A_1 : i32
    %run_scoped3A = arith.constant 0 : i32
    "tpu.region"() ({
      %run_scoped3A_569 = tpu.sem_alloc : memref<!tpu.dma_semaphore, #tpu.memory_space<semaphore_mem>>
      %dma_start3A_570 = arith.constant 0 : i32
      %dma_start3A_571 = arith.constant 0 : i32
      %dma_start3A_572 = tpu.memref_slice %arg5[%run_scoped3A, %dma_start3A_570, %dma_start3A_571] : memref<2x128x128xi32, #tpu.memory_space<vmem>> -> memref<1x128x128xi32, #tpu.memory_space<vmem>>
      %dma_start3A_573 = tpu.memref_squeeze %dma_start3A_572 : memref<1x128x128xi32, #tpu.memory_space<vmem>> -> memref<128x128xi32, #tpu.memory_space<vmem>>
      %dma_start3A_574 = arith.constant 0 : i32
      %dma_start3A_575 = tpu.memref_slice %arg2[%mul3A_2, %dma_start3A_574] : memref<8192x128xi32, #tpu.memory_space<hbm>> -> memref<128x128xi32, #tpu.memory_space<hbm>>
      %dma_start3A_576 = arith.constant 0 : i32
      %dma_start3A_577 = arith.constant 0 : i32
      %dma_start3A_578 = tpu.memref_slice %arg5[%run_scoped3A, %dma_start3A_576, %dma_start3A_577] : memref<2x128x128xi32, #tpu.memory_space<vmem>> -> memref<1x128x128xi32, #tpu.memory_space<vmem>>
      %dma_start3A_579 = tpu.memref_squeeze %dma_start3A_578 : memref<1x128x128xi32, #tpu.memory_space<vmem>> -> memref<128x128xi32, #tpu.memory_space<vmem>>
      %dma_start3A_580 = arith.constant 0 : i32
      %dma_start3A_581 = tpu.memref_slice %arg2[%mul3A_2, %dma_start3A_580] : memref<8192x128xi32, #tpu.memory_space<hbm>> -> memref<128x128xi32, #tpu.memory_space<hbm>>
      tpu.enqueue_dma source(%dma_start3A_581 : memref<128x128xi32, #tpu.memory_space<hbm>>) target(%dma_start3A_579 : memref<128x128xi32, #tpu.memory_space<vmem>>) target_semaphore(%run_scoped3A_569 : memref<!tpu.dma_semaphore, #tpu.memory_space<semaphore_mem>>)
      %dma_wait3A_582 = arith.constant 0 : i32
      %dma_wait3A_583 = arith.constant 0 : i32
      %dma_wait3A_584 = tpu.memref_slice %arg5[%run_scoped3A, %dma_wait3A_582, %dma_wait3A_583] : memref<2x128x128xi32, #tpu.memory_space<vmem>> -> memref<1x128x128xi32, #tpu.memory_space<vmem>>
      %dma_wait3A_585 = tpu.memref_squeeze %dma_wait3A_584 : memref<1x128x128xi32, #tpu.memory_space<vmem>> -> memref<128x128xi32, #tpu.memory_space<vmem>>
      %dma_wait3A_586 = arith.constant 0 : i32
      %dma_wait3A_587 = tpu.memref_slice %arg2[%mul3A_2, %dma_wait3A_586] : memref<8192x128xi32, #tpu.memory_space<hbm>> -> memref<128x128xi32, #tpu.memory_space<hbm>>
      %dma_wait3A_588 = arith.constant 0 : i32
      %dma_wait3A_589 = arith.constant 0 : i32
      %dma_wait3A_590 = tpu.memref_slice %arg5[%run_scoped3A, %dma_wait3A_588, %dma_wait3A_589] : memref<2x128x128xi32, #tpu.memory_space<vmem>> -> memref<1x128x128xi32, #tpu.memory_space<vmem>>
      %dma_wait3A_591 = tpu.memref_squeeze %dma_wait3A_590 : memref<1x128x128xi32, #tpu.memory_space<vmem>> -> memref<128x128xi32, #tpu.memory_space<vmem>>
      %dma_wait3A_592 = arith.constant 0 : i32
      %dma_wait3A_593 = tpu.memref_slice %arg2[%mul3A_2, %dma_wait3A_592] : memref<8192x128xi32, #tpu.memory_space<hbm>> -> memref<128x128xi32, #tpu.memory_space<hbm>>
      tpu.wait_dma2 semaphore(%run_scoped3A_569 : memref<!tpu.dma_semaphore, #tpu.memory_space<semaphore_mem>>) src(%dma_wait3A_593 : memref<128x128xi32, #tpu.memory_space<hbm>>) dst(%dma_wait3A_591 : memref<128x128xi32, #tpu.memory_space<vmem>>)
      tpu.yield
    }) : () -> ()
    %add3A_3 = arith.constant 4096 : i32
    %add3A_4 = arith.addi %add3A_3, %mul3A_2 : i32
    %run_scoped3A_5 = arith.constant 1 : i32
    "tpu.region"() ({
      %run_scoped3A_569 = tpu.sem_alloc : memref<!tpu.dma_semaphore, #tpu.memory_space<semaphore_mem>>
      %dma_start3A_570 = arith.constant 0 : i32
      %dma_start3A_571 = arith.constant 0 : i32
      %dma_start3A_572 = tpu.memref_slice %arg5[%run_scoped3A_5, %dma_start3A_570, %dma_start3A_571] : memref<2x128x128xi32, #tpu.memory_space<vmem>> -> memref<1x128x128xi32, #tpu.memory_space<vmem>>
      %dma_start3A_573 = tpu.memref_squeeze %dma_start3A_572 : memref<1x128x128xi32, #tpu.memory_space<vmem>> -> memref<128x128xi32, #tpu.memory_space<vmem>>
      %dma_start3A_574 = arith.constant 0 : i32
      %dma_start3A_575 = tpu.memref_slice %arg2[%add3A_4, %dma_start3A_574] : memref<8192x128xi32, #tpu.memory_space<hbm>> -> memref<128x128xi32, #tpu.memory_space<hbm>>
      %dma_start3A_576 = arith.constant 0 : i32
      %dma_start3A_577 = arith.constant 0 : i32
      %dma_start3A_578 = tpu.memref_slice %arg5[%run_scoped3A_5, %dma_start3A_576, %dma_start3A_577] : memref<2x128x128xi32, #tpu.memory_space<vmem>> -> memref<1x128x128xi32, #tpu.memory_space<vmem>>
      %dma_start3A_579 = tpu.memref_squeeze %dma_start3A_578 : memref<1x128x128xi32, #tpu.memory_space<vmem>> -> memref<128x128xi32, #tpu.memory_space<vmem>>
      %dma_start3A_580 = arith.constant 0 : i32
      %dma_start3A_581 = tpu.memref_slice %arg2[%add3A_4, %dma_start3A_580] : memref<8192x128xi32, #tpu.memory_space<hbm>> -> memref<128x128xi32, #tpu.memory_space<hbm>>
      tpu.enqueue_dma source(%dma_start3A_581 : memref<128x128xi32, #tpu.memory_space<hbm>>) target(%dma_start3A_579 : memref<128x128xi32, #tpu.memory_space<vmem>>) target_semaphore(%run_scoped3A_569 : memref<!tpu.dma_semaphore, #tpu.memory_space<semaphore_mem>>)
      %dma_wait3A_582 = arith.constant 0 : i32
      %dma_wait3A_583 = arith.constant 0 : i32
      %dma_wait3A_584 = tpu.memref_slice %arg5[%run_scoped3A_5, %dma_wait3A_582, %dma_wait3A_583] : memref<2x128x128xi32, #tpu.memory_space<vmem>> -> memref<1x128x128xi32, #tpu.memory_space<vmem>>
      %dma_wait3A_585 = tpu.memref_squeeze %dma_wait3A_584 : memref<1x128x128xi32, #tpu.memory_space<vmem>> -> memref<128x128xi32, #tpu.memory_space<vmem>>
      %dma_wait3A_586 = arith.constant 0 : i32
      %dma_wait3A_587 = tpu.memref_slice %arg2[%add3A_4, %dma_wait3A_586] : memref<8192x128xi32, #tpu.memory_space<hbm>> -> memref<128x128xi32, #tpu.memory_space<hbm>>
      %dma_wait3A_588 = arith.constant 0 : i32
      %dma_wait3A_589 = arith.constant 0 : i32
      %dma_wait3A_590 = tpu.memref_slice %arg5[%run_scoped3A_5, %dma_wait3A_588, %dma_wait3A_589] : memref<2x128x128xi32, #tpu.memory_space<vmem>> -> memref<1x128x128xi32, #tpu.memory_space<vmem>>
      %dma_wait3A_591 = tpu.memref_squeeze %dma_wait3A_590 : memref<1x128x128xi32, #tpu.memory_space<vmem>> -> memref<128x128xi32, #tpu.memory_space<vmem>>
      %dma_wait3A_592 = arith.constant 0 : i32
      %dma_wait3A_593 = tpu.memref_slice %arg2[%add3A_4, %dma_wait3A_592] : memref<8192x128xi32, #tpu.memory_space<hbm>> -> memref<128x128xi32, #tpu.memory_space<hbm>>
      tpu.wait_dma2 semaphore(%run_scoped3A_569 : memref<!tpu.dma_semaphore, #tpu.memory_space<semaphore_mem>>) src(%dma_wait3A_593 : memref<128x128xi32, #tpu.memory_space<hbm>>) dst(%dma_wait3A_591 : memref<128x128xi32, #tpu.memory_space<vmem>>)
      tpu.yield
    }) : () -> ()
    %broadcast_in_dim3A = arith.constant 0.000000e+00 : f32
    %broadcast_in_dim3A_6 = vector.broadcast %broadcast_in_dim3A : f32 to vector<16xf32>
    %dma_start3A = arith.constant 0 : i32
    %dma_start3A_7 = arith.constant 0 : i32
    %dma_start3A_8 = arith.constant 0 : i32
    %dma_start3A_9 = arith.constant 0 : i32
    %dma_start3A_10 = arith.constant 0 : i32
    %dma_start3A_11 = arith.constant 0 : i32
    %dma_start3A_12 = tpu.memref_slice %arg6[%dma_start3A_8, %dma_start3A_10, %dma_start3A_11] : memref<8x200x32xf32, #tpu.memory_space<vmem>> -> memref<1x128x32xf32, #tpu.memory_space<vmem>>
    %dma_start3A_13 = tpu.memref_squeeze %dma_start3A_12 : memref<1x128x32xf32, #tpu.memory_space<vmem>> -> memref<128x32xf32, #tpu.memory_space<vmem>>
    %dma_start3A_14 = arith.constant 0 : i32
    %dma_start3A_15 = tpu.memref_slice %arg5[%dma_start3A, %dma_start3A_7, %dma_start3A_14] : memref<2x128x128xi32, #tpu.memory_space<vmem>> -> memref<1x1x128xi32, #tpu.memory_space<vmem>>
    %dma_start3A_16 = tpu.memref_squeeze %dma_start3A_15 : memref<1x1x128xi32, #tpu.memory_space<vmem>> -> memref<128xi32, #tpu.memory_space<vmem>>
    %dma_start3A_17 = arith.constant 0 : i32
    %dma_start3A_18 = arith.constant 0 : i32
    %dma_start3A_19 = tpu.memref_slice %arg3[%dma_start3A_17, %dma_start3A_18] : memref<1048576x32xf32, #tpu.memory_space<hbm>> -> memref<1048576x32xf32, #tpu.memory_space<hbm>>
    %dma_start3A_20 = tpu.memref_slice %arg8[%dma_start3A_9] : memref<8x!tpu.dma_semaphore, #tpu.memory_space<semaphore_mem>> -> memref<1x!tpu.dma_semaphore, #tpu.memory_space<semaphore_mem>>
    %dma_start3A_21 = tpu.memref_squeeze %dma_start3A_20 : memref<1x!tpu.dma_semaphore, #tpu.memory_space<semaphore_mem>> -> memref<!tpu.dma_semaphore, #tpu.memory_space<semaphore_mem>>
    tpu.enqueue_indirect_dma source(%dma_start3A_19 : memref<1048576x32xf32, #tpu.memory_space<hbm>>) target(%dma_start3A_13 : memref<128x32xf32, #tpu.memory_space<vmem>>) offsets(%dma_start3A_16 : memref<128xi32, #tpu.memory_space<vmem>>) semaphore(%dma_start3A_21 : memref<!tpu.dma_semaphore, #tpu.memory_space<semaphore_mem>>)
    %dma_start3A_22 = arith.constant 1 : i32
    %dma_start3A_23 = arith.constant 0 : i32
    %dma_start3A_24 = arith.constant 0 : i32
    %dma_start3A_25 = arith.constant 0 : i32
    %dma_start3A_26 = arith.constant 128 : i32
    %dma_start3A_27 = arith.constant 0 : i32
    %dma_start3A_28 = tpu.memref_slice %arg6[%dma_start3A_24, %dma_start3A_26, %dma_start3A_27] : memref<8x200x32xf32, #tpu.memory_space<vmem>> -> memref<1x72x32xf32, #tpu.memory_space<vmem>>
    %dma_start3A_29 = tpu.memref_squeeze %dma_start3A_28 : memref<1x72x32xf32, #tpu.memory_space<vmem>> -> memref<72x32xf32, #tpu.memory_space<vmem>>
    %dma_start3A_30 = arith.constant 0 : i32
    %dma_start3A_31 = tpu.memref_slice %arg5[%dma_start3A_22, %dma_start3A_23, %dma_start3A_30] : memref<2x128x128xi32, #tpu.memory_space<vmem>> -> memref<1x1x72xi32, #tpu.memory_space<vmem>>
    %dma_start3A_32 = tpu.memref_squeeze %dma_start3A_31 : memref<1x1x72xi32, #tpu.memory_space<vmem>> -> memref<72xi32, #tpu.memory_space<vmem>>
    %dma_start3A_33 = arith.constant 0 : i32
    %dma_start3A_34 = arith.constant 0 : i32
    %dma_start3A_35 = tpu.memref_slice %arg3[%dma_start3A_33, %dma_start3A_34] : memref<1048576x32xf32, #tpu.memory_space<hbm>> -> memref<1048576x32xf32, #tpu.memory_space<hbm>>
    %dma_start3A_36 = tpu.memref_slice %arg8[%dma_start3A_25] : memref<8x!tpu.dma_semaphore, #tpu.memory_space<semaphore_mem>> -> memref<1x!tpu.dma_semaphore, #tpu.memory_space<semaphore_mem>>
    %dma_start3A_37 = tpu.memref_squeeze %dma_start3A_36 : memref<1x!tpu.dma_semaphore, #tpu.memory_space<semaphore_mem>> -> memref<!tpu.dma_semaphore, #tpu.memory_space<semaphore_mem>>
    tpu.enqueue_indirect_dma source(%dma_start3A_35 : memref<1048576x32xf32, #tpu.memory_space<hbm>>) target(%dma_start3A_29 : memref<72x32xf32, #tpu.memory_space<vmem>>) offsets(%dma_start3A_32 : memref<72xi32, #tpu.memory_space<vmem>>) semaphore(%dma_start3A_37 : memref<!tpu.dma_semaphore, #tpu.memory_space<semaphore_mem>>)
    %dma_start3A_38 = arith.constant 0 : i32
    %dma_start3A_39 = arith.constant 1 : i32
    %dma_start3A_40 = arith.constant 1 : i32
    %dma_start3A_41 = arith.constant 1 : i32
    %dma_start3A_42 = arith.constant 0 : i32
    %dma_start3A_43 = arith.constant 0 : i32
    %dma_start3A_44 = tpu.memref_slice %arg6[%dma_start3A_40, %dma_start3A_42, %dma_start3A_43] : memref<8x200x32xf32, #tpu.memory_space<vmem>> -> memref<1x128x32xf32, #tpu.memory_space<vmem>>
    %dma_start3A_45 = tpu.memref_squeeze %dma_start3A_44 : memref<1x128x32xf32, #tpu.memory_space<vmem>> -> memref<128x32xf32, #tpu.memory_space<vmem>>
    %dma_start3A_46 = arith.constant 0 : i32
    %dma_start3A_47 = tpu.memref_slice %arg5[%dma_start3A_38, %dma_start3A_39, %dma_start3A_46] : memref<2x128x128xi32, #tpu.memory_space<vmem>> -> memref<1x1x128xi32, #tpu.memory_space<vmem>>
    %dma_start3A_48 = tpu.memref_squeeze %dma_start3A_47 : memref<1x1x128xi32, #tpu.memory_space<vmem>> -> memref<128xi32, #tpu.memory_space<vmem>>
    %dma_start3A_49 = arith.constant 0 : i32
    %dma_start3A_50 = arith.constant 0 : i32
    %dma_start3A_51 = tpu.memref_slice %arg3[%dma_start3A_49, %dma_start3A_50] : memref<1048576x32xf32, #tpu.memory_space<hbm>> -> memref<1048576x32xf32, #tpu.memory_space<hbm>>
    %dma_start3A_52 = tpu.memref_slice %arg8[%dma_start3A_41] : memref<8x!tpu.dma_semaphore, #tpu.memory_space<semaphore_mem>> -> memref<1x!tpu.dma_semaphore, #tpu.memory_space<semaphore_mem>>
    %dma_start3A_53 = tpu.memref_squeeze %dma_start3A_52 : memref<1x!tpu.dma_semaphore, #tpu.memory_space<semaphore_mem>> -> memref<!tpu.dma_semaphore, #tpu.memory_space<semaphore_mem>>
    tpu.enqueue_indirect_dma source(%dma_start3A_51 : memref<1048576x32xf32, #tpu.memory_space<hbm>>) target(%dma_start3A_45 : memref<128x32xf32, #tpu.memory_space<vmem>>) offsets(%dma_start3A_48 : memref<128xi32, #tpu.memory_space<vmem>>) semaphore(%dma_start3A_53 : memref<!tpu.dma_semaphore, #tpu.memory_space<semaphore_mem>>)
    %dma_start3A_54 = arith.constant 1 : i32
    %dma_start3A_55 = arith.constant 1 : i32
    %dma_start3A_56 = arith.constant 1 : i32
    %dma_start3A_57 = arith.constant 1 : i32
    %dma_start3A_58 = arith.constant 128 : i32
    %dma_start3A_59 = arith.constant 0 : i32
    %dma_start3A_60 = tpu.memref_slice %arg6[%dma_start3A_56, %dma_start3A_58, %dma_start3A_59] : memref<8x200x32xf32, #tpu.memory_space<vmem>> -> memref<1x72x32xf32, #tpu.memory_space<vmem>>
    %dma_start3A_61 = tpu.memref_squeeze %dma_start3A_60 : memref<1x72x32xf32, #tpu.memory_space<vmem>> -> memref<72x32xf32, #tpu.memory_space<vmem>>
    %dma_start3A_62 = arith.constant 0 : i32
    %dma_start3A_63 = tpu.memref_slice %arg5[%dma_start3A_54, %dma_start3A_55, %dma_start3A_62] : memref<2x128x128xi32, #tpu.memory_space<vmem>> -> memref<1x1x72xi32, #tpu.memory_space<vmem>>
    %dma_start3A_64 = tpu.memref_squeeze %dma_start3A_63 : memref<1x1x72xi32, #tpu.memory_space<vmem>> -> memref<72xi32, #tpu.memory_space<vmem>>
    %dma_start3A_65 = arith.constant 0 : i32
    %dma_start3A_66 = arith.constant 0 : i32
    %dma_start3A_67 = tpu.memref_slice %arg3[%dma_start3A_65, %dma_start3A_66] : memref<1048576x32xf32, #tpu.memory_space<hbm>> -> memref<1048576x32xf32, #tpu.memory_space<hbm>>
    %dma_start3A_68 = tpu.memref_slice %arg8[%dma_start3A_57] : memref<8x!tpu.dma_semaphore, #tpu.memory_space<semaphore_mem>> -> memref<1x!tpu.dma_semaphore, #tpu.memory_space<semaphore_mem>>
    %dma_start3A_69 = tpu.memref_squeeze %dma_start3A_68 : memref<1x!tpu.dma_semaphore, #tpu.memory_space<semaphore_mem>> -> memref<!tpu.dma_semaphore, #tpu.memory_space<semaphore_mem>>
    tpu.enqueue_indirect_dma source(%dma_start3A_67 : memref<1048576x32xf32, #tpu.memory_space<hbm>>) target(%dma_start3A_61 : memref<72x32xf32, #tpu.memory_space<vmem>>) offsets(%dma_start3A_64 : memref<72xi32, #tpu.memory_space<vmem>>) semaphore(%dma_start3A_69 : memref<!tpu.dma_semaphore, #tpu.memory_space<semaphore_mem>>)
    %dma_start3A_70 = arith.constant 0 : i32
    %dma_start3A_71 = arith.constant 2 : i32
    %dma_start3A_72 = arith.constant 2 : i32
    %dma_start3A_73 = arith.constant 2 : i32
    %dma_start3A_74 = arith.constant 0 : i32
    %dma_start3A_75 = arith.constant 0 : i32
    %dma_start3A_76 = tpu.memref_slice %arg6[%dma_start3A_72, %dma_start3A_74, %dma_start3A_75] : memref<8x200x32xf32, #tpu.memory_space<vmem>> -> memref<1x128x32xf32, #tpu.memory_space<vmem>>
    %dma_start3A_77 = tpu.memref_squeeze %dma_start3A_76 : memref<1x128x32xf32, #tpu.memory_space<vmem>> -> memref<128x32xf32, #tpu.memory_space<vmem>>
    %dma_start3A_78 = arith.constant 0 : i32
    %dma_start3A_79 = tpu.memref_slice %arg5[%dma_start3A_70, %dma_start3A_71, %dma_start3A_78] : memref<2x128x128xi32, #tpu.memory_space<vmem>> -> memref<1x1x128xi32, #tpu.memory_space<vmem>>
    %dma_start3A_80 = tpu.memref_squeeze %dma_start3A_79 : memref<1x1x128xi32, #tpu.memory_space<vmem>> -> memref<128xi32, #tpu.memory_space<vmem>>
    %dma_start3A_81 = arith.constant 0 : i32
    %dma_start3A_82 = arith.constant 0 : i32
    %dma_start3A_83 = tpu.memref_slice %arg3[%dma_start3A_81, %dma_start3A_82] : memref<1048576x32xf32, #tpu.memory_space<hbm>> -> memref<1048576x32xf32, #tpu.memory_space<hbm>>
    %dma_start3A_84 = tpu.memref_slice %arg8[%dma_start3A_73] : memref<8x!tpu.dma_semaphore, #tpu.memory_space<semaphore_mem>> -> memref<1x!tpu.dma_semaphore, #tpu.memory_space<semaphore_mem>>
    %dma_start3A_85 = tpu.memref_squeeze %dma_start3A_84 : memref<1x!tpu.dma_semaphore, #tpu.memory_space<semaphore_mem>> -> memref<!tpu.dma_semaphore, #tpu.memory_space<semaphore_mem>>
    tpu.enqueue_indirect_dma source(%dma_start3A_83 : memref<1048576x32xf32, #tpu.memory_space<hbm>>) target(%dma_start3A_77 : memref<128x32xf32, #tpu.memory_space<vmem>>) offsets(%dma_start3A_80 : memref<128xi32, #tpu.memory_space<vmem>>) semaphore(%dma_start3A_85 : memref<!tpu.dma_semaphore, #tpu.memory_space<semaphore_mem>>)
    %dma_start3A_86 = arith.constant 1 : i32
    %dma_start3A_87 = arith.constant 2 : i32
    %dma_start3A_88 = arith.constant 2 : i32
    %dma_start3A_89 = arith.constant 2 : i32
    %dma_start3A_90 = arith.constant 128 : i32
    %dma_start3A_91 = arith.constant 0 : i32
    %dma_start3A_92 = tpu.memref_slice %arg6[%dma_start3A_88, %dma_start3A_90, %dma_start3A_91] : memref<8x200x32xf32, #tpu.memory_space<vmem>> -> memref<1x72x32xf32, #tpu.memory_space<vmem>>
    %dma_start3A_93 = tpu.memref_squeeze %dma_start3A_92 : memref<1x72x32xf32, #tpu.memory_space<vmem>> -> memref<72x32xf32, #tpu.memory_space<vmem>>
    %dma_start3A_94 = arith.constant 0 : i32
    %dma_start3A_95 = tpu.memref_slice %arg5[%dma_start3A_86, %dma_start3A_87, %dma_start3A_94] : memref<2x128x128xi32, #tpu.memory_space<vmem>> -> memref<1x1x72xi32, #tpu.memory_space<vmem>>
    %dma_start3A_96 = tpu.memref_squeeze %dma_start3A_95 : memref<1x1x72xi32, #tpu.memory_space<vmem>> -> memref<72xi32, #tpu.memory_space<vmem>>
    %dma_start3A_97 = arith.constant 0 : i32
    %dma_start3A_98 = arith.constant 0 : i32
    %dma_start3A_99 = tpu.memref_slice %arg3[%dma_start3A_97, %dma_start3A_98] : memref<1048576x32xf32, #tpu.memory_space<hbm>> -> memref<1048576x32xf32, #tpu.memory_space<hbm>>
    %dma_start3A_100 = tpu.memref_slice %arg8[%dma_start3A_89] : memref<8x!tpu.dma_semaphore, #tpu.memory_space<semaphore_mem>> -> memref<1x!tpu.dma_semaphore, #tpu.memory_space<semaphore_mem>>
    %dma_start3A_101 = tpu.memref_squeeze %dma_start3A_100 : memref<1x!tpu.dma_semaphore, #tpu.memory_space<semaphore_mem>> -> memref<!tpu.dma_semaphore, #tpu.memory_space<semaphore_mem>>
    tpu.enqueue_indirect_dma source(%dma_start3A_99 : memref<1048576x32xf32, #tpu.memory_space<hbm>>) target(%dma_start3A_93 : memref<72x32xf32, #tpu.memory_space<vmem>>) offsets(%dma_start3A_96 : memref<72xi32, #tpu.memory_space<vmem>>) semaphore(%dma_start3A_101 : memref<!tpu.dma_semaphore, #tpu.memory_space<semaphore_mem>>)
    %dma_start3A_102 = arith.constant 0 : i32
    %dma_start3A_103 = arith.constant 3 : i32
    %dma_start3A_104 = arith.constant 3 : i32
    %dma_start3A_105 = arith.constant 3 : i32
    %dma_start3A_106 = arith.constant 0 : i32
    %dma_start3A_107 = arith.constant 0 : i32
    %dma_start3A_108 = tpu.memref_slice %arg6[%dma_start3A_104, %dma_start3A_106, %dma_start3A_107] : memref<8x200x32xf32, #tpu.memory_space<vmem>> -> memref<1x128x32xf32, #tpu.memory_space<vmem>>
    %dma_start3A_109 = tpu.memref_squeeze %dma_start3A_108 : memref<1x128x32xf32, #tpu.memory_space<vmem>> -> memref<128x32xf32, #tpu.memory_space<vmem>>
    %dma_start3A_110 = arith.constant 0 : i32
    %dma_start3A_111 = tpu.memref_slice %arg5[%dma_start3A_102, %dma_start3A_103, %dma_start3A_110] : memref<2x128x128xi32, #tpu.memory_space<vmem>> -> memref<1x1x128xi32, #tpu.memory_space<vmem>>
    %dma_start3A_112 = tpu.memref_squeeze %dma_start3A_111 : memref<1x1x128xi32, #tpu.memory_space<vmem>> -> memref<128xi32, #tpu.memory_space<vmem>>
    %dma_start3A_113 = arith.constant 0 : i32
    %dma_start3A_114 = arith.constant 0 : i32
    %dma_start3A_115 = tpu.memref_slice %arg3[%dma_start3A_113, %dma_start3A_114] : memref<1048576x32xf32, #tpu.memory_space<hbm>> -> memref<1048576x32xf32, #tpu.memory_space<hbm>>
    %dma_start3A_116 = tpu.memref_slice %arg8[%dma_start3A_105] : memref<8x!tpu.dma_semaphore, #tpu.memory_space<semaphore_mem>> -> memref<1x!tpu.dma_semaphore, #tpu.memory_space<semaphore_mem>>
    %dma_start3A_117 = tpu.memref_squeeze %dma_start3A_116 : memref<1x!tpu.dma_semaphore, #tpu.memory_space<semaphore_mem>> -> memref<!tpu.dma_semaphore, #tpu.memory_space<semaphore_mem>>
    tpu.enqueue_indirect_dma source(%dma_start3A_115 : memref<1048576x32xf32, #tpu.memory_space<hbm>>) target(%dma_start3A_109 : memref<128x32xf32, #tpu.memory_space<vmem>>) offsets(%dma_start3A_112 : memref<128xi32, #tpu.memory_space<vmem>>) semaphore(%dma_start3A_117 : memref<!tpu.dma_semaphore, #tpu.memory_space<semaphore_mem>>)
    %dma_start3A_118 = arith.constant 1 : i32
    %dma_start3A_119 = arith.constant 3 : i32
    %dma_start3A_120 = arith.constant 3 : i32
    %dma_start3A_121 = arith.constant 3 : i32
    %dma_start3A_122 = arith.constant 128 : i32
    %dma_start3A_123 = arith.constant 0 : i32
    %dma_start3A_124 = tpu.memref_slice %arg6[%dma_start3A_120, %dma_start3A_122, %dma_start3A_123] : memref<8x200x32xf32, #tpu.memory_space<vmem>> -> memref<1x72x32xf32, #tpu.memory_space<vmem>>
    %dma_start3A_125 = tpu.memref_squeeze %dma_start3A_124 : memref<1x72x32xf32, #tpu.memory_space<vmem>> -> memref<72x32xf32, #tpu.memory_space<vmem>>
    %dma_start3A_126 = arith.constant 0 : i32
    %dma_start3A_127 = tpu.memref_slice %arg5[%dma_start3A_118, %dma_start3A_119, %dma_start3A_126] : memref<2x128x128xi32, #tpu.memory_space<vmem>> -> memref<1x1x72xi32, #tpu.memory_space<vmem>>
    %dma_start3A_128 = tpu.memref_squeeze %dma_start3A_127 : memref<1x1x72xi32, #tpu.memory_space<vmem>> -> memref<72xi32, #tpu.memory_space<vmem>>
    %dma_start3A_129 = arith.constant 0 : i32
    %dma_start3A_130 = arith.constant 0 : i32
    %dma_start3A_131 = tpu.memref_slice %arg3[%dma_start3A_129, %dma_start3A_130] : memref<1048576x32xf32, #tpu.memory_space<hbm>> -> memref<1048576x32xf32, #tpu.memory_space<hbm>>
    %dma_start3A_132 = tpu.memref_slice %arg8[%dma_start3A_121] : memref<8x!tpu.dma_semaphore, #tpu.memory_space<semaphore_mem>> -> memref<1x!tpu.dma_semaphore, #tpu.memory_space<semaphore_mem>>
    %dma_start3A_133 = tpu.memref_squeeze %dma_start3A_132 : memref<1x!tpu.dma_semaphore, #tpu.memory_space<semaphore_mem>> -> memref<!tpu.dma_semaphore, #tpu.memory_space<semaphore_mem>>
    tpu.enqueue_indirect_dma source(%dma_start3A_131 : memref<1048576x32xf32, #tpu.memory_space<hbm>>) target(%dma_start3A_125 : memref<72x32xf32, #tpu.memory_space<vmem>>) offsets(%dma_start3A_128 : memref<72xi32, #tpu.memory_space<vmem>>) semaphore(%dma_start3A_133 : memref<!tpu.dma_semaphore, #tpu.memory_space<semaphore_mem>>)
    %dma_start3A_134 = arith.constant 0 : i32
    %dma_start3A_135 = arith.constant 4 : i32
    %dma_start3A_136 = arith.constant 4 : i32
    %dma_start3A_137 = arith.constant 4 : i32
    %dma_start3A_138 = arith.constant 0 : i32
    %dma_start3A_139 = arith.constant 0 : i32
    %dma_start3A_140 = tpu.memref_slice %arg6[%dma_start3A_136, %dma_start3A_138, %dma_start3A_139] : memref<8x200x32xf32, #tpu.memory_space<vmem>> -> memref<1x128x32xf32, #tpu.memory_space<vmem>>
    %dma_start3A_141 = tpu.memref_squeeze %dma_start3A_140 : memref<1x128x32xf32, #tpu.memory_space<vmem>> -> memref<128x32xf32, #tpu.memory_space<vmem>>
    %dma_start3A_142 = arith.constant 0 : i32
    %dma_start3A_143 = tpu.memref_slice %arg5[%dma_start3A_134, %dma_start3A_135, %dma_start3A_142] : memref<2x128x128xi32, #tpu.memory_space<vmem>> -> memref<1x1x128xi32, #tpu.memory_space<vmem>>
    %dma_start3A_144 = tpu.memref_squeeze %dma_start3A_143 : memref<1x1x128xi32, #tpu.memory_space<vmem>> -> memref<128xi32, #tpu.memory_space<vmem>>
    %dma_start3A_145 = arith.constant 0 : i32
    %dma_start3A_146 = arith.constant 0 : i32
    %dma_start3A_147 = tpu.memref_slice %arg3[%dma_start3A_145, %dma_start3A_146] : memref<1048576x32xf32, #tpu.memory_space<hbm>> -> memref<1048576x32xf32, #tpu.memory_space<hbm>>
    %dma_start3A_148 = tpu.memref_slice %arg8[%dma_start3A_137] : memref<8x!tpu.dma_semaphore, #tpu.memory_space<semaphore_mem>> -> memref<1x!tpu.dma_semaphore, #tpu.memory_space<semaphore_mem>>
    %dma_start3A_149 = tpu.memref_squeeze %dma_start3A_148 : memref<1x!tpu.dma_semaphore, #tpu.memory_space<semaphore_mem>> -> memref<!tpu.dma_semaphore, #tpu.memory_space<semaphore_mem>>
    tpu.enqueue_indirect_dma source(%dma_start3A_147 : memref<1048576x32xf32, #tpu.memory_space<hbm>>) target(%dma_start3A_141 : memref<128x32xf32, #tpu.memory_space<vmem>>) offsets(%dma_start3A_144 : memref<128xi32, #tpu.memory_space<vmem>>) semaphore(%dma_start3A_149 : memref<!tpu.dma_semaphore, #tpu.memory_space<semaphore_mem>>)
    %dma_start3A_150 = arith.constant 1 : i32
    %dma_start3A_151 = arith.constant 4 : i32
    %dma_start3A_152 = arith.constant 4 : i32
    %dma_start3A_153 = arith.constant 4 : i32
    %dma_start3A_154 = arith.constant 128 : i32
    %dma_start3A_155 = arith.constant 0 : i32
    %dma_start3A_156 = tpu.memref_slice %arg6[%dma_start3A_152, %dma_start3A_154, %dma_start3A_155] : memref<8x200x32xf32, #tpu.memory_space<vmem>> -> memref<1x72x32xf32, #tpu.memory_space<vmem>>
    %dma_start3A_157 = tpu.memref_squeeze %dma_start3A_156 : memref<1x72x32xf32, #tpu.memory_space<vmem>> -> memref<72x32xf32, #tpu.memory_space<vmem>>
    %dma_start3A_158 = arith.constant 0 : i32
    %dma_start3A_159 = tpu.memref_slice %arg5[%dma_start3A_150, %dma_start3A_151, %dma_start3A_158] : memref<2x128x128xi32, #tpu.memory_space<vmem>> -> memref<1x1x72xi32, #tpu.memory_space<vmem>>
    %dma_start3A_160 = tpu.memref_squeeze %dma_start3A_159 : memref<1x1x72xi32, #tpu.memory_space<vmem>> -> memref<72xi32, #tpu.memory_space<vmem>>
    %dma_start3A_161 = arith.constant 0 : i32
    %dma_start3A_162 = arith.constant 0 : i32
    %dma_start3A_163 = tpu.memref_slice %arg3[%dma_start3A_161, %dma_start3A_162] : memref<1048576x32xf32, #tpu.memory_space<hbm>> -> memref<1048576x32xf32, #tpu.memory_space<hbm>>
    %dma_start3A_164 = tpu.memref_slice %arg8[%dma_start3A_153] : memref<8x!tpu.dma_semaphore, #tpu.memory_space<semaphore_mem>> -> memref<1x!tpu.dma_semaphore, #tpu.memory_space<semaphore_mem>>
    %dma_start3A_165 = tpu.memref_squeeze %dma_start3A_164 : memref<1x!tpu.dma_semaphore, #tpu.memory_space<semaphore_mem>> -> memref<!tpu.dma_semaphore, #tpu.memory_space<semaphore_mem>>
    tpu.enqueue_indirect_dma source(%dma_start3A_163 : memref<1048576x32xf32, #tpu.memory_space<hbm>>) target(%dma_start3A_157 : memref<72x32xf32, #tpu.memory_space<vmem>>) offsets(%dma_start3A_160 : memref<72xi32, #tpu.memory_space<vmem>>) semaphore(%dma_start3A_165 : memref<!tpu.dma_semaphore, #tpu.memory_space<semaphore_mem>>)
    %dma_start3A_166 = arith.constant 0 : i32
    %dma_start3A_167 = arith.constant 5 : i32
    %dma_start3A_168 = arith.constant 5 : i32
    %dma_start3A_169 = arith.constant 5 : i32
    %dma_start3A_170 = arith.constant 0 : i32
    %dma_start3A_171 = arith.constant 0 : i32
    %dma_start3A_172 = tpu.memref_slice %arg6[%dma_start3A_168, %dma_start3A_170, %dma_start3A_171] : memref<8x200x32xf32, #tpu.memory_space<vmem>> -> memref<1x128x32xf32, #tpu.memory_space<vmem>>
    %dma_start3A_173 = tpu.memref_squeeze %dma_start3A_172 : memref<1x128x32xf32, #tpu.memory_space<vmem>> -> memref<128x32xf32, #tpu.memory_space<vmem>>
    %dma_start3A_174 = arith.constant 0 : i32
    %dma_start3A_175 = tpu.memref_slice %arg5[%dma_start3A_166, %dma_start3A_167, %dma_start3A_174] : memref<2x128x128xi32, #tpu.memory_space<vmem>> -> memref<1x1x128xi32, #tpu.memory_space<vmem>>
    %dma_start3A_176 = tpu.memref_squeeze %dma_start3A_175 : memref<1x1x128xi32, #tpu.memory_space<vmem>> -> memref<128xi32, #tpu.memory_space<vmem>>
    %dma_start3A_177 = arith.constant 0 : i32
    %dma_start3A_178 = arith.constant 0 : i32
    %dma_start3A_179 = tpu.memref_slice %arg3[%dma_start3A_177, %dma_start3A_178] : memref<1048576x32xf32, #tpu.memory_space<hbm>> -> memref<1048576x32xf32, #tpu.memory_space<hbm>>
    %dma_start3A_180 = tpu.memref_slice %arg8[%dma_start3A_169] : memref<8x!tpu.dma_semaphore, #tpu.memory_space<semaphore_mem>> -> memref<1x!tpu.dma_semaphore, #tpu.memory_space<semaphore_mem>>
    %dma_start3A_181 = tpu.memref_squeeze %dma_start3A_180 : memref<1x!tpu.dma_semaphore, #tpu.memory_space<semaphore_mem>> -> memref<!tpu.dma_semaphore, #tpu.memory_space<semaphore_mem>>
    tpu.enqueue_indirect_dma source(%dma_start3A_179 : memref<1048576x32xf32, #tpu.memory_space<hbm>>) target(%dma_start3A_173 : memref<128x32xf32, #tpu.memory_space<vmem>>) offsets(%dma_start3A_176 : memref<128xi32, #tpu.memory_space<vmem>>) semaphore(%dma_start3A_181 : memref<!tpu.dma_semaphore, #tpu.memory_space<semaphore_mem>>)
    %dma_start3A_182 = arith.constant 1 : i32
    %dma_start3A_183 = arith.constant 5 : i32
    %dma_start3A_184 = arith.constant 5 : i32
    %dma_start3A_185 = arith.constant 5 : i32
    %dma_start3A_186 = arith.constant 128 : i32
    %dma_start3A_187 = arith.constant 0 : i32
    %dma_start3A_188 = tpu.memref_slice %arg6[%dma_start3A_184, %dma_start3A_186, %dma_start3A_187] : memref<8x200x32xf32, #tpu.memory_space<vmem>> -> memref<1x72x32xf32, #tpu.memory_space<vmem>>
    %dma_start3A_189 = tpu.memref_squeeze %dma_start3A_188 : memref<1x72x32xf32, #tpu.memory_space<vmem>> -> memref<72x32xf32, #tpu.memory_space<vmem>>
    %dma_start3A_190 = arith.constant 0 : i32
    %dma_start3A_191 = tpu.memref_slice %arg5[%dma_start3A_182, %dma_start3A_183, %dma_start3A_190] : memref<2x128x128xi32, #tpu.memory_space<vmem>> -> memref<1x1x72xi32, #tpu.memory_space<vmem>>
    %dma_start3A_192 = tpu.memref_squeeze %dma_start3A_191 : memref<1x1x72xi32, #tpu.memory_space<vmem>> -> memref<72xi32, #tpu.memory_space<vmem>>
    %dma_start3A_193 = arith.constant 0 : i32
    %dma_start3A_194 = arith.constant 0 : i32
    %dma_start3A_195 = tpu.memref_slice %arg3[%dma_start3A_193, %dma_start3A_194] : memref<1048576x32xf32, #tpu.memory_space<hbm>> -> memref<1048576x32xf32, #tpu.memory_space<hbm>>
    %dma_start3A_196 = tpu.memref_slice %arg8[%dma_start3A_185] : memref<8x!tpu.dma_semaphore, #tpu.memory_space<semaphore_mem>> -> memref<1x!tpu.dma_semaphore, #tpu.memory_space<semaphore_mem>>
    %dma_start3A_197 = tpu.memref_squeeze %dma_start3A_196 : memref<1x!tpu.dma_semaphore, #tpu.memory_space<semaphore_mem>> -> memref<!tpu.dma_semaphore, #tpu.memory_space<semaphore_mem>>
    tpu.enqueue_indirect_dma source(%dma_start3A_195 : memref<1048576x32xf32, #tpu.memory_space<hbm>>) target(%dma_start3A_189 : memref<72x32xf32, #tpu.memory_space<vmem>>) offsets(%dma_start3A_192 : memref<72xi32, #tpu.memory_space<vmem>>) semaphore(%dma_start3A_197 : memref<!tpu.dma_semaphore, #tpu.memory_space<semaphore_mem>>)
    %dma_start3A_198 = arith.constant 0 : i32
    %dma_start3A_199 = arith.constant 6 : i32
    %dma_start3A_200 = arith.constant 6 : i32
    %dma_start3A_201 = arith.constant 6 : i32
    %dma_start3A_202 = arith.constant 0 : i32
    %dma_start3A_203 = arith.constant 0 : i32
    %dma_start3A_204 = tpu.memref_slice %arg6[%dma_start3A_200, %dma_start3A_202, %dma_start3A_203] : memref<8x200x32xf32, #tpu.memory_space<vmem>> -> memref<1x128x32xf32, #tpu.memory_space<vmem>>
    %dma_start3A_205 = tpu.memref_squeeze %dma_start3A_204 : memref<1x128x32xf32, #tpu.memory_space<vmem>> -> memref<128x32xf32, #tpu.memory_space<vmem>>
    %dma_start3A_206 = arith.constant 0 : i32
    %dma_start3A_207 = tpu.memref_slice %arg5[%dma_start3A_198, %dma_start3A_199, %dma_start3A_206] : memref<2x128x128xi32, #tpu.memory_space<vmem>> -> memref<1x1x128xi32, #tpu.memory_space<vmem>>
    %dma_start3A_208 = tpu.memref_squeeze %dma_start3A_207 : memref<1x1x128xi32, #tpu.memory_space<vmem>> -> memref<128xi32, #tpu.memory_space<vmem>>
    %dma_start3A_209 = arith.constant 0 : i32
    %dma_start3A_210 = arith.constant 0 : i32
    %dma_start3A_211 = tpu.memref_slice %arg3[%dma_start3A_209, %dma_start3A_210] : memref<1048576x32xf32, #tpu.memory_space<hbm>> -> memref<1048576x32xf32, #tpu.memory_space<hbm>>
    %dma_start3A_212 = tpu.memref_slice %arg8[%dma_start3A_201] : memref<8x!tpu.dma_semaphore, #tpu.memory_space<semaphore_mem>> -> memref<1x!tpu.dma_semaphore, #tpu.memory_space<semaphore_mem>>
    %dma_start3A_213 = tpu.memref_squeeze %dma_start3A_212 : memref<1x!tpu.dma_semaphore, #tpu.memory_space<semaphore_mem>> -> memref<!tpu.dma_semaphore, #tpu.memory_space<semaphore_mem>>
    tpu.enqueue_indirect_dma source(%dma_start3A_211 : memref<1048576x32xf32, #tpu.memory_space<hbm>>) target(%dma_start3A_205 : memref<128x32xf32, #tpu.memory_space<vmem>>) offsets(%dma_start3A_208 : memref<128xi32, #tpu.memory_space<vmem>>) semaphore(%dma_start3A_213 : memref<!tpu.dma_semaphore, #tpu.memory_space<semaphore_mem>>)
    %dma_start3A_214 = arith.constant 1 : i32
    %dma_start3A_215 = arith.constant 6 : i32
    %dma_start3A_216 = arith.constant 6 : i32
    %dma_start3A_217 = arith.constant 6 : i32
    %dma_start3A_218 = arith.constant 128 : i32
    %dma_start3A_219 = arith.constant 0 : i32
    %dma_start3A_220 = tpu.memref_slice %arg6[%dma_start3A_216, %dma_start3A_218, %dma_start3A_219] : memref<8x200x32xf32, #tpu.memory_space<vmem>> -> memref<1x72x32xf32, #tpu.memory_space<vmem>>
    %dma_start3A_221 = tpu.memref_squeeze %dma_start3A_220 : memref<1x72x32xf32, #tpu.memory_space<vmem>> -> memref<72x32xf32, #tpu.memory_space<vmem>>
    %dma_start3A_222 = arith.constant 0 : i32
    %dma_start3A_223 = tpu.memref_slice %arg5[%dma_start3A_214, %dma_start3A_215, %dma_start3A_222] : memref<2x128x128xi32, #tpu.memory_space<vmem>> -> memref<1x1x72xi32, #tpu.memory_space<vmem>>
    %dma_start3A_224 = tpu.memref_squeeze %dma_start3A_223 : memref<1x1x72xi32, #tpu.memory_space<vmem>> -> memref<72xi32, #tpu.memory_space<vmem>>
    %dma_start3A_225 = arith.constant 0 : i32
    %dma_start3A_226 = arith.constant 0 : i32
    %dma_start3A_227 = tpu.memref_slice %arg3[%dma_start3A_225, %dma_start3A_226] : memref<1048576x32xf32, #tpu.memory_space<hbm>> -> memref<1048576x32xf32, #tpu.memory_space<hbm>>
    %dma_start3A_228 = tpu.memref_slice %arg8[%dma_start3A_217] : memref<8x!tpu.dma_semaphore, #tpu.memory_space<semaphore_mem>> -> memref<1x!tpu.dma_semaphore, #tpu.memory_space<semaphore_mem>>
    %dma_start3A_229 = tpu.memref_squeeze %dma_start3A_228 : memref<1x!tpu.dma_semaphore, #tpu.memory_space<semaphore_mem>> -> memref<!tpu.dma_semaphore, #tpu.memory_space<semaphore_mem>>
    tpu.enqueue_indirect_dma source(%dma_start3A_227 : memref<1048576x32xf32, #tpu.memory_space<hbm>>) target(%dma_start3A_221 : memref<72x32xf32, #tpu.memory_space<vmem>>) offsets(%dma_start3A_224 : memref<72xi32, #tpu.memory_space<vmem>>) semaphore(%dma_start3A_229 : memref<!tpu.dma_semaphore, #tpu.memory_space<semaphore_mem>>)
    %dma_start3A_230 = arith.constant 0 : i32
    %dma_start3A_231 = arith.constant 7 : i32
    %dma_start3A_232 = arith.constant 7 : i32
    %dma_start3A_233 = arith.constant 7 : i32
    %dma_start3A_234 = arith.constant 0 : i32
    %dma_start3A_235 = arith.constant 0 : i32
    %dma_start3A_236 = tpu.memref_slice %arg6[%dma_start3A_232, %dma_start3A_234, %dma_start3A_235] : memref<8x200x32xf32, #tpu.memory_space<vmem>> -> memref<1x128x32xf32, #tpu.memory_space<vmem>>
    %dma_start3A_237 = tpu.memref_squeeze %dma_start3A_236 : memref<1x128x32xf32, #tpu.memory_space<vmem>> -> memref<128x32xf32, #tpu.memory_space<vmem>>
    %dma_start3A_238 = arith.constant 0 : i32
    %dma_start3A_239 = tpu.memref_slice %arg5[%dma_start3A_230, %dma_start3A_231, %dma_start3A_238] : memref<2x128x128xi32, #tpu.memory_space<vmem>> -> memref<1x1x128xi32, #tpu.memory_space<vmem>>
    %dma_start3A_240 = tpu.memref_squeeze %dma_start3A_239 : memref<1x1x128xi32, #tpu.memory_space<vmem>> -> memref<128xi32, #tpu.memory_space<vmem>>
    %dma_start3A_241 = arith.constant 0 : i32
    %dma_start3A_242 = arith.constant 0 : i32
    %dma_start3A_243 = tpu.memref_slice %arg3[%dma_start3A_241, %dma_start3A_242] : memref<1048576x32xf32, #tpu.memory_space<hbm>> -> memref<1048576x32xf32, #tpu.memory_space<hbm>>
    %dma_start3A_244 = tpu.memref_slice %arg8[%dma_start3A_233] : memref<8x!tpu.dma_semaphore, #tpu.memory_space<semaphore_mem>> -> memref<1x!tpu.dma_semaphore, #tpu.memory_space<semaphore_mem>>
    %dma_start3A_245 = tpu.memref_squeeze %dma_start3A_244 : memref<1x!tpu.dma_semaphore, #tpu.memory_space<semaphore_mem>> -> memref<!tpu.dma_semaphore, #tpu.memory_space<semaphore_mem>>
    tpu.enqueue_indirect_dma source(%dma_start3A_243 : memref<1048576x32xf32, #tpu.memory_space<hbm>>) target(%dma_start3A_237 : memref<128x32xf32, #tpu.memory_space<vmem>>) offsets(%dma_start3A_240 : memref<128xi32, #tpu.memory_space<vmem>>) semaphore(%dma_start3A_245 : memref<!tpu.dma_semaphore, #tpu.memory_space<semaphore_mem>>)
    %dma_start3A_246 = arith.constant 1 : i32
    %dma_start3A_247 = arith.constant 7 : i32
    %dma_start3A_248 = arith.constant 7 : i32
    %dma_start3A_249 = arith.constant 7 : i32
    %dma_start3A_250 = arith.constant 128 : i32
    %dma_start3A_251 = arith.constant 0 : i32
    %dma_start3A_252 = tpu.memref_slice %arg6[%dma_start3A_248, %dma_start3A_250, %dma_start3A_251] : memref<8x200x32xf32, #tpu.memory_space<vmem>> -> memref<1x72x32xf32, #tpu.memory_space<vmem>>
    %dma_start3A_253 = tpu.memref_squeeze %dma_start3A_252 : memref<1x72x32xf32, #tpu.memory_space<vmem>> -> memref<72x32xf32, #tpu.memory_space<vmem>>
    %dma_start3A_254 = arith.constant 0 : i32
    %dma_start3A_255 = tpu.memref_slice %arg5[%dma_start3A_246, %dma_start3A_247, %dma_start3A_254] : memref<2x128x128xi32, #tpu.memory_space<vmem>> -> memref<1x1x72xi32, #tpu.memory_space<vmem>>
    %dma_start3A_256 = tpu.memref_squeeze %dma_start3A_255 : memref<1x1x72xi32, #tpu.memory_space<vmem>> -> memref<72xi32, #tpu.memory_space<vmem>>
    %dma_start3A_257 = arith.constant 0 : i32
    %dma_start3A_258 = arith.constant 0 : i32
    %dma_start3A_259 = tpu.memref_slice %arg3[%dma_start3A_257, %dma_start3A_258] : memref<1048576x32xf32, #tpu.memory_space<hbm>> -> memref<1048576x32xf32, #tpu.memory_space<hbm>>
    %dma_start3A_260 = tpu.memref_slice %arg8[%dma_start3A_249] : memref<8x!tpu.dma_semaphore, #tpu.memory_space<semaphore_mem>> -> memref<1x!tpu.dma_semaphore, #tpu.memory_space<semaphore_mem>>
    %dma_start3A_261 = tpu.memref_squeeze %dma_start3A_260 : memref<1x!tpu.dma_semaphore, #tpu.memory_space<semaphore_mem>> -> memref<!tpu.dma_semaphore, #tpu.memory_space<semaphore_mem>>
    tpu.enqueue_indirect_dma source(%dma_start3A_259 : memref<1048576x32xf32, #tpu.memory_space<hbm>>) target(%dma_start3A_253 : memref<72x32xf32, #tpu.memory_space<vmem>>) offsets(%dma_start3A_256 : memref<72xi32, #tpu.memory_space<vmem>>) semaphore(%dma_start3A_261 : memref<!tpu.dma_semaphore, #tpu.memory_space<semaphore_mem>>)
    %scan3A = arith.constant 0 : i32
    %scan3A_262 = arith.constant 0 : i32
    %scan3A_263 = arith.constant 15 : i32
    %scan3A_264 = arith.addi %scan3A_262, %scan3A_263 : i32
    %scan3A_265 = arith.constant 1 : i32
    scf.for %scan3A_569 = %scan3A_262 to %scan3A_264 step %scan3A_265  : i32 {
      %mul3A_570 = arith.constant 8 : i32
      %mul3A_571 = arith.muli %scan3A_569, %mul3A_570 : i32
      %dma_wait3A_572 = arith.constant 0 : i32
      %dma_wait3A_573 = arith.constant 0 : i32
      %dma_wait3A_574 = arith.constant 0 : i32
      %dma_wait3A_575 = arith.constant 0 : i32
      %dma_wait3A_576 = tpu.memref_slice %arg6[%dma_wait3A_572, %dma_wait3A_574, %dma_wait3A_575] : memref<8x200x32xf32, #tpu.memory_space<vmem>> -> memref<1x200x32xf32, #tpu.memory_space<vmem>>
      %dma_wait3A_577 = tpu.memref_squeeze %dma_wait3A_576 : memref<1x200x32xf32, #tpu.memory_space<vmem>> -> memref<200x32xf32, #tpu.memory_space<vmem>>
      %dma_wait3A_578 = arith.constant 0 : i32
      %dma_wait3A_579 = arith.constant 0 : i32
      %dma_wait3A_580 = tpu.memref_slice %arg3[%dma_wait3A_578, %dma_wait3A_579] : memref<1048576x32xf32, #tpu.memory_space<hbm>> -> memref<200x32xf32, #tpu.memory_space<hbm>>
      %dma_wait3A_581 = tpu.memref_slice %arg8[%dma_wait3A_573] : memref<8x!tpu.dma_semaphore, #tpu.memory_space<semaphore_mem>> -> memref<1x!tpu.dma_semaphore, #tpu.memory_space<semaphore_mem>>
      %dma_wait3A_582 = tpu.memref_squeeze %dma_wait3A_581 : memref<1x!tpu.dma_semaphore, #tpu.memory_space<semaphore_mem>> -> memref<!tpu.dma_semaphore, #tpu.memory_space<semaphore_mem>>
      %dma_wait3A_583 = arith.constant 0 : i32
      %dma_wait3A_584 = arith.constant 0 : i32
      %dma_wait3A_585 = tpu.memref_slice %arg6[%dma_wait3A_572, %dma_wait3A_583, %dma_wait3A_584] : memref<8x200x32xf32, #tpu.memory_space<vmem>> -> memref<1x200x32xf32, #tpu.memory_space<vmem>>
      %dma_wait3A_586 = tpu.memref_squeeze %dma_wait3A_585 : memref<1x200x32xf32, #tpu.memory_space<vmem>> -> memref<200x32xf32, #tpu.memory_space<vmem>>
      %dma_wait3A_587 = arith.constant 0 : i32
      %dma_wait3A_588 = arith.constant 0 : i32
      %dma_wait3A_589 = tpu.memref_slice %arg3[%dma_wait3A_587, %dma_wait3A_588] : memref<1048576x32xf32, #tpu.memory_space<hbm>> -> memref<200x32xf32, #tpu.memory_space<hbm>>
      tpu.wait_dma2 semaphore(%dma_wait3A_582 : memref<!tpu.dma_semaphore, #tpu.memory_space<semaphore_mem>>) src(%dma_wait3A_589 : memref<200x32xf32, #tpu.memory_space<hbm>>) dst(%dma_wait3A_586 : memref<200x32xf32, #tpu.memory_space<vmem>>)
      %add3A_590 = arith.constant 0 : i32
      %add3A_591 = arith.addi %mul3A_571, %add3A_590 : i32
      %scan3A_592 = arith.constant 0 : i32
      %scan3A_593 = arith.constant 20 : i32
      %scan3A_594 = arith.addi %scan3A_592, %scan3A_593 : i32
      %scan3A_595 = arith.constant 1 : i32
      %scan3A_596:4 = scf.for %scan3A_1148 = %scan3A_592 to %scan3A_594 step %scan3A_595 iter_args(%scan3A_1149 = %broadcast_in_dim3A_6, %scan3A_1150 = %broadcast_in_dim3A_6, %scan3A_1151 = %broadcast_in_dim3A_6, %scan3A_1152 = %broadcast_in_dim3A_6) -> (vector<16xf32>, vector<16xf32>, vector<16xf32>, vector<16xf32>)  : i32 {
        %mul3A_1153 = arith.constant 10 : i32
        %mul3A_1154 = arith.muli %scan3A_1148, %mul3A_1153 : i32
        %add3A_1155 = arith.constant 0 : i32
        %add3A_1156 = arith.addi %mul3A_1154, %add3A_1155 : i32
        %get3A = arith.constant 0 : i32
        %get3A_1157 = arith.index_cast %get3A : i32 to index
        %get3A_1158 = arith.index_cast %add3A_1156 : i32 to index
        %get3A_1159 = arith.constant 0 : index
        %get3A_1160 = tpu.vector_load %arg6[%get3A_1157, %get3A_1158, %get3A_1159] {strides = array<i32>} : memref<8x200x32xf32, #tpu.memory_space<vmem>>, vector<1x1x16xf32>,
        %get3A_1161 = vector.shape_cast %get3A_1160 : vector<1x1x16xf32> to vector<16xf32>
        %add3A_1162 = arith.addf %scan3A_1149, %get3A_1161 : vector<16xf32>
        %add3A_1163 = arith.constant 0 : i32
        %add3A_1164 = arith.addi %mul3A_1154, %add3A_1163 : i32
        %get3A_1165 = arith.constant 0 : i32
        %get3A_1166 = arith.index_cast %get3A_1165 : i32 to index
        %get3A_1167 = arith.index_cast %add3A_1164 : i32 to index
        %get3A_1168 = arith.constant 16 : index
        %get3A_1169 = tpu.vector_load %arg6[%get3A_1166, %get3A_1167, %get3A_1168] {strides = array<i32>} : memref<8x200x32xf32, #tpu.memory_space<vmem>>, vector<1x1x16xf32>,
        %get3A_1170 = vector.shape_cast %get3A_1169 : vector<1x1x16xf32> to vector<16xf32>
        %add3A_1171 = arith.addf %scan3A_1151, %get3A_1170 : vector<16xf32>
        %add3A_1172 = arith.constant 0 : i32
        %add3A_1173 = arith.addi %mul3A_1154, %add3A_1172 : i32
        %add3A_1174 = arith.constant 1 : i32
        %add3A_1175 = arith.addi %add3A_1173, %add3A_1174 : i32
        %get3A_1176 = arith.constant 0 : i32
        %get3A_1177 = arith.index_cast %get3A_1176 : i32 to index
        %get3A_1178 = arith.index_cast %add3A_1175 : i32 to index
        %get3A_1179 = arith.constant 0 : index
        %get3A_1180 = tpu.vector_load %arg6[%get3A_1177, %get3A_1178, %get3A_1179] {strides = array<i32>} : memref<8x200x32xf32, #tpu.memory_space<vmem>>, vector<1x1x16xf32>,
        %get3A_1181 = vector.shape_cast %get3A_1180 : vector<1x1x16xf32> to vector<16xf32>
        %add3A_1182 = arith.addf %scan3A_1150, %get3A_1181 : vector<16xf32>
        %add3A_1183 = arith.constant 0 : i32
        %add3A_1184 = arith.addi %mul3A_1154, %add3A_1183 : i32
        %add3A_1185 = arith.constant 1 : i32
        %add3A_1186 = arith.addi %add3A_1184, %add3A_1185 : i32
        %get3A_1187 = arith.constant 0 : i32
        %get3A_1188 = arith.index_cast %get3A_1187 : i32 to index
        %get3A_1189 = arith.index_cast %add3A_1186 : i32 to index
        %get3A_1190 = arith.constant 16 : index
        %get3A_1191 = tpu.vector_load %arg6[%get3A_1188, %get3A_1189, %get3A_1190] {strides = array<i32>} : memref<8x200x32xf32, #tpu.memory_space<vmem>>, vector<1x1x16xf32>,
        %get3A_1192 = vector.shape_cast %get3A_1191 : vector<1x1x16xf32> to vector<16xf32>
        %add3A_1193 = arith.addf %scan3A_1152, %get3A_1192 : vector<16xf32>
        %add3A_1194 = arith.constant 2 : i32
        %add3A_1195 = arith.addi %mul3A_1154, %add3A_1194 : i32
        %get3A_1196 = arith.constant 0 : i32
        %get3A_1197 = arith.index_cast %get3A_1196 : i32 to index
        %get3A_1198 = arith.index_cast %add3A_1195 : i32 to index
        %get3A_1199 = arith.constant 0 : index
        %get3A_1200 = tpu.vector_load %arg6[%get3A_1197, %get3A_1198, %get3A_1199] {strides = array<i32>} : memref<8x200x32xf32, #tpu.memory_space<vmem>>, vector<1x1x16xf32>,
        %get3A_1201 = vector.shape_cast %get3A_1200 : vector<1x1x16xf32> to vector<16xf32>
        %add3A_1202 = arith.addf %add3A_1162, %get3A_1201 : vector<16xf32>
        %add3A_1203 = arith.constant 2 : i32
        %add3A_1204 = arith.addi %mul3A_1154, %add3A_1203 : i32
        %get3A_1205 = arith.constant 0 : i32
        %get3A_1206 = arith.index_cast %get3A_1205 : i32 to index
        %get3A_1207 = arith.index_cast %add3A_1204 : i32 to index
        %get3A_1208 = arith.constant 16 : index
        %get3A_1209 = tpu.vector_load %arg6[%get3A_1206, %get3A_1207, %get3A_1208] {strides = array<i32>} : memref<8x200x32xf32, #tpu.memory_space<vmem>>, vector<1x1x16xf32>,
        %get3A_1210 = vector.shape_cast %get3A_1209 : vector<1x1x16xf32> to vector<16xf32>
        %add3A_1211 = arith.addf %add3A_1171, %get3A_1210 : vector<16xf32>
        %add3A_1212 = arith.constant 2 : i32
        %add3A_1213 = arith.addi %mul3A_1154, %add3A_1212 : i32
        %add3A_1214 = arith.constant 1 : i32
        %add3A_1215 = arith.addi %add3A_1213, %add3A_1214 : i32
        %get3A_1216 = arith.constant 0 : i32
        %get3A_1217 = arith.index_cast %get3A_1216 : i32 to index
        %get3A_1218 = arith.index_cast %add3A_1215 : i32 to index
        %get3A_1219 = arith.constant 0 : index
        %get3A_1220 = tpu.vector_load %arg6[%get3A_1217, %get3A_1218, %get3A_1219] {strides = array<i32>} : memref<8x200x32xf32, #tpu.memory_space<vmem>>, vector<1x1x16xf32>,
        %get3A_1221 = vector.shape_cast %get3A_1220 : vector<1x1x16xf32> to vector<16xf32>
        %add3A_1222 = arith.addf %add3A_1182, %get3A_1221 : vector<16xf32>
        %add3A_1223 = arith.constant 2 : i32
        %add3A_1224 = arith.addi %mul3A_1154, %add3A_1223 : i32
        %add3A_1225 = arith.constant 1 : i32
        %add3A_1226 = arith.addi %add3A_1224, %add3A_1225 : i32
        %get3A_1227 = arith.constant 0 : i32
        %get3A_1228 = arith.index_cast %get3A_1227 : i32 to index
        %get3A_1229 = arith.index_cast %add3A_1226 : i32 to index
        %get3A_1230 = arith.constant 16 : index
        %get3A_1231 = tpu.vector_load %arg6[%get3A_1228, %get3A_1229, %get3A_1230] {strides = array<i32>} : memref<8x200x32xf32, #tpu.memory_space<vmem>>, vector<1x1x16xf32>,
        %get3A_1232 = vector.shape_cast %get3A_1231 : vector<1x1x16xf32> to vector<16xf32>
        %add3A_1233 = arith.addf %add3A_1193, %get3A_1232 : vector<16xf32>
        %add3A_1234 = arith.constant 4 : i32
        %add3A_1235 = arith.addi %mul3A_1154, %add3A_1234 : i32
        %get3A_1236 = arith.constant 0 : i32
        %get3A_1237 = arith.index_cast %get3A_1236 : i32 to index
        %get3A_1238 = arith.index_cast %add3A_1235 : i32 to index
        %get3A_1239 = arith.constant 0 : index
        %get3A_1240 = tpu.vector_load %arg6[%get3A_1237, %get3A_1238, %get3A_1239] {strides = array<i32>} : memref<8x200x32xf32, #tpu.memory_space<vmem>>, vector<1x1x16xf32>,
        %get3A_1241 = vector.shape_cast %get3A_1240 : vector<1x1x16xf32> to vector<16xf32>
        %add3A_1242 = arith.addf %add3A_1202, %get3A_1241 : vector<16xf32>
        %add3A_1243 = arith.constant 4 : i32
        %add3A_1244 = arith.addi %mul3A_1154, %add3A_1243 : i32
        %get3A_1245 = arith.constant 0 : i32
        %get3A_1246 = arith.index_cast %get3A_1245 : i32 to index
        %get3A_1247 = arith.index_cast %add3A_1244 : i32 to index
        %get3A_1248 = arith.constant 16 : index
        %get3A_1249 = tpu.vector_load %arg6[%get3A_1246, %get3A_1247, %get3A_1248] {strides = array<i32>} : memref<8x200x32xf32, #tpu.memory_space<vmem>>, vector<1x1x16xf32>,
        %get3A_1250 = vector.shape_cast %get3A_1249 : vector<1x1x16xf32> to vector<16xf32>
        %add3A_1251 = arith.addf %add3A_1211, %get3A_1250 : vector<16xf32>
        %add3A_1252 = arith.constant 4 : i32
        %add3A_1253 = arith.addi %mul3A_1154, %add3A_1252 : i32
        %add3A_1254 = arith.constant 1 : i32
        %add3A_1255 = arith.addi %add3A_1253, %add3A_1254 : i32
        %get3A_1256 = arith.constant 0 : i32
        %get3A_1257 = arith.index_cast %get3A_1256 : i32 to index
        %get3A_1258 = arith.index_cast %add3A_1255 : i32 to index
        %get3A_1259 = arith.constant 0 : index
        %get3A_1260 = tpu.vector_load %arg6[%get3A_1257, %get3A_1258, %get3A_1259] {strides = array<i32>} : memref<8x200x32xf32, #tpu.memory_space<vmem>>, vector<1x1x16xf32>,
        %get3A_1261 = vector.shape_cast %get3A_1260 : vector<1x1x16xf32> to vector<16xf32>
        %add3A_1262 = arith.addf %add3A_1222, %get3A_1261 : vector<16xf32>
        %add3A_1263 = arith.constant 4 : i32
        %add3A_1264 = arith.addi %mul3A_1154, %add3A_1263 : i32
        %add3A_1265 = arith.constant 1 : i32
        %add3A_1266 = arith.addi %add3A_1264, %add3A_1265 : i32
        %get3A_1267 = arith.constant 0 : i32
        %get3A_1268 = arith.index_cast %get3A_1267 : i32 to index
        %get3A_1269 = arith.index_cast %add3A_1266 : i32 to index
        %get3A_1270 = arith.constant 16 : index
        %get3A_1271 = tpu.vector_load %arg6[%get3A_1268, %get3A_1269, %get3A_1270] {strides = array<i32>} : memref<8x200x32xf32, #tpu.memory_space<vmem>>, vector<1x1x16xf32>,
        %get3A_1272 = vector.shape_cast %get3A_1271 : vector<1x1x16xf32> to vector<16xf32>
        %add3A_1273 = arith.addf %add3A_1233, %get3A_1272 : vector<16xf32>
        %add3A_1274 = arith.constant 6 : i32
        %add3A_1275 = arith.addi %mul3A_1154, %add3A_1274 : i32
        %get3A_1276 = arith.constant 0 : i32
        %get3A_1277 = arith.index_cast %get3A_1276 : i32 to index
        %get3A_1278 = arith.index_cast %add3A_1275 : i32 to index
        %get3A_1279 = arith.constant 0 : index
        %get3A_1280 = tpu.vector_load %arg6[%get3A_1277, %get3A_1278, %get3A_1279] {strides = array<i32>} : memref<8x200x32xf32, #tpu.memory_space<vmem>>, vector<1x1x16xf32>,
        %get3A_1281 = vector.shape_cast %get3A_1280 : vector<1x1x16xf32> to vector<16xf32>
        %add3A_1282 = arith.addf %add3A_1242, %get3A_1281 : vector<16xf32>
        %add3A_1283 = arith.constant 6 : i32
        %add3A_1284 = arith.addi %mul3A_1154, %add3A_1283 : i32
        %get3A_1285 = arith.constant 0 : i32
        %get3A_1286 = arith.index_cast %get3A_1285 : i32 to index
        %get3A_1287 = arith.index_cast %add3A_1284 : i32 to index
        %get3A_1288 = arith.constant 16 : index
        %get3A_1289 = tpu.vector_load %arg6[%get3A_1286, %get3A_1287, %get3A_1288] {strides = array<i32>} : memref<8x200x32xf32, #tpu.memory_space<vmem>>, vector<1x1x16xf32>,
        %get3A_1290 = vector.shape_cast %get3A_1289 : vector<1x1x16xf32> to vector<16xf32>
        %add3A_1291 = arith.addf %add3A_1251, %get3A_1290 : vector<16xf32>
        %add3A_1292 = arith.constant 6 : i32
        %add3A_1293 = arith.addi %mul3A_1154, %add3A_1292 : i32
        %add3A_1294 = arith.constant 1 : i32
        %add3A_1295 = arith.addi %add3A_1293, %add3A_1294 : i32
        %get3A_1296 = arith.constant 0 : i32
        %get3A_1297 = arith.index_cast %get3A_1296 : i32 to index
        %get3A_1298 = arith.index_cast %add3A_1295 : i32 to index
        %get3A_1299 = arith.constant 0 : index
        %get3A_1300 = tpu.vector_load %arg6[%get3A_1297, %get3A_1298, %get3A_1299] {strides = array<i32>} : memref<8x200x32xf32, #tpu.memory_space<vmem>>, vector<1x1x16xf32>,
        %get3A_1301 = vector.shape_cast %get3A_1300 : vector<1x1x16xf32> to vector<16xf32>
        %add3A_1302 = arith.addf %add3A_1262, %get3A_1301 : vector<16xf32>
        %add3A_1303 = arith.constant 6 : i32
        %add3A_1304 = arith.addi %mul3A_1154, %add3A_1303 : i32
        %add3A_1305 = arith.constant 1 : i32
        %add3A_1306 = arith.addi %add3A_1304, %add3A_1305 : i32
        %get3A_1307 = arith.constant 0 : i32
        %get3A_1308 = arith.index_cast %get3A_1307 : i32 to index
        %get3A_1309 = arith.index_cast %add3A_1306 : i32 to index
        %get3A_1310 = arith.constant 16 : index
        %get3A_1311 = tpu.vector_load %arg6[%get3A_1308, %get3A_1309, %get3A_1310] {strides = array<i32>} : memref<8x200x32xf32, #tpu.memory_space<vmem>>, vector<1x1x16xf32>,
        %get3A_1312 = vector.shape_cast %get3A_1311 : vector<1x1x16xf32> to vector<16xf32>
        %add3A_1313 = arith.addf %add3A_1273, %get3A_1312 : vector<16xf32>
        %add3A_1314 = arith.constant 8 : i32
        %add3A_1315 = arith.addi %mul3A_1154, %add3A_1314 : i32
        %get3A_1316 = arith.constant 0 : i32
        %get3A_1317 = arith.index_cast %get3A_1316 : i32 to index
        %get3A_1318 = arith.index_cast %add3A_1315 : i32 to index
        %get3A_1319 = arith.constant 0 : index
        %get3A_1320 = tpu.vector_load %arg6[%get3A_1317, %get3A_1318, %get3A_1319] {strides = array<i32>} : memref<8x200x32xf32, #tpu.memory_space<vmem>>, vector<1x1x16xf32>,
        %get3A_1321 = vector.shape_cast %get3A_1320 : vector<1x1x16xf32> to vector<16xf32>
        %add3A_1322 = arith.addf %add3A_1282, %get3A_1321 : vector<16xf32>
        %add3A_1323 = arith.constant 8 : i32
        %add3A_1324 = arith.addi %mul3A_1154, %add3A_1323 : i32
        %get3A_1325 = arith.constant 0 : i32
        %get3A_1326 = arith.index_cast %get3A_1325 : i32 to index
        %get3A_1327 = arith.index_cast %add3A_1324 : i32 to index
        %get3A_1328 = arith.constant 16 : index
        %get3A_1329 = tpu.vector_load %arg6[%get3A_1326, %get3A_1327, %get3A_1328] {strides = array<i32>} : memref<8x200x32xf32, #tpu.memory_space<vmem>>, vector<1x1x16xf32>,
        %get3A_1330 = vector.shape_cast %get3A_1329 : vector<1x1x16xf32> to vector<16xf32>
        %add3A_1331 = arith.addf %add3A_1291, %get3A_1330 : vector<16xf32>
        %add3A_1332 = arith.constant 8 : i32
        %add3A_1333 = arith.addi %mul3A_1154, %add3A_1332 : i32
        %add3A_1334 = arith.constant 1 : i32
        %add3A_1335 = arith.addi %add3A_1333, %add3A_1334 : i32
        %get3A_1336 = arith.constant 0 : i32
        %get3A_1337 = arith.index_cast %get3A_1336 : i32 to index
        %get3A_1338 = arith.index_cast %add3A_1335 : i32 to index
        %get3A_1339 = arith.constant 0 : index
        %get3A_1340 = tpu.vector_load %arg6[%get3A_1337, %get3A_1338, %get3A_1339] {strides = array<i32>} : memref<8x200x32xf32, #tpu.memory_space<vmem>>, vector<1x1x16xf32>,
        %get3A_1341 = vector.shape_cast %get3A_1340 : vector<1x1x16xf32> to vector<16xf32>
        %add3A_1342 = arith.addf %add3A_1302, %get3A_1341 : vector<16xf32>
        %add3A_1343 = arith.constant 8 : i32
        %add3A_1344 = arith.addi %mul3A_1154, %add3A_1343 : i32
        %add3A_1345 = arith.constant 1 : i32
        %add3A_1346 = arith.addi %add3A_1344, %add3A_1345 : i32
        %get3A_1347 = arith.constant 0 : i32
        %get3A_1348 = arith.index_cast %get3A_1347 : i32 to index
        %get3A_1349 = arith.index_cast %add3A_1346 : i32 to index
        %get3A_1350 = arith.constant 16 : index
        %get3A_1351 = tpu.vector_load %arg6[%get3A_1348, %get3A_1349, %get3A_1350] {strides = array<i32>} : memref<8x200x32xf32, #tpu.memory_space<vmem>>, vector<1x1x16xf32>,
        %get3A_1352 = vector.shape_cast %get3A_1351 : vector<1x1x16xf32> to vector<16xf32>
        %add3A_1353 = arith.addf %add3A_1313, %get3A_1352 : vector<16xf32>
        scf.yield %add3A_1322, %add3A_1342, %add3A_1331, %add3A_1353 : vector<16xf32>, vector<16xf32>, vector<16xf32>, vector<16xf32>
      }
      %scan3A_597 = arith.constant 20 : i32
      %add3A_598 = arith.addf %scan3A_596#0, %scan3A_596#1 : vector<16xf32>
      %swap3A_599 = arith.index_cast %add3A_591 : i32 to index
      %swap3A_600 = arith.constant 0 : index
      %swap3A_601 = tpu.vector_load %arg7[%swap3A_599, %swap3A_600] {strides = array<i32>} : memref<128x32xf32, #tpu.memory_space<vmem>>, vector<1x16xf32>,
      %swap3A_602 = vector.shape_cast %swap3A_601 : vector<1x16xf32> to vector<16xf32>
      %swap3A_603 = vector.shape_cast %add3A_598 : vector<16xf32> to vector<1x16xf32>
      tpu.vector_store %arg7[%swap3A_599, %swap3A_600], %swap3A_603 {strides = array<i32>} : memref<128x32xf32, #tpu.memory_space<vmem>>, vector<1x16xf32>,
      %add3A_604 = arith.addf %scan3A_596#2, %scan3A_596#3 : vector<16xf32>
      %swap3A_605 = arith.index_cast %add3A_591 : i32 to index
      %swap3A_606 = arith.constant 16 : index
      %swap3A_607 = tpu.vector_load %arg7[%swap3A_605, %swap3A_606] {strides = array<i32>} : memref<128x32xf32, #tpu.memory_space<vmem>>, vector<1x16xf32>,
      %swap3A_608 = vector.shape_cast %swap3A_607 : vector<1x16xf32> to vector<16xf32>
      %swap3A_609 = vector.shape_cast %add3A_604 : vector<16xf32> to vector<1x16xf32>
      tpu.vector_store %arg7[%swap3A_605, %swap3A_606], %swap3A_609 {strides = array<i32>} : memref<128x32xf32, #tpu.memory_space<vmem>>, vector<1x16xf32>,
      %add3A_610 = arith.constant 0 : i32
      %add3A_611 = arith.addi %mul3A_571, %add3A_610 : i32
      %add3A_612 = arith.constant 8 : i32
      %add3A_613 = arith.addi %add3A_611, %add3A_612 : i32
      %dma_start3A_614 = arith.constant 0 : i32
      %dma_start3A_615 = arith.constant 0 : i32
      %dma_start3A_616 = arith.constant 0 : i32
      %dma_start3A_617 = arith.constant 0 : i32
      %dma_start3A_618 = arith.constant 0 : i32
      %dma_start3A_619 = tpu.memref_slice %arg6[%dma_start3A_615, %dma_start3A_617, %dma_start3A_618] : memref<8x200x32xf32, #tpu.memory_space<vmem>> -> memref<1x128x32xf32, #tpu.memory_space<vmem>>
      %dma_start3A_620 = tpu.memref_squeeze %dma_start3A_619 : memref<1x128x32xf32, #tpu.memory_space<vmem>> -> memref<128x32xf32, #tpu.memory_space<vmem>>
      %dma_start3A_621 = arith.constant 0 : i32
      %dma_start3A_622 = tpu.memref_slice %arg5[%dma_start3A_614, %add3A_613, %dma_start3A_621] : memref<2x128x128xi32, #tpu.memory_space<vmem>> -> memref<1x1x128xi32, #tpu.memory_space<vmem>>
      %dma_start3A_623 = tpu.memref_squeeze %dma_start3A_622 : memref<1x1x128xi32, #tpu.memory_space<vmem>> -> memref<128xi32, #tpu.memory_space<vmem>>
      %dma_start3A_624 = arith.constant 0 : i32
      %dma_start3A_625 = arith.constant 0 : i32
      %dma_start3A_626 = tpu.memref_slice %arg3[%dma_start3A_624, %dma_start3A_625] : memref<1048576x32xf32, #tpu.memory_space<hbm>> -> memref<1048576x32xf32, #tpu.memory_space<hbm>>
      %dma_start3A_627 = tpu.memref_slice %arg8[%dma_start3A_616] : memref<8x!tpu.dma_semaphore, #tpu.memory_space<semaphore_mem>> -> memref<1x!tpu.dma_semaphore, #tpu.memory_space<semaphore_mem>>
      %dma_start3A_628 = tpu.memref_squeeze %dma_start3A_627 : memref<1x!tpu.dma_semaphore, #tpu.memory_space<semaphore_mem>> -> memref<!tpu.dma_semaphore, #tpu.memory_space<semaphore_mem>>
      tpu.enqueue_indirect_dma source(%dma_start3A_626 : memref<1048576x32xf32, #tpu.memory_space<hbm>>) target(%dma_start3A_620 : memref<128x32xf32, #tpu.memory_space<vmem>>) offsets(%dma_start3A_623 : memref<128xi32, #tpu.memory_space<vmem>>) semaphore(%dma_start3A_628 : memref<!tpu.dma_semaphore, #tpu.memory_space<semaphore_mem>>)
      %dma_start3A_629 = arith.constant 1 : i32
      %dma_start3A_630 = arith.constant 0 : i32
      %dma_start3A_631 = arith.constant 0 : i32
      %dma_start3A_632 = arith.constant 128 : i32
      %dma_start3A_633 = arith.constant 0 : i32
      %dma_start3A_634 = tpu.memref_slice %arg6[%dma_start3A_630, %dma_start3A_632, %dma_start3A_633] : memref<8x200x32xf32, #tpu.memory_space<vmem>> -> memref<1x72x32xf32, #tpu.memory_space<vmem>>
      %dma_start3A_635 = tpu.memref_squeeze %dma_start3A_634 : memref<1x72x32xf32, #tpu.memory_space<vmem>> -> memref<72x32xf32, #tpu.memory_space<vmem>>
      %dma_start3A_636 = arith.constant 0 : i32
      %dma_start3A_637 = tpu.memref_slice %arg5[%dma_start3A_629, %add3A_613, %dma_start3A_636] : memref<2x128x128xi32, #tpu.memory_space<vmem>> -> memref<1x1x72xi32, #tpu.memory_space<vmem>>
      %dma_start3A_638 = tpu.memref_squeeze %dma_start3A_637 : memref<1x1x72xi32, #tpu.memory_space<vmem>> -> memref<72xi32, #tpu.memory_space<vmem>>
      %dma_start3A_639 = arith.constant 0 : i32
      %dma_start3A_640 = arith.constant 0 : i32
      %dma_start3A_641 = tpu.memref_slice %arg3[%dma_start3A_639, %dma_start3A_640] : memref<1048576x32xf32, #tpu.memory_space<hbm>> -> memref<1048576x32xf32, #tpu.memory_space<hbm>>
      %dma_start3A_642 = tpu.memref_slice %arg8[%dma_start3A_631] : memref<8x!tpu.dma_semaphore, #tpu.memory_space<semaphore_mem>> -> memref<1x!tpu.dma_semaphore, #tpu.memory_space<semaphore_mem>>
      %dma_start3A_643 = tpu.memref_squeeze %dma_start3A_642 : memref<1x!tpu.dma_semaphore, #tpu.memory_space<semaphore_mem>> -> memref<!tpu.dma_semaphore, #tpu.memory_space<semaphore_mem>>
      tpu.enqueue_indirect_dma source(%dma_start3A_641 : memref<1048576x32xf32, #tpu.memory_space<hbm>>) target(%dma_start3A_635 : memref<72x32xf32, #tpu.memory_space<vmem>>) offsets(%dma_start3A_638 : memref<72xi32, #tpu.memory_space<vmem>>) semaphore(%dma_start3A_643 : memref<!tpu.dma_semaphore, #tpu.memory_space<semaphore_mem>>)
      %dma_wait3A_644 = arith.constant 1 : i32
      %dma_wait3A_645 = arith.constant 1 : i32
      %dma_wait3A_646 = arith.constant 0 : i32
      %dma_wait3A_647 = arith.constant 0 : i32
      %dma_wait3A_648 = tpu.memref_slice %arg6[%dma_wait3A_644, %dma_wait3A_646, %dma_wait3A_647] : memref<8x200x32xf32, #tpu.memory_space<vmem>> -> memref<1x200x32xf32, #tpu.memory_space<vmem>>
      %dma_wait3A_649 = tpu.memref_squeeze %dma_wait3A_648 : memref<1x200x32xf32, #tpu.memory_space<vmem>> -> memref<200x32xf32, #tpu.memory_space<vmem>>
      %dma_wait3A_650 = arith.constant 0 : i32
      %dma_wait3A_651 = arith.constant 0 : i32
      %dma_wait3A_652 = tpu.memref_slice %arg3[%dma_wait3A_650, %dma_wait3A_651] : memref<1048576x32xf32, #tpu.memory_space<hbm>> -> memref<200x32xf32, #tpu.memory_space<hbm>>
      %dma_wait3A_653 = tpu.memref_slice %arg8[%dma_wait3A_645] : memref<8x!tpu.dma_semaphore, #tpu.memory_space<semaphore_mem>> -> memref<1x!tpu.dma_semaphore, #tpu.memory_space<semaphore_mem>>
      %dma_wait3A_654 = tpu.memref_squeeze %dma_wait3A_653 : memref<1x!tpu.dma_semaphore, #tpu.memory_space<semaphore_mem>> -> memref<!tpu.dma_semaphore, #tpu.memory_space<semaphore_mem>>
      %dma_wait3A_655 = arith.constant 0 : i32
      %dma_wait3A_656 = arith.constant 0 : i32
      %dma_wait3A_657 = tpu.memref_slice %arg6[%dma_wait3A_644, %dma_wait3A_655, %dma_wait3A_656] : memref<8x200x32xf32, #tpu.memory_space<vmem>> -> memref<1x200x32xf32, #tpu.memory_space<vmem>>
      %dma_wait3A_658 = tpu.memref_squeeze %dma_wait3A_657 : memref<1x200x32xf32, #tpu.memory_space<vmem>> -> memref<200x32xf32, #tpu.memory_space<vmem>>
      %dma_wait3A_659 = arith.constant 0 : i32
      %dma_wait3A_660 = arith.constant 0 : i32
      %dma_wait3A_661 = tpu.memref_slice %arg3[%dma_wait3A_659, %dma_wait3A_660] : memref<1048576x32xf32, #tpu.memory_space<hbm>> -> memref<200x32xf32, #tpu.memory_space<hbm>>
      tpu.wait_dma2 semaphore(%dma_wait3A_654 : memref<!tpu.dma_semaphore, #tpu.memory_space<semaphore_mem>>) src(%dma_wait3A_661 : memref<200x32xf32, #tpu.memory_space<hbm>>) dst(%dma_wait3A_658 : memref<200x32xf32, #tpu.memory_space<vmem>>)
      %add3A_662 = arith.constant 1 : i32
      %add3A_663 = arith.addi %mul3A_571, %add3A_662 : i32
      %scan3A_664 = arith.constant 0 : i32
      %scan3A_665 = arith.constant 20 : i32
      %scan3A_666 = arith.addi %scan3A_664, %scan3A_665 : i32
      %scan3A_667 = arith.constant 1 : i32
      %scan3A_668:4 = scf.for %scan3A_1148 = %scan3A_664 to %scan3A_666 step %scan3A_667 iter_args(%scan3A_1149 = %broadcast_in_dim3A_6, %scan3A_1150 = %broadcast_in_dim3A_6, %scan3A_1151 = %broadcast_in_dim3A_6, %scan3A_1152 = %broadcast_in_dim3A_6) -> (vector<16xf32>, vector<16xf32>, vector<16xf32>, vector<16xf32>)  : i32 {
        %mul3A_1153 = arith.constant 10 : i32
        %mul3A_1154 = arith.muli %scan3A_1148, %mul3A_1153 : i32
        %add3A_1155 = arith.constant 0 : i32
        %add3A_1156 = arith.addi %mul3A_1154, %add3A_1155 : i32
        %get3A = arith.constant 1 : i32
        %get3A_1157 = arith.index_cast %get3A : i32 to index
        %get3A_1158 = arith.index_cast %add3A_1156 : i32 to index
        %get3A_1159 = arith.constant 0 : index
        %get3A_1160 = tpu.vector_load %arg6[%get3A_1157, %get3A_1158, %get3A_1159] {strides = array<i32>} : memref<8x200x32xf32, #tpu.memory_space<vmem>>, vector<1x1x16xf32>,
        %get3A_1161 = vector.shape_cast %get3A_1160 : vector<1x1x16xf32> to vector<16xf32>
        %add3A_1162 = arith.addf %scan3A_1149, %get3A_1161 : vector<16xf32>
        %add3A_1163 = arith.constant 0 : i32
        %add3A_1164 = arith.addi %mul3A_1154, %add3A_1163 : i32
        %get3A_1165 = arith.constant 1 : i32
        %get3A_1166 = arith.index_cast %get3A_1165 : i32 to index
        %get3A_1167 = arith.index_cast %add3A_1164 : i32 to index
        %get3A_1168 = arith.constant 16 : index
        %get3A_1169 = tpu.vector_load %arg6[%get3A_1166, %get3A_1167, %get3A_1168] {strides = array<i32>} : memref<8x200x32xf32, #tpu.memory_space<vmem>>, vector<1x1x16xf32>,
        %get3A_1170 = vector.shape_cast %get3A_1169 : vector<1x1x16xf32> to vector<16xf32>
        %add3A_1171 = arith.addf %scan3A_1151, %get3A_1170 : vector<16xf32>
        %add3A_1172 = arith.constant 0 : i32
        %add3A_1173 = arith.addi %mul3A_1154, %add3A_1172 : i32
        %add3A_1174 = arith.constant 1 : i32
        %add3A_1175 = arith.addi %add3A_1173, %add3A_1174 : i32
        %get3A_1176 = arith.constant 1 : i32
        %get3A_1177 = arith.index_cast %get3A_1176 : i32 to index
        %get3A_1178 = arith.index_cast %add3A_1175 : i32 to index
        %get3A_1179 = arith.constant 0 : index
        %get3A_1180 = tpu.vector_load %arg6[%get3A_1177, %get3A_1178, %get3A_1179] {strides = array<i32>} : memref<8x200x32xf32, #tpu.memory_space<vmem>>, vector<1x1x16xf32>,
        %get3A_1181 = vector.shape_cast %get3A_1180 : vector<1x1x16xf32> to vector<16xf32>
        %add3A_1182 = arith.addf %scan3A_1150, %get3A_1181 : vector<16xf32>
        %add3A_1183 = arith.constant 0 : i32
        %add3A_1184 = arith.addi %mul3A_1154, %add3A_1183 : i32
        %add3A_1185 = arith.constant 1 : i32
        %add3A_1186 = arith.addi %add3A_1184, %add3A_1185 : i32
        %get3A_1187 = arith.constant 1 : i32
        %get3A_1188 = arith.index_cast %get3A_1187 : i32 to index
        %get3A_1189 = arith.index_cast %add3A_1186 : i32 to index
        %get3A_1190 = arith.constant 16 : index
        %get3A_1191 = tpu.vector_load %arg6[%get3A_1188, %get3A_1189, %get3A_1190] {strides = array<i32>} : memref<8x200x32xf32, #tpu.memory_space<vmem>>, vector<1x1x16xf32>,
        %get3A_1192 = vector.shape_cast %get3A_1191 : vector<1x1x16xf32> to vector<16xf32>
        %add3A_1193 = arith.addf %scan3A_1152, %get3A_1192 : vector<16xf32>
        %add3A_1194 = arith.constant 2 : i32
        %add3A_1195 = arith.addi %mul3A_1154, %add3A_1194 : i32
        %get3A_1196 = arith.constant 1 : i32
        %get3A_1197 = arith.index_cast %get3A_1196 : i32 to index
        %get3A_1198 = arith.index_cast %add3A_1195 : i32 to index
        %get3A_1199 = arith.constant 0 : index
        %get3A_1200 = tpu.vector_load %arg6[%get3A_1197, %get3A_1198, %get3A_1199] {strides = array<i32>} : memref<8x200x32xf32, #tpu.memory_space<vmem>>, vector<1x1x16xf32>,
        %get3A_1201 = vector.shape_cast %get3A_1200 : vector<1x1x16xf32> to vector<16xf32>
        %add3A_1202 = arith.addf %add3A_1162, %get3A_1201 : vector<16xf32>
        %add3A_1203 = arith.constant 2 : i32
        %add3A_1204 = arith.addi %mul3A_1154, %add3A_1203 : i32
        %get3A_1205 = arith.constant 1 : i32
        %get3A_1206 = arith.index_cast %get3A_1205 : i32 to index
        %get3A_1207 = arith.index_cast %add3A_1204 : i32 to index
        %get3A_1208 = arith.constant 16 : index
        %get3A_1209 = tpu.vector_load %arg6[%get3A_1206, %get3A_1207, %get3A_1208] {strides = array<i32>} : memref<8x200x32xf32, #tpu.memory_space<vmem>>, vector<1x1x16xf32>,
        %get3A_1210 = vector.shape_cast %get3A_1209 : vector<1x1x16xf32> to vector<16xf32>
        %add3A_1211 = arith.addf %add3A_1171, %get3A_1210 : vector<16xf32>
        %add3A_1212 = arith.constant 2 : i32
        %add3A_1213 = arith.addi %mul3A_1154, %add3A_1212 : i32
        %add3A_1214 = arith.constant 1 : i32
        %add3A_1215 = arith.addi %add3A_1213, %add3A_1214 : i32
        %get3A_1216 = arith.constant 1 : i32
        %get3A_1217 = arith.index_cast %get3A_1216 : i32 to index
        %get3A_1218 = arith.index_cast %add3A_1215 : i32 to index
        %get3A_1219 = arith.constant 0 : index
        %get3A_1220 = tpu.vector_load %arg6[%get3A_1217, %get3A_1218, %get3A_1219] {strides = array<i32>} : memref<8x200x32xf32, #tpu.memory_space<vmem>>, vector<1x1x16xf32>,
        %get3A_1221 = vector.shape_cast %get3A_1220 : vector<1x1x16xf32> to vector<16xf32>
        %add3A_1222 = arith.addf %add3A_1182, %get3A_1221 : vector<16xf32>
        %add3A_1223 = arith.constant 2 : i32
        %add3A_1224 = arith.addi %mul3A_1154, %add3A_1223 : i32
        %add3A_1225 = arith.constant 1 : i32
        %add3A_1226 = arith.addi %add3A_1224, %add3A_1225 : i32
        %get3A_1227 = arith.constant 1 : i32
        %get3A_1228 = arith.index_cast %get3A_1227 : i32 to index
        %get3A_1229 = arith.index_cast %add3A_1226 : i32 to index
        %get3A_1230 = arith.constant 16 : index
        %get3A_1231 = tpu.vector_load %arg6[%get3A_1228, %get3A_1229, %get3A_1230] {strides = array<i32>} : memref<8x200x32xf32, #tpu.memory_space<vmem>>, vector<1x1x16xf32>,
        %get3A_1232 = vector.shape_cast %get3A_1231 : vector<1x1x16xf32> to vector<16xf32>
        %add3A_1233 = arith.addf %add3A_1193, %get3A_1232 : vector<16xf32>
        %add3A_1234 = arith.constant 4 : i32
        %add3A_1235 = arith.addi %mul3A_1154, %add3A_1234 : i32
        %get3A_1236 = arith.constant 1 : i32
        %get3A_1237 = arith.index_cast %get3A_1236 : i32 to index
        %get3A_1238 = arith.index_cast %add3A_1235 : i32 to index
        %get3A_1239 = arith.constant 0 : index
        %get3A_1240 = tpu.vector_load %arg6[%get3A_1237, %get3A_1238, %get3A_1239] {strides = array<i32>} : memref<8x200x32xf32, #tpu.memory_space<vmem>>, vector<1x1x16xf32>,
        %get3A_1241 = vector.shape_cast %get3A_1240 : vector<1x1x16xf32> to vector<16xf32>
        %add3A_1242 = arith.addf %add3A_1202, %get3A_1241 : vector<16xf32>
        %add3A_1243 = arith.constant 4 : i32
        %add3A_1244 = arith.addi %mul3A_1154, %add3A_1243 : i32
        %get3A_1245 = arith.constant 1 : i32
        %get3A_1246 = arith.index_cast %get3A_1245 : i32 to index
        %get3A_1247 = arith.index_cast %add3A_1244 : i32 to index
        %get3A_1248 = arith.constant 16 : index
        %get3A_1249 = tpu.vector_load %arg6[%get3A_1246, %get3A_1247, %get3A_1248] {strides = array<i32>} : memref<8x200x32xf32, #tpu.memory_space<vmem>>, vector<1x1x16xf32>,
        %get3A_1250 = vector.shape_cast %get3A_1249 : vector<1x1x16xf32> to vector<16xf32>
        %add3A_1251 = arith.addf %add3A_1211, %get3A_1250 : vector<16xf32>
        %add3A_1252 = arith.constant 4 : i32
        %add3A_1253 = arith.addi %mul3A_1154, %add3A_1252 : i32
        %add3A_1254 = arith.constant 1 : i32
        %add3A_1255 = arith.addi %add3A_1253, %add3A_1254 : i32
        %get3A_1256 = arith.constant 1 : i32
        %get3A_1257 = arith.index_cast %get3A_1256 : i32 to index
        %get3A_1258 = arith.index_cast %add3A_1255 : i32 to index
        %get3A_1259 = arith.constant 0 : index
        %get3A_1260 = tpu.vector_load %arg6[%get3A_1257, %get3A_1258, %get3A_1259] {strides = array<i32>} : memref<8x200x32xf32, #tpu.memory_space<vmem>>, vector<1x1x16xf32>,
        %get3A_1261 = vector.shape_cast %get3A_1260 : vector<1x1x16xf32> to vector<16xf32>
        %add3A_1262 = arith.addf %add3A_1222, %get3A_1261 : vector<16xf32>
        %add3A_1263 = arith.constant 4 : i32
        %add3A_1264 = arith.addi %mul3A_1154, %add3A_1263 : i32
        %add3A_1265 = arith.constant 1 : i32
        %add3A_1266 = arith.addi %add3A_1264, %add3A_1265 : i32
        %get3A_1267 = arith.constant 1 : i32
        %get3A_1268 = arith.index_cast %get3A_1267 : i32 to index
        %get3A_1269 = arith.index_cast %add3A_1266 : i32 to index
        %get3A_1270 = arith.constant 16 : index
        %get3A_1271 = tpu.vector_load %arg6[%get3A_1268, %get3A_1269, %get3A_1270] {strides = array<i32>} : memref<8x200x32xf32, #tpu.memory_space<vmem>>, vector<1x1x16xf32>,
        %get3A_1272 = vector.shape_cast %get3A_1271 : vector<1x1x16xf32> to vector<16xf32>
        %add3A_1273 = arith.addf %add3A_1233, %get3A_1272 : vector<16xf32>
        %add3A_1274 = arith.constant 6 : i32
        %add3A_1275 = arith.addi %mul3A_1154, %add3A_1274 : i32
        %get3A_1276 = arith.constant 1 : i32
        %get3A_1277 = arith.index_cast %get3A_1276 : i32 to index
        %get3A_1278 = arith.index_cast %add3A_1275 : i32 to index
        %get3A_1279 = arith.constant 0 : index
        %get3A_1280 = tpu.vector_load %arg6[%get3A_1277, %get3A_1278, %get3A_1279] {strides = array<i32>} : memref<8x200x32xf32, #tpu.memory_space<vmem>>, vector<1x1x16xf32>,
        %get3A_1281 = vector.shape_cast %get3A_1280 : vector<1x1x16xf32> to vector<16xf32>
        %add3A_1282 = arith.addf %add3A_1242, %get3A_1281 : vector<16xf32>
        %add3A_1283 = arith.constant 6 : i32
        %add3A_1284 = arith.addi %mul3A_1154, %add3A_1283 : i32
        %get3A_1285 = arith.constant 1 : i32
        %get3A_1286 = arith.index_cast %get3A_1285 : i32 to index
        %get3A_1287 = arith.index_cast %add3A_1284 : i32 to index
        %get3A_1288 = arith.constant 16 : index
        %get3A_1289 = tpu.vector_load %arg6[%get3A_1286, %get3A_1287, %get3A_1288] {strides = array<i32>} : memref<8x200x32xf32, #tpu.memory_space<vmem>>, vector<1x1x16xf32>,
        %get3A_1290 = vector.shape_cast %get3A_1289 : vector<1x1x16xf32> to vector<16xf32>
        %add3A_1291 = arith.addf %add3A_1251, %get3A_1290 : vector<16xf32>
        %add3A_1292 = arith.constant 6 : i32
        %add3A_1293 = arith.addi %mul3A_1154, %add3A_1292 : i32
        %add3A_1294 = arith.constant 1 : i32
        %add3A_1295 = arith.addi %add3A_1293, %add3A_1294 : i32
        %get3A_1296 = arith.constant 1 : i32
        %get3A_1297 = arith.index_cast %get3A_1296 : i32 to index
        %get3A_1298 = arith.index_cast %add3A_1295 : i32 to index
        %get3A_1299 = arith.constant 0 : index
        %get3A_1300 = tpu.vector_load %arg6[%get3A_1297, %get3A_1298, %get3A_1299] {strides = array<i32>} : memref<8x200x32xf32, #tpu.memory_space<vmem>>, vector<1x1x16xf32>,
        %get3A_1301 = vector.shape_cast %get3A_1300 : vector<1x1x16xf32> to vector<16xf32>
        %add3A_1302 = arith.addf %add3A_1262, %get3A_1301 : vector<16xf32>
        %add3A_1303 = arith.constant 6 : i32
        %add3A_1304 = arith.addi %mul3A_1154, %add3A_1303 : i32
        %add3A_1305 = arith.constant 1 : i32
        %add3A_1306 = arith.addi %add3A_1304, %add3A_1305 : i32
        %get3A_1307 = arith.constant 1 : i32
        %get3A_1308 = arith.index_cast %get3A_1307 : i32 to index
        %get3A_1309 = arith.index_cast %add3A_1306 : i32 to index
        %get3A_1310 = arith.constant 16 : index
        %get3A_1311 = tpu.vector_load %arg6[%get3A_1308, %get3A_1309, %get3A_1310] {strides = array<i32>} : memref<8x200x32xf32, #tpu.memory_space<vmem>>, vector<1x1x16xf32>,
        %get3A_1312 = vector.shape_cast %get3A_1311 : vector<1x1x16xf32> to vector<16xf32>
        %add3A_1313 = arith.addf %add3A_1273, %get3A_1312 : vector<16xf32>
        %add3A_1314 = arith.constant 8 : i32
        %add3A_1315 = arith.addi %mul3A_1154, %add3A_1314 : i32
        %get3A_1316 = arith.constant 1 : i32
        %get3A_1317 = arith.index_cast %get3A_1316 : i32 to index
        %get3A_1318 = arith.index_cast %add3A_1315 : i32 to index
        %get3A_1319 = arith.constant 0 : index
        %get3A_1320 = tpu.vector_load %arg6[%get3A_1317, %get3A_1318, %get3A_1319] {strides = array<i32>} : memref<8x200x32xf32, #tpu.memory_space<vmem>>, vector<1x1x16xf32>,
        %get3A_1321 = vector.shape_cast %get3A_1320 : vector<1x1x16xf32> to vector<16xf32>
        %add3A_1322 = arith.addf %add3A_1282, %get3A_1321 : vector<16xf32>
        %add3A_1323 = arith.constant 8 : i32
        %add3A_1324 = arith.addi %mul3A_1154, %add3A_1323 : i32
        %get3A_1325 = arith.constant 1 : i32
        %get3A_1326 = arith.index_cast %get3A_1325 : i32 to index
        %get3A_1327 = arith.index_cast %add3A_1324 : i32 to index
        %get3A_1328 = arith.constant 16 : index
        %get3A_1329 = tpu.vector_load %arg6[%get3A_1326, %get3A_1327, %get3A_1328] {strides = array<i32>} : memref<8x200x32xf32, #tpu.memory_space<vmem>>, vector<1x1x16xf32>,
        %get3A_1330 = vector.shape_cast %get3A_1329 : vector<1x1x16xf32> to vector<16xf32>
        %add3A_1331 = arith.addf %add3A_1291, %get3A_1330 : vector<16xf32>
        %add3A_1332 = arith.constant 8 : i32
        %add3A_1333 = arith.addi %mul3A_1154, %add3A_1332 : i32
        %add3A_1334 = arith.constant 1 : i32
        %add3A_1335 = arith.addi %add3A_1333, %add3A_1334 : i32
        %get3A_1336 = arith.constant 1 : i32
        %get3A_1337 = arith.index_cast %get3A_1336 : i32 to index
        %get3A_1338 = arith.index_cast %add3A_1335 : i32 to index
        %get3A_1339 = arith.constant 0 : index
        %get3A_1340 = tpu.vector_load %arg6[%get3A_1337, %get3A_1338, %get3A_1339] {strides = array<i32>} : memref<8x200x32xf32, #tpu.memory_space<vmem>>, vector<1x1x16xf32>,
        %get3A_1341 = vector.shape_cast %get3A_1340 : vector<1x1x16xf32> to vector<16xf32>
        %add3A_1342 = arith.addf %add3A_1302, %get3A_1341 : vector<16xf32>
        %add3A_1343 = arith.constant 8 : i32
        %add3A_1344 = arith.addi %mul3A_1154, %add3A_1343 : i32
        %add3A_1345 = arith.constant 1 : i32
        %add3A_1346 = arith.addi %add3A_1344, %add3A_1345 : i32
        %get3A_1347 = arith.constant 1 : i32
        %get3A_1348 = arith.index_cast %get3A_1347 : i32 to index
        %get3A_1349 = arith.index_cast %add3A_1346 : i32 to index
        %get3A_1350 = arith.constant 16 : index
        %get3A_1351 = tpu.vector_load %arg6[%get3A_1348, %get3A_1349, %get3A_1350] {strides = array<i32>} : memref<8x200x32xf32, #tpu.memory_space<vmem>>, vector<1x1x16xf32>,
        %get3A_1352 = vector.shape_cast %get3A_1351 : vector<1x1x16xf32> to vector<16xf32>
        %add3A_1353 = arith.addf %add3A_1313, %get3A_1352 : vector<16xf32>
        scf.yield %add3A_1322, %add3A_1342, %add3A_1331, %add3A_1353 : vector<16xf32>, vector<16xf32>, vector<16xf32>, vector<16xf32>
      }
      %scan3A_669 = arith.constant 20 : i32
      %add3A_670 = arith.addf %scan3A_668#0, %scan3A_668#1 : vector<16xf32>
      %swap3A_671 = arith.index_cast %add3A_663 : i32 to index
      %swap3A_672 = arith.constant 0 : index
      %swap3A_673 = tpu.vector_load %arg7[%swap3A_671, %swap3A_672] {strides = array<i32>} : memref<128x32xf32, #tpu.memory_space<vmem>>, vector<1x16xf32>,
      %swap3A_674 = vector.shape_cast %swap3A_673 : vector<1x16xf32> to vector<16xf32>
      %swap3A_675 = vector.shape_cast %add3A_670 : vector<16xf32> to vector<1x16xf32>
      tpu.vector_store %arg7[%swap3A_671, %swap3A_672], %swap3A_675 {strides = array<i32>} : memref<128x32xf32, #tpu.memory_space<vmem>>, vector<1x16xf32>,
      %add3A_676 = arith.addf %scan3A_668#2, %scan3A_668#3 : vector<16xf32>
      %swap3A_677 = arith.index_cast %add3A_663 : i32 to index
      %swap3A_678 = arith.constant 16 : index
      %swap3A_679 = tpu.vector_load %arg7[%swap3A_677, %swap3A_678] {strides = array<i32>} : memref<128x32xf32, #tpu.memory_space<vmem>>, vector<1x16xf32>,
      %swap3A_680 = vector.shape_cast %swap3A_679 : vector<1x16xf32> to vector<16xf32>
      %swap3A_681 = vector.shape_cast %add3A_676 : vector<16xf32> to vector<1x16xf32>
      tpu.vector_store %arg7[%swap3A_677, %swap3A_678], %swap3A_681 {strides = array<i32>} : memref<128x32xf32, #tpu.memory_space<vmem>>, vector<1x16xf32>,
      %add3A_682 = arith.constant 1 : i32
      %add3A_683 = arith.addi %mul3A_571, %add3A_682 : i32
      %add3A_684 = arith.constant 8 : i32
      %add3A_685 = arith.addi %add3A_683, %add3A_684 : i32
      %dma_start3A_686 = arith.constant 0 : i32
      %dma_start3A_687 = arith.constant 1 : i32
      %dma_start3A_688 = arith.constant 1 : i32
      %dma_start3A_689 = arith.constant 0 : i32
      %dma_start3A_690 = arith.constant 0 : i32
      %dma_start3A_691 = tpu.memref_slice %arg6[%dma_start3A_687, %dma_start3A_689, %dma_start3A_690] : memref<8x200x32xf32, #tpu.memory_space<vmem>> -> memref<1x128x32xf32, #tpu.memory_space<vmem>>
      %dma_start3A_692 = tpu.memref_squeeze %dma_start3A_691 : memref<1x128x32xf32, #tpu.memory_space<vmem>> -> memref<128x32xf32, #tpu.memory_space<vmem>>
      %dma_start3A_693 = arith.constant 0 : i32
      %dma_start3A_694 = tpu.memref_slice %arg5[%dma_start3A_686, %add3A_685, %dma_start3A_693] : memref<2x128x128xi32, #tpu.memory_space<vmem>> -> memref<1x1x128xi32, #tpu.memory_space<vmem>>
      %dma_start3A_695 = tpu.memref_squeeze %dma_start3A_694 : memref<1x1x128xi32, #tpu.memory_space<vmem>> -> memref<128xi32, #tpu.memory_space<vmem>>
      %dma_start3A_696 = arith.constant 0 : i32
      %dma_start3A_697 = arith.constant 0 : i32
      %dma_start3A_698 = tpu.memref_slice %arg3[%dma_start3A_696, %dma_start3A_697] : memref<1048576x32xf32, #tpu.memory_space<hbm>> -> memref<1048576x32xf32, #tpu.memory_space<hbm>>
      %dma_start3A_699 = tpu.memref_slice %arg8[%dma_start3A_688] : memref<8x!tpu.dma_semaphore, #tpu.memory_space<semaphore_mem>> -> memref<1x!tpu.dma_semaphore, #tpu.memory_space<semaphore_mem>>
      %dma_start3A_700 = tpu.memref_squeeze %dma_start3A_699 : memref<1x!tpu.dma_semaphore, #tpu.memory_space<semaphore_mem>> -> memref<!tpu.dma_semaphore, #tpu.memory_space<semaphore_mem>>
      tpu.enqueue_indirect_dma source(%dma_start3A_698 : memref<1048576x32xf32, #tpu.memory_space<hbm>>) target(%dma_start3A_692 : memref<128x32xf32, #tpu.memory_space<vmem>>) offsets(%dma_start3A_695 : memref<128xi32, #tpu.memory_space<vmem>>) semaphore(%dma_start3A_700 : memref<!tpu.dma_semaphore, #tpu.memory_space<semaphore_mem>>)
      %dma_start3A_701 = arith.constant 1 : i32
      %dma_start3A_702 = arith.constant 1 : i32
      %dma_start3A_703 = arith.constant 1 : i32
      %dma_start3A_704 = arith.constant 128 : i32
      %dma_start3A_705 = arith.constant 0 : i32
      %dma_start3A_706 = tpu.memref_slice %arg6[%dma_start3A_702, %dma_start3A_704, %dma_start3A_705] : memref<8x200x32xf32, #tpu.memory_space<vmem>> -> memref<1x72x32xf32, #tpu.memory_space<vmem>>
      %dma_start3A_707 = tpu.memref_squeeze %dma_start3A_706 : memref<1x72x32xf32, #tpu.memory_space<vmem>> -> memref<72x32xf32, #tpu.memory_space<vmem>>
      %dma_start3A_708 = arith.constant 0 : i32
      %dma_start3A_709 = tpu.memref_slice %arg5[%dma_start3A_701, %add3A_685, %dma_start3A_708] : memref<2x128x128xi32, #tpu.memory_space<vmem>> -> memref<1x1x72xi32, #tpu.memory_space<vmem>>
      %dma_start3A_710 = tpu.memref_squeeze %dma_start3A_709 : memref<1x1x72xi32, #tpu.memory_space<vmem>> -> memref<72xi32, #tpu.memory_space<vmem>>
      %dma_start3A_711 = arith.constant 0 : i32
      %dma_start3A_712 = arith.constant 0 : i32
      %dma_start3A_713 = tpu.memref_slice %arg3[%dma_start3A_711, %dma_start3A_712] : memref<1048576x32xf32, #tpu.memory_space<hbm>> -> memref<1048576x32xf32, #tpu.memory_space<hbm>>
      %dma_start3A_714 = tpu.memref_slice %arg8[%dma_start3A_703] : memref<8x!tpu.dma_semaphore, #tpu.memory_space<semaphore_mem>> -> memref<1x!tpu.dma_semaphore, #tpu.memory_space<semaphore_mem>>
      %dma_start3A_715 = tpu.memref_squeeze %dma_start3A_714 : memref<1x!tpu.dma_semaphore, #tpu.memory_space<semaphore_mem>> -> memref<!tpu.dma_semaphore, #tpu.memory_space<semaphore_mem>>
      tpu.enqueue_indirect_dma source(%dma_start3A_713 : memref<1048576x32xf32, #tpu.memory_space<hbm>>) target(%dma_start3A_707 : memref<72x32xf32, #tpu.memory_space<vmem>>) offsets(%dma_start3A_710 : memref<72xi32, #tpu.memory_space<vmem>>) semaphore(%dma_start3A_715 : memref<!tpu.dma_semaphore, #tpu.memory_space<semaphore_mem>>)
      %dma_wait3A_716 = arith.constant 2 : i32
      %dma_wait3A_717 = arith.constant 2 : i32
      %dma_wait3A_718 = arith.constant 0 : i32
      %dma_wait3A_719 = arith.constant 0 : i32
      %dma_wait3A_720 = tpu.memref_slice %arg6[%dma_wait3A_716, %dma_wait3A_718, %dma_wait3A_719] : memref<8x200x32xf32, #tpu.memory_space<vmem>> -> memref<1x200x32xf32, #tpu.memory_space<vmem>>
      %dma_wait3A_721 = tpu.memref_squeeze %dma_wait3A_720 : memref<1x200x32xf32, #tpu.memory_space<vmem>> -> memref<200x32xf32, #tpu.memory_space<vmem>>
      %dma_wait3A_722 = arith.constant 0 : i32
      %dma_wait3A_723 = arith.constant 0 : i32
      %dma_wait3A_724 = tpu.memref_slice %arg3[%dma_wait3A_722, %dma_wait3A_723] : memref<1048576x32xf32, #tpu.memory_space<hbm>> -> memref<200x32xf32, #tpu.memory_space<hbm>>
      %dma_wait3A_725 = tpu.memref_slice %arg8[%dma_wait3A_717] : memref<8x!tpu.dma_semaphore, #tpu.memory_space<semaphore_mem>> -> memref<1x!tpu.dma_semaphore, #tpu.memory_space<semaphore_mem>>
      %dma_wait3A_726 = tpu.memref_squeeze %dma_wait3A_725 : memref<1x!tpu.dma_semaphore, #tpu.memory_space<semaphore_mem>> -> memref<!tpu.dma_semaphore, #tpu.memory_space<semaphore_mem>>
      %dma_wait3A_727 = arith.constant 0 : i32
      %dma_wait3A_728 = arith.constant 0 : i32
      %dma_wait3A_729 = tpu.memref_slice %arg6[%dma_wait3A_716, %dma_wait3A_727, %dma_wait3A_728] : memref<8x200x32xf32, #tpu.memory_space<vmem>> -> memref<1x200x32xf32, #tpu.memory_space<vmem>>
      %dma_wait3A_730 = tpu.memref_squeeze %dma_wait3A_729 : memref<1x200x32xf32, #tpu.memory_space<vmem>> -> memref<200x32xf32, #tpu.memory_space<vmem>>
      %dma_wait3A_731 = arith.constant 0 : i32
      %dma_wait3A_732 = arith.constant 0 : i32
      %dma_wait3A_733 = tpu.memref_slice %arg3[%dma_wait3A_731, %dma_wait3A_732] : memref<1048576x32xf32, #tpu.memory_space<hbm>> -> memref<200x32xf32, #tpu.memory_space<hbm>>
      tpu.wait_dma2 semaphore(%dma_wait3A_726 : memref<!tpu.dma_semaphore, #tpu.memory_space<semaphore_mem>>) src(%dma_wait3A_733 : memref<200x32xf32, #tpu.memory_space<hbm>>) dst(%dma_wait3A_730 : memref<200x32xf32, #tpu.memory_space<vmem>>)
      %add3A_734 = arith.constant 2 : i32
      %add3A_735 = arith.addi %mul3A_571, %add3A_734 : i32
      %scan3A_736 = arith.constant 0 : i32
      %scan3A_737 = arith.constant 20 : i32
      %scan3A_738 = arith.addi %scan3A_736, %scan3A_737 : i32
      %scan3A_739 = arith.constant 1 : i32
      %scan3A_740:4 = scf.for %scan3A_1148 = %scan3A_736 to %scan3A_738 step %scan3A_739 iter_args(%scan3A_1149 = %broadcast_in_dim3A_6, %scan3A_1150 = %broadcast_in_dim3A_6, %scan3A_1151 = %broadcast_in_dim3A_6, %scan3A_1152 = %broadcast_in_dim3A_6) -> (vector<16xf32>, vector<16xf32>, vector<16xf32>, vector<16xf32>)  : i32 {
        %mul3A_1153 = arith.constant 10 : i32
        %mul3A_1154 = arith.muli %scan3A_1148, %mul3A_1153 : i32
        %add3A_1155 = arith.constant 0 : i32
        %add3A_1156 = arith.addi %mul3A_1154, %add3A_1155 : i32
        %get3A = arith.constant 2 : i32
        %get3A_1157 = arith.index_cast %get3A : i32 to index
        %get3A_1158 = arith.index_cast %add3A_1156 : i32 to index
        %get3A_1159 = arith.constant 0 : index
        %get3A_1160 = tpu.vector_load %arg6[%get3A_1157, %get3A_1158, %get3A_1159] {strides = array<i32>} : memref<8x200x32xf32, #tpu.memory_space<vmem>>, vector<1x1x16xf32>,
        %get3A_1161 = vector.shape_cast %get3A_1160 : vector<1x1x16xf32> to vector<16xf32>
        %add3A_1162 = arith.addf %scan3A_1149, %get3A_1161 : vector<16xf32>
        %add3A_1163 = arith.constant 0 : i32
        %add3A_1164 = arith.addi %mul3A_1154, %add3A_1163 : i32
        %get3A_1165 = arith.constant 2 : i32
        %get3A_1166 = arith.index_cast %get3A_1165 : i32 to index
        %get3A_1167 = arith.index_cast %add3A_1164 : i32 to index
        %get3A_1168 = arith.constant 16 : index
        %get3A_1169 = tpu.vector_load %arg6[%get3A_1166, %get3A_1167, %get3A_1168] {strides = array<i32>} : memref<8x200x32xf32, #tpu.memory_space<vmem>>, vector<1x1x16xf32>,
        %get3A_1170 = vector.shape_cast %get3A_1169 : vector<1x1x16xf32> to vector<16xf32>
        %add3A_1171 = arith.addf %scan3A_1151, %get3A_1170 : vector<16xf32>
        %add3A_1172 = arith.constant 0 : i32
        %add3A_1173 = arith.addi %mul3A_1154, %add3A_1172 : i32
        %add3A_1174 = arith.constant 1 : i32
        %add3A_1175 = arith.addi %add3A_1173, %add3A_1174 : i32
        %get3A_1176 = arith.constant 2 : i32
        %get3A_1177 = arith.index_cast %get3A_1176 : i32 to index
        %get3A_1178 = arith.index_cast %add3A_1175 : i32 to index
        %get3A_1179 = arith.constant 0 : index
        %get3A_1180 = tpu.vector_load %arg6[%get3A_1177, %get3A_1178, %get3A_1179] {strides = array<i32>} : memref<8x200x32xf32, #tpu.memory_space<vmem>>, vector<1x1x16xf32>,
        %get3A_1181 = vector.shape_cast %get3A_1180 : vector<1x1x16xf32> to vector<16xf32>
        %add3A_1182 = arith.addf %scan3A_1150, %get3A_1181 : vector<16xf32>
        %add3A_1183 = arith.constant 0 : i32
        %add3A_1184 = arith.addi %mul3A_1154, %add3A_1183 : i32
        %add3A_1185 = arith.constant 1 : i32
        %add3A_1186 = arith.addi %add3A_1184, %add3A_1185 : i32
        %get3A_1187 = arith.constant 2 : i32
        %get3A_1188 = arith.index_cast %get3A_1187 : i32 to index
        %get3A_1189 = arith.index_cast %add3A_1186 : i32 to index
        %get3A_1190 = arith.constant 16 : index
        %get3A_1191 = tpu.vector_load %arg6[%get3A_1188, %get3A_1189, %get3A_1190] {strides = array<i32>} : memref<8x200x32xf32, #tpu.memory_space<vmem>>, vector<1x1x16xf32>,
        %get3A_1192 = vector.shape_cast %get3A_1191 : vector<1x1x16xf32> to vector<16xf32>
        %add3A_1193 = arith.addf %scan3A_1152, %get3A_1192 : vector<16xf32>
        %add3A_1194 = arith.constant 2 : i32
        %add3A_1195 = arith.addi %mul3A_1154, %add3A_1194 : i32
        %get3A_1196 = arith.constant 2 : i32
        %get3A_1197 = arith.index_cast %get3A_1196 : i32 to index
        %get3A_1198 = arith.index_cast %add3A_1195 : i32 to index
        %get3A_1199 = arith.constant 0 : index
        %get3A_1200 = tpu.vector_load %arg6[%get3A_1197, %get3A_1198, %get3A_1199] {strides = array<i32>} : memref<8x200x32xf32, #tpu.memory_space<vmem>>, vector<1x1x16xf32>,
        %get3A_1201 = vector.shape_cast %get3A_1200 : vector<1x1x16xf32> to vector<16xf32>
        %add3A_1202 = arith.addf %add3A_1162, %get3A_1201 : vector<16xf32>
        %add3A_1203 = arith.constant 2 : i32
        %add3A_1204 = arith.addi %mul3A_1154, %add3A_1203 : i32
        %get3A_1205 = arith.constant 2 : i32
        %get3A_1206 = arith.index_cast %get3A_1205 : i32 to index
        %get3A_1207 = arith.index_cast %add3A_1204 : i32 to index
        %get3A_1208 = arith.constant 16 : index
        %get3A_1209 = tpu.vector_load %arg6[%get3A_1206, %get3A_1207, %get3A_1208] {strides = array<i32>} : memref<8x200x32xf32, #tpu.memory_space<vmem>>, vector<1x1x16xf32>,
        %get3A_1210 = vector.shape_cast %get3A_1209 : vector<1x1x16xf32> to vector<16xf32>
        %add3A_1211 = arith.addf %add3A_1171, %get3A_1210 : vector<16xf32>
        %add3A_1212 = arith.constant 2 : i32
        %add3A_1213 = arith.addi %mul3A_1154, %add3A_1212 : i32
        %add3A_1214 = arith.constant 1 : i32
        %add3A_1215 = arith.addi %add3A_1213, %add3A_1214 : i32
        %get3A_1216 = arith.constant 2 : i32
        %get3A_1217 = arith.index_cast %get3A_1216 : i32 to index
        %get3A_1218 = arith.index_cast %add3A_1215 : i32 to index
        %get3A_1219 = arith.constant 0 : index
        %get3A_1220 = tpu.vector_load %arg6[%get3A_1217, %get3A_1218, %get3A_1219] {strides = array<i32>} : memref<8x200x32xf32, #tpu.memory_space<vmem>>, vector<1x1x16xf32>,
        %get3A_1221 = vector.shape_cast %get3A_1220 : vector<1x1x16xf32> to vector<16xf32>
        %add3A_1222 = arith.addf %add3A_1182, %get3A_1221 : vector<16xf32>
        %add3A_1223 = arith.constant 2 : i32
        %add3A_1224 = arith.addi %mul3A_1154, %add3A_1223 : i32
        %add3A_1225 = arith.constant 1 : i32
        %add3A_1226 = arith.addi %add3A_1224, %add3A_1225 : i32
        %get3A_1227 = arith.constant 2 : i32
        %get3A_1228 = arith.index_cast %get3A_1227 : i32 to index
        %get3A_1229 = arith.index_cast %add3A_1226 : i32 to index
        %get3A_1230 = arith.constant 16 : index
        %get3A_1231 = tpu.vector_load %arg6[%get3A_1228, %get3A_1229, %get3A_1230] {strides = array<i32>} : memref<8x200x32xf32, #tpu.memory_space<vmem>>, vector<1x1x16xf32>,
        %get3A_1232 = vector.shape_cast %get3A_1231 : vector<1x1x16xf32> to vector<16xf32>
        %add3A_1233 = arith.addf %add3A_1193, %get3A_1232 : vector<16xf32>
        %add3A_1234 = arith.constant 4 : i32
        %add3A_1235 = arith.addi %mul3A_1154, %add3A_1234 : i32
        %get3A_1236 = arith.constant 2 : i32
        %get3A_1237 = arith.index_cast %get3A_1236 : i32 to index
        %get3A_1238 = arith.index_cast %add3A_1235 : i32 to index
        %get3A_1239 = arith.constant 0 : index
        %get3A_1240 = tpu.vector_load %arg6[%get3A_1237, %get3A_1238, %get3A_1239] {strides = array<i32>} : memref<8x200x32xf32, #tpu.memory_space<vmem>>, vector<1x1x16xf32>,
        %get3A_1241 = vector.shape_cast %get3A_1240 : vector<1x1x16xf32> to vector<16xf32>
        %add3A_1242 = arith.addf %add3A_1202, %get3A_1241 : vector<16xf32>
        %add3A_1243 = arith.constant 4 : i32
        %add3A_1244 = arith.addi %mul3A_1154, %add3A_1243 : i32
        %get3A_1245 = arith.constant 2 : i32
        %get3A_1246 = arith.index_cast %get3A_1245 : i32 to index
        %get3A_1247 = arith.index_cast %add3A_1244 : i32 to index
        %get3A_1248 = arith.constant 16 : index
        %get3A_1249 = tpu.vector_load %arg6[%get3A_1246, %get3A_1247, %get3A_1248] {strides = array<i32>} : memref<8x200x32xf32, #tpu.memory_space<vmem>>, vector<1x1x16xf32>,
        %get3A_1250 = vector.shape_cast %get3A_1249 : vector<1x1x16xf32> to vector<16xf32>
        %add3A_1251 = arith.addf %add3A_1211, %get3A_1250 : vector<16xf32>
        %add3A_1252 = arith.constant 4 : i32
        %add3A_1253 = arith.addi %mul3A_1154, %add3A_1252 : i32
        %add3A_1254 = arith.constant 1 : i32
        %add3A_1255 = arith.addi %add3A_1253, %add3A_1254 : i32
        %get3A_1256 = arith.constant 2 : i32
        %get3A_1257 = arith.index_cast %get3A_1256 : i32 to index
        %get3A_1258 = arith.index_cast %add3A_1255 : i32 to index
        %get3A_1259 = arith.constant 0 : index
        %get3A_1260 = tpu.vector_load %arg6[%get3A_1257, %get3A_1258, %get3A_1259] {strides = array<i32>} : memref<8x200x32xf32, #tpu.memory_space<vmem>>, vector<1x1x16xf32>,
        %get3A_1261 = vector.shape_cast %get3A_1260 : vector<1x1x16xf32> to vector<16xf32>
        %add3A_1262 = arith.addf %add3A_1222, %get3A_1261 : vector<16xf32>
        %add3A_1263 = arith.constant 4 : i32
        %add3A_1264 = arith.addi %mul3A_1154, %add3A_1263 : i32
        %add3A_1265 = arith.constant 1 : i32
        %add3A_1266 = arith.addi %add3A_1264, %add3A_1265 : i32
        %get3A_1267 = arith.constant 2 : i32
        %get3A_1268 = arith.index_cast %get3A_1267 : i32 to index
        %get3A_1269 = arith.index_cast %add3A_1266 : i32 to index
        %get3A_1270 = arith.constant 16 : index
        %get3A_1271 = tpu.vector_load %arg6[%get3A_1268, %get3A_1269, %get3A_1270] {strides = array<i32>} : memref<8x200x32xf32, #tpu.memory_space<vmem>>, vector<1x1x16xf32>,
        %get3A_1272 = vector.shape_cast %get3A_1271 : vector<1x1x16xf32> to vector<16xf32>
        %add3A_1273 = arith.addf %add3A_1233, %get3A_1272 : vector<16xf32>
        %add3A_1274 = arith.constant 6 : i32
        %add3A_1275 = arith.addi %mul3A_1154, %add3A_1274 : i32
        %get3A_1276 = arith.constant 2 : i32
        %get3A_1277 = arith.index_cast %get3A_1276 : i32 to index
        %get3A_1278 = arith.index_cast %add3A_1275 : i32 to index
        %get3A_1279 = arith.constant 0 : index
        %get3A_1280 = tpu.vector_load %arg6[%get3A_1277, %get3A_1278, %get3A_1279] {strides = array<i32>} : memref<8x200x32xf32, #tpu.memory_space<vmem>>, vector<1x1x16xf32>,
        %get3A_1281 = vector.shape_cast %get3A_1280 : vector<1x1x16xf32> to vector<16xf32>
        %add3A_1282 = arith.addf %add3A_1242, %get3A_1281 : vector<16xf32>
        %add3A_1283 = arith.constant 6 : i32
        %add3A_1284 = arith.addi %mul3A_1154, %add3A_1283 : i32
        %get3A_1285 = arith.constant 2 : i32
        %get3A_1286 = arith.index_cast %get3A_1285 : i32 to index
        %get3A_1287 = arith.index_cast %add3A_1284 : i32 to index
        %get3A_1288 = arith.constant 16 : index
        %get3A_1289 = tpu.vector_load %arg6[%get3A_1286, %get3A_1287, %get3A_1288] {strides = array<i32>} : memref<8x200x32xf32, #tpu.memory_space<vmem>>, vector<1x1x16xf32>,
        %get3A_1290 = vector.shape_cast %get3A_1289 : vector<1x1x16xf32> to vector<16xf32>
        %add3A_1291 = arith.addf %add3A_1251, %get3A_1290 : vector<16xf32>
        %add3A_1292 = arith.constant 6 : i32
        %add3A_1293 = arith.addi %mul3A_1154, %add3A_1292 : i32
        %add3A_1294 = arith.constant 1 : i32
        %add3A_1295 = arith.addi %add3A_1293, %add3A_1294 : i32
        %get3A_1296 = arith.constant 2 : i32
        %get3A_1297 = arith.index_cast %get3A_1296 : i32 to index
        %get3A_1298 = arith.index_cast %add3A_1295 : i32 to index
        %get3A_1299 = arith.constant 0 : index
        %get3A_1300 = tpu.vector_load %arg6[%get3A_1297, %get3A_1298, %get3A_1299] {strides = array<i32>} : memref<8x200x32xf32, #tpu.memory_space<vmem>>, vector<1x1x16xf32>,
        %get3A_1301 = vector.shape_cast %get3A_1300 : vector<1x1x16xf32> to vector<16xf32>
        %add3A_1302 = arith.addf %add3A_1262, %get3A_1301 : vector<16xf32>
        %add3A_1303 = arith.constant 6 : i32
        %add3A_1304 = arith.addi %mul3A_1154, %add3A_1303 : i32
        %add3A_1305 = arith.constant 1 : i32
        %add3A_1306 = arith.addi %add3A_1304, %add3A_1305 : i32
        %get3A_1307 = arith.constant 2 : i32
        %get3A_1308 = arith.index_cast %get3A_1307 : i32 to index
        %get3A_1309 = arith.index_cast %add3A_1306 : i32 to index
        %get3A_1310 = arith.constant 16 : index
        %get3A_1311 = tpu.vector_load %arg6[%get3A_1308, %get3A_1309, %get3A_1310] {strides = array<i32>} : memref<8x200x32xf32, #tpu.memory_space<vmem>>, vector<1x1x16xf32>,
        %get3A_1312 = vector.shape_cast %get3A_1311 : vector<1x1x16xf32> to vector<16xf32>
        %add3A_1313 = arith.addf %add3A_1273, %get3A_1312 : vector<16xf32>
        %add3A_1314 = arith.constant 8 : i32
        %add3A_1315 = arith.addi %mul3A_1154, %add3A_1314 : i32
        %get3A_1316 = arith.constant 2 : i32
        %get3A_1317 = arith.index_cast %get3A_1316 : i32 to index
        %get3A_1318 = arith.index_cast %add3A_1315 : i32 to index
        %get3A_1319 = arith.constant 0 : index
        %get3A_1320 = tpu.vector_load %arg6[%get3A_1317, %get3A_1318, %get3A_1319] {strides = array<i32>} : memref<8x200x32xf32, #tpu.memory_space<vmem>>, vector<1x1x16xf32>,
        %get3A_1321 = vector.shape_cast %get3A_1320 : vector<1x1x16xf32> to vector<16xf32>
        %add3A_1322 = arith.addf %add3A_1282, %get3A_1321 : vector<16xf32>
        %add3A_1323 = arith.constant 8 : i32
        %add3A_1324 = arith.addi %mul3A_1154, %add3A_1323 : i32
        %get3A_1325 = arith.constant 2 : i32
        %get3A_1326 = arith.index_cast %get3A_1325 : i32 to index
        %get3A_1327 = arith.index_cast %add3A_1324 : i32 to index
        %get3A_1328 = arith.constant 16 : index
        %get3A_1329 = tpu.vector_load %arg6[%get3A_1326, %get3A_1327, %get3A_1328] {strides = array<i32>} : memref<8x200x32xf32, #tpu.memory_space<vmem>>, vector<1x1x16xf32>,
        %get3A_1330 = vector.shape_cast %get3A_1329 : vector<1x1x16xf32> to vector<16xf32>
        %add3A_1331 = arith.addf %add3A_1291, %get3A_1330 : vector<16xf32>
        %add3A_1332 = arith.constant 8 : i32
        %add3A_1333 = arith.addi %mul3A_1154, %add3A_1332 : i32
        %add3A_1334 = arith.constant 1 : i32
        %add3A_1335 = arith.addi %add3A_1333, %add3A_1334 : i32
        %get3A_1336 = arith.constant 2 : i32
        %get3A_1337 = arith.index_cast %get3A_1336 : i32 to index
        %get3A_1338 = arith.index_cast %add3A_1335 : i32 to index
        %get3A_1339 = arith.constant 0 : index
        %get3A_1340 = tpu.vector_load %arg6[%get3A_1337, %get3A_1338, %get3A_1339] {strides = array<i32>} : memref<8x200x32xf32, #tpu.memory_space<vmem>>, vector<1x1x16xf32>,
        %get3A_1341 = vector.shape_cast %get3A_1340 : vector<1x1x16xf32> to vector<16xf32>
        %add3A_1342 = arith.addf %add3A_1302, %get3A_1341 : vector<16xf32>
        %add3A_1343 = arith.constant 8 : i32
        %add3A_1344 = arith.addi %mul3A_1154, %add3A_1343 : i32
        %add3A_1345 = arith.constant 1 : i32
        %add3A_1346 = arith.addi %add3A_1344, %add3A_1345 : i32
        %get3A_1347 = arith.constant 2 : i32
        %get3A_1348 = arith.index_cast %get3A_1347 : i32 to index
        %get3A_1349 = arith.index_cast %add3A_1346 : i32 to index
        %get3A_1350 = arith.constant 16 : index
        %get3A_1351 = tpu.vector_load %arg6[%get3A_1348, %get3A_1349, %get3A_1350] {strides = array<i32>} : memref<8x200x32xf32, #tpu.memory_space<vmem>>, vector<1x1x16xf32>,
        %get3A_1352 = vector.shape_cast %get3A_1351 : vector<1x1x16xf32> to vector<16xf32>
        %add3A_1353 = arith.addf %add3A_1313, %get3A_1352 : vector<16xf32>
        scf.yield %add3A_1322, %add3A_1342, %add3A_1331, %add3A_1353 : vector<16xf32>, vector<16xf32>, vector<16xf32>, vector<16xf32>
      }
      %scan3A_741 = arith.constant 20 : i32
      %add3A_742 = arith.addf %scan3A_740#0, %scan3A_740#1 : vector<16xf32>
      %swap3A_743 = arith.index_cast %add3A_735 : i32 to index
      %swap3A_744 = arith.constant 0 : index
      %swap3A_745 = tpu.vector_load %arg7[%swap3A_743, %swap3A_744] {strides = array<i32>} : memref<128x32xf32, #tpu.memory_space<vmem>>, vector<1x16xf32>,
      %swap3A_746 = vector.shape_cast %swap3A_745 : vector<1x16xf32> to vector<16xf32>
      %swap3A_747 = vector.shape_cast %add3A_742 : vector<16xf32> to vector<1x16xf32>
      tpu.vector_store %arg7[%swap3A_743, %swap3A_744], %swap3A_747 {strides = array<i32>} : memref<128x32xf32, #tpu.memory_space<vmem>>, vector<1x16xf32>,
      %add3A_748 = arith.addf %scan3A_740#2, %scan3A_740#3 : vector<16xf32>
      %swap3A_749 = arith.index_cast %add3A_735 : i32 to index
      %swap3A_750 = arith.constant 16 : index
      %swap3A_751 = tpu.vector_load %arg7[%swap3A_749, %swap3A_750] {strides = array<i32>} : memref<128x32xf32, #tpu.memory_space<vmem>>, vector<1x16xf32>,
      %swap3A_752 = vector.shape_cast %swap3A_751 : vector<1x16xf32> to vector<16xf32>
      %swap3A_753 = vector.shape_cast %add3A_748 : vector<16xf32> to vector<1x16xf32>
      tpu.vector_store %arg7[%swap3A_749, %swap3A_750], %swap3A_753 {strides = array<i32>} : memref<128x32xf32, #tpu.memory_space<vmem>>, vector<1x16xf32>,
      %add3A_754 = arith.constant 2 : i32
      %add3A_755 = arith.addi %mul3A_571, %add3A_754 : i32
      %add3A_756 = arith.constant 8 : i32
      %add3A_757 = arith.addi %add3A_755, %add3A_756 : i32
      %dma_start3A_758 = arith.constant 0 : i32
      %dma_start3A_759 = arith.constant 2 : i32
      %dma_start3A_760 = arith.constant 2 : i32
      %dma_start3A_761 = arith.constant 0 : i32
      %dma_start3A_762 = arith.constant 0 : i32
      %dma_start3A_763 = tpu.memref_slice %arg6[%dma_start3A_759, %dma_start3A_761, %dma_start3A_762] : memref<8x200x32xf32, #tpu.memory_space<vmem>> -> memref<1x128x32xf32, #tpu.memory_space<vmem>>
      %dma_start3A_764 = tpu.memref_squeeze %dma_start3A_763 : memref<1x128x32xf32, #tpu.memory_space<vmem>> -> memref<128x32xf32, #tpu.memory_space<vmem>>
      %dma_start3A_765 = arith.constant 0 : i32
      %dma_start3A_766 = tpu.memref_slice %arg5[%dma_start3A_758, %add3A_757, %dma_start3A_765] : memref<2x128x128xi32, #tpu.memory_space<vmem>> -> memref<1x1x128xi32, #tpu.memory_space<vmem>>
      %dma_start3A_767 = tpu.memref_squeeze %dma_start3A_766 : memref<1x1x128xi32, #tpu.memory_space<vmem>> -> memref<128xi32, #tpu.memory_space<vmem>>
      %dma_start3A_768 = arith.constant 0 : i32
      %dma_start3A_769 = arith.constant 0 : i32
      %dma_start3A_770 = tpu.memref_slice %arg3[%dma_start3A_768, %dma_start3A_769] : memref<1048576x32xf32, #tpu.memory_space<hbm>> -> memref<1048576x32xf32, #tpu.memory_space<hbm>>
      %dma_start3A_771 = tpu.memref_slice %arg8[%dma_start3A_760] : memref<8x!tpu.dma_semaphore, #tpu.memory_space<semaphore_mem>> -> memref<1x!tpu.dma_semaphore, #tpu.memory_space<semaphore_mem>>
      %dma_start3A_772 = tpu.memref_squeeze %dma_start3A_771 : memref<1x!tpu.dma_semaphore, #tpu.memory_space<semaphore_mem>> -> memref<!tpu.dma_semaphore, #tpu.memory_space<semaphore_mem>>
      tpu.enqueue_indirect_dma source(%dma_start3A_770 : memref<1048576x32xf32, #tpu.memory_space<hbm>>) target(%dma_start3A_764 : memref<128x32xf32, #tpu.memory_space<vmem>>) offsets(%dma_start3A_767 : memref<128xi32, #tpu.memory_space<vmem>>) semaphore(%dma_start3A_772 : memref<!tpu.dma_semaphore, #tpu.memory_space<semaphore_mem>>)
      %dma_start3A_773 = arith.constant 1 : i32
      %dma_start3A_774 = arith.constant 2 : i32
      %dma_start3A_775 = arith.constant 2 : i32
      %dma_start3A_776 = arith.constant 128 : i32
      %dma_start3A_777 = arith.constant 0 : i32
      %dma_start3A_778 = tpu.memref_slice %arg6[%dma_start3A_774, %dma_start3A_776, %dma_start3A_777] : memref<8x200x32xf32, #tpu.memory_space<vmem>> -> memref<1x72x32xf32, #tpu.memory_space<vmem>>
      %dma_start3A_779 = tpu.memref_squeeze %dma_start3A_778 : memref<1x72x32xf32, #tpu.memory_space<vmem>> -> memref<72x32xf32, #tpu.memory_space<vmem>>
      %dma_start3A_780 = arith.constant 0 : i32
      %dma_start3A_781 = tpu.memref_slice %arg5[%dma_start3A_773, %add3A_757, %dma_start3A_780] : memref<2x128x128xi32, #tpu.memory_space<vmem>> -> memref<1x1x72xi32, #tpu.memory_space<vmem>>
      %dma_start3A_782 = tpu.memref_squeeze %dma_start3A_781 : memref<1x1x72xi32, #tpu.memory_space<vmem>> -> memref<72xi32, #tpu.memory_space<vmem>>
      %dma_start3A_783 = arith.constant 0 : i32
      %dma_start3A_784 = arith.constant 0 : i32
      %dma_start3A_785 = tpu.memref_slice %arg3[%dma_start3A_783, %dma_start3A_784] : memref<1048576x32xf32, #tpu.memory_space<hbm>> -> memref<1048576x32xf32, #tpu.memory_space<hbm>>
      %dma_start3A_786 = tpu.memref_slice %arg8[%dma_start3A_775] : memref<8x!tpu.dma_semaphore, #tpu.memory_space<semaphore_mem>> -> memref<1x!tpu.dma_semaphore, #tpu.memory_space<semaphore_mem>>
      %dma_start3A_787 = tpu.memref_squeeze %dma_start3A_786 : memref<1x!tpu.dma_semaphore, #tpu.memory_space<semaphore_mem>> -> memref<!tpu.dma_semaphore, #tpu.memory_space<semaphore_mem>>
      tpu.enqueue_indirect_dma source(%dma_start3A_785 : memref<1048576x32xf32, #tpu.memory_space<hbm>>) target(%dma_start3A_779 : memref<72x32xf32, #tpu.memory_space<vmem>>) offsets(%dma_start3A_782 : memref<72xi32, #tpu.memory_space<vmem>>) semaphore(%dma_start3A_787 : memref<!tpu.dma_semaphore, #tpu.memory_space<semaphore_mem>>)
      %dma_wait3A_788 = arith.constant 3 : i32
      %dma_wait3A_789 = arith.constant 3 : i32
      %dma_wait3A_790 = arith.constant 0 : i32
      %dma_wait3A_791 = arith.constant 0 : i32
      %dma_wait3A_792 = tpu.memref_slice %arg6[%dma_wait3A_788, %dma_wait3A_790, %dma_wait3A_791] : memref<8x200x32xf32, #tpu.memory_space<vmem>> -> memref<1x200x32xf32, #tpu.memory_space<vmem>>
      %dma_wait3A_793 = tpu.memref_squeeze %dma_wait3A_792 : memref<1x200x32xf32, #tpu.memory_space<vmem>> -> memref<200x32xf32, #tpu.memory_space<vmem>>
      %dma_wait3A_794 = arith.constant 0 : i32
      %dma_wait3A_795 = arith.constant 0 : i32
      %dma_wait3A_796 = tpu.memref_slice %arg3[%dma_wait3A_794, %dma_wait3A_795] : memref<1048576x32xf32, #tpu.memory_space<hbm>> -> memref<200x32xf32, #tpu.memory_space<hbm>>
      %dma_wait3A_797 = tpu.memref_slice %arg8[%dma_wait3A_789] : memref<8x!tpu.dma_semaphore, #tpu.memory_space<semaphore_mem>> -> memref<1x!tpu.dma_semaphore, #tpu.memory_space<semaphore_mem>>
      %dma_wait3A_798 = tpu.memref_squeeze %dma_wait3A_797 : memref<1x!tpu.dma_semaphore, #tpu.memory_space<semaphore_mem>> -> memref<!tpu.dma_semaphore, #tpu.memory_space<semaphore_mem>>
      %dma_wait3A_799 = arith.constant 0 : i32
      %dma_wait3A_800 = arith.constant 0 : i32
      %dma_wait3A_801 = tpu.memref_slice %arg6[%dma_wait3A_788, %dma_wait3A_799, %dma_wait3A_800] : memref<8x200x32xf32, #tpu.memory_space<vmem>> -> memref<1x200x32xf32, #tpu.memory_space<vmem>>
      %dma_wait3A_802 = tpu.memref_squeeze %dma_wait3A_801 : memref<1x200x32xf32, #tpu.memory_space<vmem>> -> memref<200x32xf32, #tpu.memory_space<vmem>>
      %dma_wait3A_803 = arith.constant 0 : i32
      %dma_wait3A_804 = arith.constant 0 : i32
      %dma_wait3A_805 = tpu.memref_slice %arg3[%dma_wait3A_803, %dma_wait3A_804] : memref<1048576x32xf32, #tpu.memory_space<hbm>> -> memref<200x32xf32, #tpu.memory_space<hbm>>
      tpu.wait_dma2 semaphore(%dma_wait3A_798 : memref<!tpu.dma_semaphore, #tpu.memory_space<semaphore_mem>>) src(%dma_wait3A_805 : memref<200x32xf32, #tpu.memory_space<hbm>>) dst(%dma_wait3A_802 : memref<200x32xf32, #tpu.memory_space<vmem>>)
      %add3A_806 = arith.constant 3 : i32
      %add3A_807 = arith.addi %mul3A_571, %add3A_806 : i32
      %scan3A_808 = arith.constant 0 : i32
      %scan3A_809 = arith.constant 20 : i32
      %scan3A_810 = arith.addi %scan3A_808, %scan3A_809 : i32
      %scan3A_811 = arith.constant 1 : i32
      %scan3A_812:4 = scf.for %scan3A_1148 = %scan3A_808 to %scan3A_810 step %scan3A_811 iter_args(%scan3A_1149 = %broadcast_in_dim3A_6, %scan3A_1150 = %broadcast_in_dim3A_6, %scan3A_1151 = %broadcast_in_dim3A_6, %scan3A_1152 = %broadcast_in_dim3A_6) -> (vector<16xf32>, vector<16xf32>, vector<16xf32>, vector<16xf32>)  : i32 {
        %mul3A_1153 = arith.constant 10 : i32
        %mul3A_1154 = arith.muli %scan3A_1148, %mul3A_1153 : i32
        %add3A_1155 = arith.constant 0 : i32
        %add3A_1156 = arith.addi %mul3A_1154, %add3A_1155 : i32
        %get3A = arith.constant 3 : i32
        %get3A_1157 = arith.index_cast %get3A : i32 to index
        %get3A_1158 = arith.index_cast %add3A_1156 : i32 to index
        %get3A_1159 = arith.constant 0 : index
        %get3A_1160 = tpu.vector_load %arg6[%get3A_1157, %get3A_1158, %get3A_1159] {strides = array<i32>} : memref<8x200x32xf32, #tpu.memory_space<vmem>>, vector<1x1x16xf32>,
        %get3A_1161 = vector.shape_cast %get3A_1160 : vector<1x1x16xf32> to vector<16xf32>
        %add3A_1162 = arith.addf %scan3A_1149, %get3A_1161 : vector<16xf32>
        %add3A_1163 = arith.constant 0 : i32
        %add3A_1164 = arith.addi %mul3A_1154, %add3A_1163 : i32
        %get3A_1165 = arith.constant 3 : i32
        %get3A_1166 = arith.index_cast %get3A_1165 : i32 to index
        %get3A_1167 = arith.index_cast %add3A_1164 : i32 to index
        %get3A_1168 = arith.constant 16 : index
        %get3A_1169 = tpu.vector_load %arg6[%get3A_1166, %get3A_1167, %get3A_1168] {strides = array<i32>} : memref<8x200x32xf32, #tpu.memory_space<vmem>>, vector<1x1x16xf32>,
        %get3A_1170 = vector.shape_cast %get3A_1169 : vector<1x1x16xf32> to vector<16xf32>
        %add3A_1171 = arith.addf %scan3A_1151, %get3A_1170 : vector<16xf32>
        %add3A_1172 = arith.constant 0 : i32
        %add3A_1173 = arith.addi %mul3A_1154, %add3A_1172 : i32
        %add3A_1174 = arith.constant 1 : i32
        %add3A_1175 = arith.addi %add3A_1173, %add3A_1174 : i32
        %get3A_1176 = arith.constant 3 : i32
        %get3A_1177 = arith.index_cast %get3A_1176 : i32 to index
        %get3A_1178 = arith.index_cast %add3A_1175 : i32 to index
        %get3A_1179 = arith.constant 0 : index
        %get3A_1180 = tpu.vector_load %arg6[%get3A_1177, %get3A_1178, %get3A_1179] {strides = array<i32>} : memref<8x200x32xf32, #tpu.memory_space<vmem>>, vector<1x1x16xf32>,
        %get3A_1181 = vector.shape_cast %get3A_1180 : vector<1x1x16xf32> to vector<16xf32>
        %add3A_1182 = arith.addf %scan3A_1150, %get3A_1181 : vector<16xf32>
        %add3A_1183 = arith.constant 0 : i32
        %add3A_1184 = arith.addi %mul3A_1154, %add3A_1183 : i32
        %add3A_1185 = arith.constant 1 : i32
        %add3A_1186 = arith.addi %add3A_1184, %add3A_1185 : i32
        %get3A_1187 = arith.constant 3 : i32
        %get3A_1188 = arith.index_cast %get3A_1187 : i32 to index
        %get3A_1189 = arith.index_cast %add3A_1186 : i32 to index
        %get3A_1190 = arith.constant 16 : index
        %get3A_1191 = tpu.vector_load %arg6[%get3A_1188, %get3A_1189, %get3A_1190] {strides = array<i32>} : memref<8x200x32xf32, #tpu.memory_space<vmem>>, vector<1x1x16xf32>,
        %get3A_1192 = vector.shape_cast %get3A_1191 : vector<1x1x16xf32> to vector<16xf32>
        %add3A_1193 = arith.addf %scan3A_1152, %get3A_1192 : vector<16xf32>
        %add3A_1194 = arith.constant 2 : i32
        %add3A_1195 = arith.addi %mul3A_1154, %add3A_1194 : i32
        %get3A_1196 = arith.constant 3 : i32
        %get3A_1197 = arith.index_cast %get3A_1196 : i32 to index
        %get3A_1198 = arith.index_cast %add3A_1195 : i32 to index
        %get3A_1199 = arith.constant 0 : index
        %get3A_1200 = tpu.vector_load %arg6[%get3A_1197, %get3A_1198, %get3A_1199] {strides = array<i32>} : memref<8x200x32xf32, #tpu.memory_space<vmem>>, vector<1x1x16xf32>,
        %get3A_1201 = vector.shape_cast %get3A_1200 : vector<1x1x16xf32> to vector<16xf32>
        %add3A_1202 = arith.addf %add3A_1162, %get3A_1201 : vector<16xf32>
        %add3A_1203 = arith.constant 2 : i32
        %add3A_1204 = arith.addi %mul3A_1154, %add3A_1203 : i32
        %get3A_1205 = arith.constant 3 : i32
        %get3A_1206 = arith.index_cast %get3A_1205 : i32 to index
        %get3A_1207 = arith.index_cast %add3A_1204 : i32 to index
        %get3A_1208 = arith.constant 16 : index
        %get3A_1209 = tpu.vector_load %arg6[%get3A_1206, %get3A_1207, %get3A_1208] {strides = array<i32>} : memref<8x200x32xf32, #tpu.memory_space<vmem>>, vector<1x1x16xf32>,
        %get3A_1210 = vector.shape_cast %get3A_1209 : vector<1x1x16xf32> to vector<16xf32>
        %add3A_1211 = arith.addf %add3A_1171, %get3A_1210 : vector<16xf32>
        %add3A_1212 = arith.constant 2 : i32
        %add3A_1213 = arith.addi %mul3A_1154, %add3A_1212 : i32
        %add3A_1214 = arith.constant 1 : i32
        %add3A_1215 = arith.addi %add3A_1213, %add3A_1214 : i32
        %get3A_1216 = arith.constant 3 : i32
        %get3A_1217 = arith.index_cast %get3A_1216 : i32 to index
        %get3A_1218 = arith.index_cast %add3A_1215 : i32 to index
        %get3A_1219 = arith.constant 0 : index
        %get3A_1220 = tpu.vector_load %arg6[%get3A_1217, %get3A_1218, %get3A_1219] {strides = array<i32>} : memref<8x200x32xf32, #tpu.memory_space<vmem>>, vector<1x1x16xf32>,
        %get3A_1221 = vector.shape_cast %get3A_1220 : vector<1x1x16xf32> to vector<16xf32>
        %add3A_1222 = arith.addf %add3A_1182, %get3A_1221 : vector<16xf32>
        %add3A_1223 = arith.constant 2 : i32
        %add3A_1224 = arith.addi %mul3A_1154, %add3A_1223 : i32
        %add3A_1225 = arith.constant 1 : i32
        %add3A_1226 = arith.addi %add3A_1224, %add3A_1225 : i32
        %get3A_1227 = arith.constant 3 : i32
        %get3A_1228 = arith.index_cast %get3A_1227 : i32 to index
        %get3A_1229 = arith.index_cast %add3A_1226 : i32 to index
        %get3A_1230 = arith.constant 16 : index
        %get3A_1231 = tpu.vector_load %arg6[%get3A_1228, %get3A_1229, %get3A_1230] {strides = array<i32>} : memref<8x200x32xf32, #tpu.memory_space<vmem>>, vector<1x1x16xf32>,
        %get3A_1232 = vector.shape_cast %get3A_1231 : vector<1x1x16xf32> to vector<16xf32>
        %add3A_1233 = arith.addf %add3A_1193, %get3A_1232 : vector<16xf32>
        %add3A_1234 = arith.constant 4 : i32
        %add3A_1235 = arith.addi %mul3A_1154, %add3A_1234 : i32
        %get3A_1236 = arith.constant 3 : i32
        %get3A_1237 = arith.index_cast %get3A_1236 : i32 to index
        %get3A_1238 = arith.index_cast %add3A_1235 : i32 to index
        %get3A_1239 = arith.constant 0 : index
        %get3A_1240 = tpu.vector_load %arg6[%get3A_1237, %get3A_1238, %get3A_1239] {strides = array<i32>} : memref<8x200x32xf32, #tpu.memory_space<vmem>>, vector<1x1x16xf32>,
        %get3A_1241 = vector.shape_cast %get3A_1240 : vector<1x1x16xf32> to vector<16xf32>
        %add3A_1242 = arith.addf %add3A_1202, %get3A_1241 : vector<16xf32>
        %add3A_1243 = arith.constant 4 : i32
        %add3A_1244 = arith.addi %mul3A_1154, %add3A_1243 : i32
        %get3A_1245 = arith.constant 3 : i32
        %get3A_1246 = arith.index_cast %get3A_1245 : i32 to index
        %get3A_1247 = arith.index_cast %add3A_1244 : i32 to index
        %get3A_1248 = arith.constant 16 : index
        %get3A_1249 = tpu.vector_load %arg6[%get3A_1246, %get3A_1247, %get3A_1248] {strides = array<i32>} : memref<8x200x32xf32, #tpu.memory_space<vmem>>, vector<1x1x16xf32>,
        %get3A_1250 = vector.shape_cast %get3A_1249 : vector<1x1x16xf32> to vector<16xf32>
        %add3A_1251 = arith.addf %add3A_1211, %get3A_1250 : vector<16xf32>
        %add3A_1252 = arith.constant 4 : i32
        %add3A_1253 = arith.addi %mul3A_1154, %add3A_1252 : i32
        %add3A_1254 = arith.constant 1 : i32
        %add3A_1255 = arith.addi %add3A_1253, %add3A_1254 : i32
        %get3A_1256 = arith.constant 3 : i32
        %get3A_1257 = arith.index_cast %get3A_1256 : i32 to index
        %get3A_1258 = arith.index_cast %add3A_1255 : i32 to index
        %get3A_1259 = arith.constant 0 : index
        %get3A_1260 = tpu.vector_load %arg6[%get3A_1257, %get3A_1258, %get3A_1259] {strides = array<i32>} : memref<8x200x32xf32, #tpu.memory_space<vmem>>, vector<1x1x16xf32>,
        %get3A_1261 = vector.shape_cast %get3A_1260 : vector<1x1x16xf32> to vector<16xf32>
        %add3A_1262 = arith.addf %add3A_1222, %get3A_1261 : vector<16xf32>
        %add3A_1263 = arith.constant 4 : i32
        %add3A_1264 = arith.addi %mul3A_1154, %add3A_1263 : i32
        %add3A_1265 = arith.constant 1 : i32
        %add3A_1266 = arith.addi %add3A_1264, %add3A_1265 : i32
        %get3A_1267 = arith.constant 3 : i32
        %get3A_1268 = arith.index_cast %get3A_1267 : i32 to index
        %get3A_1269 = arith.index_cast %add3A_1266 : i32 to index
        %get3A_1270 = arith.constant 16 : index
        %get3A_1271 = tpu.vector_load %arg6[%get3A_1268, %get3A_1269, %get3A_1270] {strides = array<i32>} : memref<8x200x32xf32, #tpu.memory_space<vmem>>, vector<1x1x16xf32>,
        %get3A_1272 = vector.shape_cast %get3A_1271 : vector<1x1x16xf32> to vector<16xf32>
        %add3A_1273 = arith.addf %add3A_1233, %get3A_1272 : vector<16xf32>
        %add3A_1274 = arith.constant 6 : i32
        %add3A_1275 = arith.addi %mul3A_1154, %add3A_1274 : i32
        %get3A_1276 = arith.constant 3 : i32
        %get3A_1277 = arith.index_cast %get3A_1276 : i32 to index
        %get3A_1278 = arith.index_cast %add3A_1275 : i32 to index
        %get3A_1279 = arith.constant 0 : index
        %get3A_1280 = tpu.vector_load %arg6[%get3A_1277, %get3A_1278, %get3A_1279] {strides = array<i32>} : memref<8x200x32xf32, #tpu.memory_space<vmem>>, vector<1x1x16xf32>,
        %get3A_1281 = vector.shape_cast %get3A_1280 : vector<1x1x16xf32> to vector<16xf32>
        %add3A_1282 = arith.addf %add3A_1242, %get3A_1281 : vector<16xf32>
        %add3A_1283 = arith.constant 6 : i32
        %add3A_1284 = arith.addi %mul3A_1154, %add3A_1283 : i32
        %get3A_1285 = arith.constant 3 : i32
        %get3A_1286 = arith.index_cast %get3A_1285 : i32 to index
        %get3A_1287 = arith.index_cast %add3A_1284 : i32 to index
        %get3A_1288 = arith.constant 16 : index
        %get3A_1289 = tpu.vector_load %arg6[%get3A_1286, %get3A_1287, %get3A_1288] {strides = array<i32>} : memref<8x200x32xf32, #tpu.memory_space<vmem>>, vector<1x1x16xf32>,
        %get3A_1290 = vector.shape_cast %get3A_1289 : vector<1x1x16xf32> to vector<16xf32>
        %add3A_1291 = arith.addf %add3A_1251, %get3A_1290 : vector<16xf32>
        %add3A_1292 = arith.constant 6 : i32
        %add3A_1293 = arith.addi %mul3A_1154, %add3A_1292 : i32
        %add3A_1294 = arith.constant 1 : i32
        %add3A_1295 = arith.addi %add3A_1293, %add3A_1294 : i32
        %get3A_1296 = arith.constant 3 : i32
        %get3A_1297 = arith.index_cast %get3A_1296 : i32 to index
        %get3A_1298 = arith.index_cast %add3A_1295 : i32 to index
        %get3A_1299 = arith.constant 0 : index
        %get3A_1300 = tpu.vector_load %arg6[%get3A_1297, %get3A_1298, %get3A_1299] {strides = array<i32>} : memref<8x200x32xf32, #tpu.memory_space<vmem>>, vector<1x1x16xf32>,
        %get3A_1301 = vector.shape_cast %get3A_1300 : vector<1x1x16xf32> to vector<16xf32>
        %add3A_1302 = arith.addf %add3A_1262, %get3A_1301 : vector<16xf32>
        %add3A_1303 = arith.constant 6 : i32
        %add3A_1304 = arith.addi %mul3A_1154, %add3A_1303 : i32
        %add3A_1305 = arith.constant 1 : i32
        %add3A_1306 = arith.addi %add3A_1304, %add3A_1305 : i32
        %get3A_1307 = arith.constant 3 : i32
        %get3A_1308 = arith.index_cast %get3A_1307 : i32 to index
        %get3A_1309 = arith.index_cast %add3A_1306 : i32 to index
        %get3A_1310 = arith.constant 16 : index
        %get3A_1311 = tpu.vector_load %arg6[%get3A_1308, %get3A_1309, %get3A_1310] {strides = array<i32>} : memref<8x200x32xf32, #tpu.memory_space<vmem>>, vector<1x1x16xf32>,
        %get3A_1312 = vector.shape_cast %get3A_1311 : vector<1x1x16xf32> to vector<16xf32>
        %add3A_1313 = arith.addf %add3A_1273, %get3A_1312 : vector<16xf32>
        %add3A_1314 = arith.constant 8 : i32
        %add3A_1315 = arith.addi %mul3A_1154, %add3A_1314 : i32
        %get3A_1316 = arith.constant 3 : i32
        %get3A_1317 = arith.index_cast %get3A_1316 : i32 to index
        %get3A_1318 = arith.index_cast %add3A_1315 : i32 to index
        %get3A_1319 = arith.constant 0 : index
        %get3A_1320 = tpu.vector_load %arg6[%get3A_1317, %get3A_1318, %get3A_1319] {strides = array<i32>} : memref<8x200x32xf32, #tpu.memory_space<vmem>>, vector<1x1x16xf32>,
        %get3A_1321 = vector.shape_cast %get3A_1320 : vector<1x1x16xf32> to vector<16xf32>
        %add3A_1322 = arith.addf %add3A_1282, %get3A_1321 : vector<16xf32>
        %add3A_1323 = arith.constant 8 : i32
        %add3A_1324 = arith.addi %mul3A_1154, %add3A_1323 : i32
        %get3A_1325 = arith.constant 3 : i32
        %get3A_1326 = arith.index_cast %get3A_1325 : i32 to index
        %get3A_1327 = arith.index_cast %add3A_1324 : i32 to index
        %get3A_1328 = arith.constant 16 : index
        %get3A_1329 = tpu.vector_load %arg6[%get3A_1326, %get3A_1327, %get3A_1328] {strides = array<i32>} : memref<8x200x32xf32, #tpu.memory_space<vmem>>, vector<1x1x16xf32>,
        %get3A_1330 = vector.shape_cast %get3A_1329 : vector<1x1x16xf32> to vector<16xf32>
        %add3A_1331 = arith.addf %add3A_1291, %get3A_1330 : vector<16xf32>
        %add3A_1332 = arith.constant 8 : i32
        %add3A_1333 = arith.addi %mul3A_1154, %add3A_1332 : i32
        %add3A_1334 = arith.constant 1 : i32
        %add3A_1335 = arith.addi %add3A_1333, %add3A_1334 : i32
        %get3A_1336 = arith.constant 3 : i32
        %get3A_1337 = arith.index_cast %get3A_1336 : i32 to index
        %get3A_1338 = arith.index_cast %add3A_1335 : i32 to index
        %get3A_1339 = arith.constant 0 : index
        %get3A_1340 = tpu.vector_load %arg6[%get3A_1337, %get3A_1338, %get3A_1339] {strides = array<i32>} : memref<8x200x32xf32, #tpu.memory_space<vmem>>, vector<1x1x16xf32>,
        %get3A_1341 = vector.shape_cast %get3A_1340 : vector<1x1x16xf32> to vector<16xf32>
        %add3A_1342 = arith.addf %add3A_1302, %get3A_1341 : vector<16xf32>
        %add3A_1343 = arith.constant 8 : i32
        %add3A_1344 = arith.addi %mul3A_1154, %add3A_1343 : i32
        %add3A_1345 = arith.constant 1 : i32
        %add3A_1346 = arith.addi %add3A_1344, %add3A_1345 : i32
        %get3A_1347 = arith.constant 3 : i32
        %get3A_1348 = arith.index_cast %get3A_1347 : i32 to index
        %get3A_1349 = arith.index_cast %add3A_1346 : i32 to index
        %get3A_1350 = arith.constant 16 : index
        %get3A_1351 = tpu.vector_load %arg6[%get3A_1348, %get3A_1349, %get3A_1350] {strides = array<i32>} : memref<8x200x32xf32, #tpu.memory_space<vmem>>, vector<1x1x16xf32>,
        %get3A_1352 = vector.shape_cast %get3A_1351 : vector<1x1x16xf32> to vector<16xf32>
        %add3A_1353 = arith.addf %add3A_1313, %get3A_1352 : vector<16xf32>
        scf.yield %add3A_1322, %add3A_1342, %add3A_1331, %add3A_1353 : vector<16xf32>, vector<16xf32>, vector<16xf32>, vector<16xf32>
      }
      %scan3A_813 = arith.constant 20 : i32
      %add3A_814 = arith.addf %scan3A_812#0, %scan3A_812#1 : vector<16xf32>
      %swap3A_815 = arith.index_cast %add3A_807 : i32 to index
      %swap3A_816 = arith.constant 0 : index
      %swap3A_817 = tpu.vector_load %arg7[%swap3A_815, %swap3A_816] {strides = array<i32>} : memref<128x32xf32, #tpu.memory_space<vmem>>, vector<1x16xf32>,
      %swap3A_818 = vector.shape_cast %swap3A_817 : vector<1x16xf32> to vector<16xf32>
      %swap3A_819 = vector.shape_cast %add3A_814 : vector<16xf32> to vector<1x16xf32>
      tpu.vector_store %arg7[%swap3A_815, %swap3A_816], %swap3A_819 {strides = array<i32>} : memref<128x32xf32, #tpu.memory_space<vmem>>, vector<1x16xf32>,
      %add3A_820 = arith.addf %scan3A_812#2, %scan3A_812#3 : vector<16xf32>
      %swap3A_821 = arith.index_cast %add3A_807 : i32 to index
      %swap3A_822 = arith.constant 16 : index
      %swap3A_823 = tpu.vector_load %arg7[%swap3A_821, %swap3A_822] {strides = array<i32>} : memref<128x32xf32, #tpu.memory_space<vmem>>, vector<1x16xf32>,
      %swap3A_824 = vector.shape_cast %swap3A_823 : vector<1x16xf32> to vector<16xf32>
      %swap3A_825 = vector.shape_cast %add3A_820 : vector<16xf32> to vector<1x16xf32>
      tpu.vector_store %arg7[%swap3A_821, %swap3A_822], %swap3A_825 {strides = array<i32>} : memref<128x32xf32, #tpu.memory_space<vmem>>, vector<1x16xf32>,
      %add3A_826 = arith.constant 3 : i32
      %add3A_827 = arith.addi %mul3A_571, %add3A_826 : i32
      %add3A_828 = arith.constant 8 : i32
      %add3A_829 = arith.addi %add3A_827, %add3A_828 : i32
      %dma_start3A_830 = arith.constant 0 : i32
      %dma_start3A_831 = arith.constant 3 : i32
      %dma_start3A_832 = arith.constant 3 : i32
      %dma_start3A_833 = arith.constant 0 : i32
      %dma_start3A_834 = arith.constant 0 : i32
      %dma_start3A_835 = tpu.memref_slice %arg6[%dma_start3A_831, %dma_start3A_833, %dma_start3A_834] : memref<8x200x32xf32, #tpu.memory_space<vmem>> -> memref<1x128x32xf32, #tpu.memory_space<vmem>>
      %dma_start3A_836 = tpu.memref_squeeze %dma_start3A_835 : memref<1x128x32xf32, #tpu.memory_space<vmem>> -> memref<128x32xf32, #tpu.memory_space<vmem>>
      %dma_start3A_837 = arith.constant 0 : i32
      %dma_start3A_838 = tpu.memref_slice %arg5[%dma_start3A_830, %add3A_829, %dma_start3A_837] : memref<2x128x128xi32, #tpu.memory_space<vmem>> -> memref<1x1x128xi32, #tpu.memory_space<vmem>>
      %dma_start3A_839 = tpu.memref_squeeze %dma_start3A_838 : memref<1x1x128xi32, #tpu.memory_space<vmem>> -> memref<128xi32, #tpu.memory_space<vmem>>
      %dma_start3A_840 = arith.constant 0 : i32
      %dma_start3A_841 = arith.constant 0 : i32
      %dma_start3A_842 = tpu.memref_slice %arg3[%dma_start3A_840, %dma_start3A_841] : memref<1048576x32xf32, #tpu.memory_space<hbm>> -> memref<1048576x32xf32, #tpu.memory_space<hbm>>
      %dma_start3A_843 = tpu.memref_slice %arg8[%dma_start3A_832] : memref<8x!tpu.dma_semaphore, #tpu.memory_space<semaphore_mem>> -> memref<1x!tpu.dma_semaphore, #tpu.memory_space<semaphore_mem>>
      %dma_start3A_844 = tpu.memref_squeeze %dma_start3A_843 : memref<1x!tpu.dma_semaphore, #tpu.memory_space<semaphore_mem>> -> memref<!tpu.dma_semaphore, #tpu.memory_space<semaphore_mem>>
      tpu.enqueue_indirect_dma source(%dma_start3A_842 : memref<1048576x32xf32, #tpu.memory_space<hbm>>) target(%dma_start3A_836 : memref<128x32xf32, #tpu.memory_space<vmem>>) offsets(%dma_start3A_839 : memref<128xi32, #tpu.memory_space<vmem>>) semaphore(%dma_start3A_844 : memref<!tpu.dma_semaphore, #tpu.memory_space<semaphore_mem>>)
      %dma_start3A_845 = arith.constant 1 : i32
      %dma_start3A_846 = arith.constant 3 : i32
      %dma_start3A_847 = arith.constant 3 : i32
      %dma_start3A_848 = arith.constant 128 : i32
      %dma_start3A_849 = arith.constant 0 : i32
      %dma_start3A_850 = tpu.memref_slice %arg6[%dma_start3A_846, %dma_start3A_848, %dma_start3A_849] : memref<8x200x32xf32, #tpu.memory_space<vmem>> -> memref<1x72x32xf32, #tpu.memory_space<vmem>>
      %dma_start3A_851 = tpu.memref_squeeze %dma_start3A_850 : memref<1x72x32xf32, #tpu.memory_space<vmem>> -> memref<72x32xf32, #tpu.memory_space<vmem>>
      %dma_start3A_852 = arith.constant 0 : i32
      %dma_start3A_853 = tpu.memref_slice %arg5[%dma_start3A_845, %add3A_829, %dma_start3A_852] : memref<2x128x128xi32, #tpu.memory_space<vmem>> -> memref<1x1x72xi32, #tpu.memory_space<vmem>>
      %dma_start3A_854 = tpu.memref_squeeze %dma_start3A_853 : memref<1x1x72xi32, #tpu.memory_space<vmem>> -> memref<72xi32, #tpu.memory_space<vmem>>
      %dma_start3A_855 = arith.constant 0 : i32
      %dma_start3A_856 = arith.constant 0 : i32
      %dma_start3A_857 = tpu.memref_slice %arg3[%dma_start3A_855, %dma_start3A_856] : memref<1048576x32xf32, #tpu.memory_space<hbm>> -> memref<1048576x32xf32, #tpu.memory_space<hbm>>
      %dma_start3A_858 = tpu.memref_slice %arg8[%dma_start3A_847] : memref<8x!tpu.dma_semaphore, #tpu.memory_space<semaphore_mem>> -> memref<1x!tpu.dma_semaphore, #tpu.memory_space<semaphore_mem>>
      %dma_start3A_859 = tpu.memref_squeeze %dma_start3A_858 : memref<1x!tpu.dma_semaphore, #tpu.memory_space<semaphore_mem>> -> memref<!tpu.dma_semaphore, #tpu.memory_space<semaphore_mem>>
      tpu.enqueue_indirect_dma source(%dma_start3A_857 : memref<1048576x32xf32, #tpu.memory_space<hbm>>) target(%dma_start3A_851 : memref<72x32xf32, #tpu.memory_space<vmem>>) offsets(%dma_start3A_854 : memref<72xi32, #tpu.memory_space<vmem>>) semaphore(%dma_start3A_859 : memref<!tpu.dma_semaphore, #tpu.memory_space<semaphore_mem>>)
      %dma_wait3A_860 = arith.constant 4 : i32
      %dma_wait3A_861 = arith.constant 4 : i32
      %dma_wait3A_862 = arith.constant 0 : i32
      %dma_wait3A_863 = arith.constant 0 : i32
      %dma_wait3A_864 = tpu.memref_slice %arg6[%dma_wait3A_860, %dma_wait3A_862, %dma_wait3A_863] : memref<8x200x32xf32, #tpu.memory_space<vmem>> -> memref<1x200x32xf32, #tpu.memory_space<vmem>>
      %dma_wait3A_865 = tpu.memref_squeeze %dma_wait3A_864 : memref<1x200x32xf32, #tpu.memory_space<vmem>> -> memref<200x32xf32, #tpu.memory_space<vmem>>
      %dma_wait3A_866 = arith.constant 0 : i32
      %dma_wait3A_867 = arith.constant 0 : i32
      %dma_wait3A_868 = tpu.memref_slice %arg3[%dma_wait3A_866, %dma_wait3A_867] : memref<1048576x32xf32, #tpu.memory_space<hbm>> -> memref<200x32xf32, #tpu.memory_space<hbm>>
      %dma_wait3A_869 = tpu.memref_slice %arg8[%dma_wait3A_861] : memref<8x!tpu.dma_semaphore, #tpu.memory_space<semaphore_mem>> -> memref<1x!tpu.dma_semaphore, #tpu.memory_space<semaphore_mem>>
      %dma_wait3A_870 = tpu.memref_squeeze %dma_wait3A_869 : memref<1x!tpu.dma_semaphore, #tpu.memory_space<semaphore_mem>> -> memref<!tpu.dma_semaphore, #tpu.memory_space<semaphore_mem>>
      %dma_wait3A_871 = arith.constant 0 : i32
      %dma_wait3A_872 = arith.constant 0 : i32
      %dma_wait3A_873 = tpu.memref_slice %arg6[%dma_wait3A_860, %dma_wait3A_871, %dma_wait3A_872] : memref<8x200x32xf32, #tpu.memory_space<vmem>> -> memref<1x200x32xf32, #tpu.memory_space<vmem>>
      %dma_wait3A_874 = tpu.memref_squeeze %dma_wait3A_873 : memref<1x200x32xf32, #tpu.memory_space<vmem>> -> memref<200x32xf32, #tpu.memory_space<vmem>>
      %dma_wait3A_875 = arith.constant 0 : i32
      %dma_wait3A_876 = arith.constant 0 : i32
      %dma_wait3A_877 = tpu.memref_slice %arg3[%dma_wait3A_875, %dma_wait3A_876] : memref<1048576x32xf32, #tpu.memory_space<hbm>> -> memref<200x32xf32, #tpu.memory_space<hbm>>
      tpu.wait_dma2 semaphore(%dma_wait3A_870 : memref<!tpu.dma_semaphore, #tpu.memory_space<semaphore_mem>>) src(%dma_wait3A_877 : memref<200x32xf32, #tpu.memory_space<hbm>>) dst(%dma_wait3A_874 : memref<200x32xf32, #tpu.memory_space<vmem>>)
      %add3A_878 = arith.constant 4 : i32
      %add3A_879 = arith.addi %mul3A_571, %add3A_878 : i32
      %scan3A_880 = arith.constant 0 : i32
      %scan3A_881 = arith.constant 20 : i32
      %scan3A_882 = arith.addi %scan3A_880, %scan3A_881 : i32
      %scan3A_883 = arith.constant 1 : i32
      %scan3A_884:4 = scf.for %scan3A_1148 = %scan3A_880 to %scan3A_882 step %scan3A_883 iter_args(%scan3A_1149 = %broadcast_in_dim3A_6, %scan3A_1150 = %broadcast_in_dim3A_6, %scan3A_1151 = %broadcast_in_dim3A_6, %scan3A_1152 = %broadcast_in_dim3A_6) -> (vector<16xf32>, vector<16xf32>, vector<16xf32>, vector<16xf32>)  : i32 {
        %mul3A_1153 = arith.constant 10 : i32
        %mul3A_1154 = arith.muli %scan3A_1148, %mul3A_1153 : i32
        %add3A_1155 = arith.constant 0 : i32
        %add3A_1156 = arith.addi %mul3A_1154, %add3A_1155 : i32
        %get3A = arith.constant 4 : i32
        %get3A_1157 = arith.index_cast %get3A : i32 to index
        %get3A_1158 = arith.index_cast %add3A_1156 : i32 to index
        %get3A_1159 = arith.constant 0 : index
        %get3A_1160 = tpu.vector_load %arg6[%get3A_1157, %get3A_1158, %get3A_1159] {strides = array<i32>} : memref<8x200x32xf32, #tpu.memory_space<vmem>>, vector<1x1x16xf32>,
        %get3A_1161 = vector.shape_cast %get3A_1160 : vector<1x1x16xf32> to vector<16xf32>
        %add3A_1162 = arith.addf %scan3A_1149, %get3A_1161 : vector<16xf32>
        %add3A_1163 = arith.constant 0 : i32
        %add3A_1164 = arith.addi %mul3A_1154, %add3A_1163 : i32
        %get3A_1165 = arith.constant 4 : i32
        %get3A_1166 = arith.index_cast %get3A_1165 : i32 to index
        %get3A_1167 = arith.index_cast %add3A_1164 : i32 to index
        %get3A_1168 = arith.constant 16 : index
        %get3A_1169 = tpu.vector_load %arg6[%get3A_1166, %get3A_1167, %get3A_1168] {strides = array<i32>} : memref<8x200x32xf32, #tpu.memory_space<vmem>>, vector<1x1x16xf32>,
        %get3A_1170 = vector.shape_cast %get3A_1169 : vector<1x1x16xf32> to vector<16xf32>
        %add3A_1171 = arith.addf %scan3A_1151, %get3A_1170 : vector<16xf32>
        %add3A_1172 = arith.constant 0 : i32
        %add3A_1173 = arith.addi %mul3A_1154, %add3A_1172 : i32
        %add3A_1174 = arith.constant 1 : i32
        %add3A_1175 = arith.addi %add3A_1173, %add3A_1174 : i32
        %get3A_1176 = arith.constant 4 : i32
        %get3A_1177 = arith.index_cast %get3A_1176 : i32 to index
        %get3A_1178 = arith.index_cast %add3A_1175 : i32 to index
        %get3A_1179 = arith.constant 0 : index
        %get3A_1180 = tpu.vector_load %arg6[%get3A_1177, %get3A_1178, %get3A_1179] {strides = array<i32>} : memref<8x200x32xf32, #tpu.memory_space<vmem>>, vector<1x1x16xf32>,
        %get3A_1181 = vector.shape_cast %get3A_1180 : vector<1x1x16xf32> to vector<16xf32>
        %add3A_1182 = arith.addf %scan3A_1150, %get3A_1181 : vector<16xf32>
        %add3A_1183 = arith.constant 0 : i32
        %add3A_1184 = arith.addi %mul3A_1154, %add3A_1183 : i32
        %add3A_1185 = arith.constant 1 : i32
        %add3A_1186 = arith.addi %add3A_1184, %add3A_1185 : i32
        %get3A_1187 = arith.constant 4 : i32
        %get3A_1188 = arith.index_cast %get3A_1187 : i32 to index
        %get3A_1189 = arith.index_cast %add3A_1186 : i32 to index
        %get3A_1190 = arith.constant 16 : index
        %get3A_1191 = tpu.vector_load %arg6[%get3A_1188, %get3A_1189, %get3A_1190] {strides = array<i32>} : memref<8x200x32xf32, #tpu.memory_space<vmem>>, vector<1x1x16xf32>,
        %get3A_1192 = vector.shape_cast %get3A_1191 : vector<1x1x16xf32> to vector<16xf32>
        %add3A_1193 = arith.addf %scan3A_1152, %get3A_1192 : vector<16xf32>
        %add3A_1194 = arith.constant 2 : i32
        %add3A_1195 = arith.addi %mul3A_1154, %add3A_1194 : i32
        %get3A_1196 = arith.constant 4 : i32
        %get3A_1197 = arith.index_cast %get3A_1196 : i32 to index
        %get3A_1198 = arith.index_cast %add3A_1195 : i32 to index
        %get3A_1199 = arith.constant 0 : index
        %get3A_1200 = tpu.vector_load %arg6[%get3A_1197, %get3A_1198, %get3A_1199] {strides = array<i32>} : memref<8x200x32xf32, #tpu.memory_space<vmem>>, vector<1x1x16xf32>,
        %get3A_1201 = vector.shape_cast %get3A_1200 : vector<1x1x16xf32> to vector<16xf32>
        %add3A_1202 = arith.addf %add3A_1162, %get3A_1201 : vector<16xf32>
        %add3A_1203 = arith.constant 2 : i32
        %add3A_1204 = arith.addi %mul3A_1154, %add3A_1203 : i32
        %get3A_1205 = arith.constant 4 : i32
        %get3A_1206 = arith.index_cast %get3A_1205 : i32 to index
        %get3A_1207 = arith.index_cast %add3A_1204 : i32 to index
        %get3A_1208 = arith.constant 16 : index
        %get3A_1209 = tpu.vector_load %arg6[%get3A_1206, %get3A_1207, %get3A_1208] {strides = array<i32>} : memref<8x200x32xf32, #tpu.memory_space<vmem>>, vector<1x1x16xf32>,
        %get3A_1210 = vector.shape_cast %get3A_1209 : vector<1x1x16xf32> to vector<16xf32>
        %add3A_1211 = arith.addf %add3A_1171, %get3A_1210 : vector<16xf32>
        %add3A_1212 = arith.constant 2 : i32
        %add3A_1213 = arith.addi %mul3A_1154, %add3A_1212 : i32
        %add3A_1214 = arith.constant 1 : i32
        %add3A_1215 = arith.addi %add3A_1213, %add3A_1214 : i32
        %get3A_1216 = arith.constant 4 : i32
        %get3A_1217 = arith.index_cast %get3A_1216 : i32 to index
        %get3A_1218 = arith.index_cast %add3A_1215 : i32 to index
        %get3A_1219 = arith.constant 0 : index
        %get3A_1220 = tpu.vector_load %arg6[%get3A_1217, %get3A_1218, %get3A_1219] {strides = array<i32>} : memref<8x200x32xf32, #tpu.memory_space<vmem>>, vector<1x1x16xf32>,
        %get3A_1221 = vector.shape_cast %get3A_1220 : vector<1x1x16xf32> to vector<16xf32>
        %add3A_1222 = arith.addf %add3A_1182, %get3A_1221 : vector<16xf32>
        %add3A_1223 = arith.constant 2 : i32
        %add3A_1224 = arith.addi %mul3A_1154, %add3A_1223 : i32
        %add3A_1225 = arith.constant 1 : i32
        %add3A_1226 = arith.addi %add3A_1224, %add3A_1225 : i32
        %get3A_1227 = arith.constant 4 : i32
        %get3A_1228 = arith.index_cast %get3A_1227 : i32 to index
        %get3A_1229 = arith.index_cast %add3A_1226 : i32 to index
        %get3A_1230 = arith.constant 16 : index
        %get3A_1231 = tpu.vector_load %arg6[%get3A_1228, %get3A_1229, %get3A_1230] {strides = array<i32>} : memref<8x200x32xf32, #tpu.memory_space<vmem>>, vector<1x1x16xf32>,
        %get3A_1232 = vector.shape_cast %get3A_1231 : vector<1x1x16xf32> to vector<16xf32>
        %add3A_1233 = arith.addf %add3A_1193, %get3A_1232 : vector<16xf32>
        %add3A_1234 = arith.constant 4 : i32
        %add3A_1235 = arith.addi %mul3A_1154, %add3A_1234 : i32
        %get3A_1236 = arith.constant 4 : i32
        %get3A_1237 = arith.index_cast %get3A_1236 : i32 to index
        %get3A_1238 = arith.index_cast %add3A_1235 : i32 to index
        %get3A_1239 = arith.constant 0 : index
        %get3A_1240 = tpu.vector_load %arg6[%get3A_1237, %get3A_1238, %get3A_1239] {strides = array<i32>} : memref<8x200x32xf32, #tpu.memory_space<vmem>>, vector<1x1x16xf32>,
        %get3A_1241 = vector.shape_cast %get3A_1240 : vector<1x1x16xf32> to vector<16xf32>
        %add3A_1242 = arith.addf %add3A_1202, %get3A_1241 : vector<16xf32>
        %add3A_1243 = arith.constant 4 : i32
        %add3A_1244 = arith.addi %mul3A_1154, %add3A_1243 : i32
        %get3A_1245 = arith.constant 4 : i32
        %get3A_1246 = arith.index_cast %get3A_1245 : i32 to index
        %get3A_1247 = arith.index_cast %add3A_1244 : i32 to index
        %get3A_1248 = arith.constant 16 : index
        %get3A_1249 = tpu.vector_load %arg6[%get3A_1246, %get3A_1247, %get3A_1248] {strides = array<i32>} : memref<8x200x32xf32, #tpu.memory_space<vmem>>, vector<1x1x16xf32>,
        %get3A_1250 = vector.shape_cast %get3A_1249 : vector<1x1x16xf32> to vector<16xf32>
        %add3A_1251 = arith.addf %add3A_1211, %get3A_1250 : vector<16xf32>
        %add3A_1252 = arith.constant 4 : i32
        %add3A_1253 = arith.addi %mul3A_1154, %add3A_1252 : i32
        %add3A_1254 = arith.constant 1 : i32
        %add3A_1255 = arith.addi %add3A_1253, %add3A_1254 : i32
        %get3A_1256 = arith.constant 4 : i32
        %get3A_1257 = arith.index_cast %get3A_1256 : i32 to index
        %get3A_1258 = arith.index_cast %add3A_1255 : i32 to index
        %get3A_1259 = arith.constant 0 : index
        %get3A_1260 = tpu.vector_load %arg6[%get3A_1257, %get3A_1258, %get3A_1259] {strides = array<i32>} : memref<8x200x32xf32, #tpu.memory_space<vmem>>, vector<1x1x16xf32>,
        %get3A_1261 = vector.shape_cast %get3A_1260 : vector<1x1x16xf32> to vector<16xf32>
        %add3A_1262 = arith.addf %add3A_1222, %get3A_1261 : vector<16xf32>
        %add3A_1263 = arith.constant 4 : i32
        %add3A_1264 = arith.addi %mul3A_1154, %add3A_1263 : i32
        %add3A_1265 = arith.constant 1 : i32
        %add3A_1266 = arith.addi %add3A_1264, %add3A_1265 : i32
        %get3A_1267 = arith.constant 4 : i32
        %get3A_1268 = arith.index_cast %get3A_1267 : i32 to index
        %get3A_1269 = arith.index_cast %add3A_1266 : i32 to index
        %get3A_1270 = arith.constant 16 : index
        %get3A_1271 = tpu.vector_load %arg6[%get3A_1268, %get3A_1269, %get3A_1270] {strides = array<i32>} : memref<8x200x32xf32, #tpu.memory_space<vmem>>, vector<1x1x16xf32>,
        %get3A_1272 = vector.shape_cast %get3A_1271 : vector<1x1x16xf32> to vector<16xf32>
        %add3A_1273 = arith.addf %add3A_1233, %get3A_1272 : vector<16xf32>
        %add3A_1274 = arith.constant 6 : i32
        %add3A_1275 = arith.addi %mul3A_1154, %add3A_1274 : i32
        %get3A_1276 = arith.constant 4 : i32
        %get3A_1277 = arith.index_cast %get3A_1276 : i32 to index
        %get3A_1278 = arith.index_cast %add3A_1275 : i32 to index
        %get3A_1279 = arith.constant 0 : index
        %get3A_1280 = tpu.vector_load %arg6[%get3A_1277, %get3A_1278, %get3A_1279] {strides = array<i32>} : memref<8x200x32xf32, #tpu.memory_space<vmem>>, vector<1x1x16xf32>,
        %get3A_1281 = vector.shape_cast %get3A_1280 : vector<1x1x16xf32> to vector<16xf32>
        %add3A_1282 = arith.addf %add3A_1242, %get3A_1281 : vector<16xf32>
        %add3A_1283 = arith.constant 6 : i32
        %add3A_1284 = arith.addi %mul3A_1154, %add3A_1283 : i32
        %get3A_1285 = arith.constant 4 : i32
        %get3A_1286 = arith.index_cast %get3A_1285 : i32 to index
        %get3A_1287 = arith.index_cast %add3A_1284 : i32 to index
        %get3A_1288 = arith.constant 16 : index
        %get3A_1289 = tpu.vector_load %arg6[%get3A_1286, %get3A_1287, %get3A_1288] {strides = array<i32>} : memref<8x200x32xf32, #tpu.memory_space<vmem>>, vector<1x1x16xf32>,
        %get3A_1290 = vector.shape_cast %get3A_1289 : vector<1x1x16xf32> to vector<16xf32>
        %add3A_1291 = arith.addf %add3A_1251, %get3A_1290 : vector<16xf32>
        %add3A_1292 = arith.constant 6 : i32
        %add3A_1293 = arith.addi %mul3A_1154, %add3A_1292 : i32
        %add3A_1294 = arith.constant 1 : i32
        %add3A_1295 = arith.addi %add3A_1293, %add3A_1294 : i32
        %get3A_1296 = arith.constant 4 : i32
        %get3A_1297 = arith.index_cast %get3A_1296 : i32 to index
        %get3A_1298 = arith.index_cast %add3A_1295 : i32 to index
        %get3A_1299 = arith.constant 0 : index
        %get3A_1300 = tpu.vector_load %arg6[%get3A_1297, %get3A_1298, %get3A_1299] {strides = array<i32>} : memref<8x200x32xf32, #tpu.memory_space<vmem>>, vector<1x1x16xf32>,
        %get3A_1301 = vector.shape_cast %get3A_1300 : vector<1x1x16xf32> to vector<16xf32>
        %add3A_1302 = arith.addf %add3A_1262, %get3A_1301 : vector<16xf32>
        %add3A_1303 = arith.constant 6 : i32
        %add3A_1304 = arith.addi %mul3A_1154, %add3A_1303 : i32
        %add3A_1305 = arith.constant 1 : i32
        %add3A_1306 = arith.addi %add3A_1304, %add3A_1305 : i32
        %get3A_1307 = arith.constant 4 : i32
        %get3A_1308 = arith.index_cast %get3A_1307 : i32 to index
        %get3A_1309 = arith.index_cast %add3A_1306 : i32 to index
        %get3A_1310 = arith.constant 16 : index
        %get3A_1311 = tpu.vector_load %arg6[%get3A_1308, %get3A_1309, %get3A_1310] {strides = array<i32>} : memref<8x200x32xf32, #tpu.memory_space<vmem>>, vector<1x1x16xf32>,
        %get3A_1312 = vector.shape_cast %get3A_1311 : vector<1x1x16xf32> to vector<16xf32>
        %add3A_1313 = arith.addf %add3A_1273, %get3A_1312 : vector<16xf32>
        %add3A_1314 = arith.constant 8 : i32
        %add3A_1315 = arith.addi %mul3A_1154, %add3A_1314 : i32
        %get3A_1316 = arith.constant 4 : i32
        %get3A_1317 = arith.index_cast %get3A_1316 : i32 to index
        %get3A_1318 = arith.index_cast %add3A_1315 : i32 to index
        %get3A_1319 = arith.constant 0 : index
        %get3A_1320 = tpu.vector_load %arg6[%get3A_1317, %get3A_1318, %get3A_1319] {strides = array<i32>} : memref<8x200x32xf32, #tpu.memory_space<vmem>>, vector<1x1x16xf32>,
        %get3A_1321 = vector.shape_cast %get3A_1320 : vector<1x1x16xf32> to vector<16xf32>
        %add3A_1322 = arith.addf %add3A_1282, %get3A_1321 : vector<16xf32>
        %add3A_1323 = arith.constant 8 : i32
        %add3A_1324 = arith.addi %mul3A_1154, %add3A_1323 : i32
        %get3A_1325 = arith.constant 4 : i32
        %get3A_1326 = arith.index_cast %get3A_1325 : i32 to index
        %get3A_1327 = arith.index_cast %add3A_1324 : i32 to index
        %get3A_1328 = arith.constant 16 : index
        %get3A_1329 = tpu.vector_load %arg6[%get3A_1326, %get3A_1327, %get3A_1328] {strides = array<i32>} : memref<8x200x32xf32, #tpu.memory_space<vmem>>, vector<1x1x16xf32>,
        %get3A_1330 = vector.shape_cast %get3A_1329 : vector<1x1x16xf32> to vector<16xf32>
        %add3A_1331 = arith.addf %add3A_1291, %get3A_1330 : vector<16xf32>
        %add3A_1332 = arith.constant 8 : i32
        %add3A_1333 = arith.addi %mul3A_1154, %add3A_1332 : i32
        %add3A_1334 = arith.constant 1 : i32
        %add3A_1335 = arith.addi %add3A_1333, %add3A_1334 : i32
        %get3A_1336 = arith.constant 4 : i32
        %get3A_1337 = arith.index_cast %get3A_1336 : i32 to index
        %get3A_1338 = arith.index_cast %add3A_1335 : i32 to index
        %get3A_1339 = arith.constant 0 : index
        %get3A_1340 = tpu.vector_load %arg6[%get3A_1337, %get3A_1338, %get3A_1339] {strides = array<i32>} : memref<8x200x32xf32, #tpu.memory_space<vmem>>, vector<1x1x16xf32>,
        %get3A_1341 = vector.shape_cast %get3A_1340 : vector<1x1x16xf32> to vector<16xf32>
        %add3A_1342 = arith.addf %add3A_1302, %get3A_1341 : vector<16xf32>
        %add3A_1343 = arith.constant 8 : i32
        %add3A_1344 = arith.addi %mul3A_1154, %add3A_1343 : i32
        %add3A_1345 = arith.constant 1 : i32
        %add3A_1346 = arith.addi %add3A_1344, %add3A_1345 : i32
        %get3A_1347 = arith.constant 4 : i32
        %get3A_1348 = arith.index_cast %get3A_1347 : i32 to index
        %get3A_1349 = arith.index_cast %add3A_1346 : i32 to index
        %get3A_1350 = arith.constant 16 : index
        %get3A_1351 = tpu.vector_load %arg6[%get3A_1348, %get3A_1349, %get3A_1350] {strides = array<i32>} : memref<8x200x32xf32, #tpu.memory_space<vmem>>, vector<1x1x16xf32>,
        %get3A_1352 = vector.shape_cast %get3A_1351 : vector<1x1x16xf32> to vector<16xf32>
        %add3A_1353 = arith.addf %add3A_1313, %get3A_1352 : vector<16xf32>
        scf.yield %add3A_1322, %add3A_1342, %add3A_1331, %add3A_1353 : vector<16xf32>, vector<16xf32>, vector<16xf32>, vector<16xf32>
      }
      %scan3A_885 = arith.constant 20 : i32
      %add3A_886 = arith.addf %scan3A_884#0, %scan3A_884#1 : vector<16xf32>
      %swap3A_887 = arith.index_cast %add3A_879 : i32 to index
      %swap3A_888 = arith.constant 0 : index
      %swap3A_889 = tpu.vector_load %arg7[%swap3A_887, %swap3A_888] {strides = array<i32>} : memref<128x32xf32, #tpu.memory_space<vmem>>, vector<1x16xf32>,
      %swap3A_890 = vector.shape_cast %swap3A_889 : vector<1x16xf32> to vector<16xf32>
      %swap3A_891 = vector.shape_cast %add3A_886 : vector<16xf32> to vector<1x16xf32>
      tpu.vector_store %arg7[%swap3A_887, %swap3A_888], %swap3A_891 {strides = array<i32>} : memref<128x32xf32, #tpu.memory_space<vmem>>, vector<1x16xf32>,
      %add3A_892 = arith.addf %scan3A_884#2, %scan3A_884#3 : vector<16xf32>
      %swap3A_893 = arith.index_cast %add3A_879 : i32 to index
      %swap3A_894 = arith.constant 16 : index
      %swap3A_895 = tpu.vector_load %arg7[%swap3A_893, %swap3A_894] {strides = array<i32>} : memref<128x32xf32, #tpu.memory_space<vmem>>, vector<1x16xf32>,
      %swap3A_896 = vector.shape_cast %swap3A_895 : vector<1x16xf32> to vector<16xf32>
      %swap3A_897 = vector.shape_cast %add3A_892 : vector<16xf32> to vector<1x16xf32>
      tpu.vector_store %arg7[%swap3A_893, %swap3A_894], %swap3A_897 {strides = array<i32>} : memref<128x32xf32, #tpu.memory_space<vmem>>, vector<1x16xf32>,
      %add3A_898 = arith.constant 4 : i32
      %add3A_899 = arith.addi %mul3A_571, %add3A_898 : i32
      %add3A_900 = arith.constant 8 : i32
      %add3A_901 = arith.addi %add3A_899, %add3A_900 : i32
      %dma_start3A_902 = arith.constant 0 : i32
      %dma_start3A_903 = arith.constant 4 : i32
      %dma_start3A_904 = arith.constant 4 : i32
      %dma_start3A_905 = arith.constant 0 : i32
      %dma_start3A_906 = arith.constant 0 : i32
      %dma_start3A_907 = tpu.memref_slice %arg6[%dma_start3A_903, %dma_start3A_905, %dma_start3A_906] : memref<8x200x32xf32, #tpu.memory_space<vmem>> -> memref<1x128x32xf32, #tpu.memory_space<vmem>>
      %dma_start3A_908 = tpu.memref_squeeze %dma_start3A_907 : memref<1x128x32xf32, #tpu.memory_space<vmem>> -> memref<128x32xf32, #tpu.memory_space<vmem>>
      %dma_start3A_909 = arith.constant 0 : i32
      %dma_start3A_910 = tpu.memref_slice %arg5[%dma_start3A_902, %add3A_901, %dma_start3A_909] : memref<2x128x128xi32, #tpu.memory_space<vmem>> -> memref<1x1x128xi32, #tpu.memory_space<vmem>>
      %dma_start3A_911 = tpu.memref_squeeze %dma_start3A_910 : memref<1x1x128xi32, #tpu.memory_space<vmem>> -> memref<128xi32, #tpu.memory_space<vmem>>
      %dma_start3A_912 = arith.constant 0 : i32
      %dma_start3A_913 = arith.constant 0 : i32
      %dma_start3A_914 = tpu.memref_slice %arg3[%dma_start3A_912, %dma_start3A_913] : memref<1048576x32xf32, #tpu.memory_space<hbm>> -> memref<1048576x32xf32, #tpu.memory_space<hbm>>
      %dma_start3A_915 = tpu.memref_slice %arg8[%dma_start3A_904] : memref<8x!tpu.dma_semaphore, #tpu.memory_space<semaphore_mem>> -> memref<1x!tpu.dma_semaphore, #tpu.memory_space<semaphore_mem>>
      %dma_start3A_916 = tpu.memref_squeeze %dma_start3A_915 : memref<1x!tpu.dma_semaphore, #tpu.memory_space<semaphore_mem>> -> memref<!tpu.dma_semaphore, #tpu.memory_space<semaphore_mem>>
      tpu.enqueue_indirect_dma source(%dma_start3A_914 : memref<1048576x32xf32, #tpu.memory_space<hbm>>) target(%dma_start3A_908 : memref<128x32xf32, #tpu.memory_space<vmem>>) offsets(%dma_start3A_911 : memref<128xi32, #tpu.memory_space<vmem>>) semaphore(%dma_start3A_916 : memref<!tpu.dma_semaphore, #tpu.memory_space<semaphore_mem>>)
      %dma_start3A_917 = arith.constant 1 : i32
      %dma_start3A_918 = arith.constant 4 : i32
      %dma_start3A_919 = arith.constant 4 : i32
      %dma_start3A_920 = arith.constant 128 : i32
      %dma_start3A_921 = arith.constant 0 : i32
      %dma_start3A_922 = tpu.memref_slice %arg6[%dma_start3A_918, %dma_start3A_920, %dma_start3A_921] : memref<8x200x32xf32, #tpu.memory_space<vmem>> -> memref<1x72x32xf32, #tpu.memory_space<vmem>>
      %dma_start3A_923 = tpu.memref_squeeze %dma_start3A_922 : memref<1x72x32xf32, #tpu.memory_space<vmem>> -> memref<72x32xf32, #tpu.memory_space<vmem>>
      %dma_start3A_924 = arith.constant 0 : i32
      %dma_start3A_925 = tpu.memref_slice %arg5[%dma_start3A_917, %add3A_901, %dma_start3A_924] : memref<2x128x128xi32, #tpu.memory_space<vmem>> -> memref<1x1x72xi32, #tpu.memory_space<vmem>>
      %dma_start3A_926 = tpu.memref_squeeze %dma_start3A_925 : memref<1x1x72xi32, #tpu.memory_space<vmem>> -> memref<72xi32, #tpu.memory_space<vmem>>
      %dma_start3A_927 = arith.constant 0 : i32
      %dma_start3A_928 = arith.constant 0 : i32
      %dma_start3A_929 = tpu.memref_slice %arg3[%dma_start3A_927, %dma_start3A_928] : memref<1048576x32xf32, #tpu.memory_space<hbm>> -> memref<1048576x32xf32, #tpu.memory_space<hbm>>
      %dma_start3A_930 = tpu.memref_slice %arg8[%dma_start3A_919] : memref<8x!tpu.dma_semaphore, #tpu.memory_space<semaphore_mem>> -> memref<1x!tpu.dma_semaphore, #tpu.memory_space<semaphore_mem>>
      %dma_start3A_931 = tpu.memref_squeeze %dma_start3A_930 : memref<1x!tpu.dma_semaphore, #tpu.memory_space<semaphore_mem>> -> memref<!tpu.dma_semaphore, #tpu.memory_space<semaphore_mem>>
      tpu.enqueue_indirect_dma source(%dma_start3A_929 : memref<1048576x32xf32, #tpu.memory_space<hbm>>) target(%dma_start3A_923 : memref<72x32xf32, #tpu.memory_space<vmem>>) offsets(%dma_start3A_926 : memref<72xi32, #tpu.memory_space<vmem>>) semaphore(%dma_start3A_931 : memref<!tpu.dma_semaphore, #tpu.memory_space<semaphore_mem>>)
      %dma_wait3A_932 = arith.constant 5 : i32
      %dma_wait3A_933 = arith.constant 5 : i32
      %dma_wait3A_934 = arith.constant 0 : i32
      %dma_wait3A_935 = arith.constant 0 : i32
      %dma_wait3A_936 = tpu.memref_slice %arg6[%dma_wait3A_932, %dma_wait3A_934, %dma_wait3A_935] : memref<8x200x32xf32, #tpu.memory_space<vmem>> -> memref<1x200x32xf32, #tpu.memory_space<vmem>>
      %dma_wait3A_937 = tpu.memref_squeeze %dma_wait3A_936 : memref<1x200x32xf32, #tpu.memory_space<vmem>> -> memref<200x32xf32, #tpu.memory_space<vmem>>
      %dma_wait3A_938 = arith.constant 0 : i32
      %dma_wait3A_939 = arith.constant 0 : i32
      %dma_wait3A_940 = tpu.memref_slice %arg3[%dma_wait3A_938, %dma_wait3A_939] : memref<1048576x32xf32, #tpu.memory_space<hbm>> -> memref<200x32xf32, #tpu.memory_space<hbm>>
      %dma_wait3A_941 = tpu.memref_slice %arg8[%dma_wait3A_933] : memref<8x!tpu.dma_semaphore, #tpu.memory_space<semaphore_mem>> -> memref<1x!tpu.dma_semaphore, #tpu.memory_space<semaphore_mem>>
      %dma_wait3A_942 = tpu.memref_squeeze %dma_wait3A_941 : memref<1x!tpu.dma_semaphore, #tpu.memory_space<semaphore_mem>> -> memref<!tpu.dma_semaphore, #tpu.memory_space<semaphore_mem>>
      %dma_wait3A_943 = arith.constant 0 : i32
      %dma_wait3A_944 = arith.constant 0 : i32
      %dma_wait3A_945 = tpu.memref_slice %arg6[%dma_wait3A_932, %dma_wait3A_943, %dma_wait3A_944] : memref<8x200x32xf32, #tpu.memory_space<vmem>> -> memref<1x200x32xf32, #tpu.memory_space<vmem>>
      %dma_wait3A_946 = tpu.memref_squeeze %dma_wait3A_945 : memref<1x200x32xf32, #tpu.memory_space<vmem>> -> memref<200x32xf32, #tpu.memory_space<vmem>>
      %dma_wait3A_947 = arith.constant 0 : i32
      %dma_wait3A_948 = arith.constant 0 : i32
      %dma_wait3A_949 = tpu.memref_slice %arg3[%dma_wait3A_947, %dma_wait3A_948] : memref<1048576x32xf32, #tpu.memory_space<hbm>> -> memref<200x32xf32, #tpu.memory_space<hbm>>
      tpu.wait_dma2 semaphore(%dma_wait3A_942 : memref<!tpu.dma_semaphore, #tpu.memory_space<semaphore_mem>>) src(%dma_wait3A_949 : memref<200x32xf32, #tpu.memory_space<hbm>>) dst(%dma_wait3A_946 : memref<200x32xf32, #tpu.memory_space<vmem>>)
      %add3A_950 = arith.constant 5 : i32
      %add3A_951 = arith.addi %mul3A_571, %add3A_950 : i32
      %scan3A_952 = arith.constant 0 : i32
      %scan3A_953 = arith.constant 20 : i32
      %scan3A_954 = arith.addi %scan3A_952, %scan3A_953 : i32
      %scan3A_955 = arith.constant 1 : i32
      %scan3A_956:4 = scf.for %scan3A_1148 = %scan3A_952 to %scan3A_954 step %scan3A_955 iter_args(%scan3A_1149 = %broadcast_in_dim3A_6, %scan3A_1150 = %broadcast_in_dim3A_6, %scan3A_1151 = %broadcast_in_dim3A_6, %scan3A_1152 = %broadcast_in_dim3A_6) -> (vector<16xf32>, vector<16xf32>, vector<16xf32>, vector<16xf32>)  : i32 {
        %mul3A_1153 = arith.constant 10 : i32
        %mul3A_1154 = arith.muli %scan3A_1148, %mul3A_1153 : i32
        %add3A_1155 = arith.constant 0 : i32
        %add3A_1156 = arith.addi %mul3A_1154, %add3A_1155 : i32
        %get3A = arith.constant 5 : i32
        %get3A_1157 = arith.index_cast %get3A : i32 to index
        %get3A_1158 = arith.index_cast %add3A_1156 : i32 to index
        %get3A_1159 = arith.constant 0 : index
        %get3A_1160 = tpu.vector_load %arg6[%get3A_1157, %get3A_1158, %get3A_1159] {strides = array<i32>} : memref<8x200x32xf32, #tpu.memory_space<vmem>>, vector<1x1x16xf32>,
        %get3A_1161 = vector.shape_cast %get3A_1160 : vector<1x1x16xf32> to vector<16xf32>
        %add3A_1162 = arith.addf %scan3A_1149, %get3A_1161 : vector<16xf32>
        %add3A_1163 = arith.constant 0 : i32
        %add3A_1164 = arith.addi %mul3A_1154, %add3A_1163 : i32
        %get3A_1165 = arith.constant 5 : i32
        %get3A_1166 = arith.index_cast %get3A_1165 : i32 to index
        %get3A_1167 = arith.index_cast %add3A_1164 : i32 to index
        %get3A_1168 = arith.constant 16 : index
        %get3A_1169 = tpu.vector_load %arg6[%get3A_1166, %get3A_1167, %get3A_1168] {strides = array<i32>} : memref<8x200x32xf32, #tpu.memory_space<vmem>>, vector<1x1x16xf32>,
        %get3A_1170 = vector.shape_cast %get3A_1169 : vector<1x1x16xf32> to vector<16xf32>
        %add3A_1171 = arith.addf %scan3A_1151, %get3A_1170 : vector<16xf32>
        %add3A_1172 = arith.constant 0 : i32
        %add3A_1173 = arith.addi %mul3A_1154, %add3A_1172 : i32
        %add3A_1174 = arith.constant 1 : i32
        %add3A_1175 = arith.addi %add3A_1173, %add3A_1174 : i32
        %get3A_1176 = arith.constant 5 : i32
        %get3A_1177 = arith.index_cast %get3A_1176 : i32 to index
        %get3A_1178 = arith.index_cast %add3A_1175 : i32 to index
        %get3A_1179 = arith.constant 0 : index
        %get3A_1180 = tpu.vector_load %arg6[%get3A_1177, %get3A_1178, %get3A_1179] {strides = array<i32>} : memref<8x200x32xf32, #tpu.memory_space<vmem>>, vector<1x1x16xf32>,
        %get3A_1181 = vector.shape_cast %get3A_1180 : vector<1x1x16xf32> to vector<16xf32>
        %add3A_1182 = arith.addf %scan3A_1150, %get3A_1181 : vector<16xf32>
        %add3A_1183 = arith.constant 0 : i32
        %add3A_1184 = arith.addi %mul3A_1154, %add3A_1183 : i32
        %add3A_1185 = arith.constant 1 : i32
        %add3A_1186 = arith.addi %add3A_1184, %add3A_1185 : i32
        %get3A_1187 = arith.constant 5 : i32
        %get3A_1188 = arith.index_cast %get3A_1187 : i32 to index
        %get3A_1189 = arith.index_cast %add3A_1186 : i32 to index
        %get3A_1190 = arith.constant 16 : index
        %get3A_1191 = tpu.vector_load %arg6[%get3A_1188, %get3A_1189, %get3A_1190] {strides = array<i32>} : memref<8x200x32xf32, #tpu.memory_space<vmem>>, vector<1x1x16xf32>,
        %get3A_1192 = vector.shape_cast %get3A_1191 : vector<1x1x16xf32> to vector<16xf32>
        %add3A_1193 = arith.addf %scan3A_1152, %get3A_1192 : vector<16xf32>
        %add3A_1194 = arith.constant 2 : i32
        %add3A_1195 = arith.addi %mul3A_1154, %add3A_1194 : i32
        %get3A_1196 = arith.constant 5 : i32
        %get3A_1197 = arith.index_cast %get3A_1196 : i32 to index
        %get3A_1198 = arith.index_cast %add3A_1195 : i32 to index
        %get3A_1199 = arith.constant 0 : index
        %get3A_1200 = tpu.vector_load %arg6[%get3A_1197, %get3A_1198, %get3A_1199] {strides = array<i32>} : memref<8x200x32xf32, #tpu.memory_space<vmem>>, vector<1x1x16xf32>,
        %get3A_1201 = vector.shape_cast %get3A_1200 : vector<1x1x16xf32> to vector<16xf32>
        %add3A_1202 = arith.addf %add3A_1162, %get3A_1201 : vector<16xf32>
        %add3A_1203 = arith.constant 2 : i32
        %add3A_1204 = arith.addi %mul3A_1154, %add3A_1203 : i32
        %get3A_1205 = arith.constant 5 : i32
        %get3A_1206 = arith.index_cast %get3A_1205 : i32 to index
        %get3A_1207 = arith.index_cast %add3A_1204 : i32 to index
        %get3A_1208 = arith.constant 16 : index
        %get3A_1209 = tpu.vector_load %arg6[%get3A_1206, %get3A_1207, %get3A_1208] {strides = array<i32>} : memref<8x200x32xf32, #tpu.memory_space<vmem>>, vector<1x1x16xf32>,
        %get3A_1210 = vector.shape_cast %get3A_1209 : vector<1x1x16xf32> to vector<16xf32>
        %add3A_1211 = arith.addf %add3A_1171, %get3A_1210 : vector<16xf32>
        %add3A_1212 = arith.constant 2 : i32
        %add3A_1213 = arith.addi %mul3A_1154, %add3A_1212 : i32
        %add3A_1214 = arith.constant 1 : i32
        %add3A_1215 = arith.addi %add3A_1213, %add3A_1214 : i32
        %get3A_1216 = arith.constant 5 : i32
        %get3A_1217 = arith.index_cast %get3A_1216 : i32 to index
        %get3A_1218 = arith.index_cast %add3A_1215 : i32 to index
        %get3A_1219 = arith.constant 0 : index
        %get3A_1220 = tpu.vector_load %arg6[%get3A_1217, %get3A_1218, %get3A_1219] {strides = array<i32>} : memref<8x200x32xf32, #tpu.memory_space<vmem>>, vector<1x1x16xf32>,
        %get3A_1221 = vector.shape_cast %get3A_1220 : vector<1x1x16xf32> to vector<16xf32>
        %add3A_1222 = arith.addf %add3A_1182, %get3A_1221 : vector<16xf32>
        %add3A_1223 = arith.constant 2 : i32
        %add3A_1224 = arith.addi %mul3A_1154, %add3A_1223 : i32
        %add3A_1225 = arith.constant 1 : i32
        %add3A_1226 = arith.addi %add3A_1224, %add3A_1225 : i32
        %get3A_1227 = arith.constant 5 : i32
        %get3A_1228 = arith.index_cast %get3A_1227 : i32 to index
        %get3A_1229 = arith.index_cast %add3A_1226 : i32 to index
        %get3A_1230 = arith.constant 16 : index
        %get3A_1231 = tpu.vector_load %arg6[%get3A_1228, %get3A_1229, %get3A_1230] {strides = array<i32>} : memref<8x200x32xf32, #tpu.memory_space<vmem>>, vector<1x1x16xf32>,
        %get3A_1232 = vector.shape_cast %get3A_1231 : vector<1x1x16xf32> to vector<16xf32>
        %add3A_1233 = arith.addf %add3A_1193, %get3A_1232 : vector<16xf32>
        %add3A_1234 = arith.constant 4 : i32
        %add3A_1235 = arith.addi %mul3A_1154, %add3A_1234 : i32
        %get3A_1236 = arith.constant 5 : i32
        %get3A_1237 = arith.index_cast %get3A_1236 : i32 to index
        %get3A_1238 = arith.index_cast %add3A_1235 : i32 to index
        %get3A_1239 = arith.constant 0 : index
        %get3A_1240 = tpu.vector_load %arg6[%get3A_1237, %get3A_1238, %get3A_1239] {strides = array<i32>} : memref<8x200x32xf32, #tpu.memory_space<vmem>>, vector<1x1x16xf32>,
        %get3A_1241 = vector.shape_cast %get3A_1240 : vector<1x1x16xf32> to vector<16xf32>
        %add3A_1242 = arith.addf %add3A_1202, %get3A_1241 : vector<16xf32>
        %add3A_1243 = arith.constant 4 : i32
        %add3A_1244 = arith.addi %mul3A_1154, %add3A_1243 : i32
        %get3A_1245 = arith.constant 5 : i32
        %get3A_1246 = arith.index_cast %get3A_1245 : i32 to index
        %get3A_1247 = arith.index_cast %add3A_1244 : i32 to index
        %get3A_1248 = arith.constant 16 : index
        %get3A_1249 = tpu.vector_load %arg6[%get3A_1246, %get3A_1247, %get3A_1248] {strides = array<i32>} : memref<8x200x32xf32, #tpu.memory_space<vmem>>, vector<1x1x16xf32>,
        %get3A_1250 = vector.shape_cast %get3A_1249 : vector<1x1x16xf32> to vector<16xf32>
        %add3A_1251 = arith.addf %add3A_1211, %get3A_1250 : vector<16xf32>
        %add3A_1252 = arith.constant 4 : i32
        %add3A_1253 = arith.addi %mul3A_1154, %add3A_1252 : i32
        %add3A_1254 = arith.constant 1 : i32
        %add3A_1255 = arith.addi %add3A_1253, %add3A_1254 : i32
        %get3A_1256 = arith.constant 5 : i32
        %get3A_1257 = arith.index_cast %get3A_1256 : i32 to index
        %get3A_1258 = arith.index_cast %add3A_1255 : i32 to index
        %get3A_1259 = arith.constant 0 : index
        %get3A_1260 = tpu.vector_load %arg6[%get3A_1257, %get3A_1258, %get3A_1259] {strides = array<i32>} : memref<8x200x32xf32, #tpu.memory_space<vmem>>, vector<1x1x16xf32>,
        %get3A_1261 = vector.shape_cast %get3A_1260 : vector<1x1x16xf32> to vector<16xf32>
        %add3A_1262 = arith.addf %add3A_1222, %get3A_1261 : vector<16xf32>
        %add3A_1263 = arith.constant 4 : i32
        %add3A_1264 = arith.addi %mul3A_1154, %add3A_1263 : i32
        %add3A_1265 = arith.constant 1 : i32
        %add3A_1266 = arith.addi %add3A_1264, %add3A_1265 : i32
        %get3A_1267 = arith.constant 5 : i32
        %get3A_1268 = arith.index_cast %get3A_1267 : i32 to index
        %get3A_1269 = arith.index_cast %add3A_1266 : i32 to index
        %get3A_1270 = arith.constant 16 : index
        %get3A_1271 = tpu.vector_load %arg6[%get3A_1268, %get3A_1269, %get3A_1270] {strides = array<i32>} : memref<8x200x32xf32, #tpu.memory_space<vmem>>, vector<1x1x16xf32>,
        %get3A_1272 = vector.shape_cast %get3A_1271 : vector<1x1x16xf32> to vector<16xf32>
        %add3A_1273 = arith.addf %add3A_1233, %get3A_1272 : vector<16xf32>
        %add3A_1274 = arith.constant 6 : i32
        %add3A_1275 = arith.addi %mul3A_1154, %add3A_1274 : i32
        %get3A_1276 = arith.constant 5 : i32
        %get3A_1277 = arith.index_cast %get3A_1276 : i32 to index
        %get3A_1278 = arith.index_cast %add3A_1275 : i32 to index
        %get3A_1279 = arith.constant 0 : index
        %get3A_1280 = tpu.vector_load %arg6[%get3A_1277, %get3A_1278, %get3A_1279] {strides = array<i32>} : memref<8x200x32xf32, #tpu.memory_space<vmem>>, vector<1x1x16xf32>,
        %get3A_1281 = vector.shape_cast %get3A_1280 : vector<1x1x16xf32> to vector<16xf32>
        %add3A_1282 = arith.addf %add3A_1242, %get3A_1281 : vector<16xf32>
        %add3A_1283 = arith.constant 6 : i32
        %add3A_1284 = arith.addi %mul3A_1154, %add3A_1283 : i32
        %get3A_1285 = arith.constant 5 : i32
        %get3A_1286 = arith.index_cast %get3A_1285 : i32 to index
        %get3A_1287 = arith.index_cast %add3A_1284 : i32 to index
        %get3A_1288 = arith.constant 16 : index
        %get3A_1289 = tpu.vector_load %arg6[%get3A_1286, %get3A_1287, %get3A_1288] {strides = array<i32>} : memref<8x200x32xf32, #tpu.memory_space<vmem>>, vector<1x1x16xf32>,
        %get3A_1290 = vector.shape_cast %get3A_1289 : vector<1x1x16xf32> to vector<16xf32>
        %add3A_1291 = arith.addf %add3A_1251, %get3A_1290 : vector<16xf32>
        %add3A_1292 = arith.constant 6 : i32
        %add3A_1293 = arith.addi %mul3A_1154, %add3A_1292 : i32
        %add3A_1294 = arith.constant 1 : i32
        %add3A_1295 = arith.addi %add3A_1293, %add3A_1294 : i32
        %get3A_1296 = arith.constant 5 : i32
        %get3A_1297 = arith.index_cast %get3A_1296 : i32 to index
        %get3A_1298 = arith.index_cast %add3A_1295 : i32 to index
        %get3A_1299 = arith.constant 0 : index
        %get3A_1300 = tpu.vector_load %arg6[%get3A_1297, %get3A_1298, %get3A_1299] {strides = array<i32>} : memref<8x200x32xf32, #tpu.memory_space<vmem>>, vector<1x1x16xf32>,
        %get3A_1301 = vector.shape_cast %get3A_1300 : vector<1x1x16xf32> to vector<16xf32>
        %add3A_1302 = arith.addf %add3A_1262, %get3A_1301 : vector<16xf32>
        %add3A_1303 = arith.constant 6 : i32
        %add3A_1304 = arith.addi %mul3A_1154, %add3A_1303 : i32
        %add3A_1305 = arith.constant 1 : i32
        %add3A_1306 = arith.addi %add3A_1304, %add3A_1305 : i32
        %get3A_1307 = arith.constant 5 : i32
        %get3A_1308 = arith.index_cast %get3A_1307 : i32 to index
        %get3A_1309 = arith.index_cast %add3A_1306 : i32 to index
        %get3A_1310 = arith.constant 16 : index
        %get3A_1311 = tpu.vector_load %arg6[%get3A_1308, %get3A_1309, %get3A_1310] {strides = array<i32>} : memref<8x200x32xf32, #tpu.memory_space<vmem>>, vector<1x1x16xf32>,
        %get3A_1312 = vector.shape_cast %get3A_1311 : vector<1x1x16xf32> to vector<16xf32>
        %add3A_1313 = arith.addf %add3A_1273, %get3A_1312 : vector<16xf32>
        %add3A_1314 = arith.constant 8 : i32
        %add3A_1315 = arith.addi %mul3A_1154, %add3A_1314 : i32
        %get3A_1316 = arith.constant 5 : i32
        %get3A_1317 = arith.index_cast %get3A_1316 : i32 to index
        %get3A_1318 = arith.index_cast %add3A_1315 : i32 to index
        %get3A_1319 = arith.constant 0 : index
        %get3A_1320 = tpu.vector_load %arg6[%get3A_1317, %get3A_1318, %get3A_1319] {strides = array<i32>} : memref<8x200x32xf32, #tpu.memory_space<vmem>>, vector<1x1x16xf32>,
        %get3A_1321 = vector.shape_cast %get3A_1320 : vector<1x1x16xf32> to vector<16xf32>
        %add3A_1322 = arith.addf %add3A_1282, %get3A_1321 : vector<16xf32>
        %add3A_1323 = arith.constant 8 : i32
        %add3A_1324 = arith.addi %mul3A_1154, %add3A_1323 : i32
        %get3A_1325 = arith.constant 5 : i32
        %get3A_1326 = arith.index_cast %get3A_1325 : i32 to index
        %get3A_1327 = arith.index_cast %add3A_1324 : i32 to index
        %get3A_1328 = arith.constant 16 : index
        %get3A_1329 = tpu.vector_load %arg6[%get3A_1326, %get3A_1327, %get3A_1328] {strides = array<i32>} : memref<8x200x32xf32, #tpu.memory_space<vmem>>, vector<1x1x16xf32>,
        %get3A_1330 = vector.shape_cast %get3A_1329 : vector<1x1x16xf32> to vector<16xf32>
        %add3A_1331 = arith.addf %add3A_1291, %get3A_1330 : vector<16xf32>
        %add3A_1332 = arith.constant 8 : i32
        %add3A_1333 = arith.addi %mul3A_1154, %add3A_1332 : i32
        %add3A_1334 = arith.constant 1 : i32
        %add3A_1335 = arith.addi %add3A_1333, %add3A_1334 : i32
        %get3A_1336 = arith.constant 5 : i32
        %get3A_1337 = arith.index_cast %get3A_1336 : i32 to index
        %get3A_1338 = arith.index_cast %add3A_1335 : i32 to index
        %get3A_1339 = arith.constant 0 : index
        %get3A_1340 = tpu.vector_load %arg6[%get3A_1337, %get3A_1338, %get3A_1339] {strides = array<i32>} : memref<8x200x32xf32, #tpu.memory_space<vmem>>, vector<1x1x16xf32>,
        %get3A_1341 = vector.shape_cast %get3A_1340 : vector<1x1x16xf32> to vector<16xf32>
        %add3A_1342 = arith.addf %add3A_1302, %get3A_1341 : vector<16xf32>
        %add3A_1343 = arith.constant 8 : i32
        %add3A_1344 = arith.addi %mul3A_1154, %add3A_1343 : i32
        %add3A_1345 = arith.constant 1 : i32
        %add3A_1346 = arith.addi %add3A_1344, %add3A_1345 : i32
        %get3A_1347 = arith.constant 5 : i32
        %get3A_1348 = arith.index_cast %get3A_1347 : i32 to index
        %get3A_1349 = arith.index_cast %add3A_1346 : i32 to index
        %get3A_1350 = arith.constant 16 : index
        %get3A_1351 = tpu.vector_load %arg6[%get3A_1348, %get3A_1349, %get3A_1350] {strides = array<i32>} : memref<8x200x32xf32, #tpu.memory_space<vmem>>, vector<1x1x16xf32>,
        %get3A_1352 = vector.shape_cast %get3A_1351 : vector<1x1x16xf32> to vector<16xf32>
        %add3A_1353 = arith.addf %add3A_1313, %get3A_1352 : vector<16xf32>
        scf.yield %add3A_1322, %add3A_1342, %add3A_1331, %add3A_1353 : vector<16xf32>, vector<16xf32>, vector<16xf32>, vector<16xf32>
      }
      %scan3A_957 = arith.constant 20 : i32
      %add3A_958 = arith.addf %scan3A_956#0, %scan3A_956#1 : vector<16xf32>
      %swap3A_959 = arith.index_cast %add3A_951 : i32 to index
      %swap3A_960 = arith.constant 0 : index
      %swap3A_961 = tpu.vector_load %arg7[%swap3A_959, %swap3A_960] {strides = array<i32>} : memref<128x32xf32, #tpu.memory_space<vmem>>, vector<1x16xf32>,
      %swap3A_962 = vector.shape_cast %swap3A_961 : vector<1x16xf32> to vector<16xf32>
      %swap3A_963 = vector.shape_cast %add3A_958 : vector<16xf32> to vector<1x16xf32>
      tpu.vector_store %arg7[%swap3A_959, %swap3A_960], %swap3A_963 {strides = array<i32>} : memref<128x32xf32, #tpu.memory_space<vmem>>, vector<1x16xf32>,
      %add3A_964 = arith.addf %scan3A_956#2, %scan3A_956#3 : vector<16xf32>
      %swap3A_965 = arith.index_cast %add3A_951 : i32 to index
      %swap3A_966 = arith.constant 16 : index
      %swap3A_967 = tpu.vector_load %arg7[%swap3A_965, %swap3A_966] {strides = array<i32>} : memref<128x32xf32, #tpu.memory_space<vmem>>, vector<1x16xf32>,
      %swap3A_968 = vector.shape_cast %swap3A_967 : vector<1x16xf32> to vector<16xf32>
      %swap3A_969 = vector.shape_cast %add3A_964 : vector<16xf32> to vector<1x16xf32>
      tpu.vector_store %arg7[%swap3A_965, %swap3A_966], %swap3A_969 {strides = array<i32>} : memref<128x32xf32, #tpu.memory_space<vmem>>, vector<1x16xf32>,
      %add3A_970 = arith.constant 5 : i32
      %add3A_971 = arith.addi %mul3A_571, %add3A_970 : i32
      %add3A_972 = arith.constant 8 : i32
      %add3A_973 = arith.addi %add3A_971, %add3A_972 : i32
      %dma_start3A_974 = arith.constant 0 : i32
      %dma_start3A_975 = arith.constant 5 : i32
      %dma_start3A_976 = arith.constant 5 : i32
      %dma_start3A_977 = arith.constant 0 : i32
      %dma_start3A_978 = arith.constant 0 : i32
      %dma_start3A_979 = tpu.memref_slice %arg6[%dma_start3A_975, %dma_start3A_977, %dma_start3A_978] : memref<8x200x32xf32, #tpu.memory_space<vmem>> -> memref<1x128x32xf32, #tpu.memory_space<vmem>>
      %dma_start3A_980 = tpu.memref_squeeze %dma_start3A_979 : memref<1x128x32xf32, #tpu.memory_space<vmem>> -> memref<128x32xf32, #tpu.memory_space<vmem>>
      %dma_start3A_981 = arith.constant 0 : i32
      %dma_start3A_982 = tpu.memref_slice %arg5[%dma_start3A_974, %add3A_973, %dma_start3A_981] : memref<2x128x128xi32, #tpu.memory_space<vmem>> -> memref<1x1x128xi32, #tpu.memory_space<vmem>>
      %dma_start3A_983 = tpu.memref_squeeze %dma_start3A_982 : memref<1x1x128xi32, #tpu.memory_space<vmem>> -> memref<128xi32, #tpu.memory_space<vmem>>
      %dma_start3A_984 = arith.constant 0 : i32
      %dma_start3A_985 = arith.constant 0 : i32
      %dma_start3A_986 = tpu.memref_slice %arg3[%dma_start3A_984, %dma_start3A_985] : memref<1048576x32xf32, #tpu.memory_space<hbm>> -> memref<1048576x32xf32, #tpu.memory_space<hbm>>
      %dma_start3A_987 = tpu.memref_slice %arg8[%dma_start3A_976] : memref<8x!tpu.dma_semaphore, #tpu.memory_space<semaphore_mem>> -> memref<1x!tpu.dma_semaphore, #tpu.memory_space<semaphore_mem>>
      %dma_start3A_988 = tpu.memref_squeeze %dma_start3A_987 : memref<1x!tpu.dma_semaphore, #tpu.memory_space<semaphore_mem>> -> memref<!tpu.dma_semaphore, #tpu.memory_space<semaphore_mem>>
      tpu.enqueue_indirect_dma source(%dma_start3A_986 : memref<1048576x32xf32, #tpu.memory_space<hbm>>) target(%dma_start3A_980 : memref<128x32xf32, #tpu.memory_space<vmem>>) offsets(%dma_start3A_983 : memref<128xi32, #tpu.memory_space<vmem>>) semaphore(%dma_start3A_988 : memref<!tpu.dma_semaphore, #tpu.memory_space<semaphore_mem>>)
      %dma_start3A_989 = arith.constant 1 : i32
      %dma_start3A_990 = arith.constant 5 : i32
      %dma_start3A_991 = arith.constant 5 : i32
      %dma_start3A_992 = arith.constant 128 : i32
      %dma_start3A_993 = arith.constant 0 : i32
      %dma_start3A_994 = tpu.memref_slice %arg6[%dma_start3A_990, %dma_start3A_992, %dma_start3A_993] : memref<8x200x32xf32, #tpu.memory_space<vmem>> -> memref<1x72x32xf32, #tpu.memory_space<vmem>>
      %dma_start3A_995 = tpu.memref_squeeze %dma_start3A_994 : memref<1x72x32xf32, #tpu.memory_space<vmem>> -> memref<72x32xf32, #tpu.memory_space<vmem>>
      %dma_start3A_996 = arith.constant 0 : i32
      %dma_start3A_997 = tpu.memref_slice %arg5[%dma_start3A_989, %add3A_973, %dma_start3A_996] : memref<2x128x128xi32, #tpu.memory_space<vmem>> -> memref<1x1x72xi32, #tpu.memory_space<vmem>>
      %dma_start3A_998 = tpu.memref_squeeze %dma_start3A_997 : memref<1x1x72xi32, #tpu.memory_space<vmem>> -> memref<72xi32, #tpu.memory_space<vmem>>
      %dma_start3A_999 = arith.constant 0 : i32
      %dma_start3A_1000 = arith.constant 0 : i32
      %dma_start3A_1001 = tpu.memref_slice %arg3[%dma_start3A_999, %dma_start3A_1000] : memref<1048576x32xf32, #tpu.memory_space<hbm>> -> memref<1048576x32xf32, #tpu.memory_space<hbm>>
      %dma_start3A_1002 = tpu.memref_slice %arg8[%dma_start3A_991] : memref<8x!tpu.dma_semaphore, #tpu.memory_space<semaphore_mem>> -> memref<1x!tpu.dma_semaphore, #tpu.memory_space<semaphore_mem>>
      %dma_start3A_1003 = tpu.memref_squeeze %dma_start3A_1002 : memref<1x!tpu.dma_semaphore, #tpu.memory_space<semaphore_mem>> -> memref<!tpu.dma_semaphore, #tpu.memory_space<semaphore_mem>>
      tpu.enqueue_indirect_dma source(%dma_start3A_1001 : memref<1048576x32xf32, #tpu.memory_space<hbm>>) target(%dma_start3A_995 : memref<72x32xf32, #tpu.memory_space<vmem>>) offsets(%dma_start3A_998 : memref<72xi32, #tpu.memory_space<vmem>>) semaphore(%dma_start3A_1003 : memref<!tpu.dma_semaphore, #tpu.memory_space<semaphore_mem>>)
      %dma_wait3A_1004 = arith.constant 6 : i32
      %dma_wait3A_1005 = arith.constant 6 : i32
      %dma_wait3A_1006 = arith.constant 0 : i32
      %dma_wait3A_1007 = arith.constant 0 : i32
      %dma_wait3A_1008 = tpu.memref_slice %arg6[%dma_wait3A_1004, %dma_wait3A_1006, %dma_wait3A_1007] : memref<8x200x32xf32, #tpu.memory_space<vmem>> -> memref<1x200x32xf32, #tpu.memory_space<vmem>>
      %dma_wait3A_1009 = tpu.memref_squeeze %dma_wait3A_1008 : memref<1x200x32xf32, #tpu.memory_space<vmem>> -> memref<200x32xf32, #tpu.memory_space<vmem>>
      %dma_wait3A_1010 = arith.constant 0 : i32
      %dma_wait3A_1011 = arith.constant 0 : i32
      %dma_wait3A_1012 = tpu.memref_slice %arg3[%dma_wait3A_1010, %dma_wait3A_1011] : memref<1048576x32xf32, #tpu.memory_space<hbm>> -> memref<200x32xf32, #tpu.memory_space<hbm>>
      %dma_wait3A_1013 = tpu.memref_slice %arg8[%dma_wait3A_1005] : memref<8x!tpu.dma_semaphore, #tpu.memory_space<semaphore_mem>> -> memref<1x!tpu.dma_semaphore, #tpu.memory_space<semaphore_mem>>
      %dma_wait3A_1014 = tpu.memref_squeeze %dma_wait3A_1013 : memref<1x!tpu.dma_semaphore, #tpu.memory_space<semaphore_mem>> -> memref<!tpu.dma_semaphore, #tpu.memory_space<semaphore_mem>>
      %dma_wait3A_1015 = arith.constant 0 : i32
      %dma_wait3A_1016 = arith.constant 0 : i32
      %dma_wait3A_1017 = tpu.memref_slice %arg6[%dma_wait3A_1004, %dma_wait3A_1015, %dma_wait3A_1016] : memref<8x200x32xf32, #tpu.memory_space<vmem>> -> memref<1x200x32xf32, #tpu.memory_space<vmem>>
      %dma_wait3A_1018 = tpu.memref_squeeze %dma_wait3A_1017 : memref<1x200x32xf32, #tpu.memory_space<vmem>> -> memref<200x32xf32, #tpu.memory_space<vmem>>
      %dma_wait3A_1019 = arith.constant 0 : i32
      %dma_wait3A_1020 = arith.constant 0 : i32
      %dma_wait3A_1021 = tpu.memref_slice %arg3[%dma_wait3A_1019, %dma_wait3A_1020] : memref<1048576x32xf32, #tpu.memory_space<hbm>> -> memref<200x32xf32, #tpu.memory_space<hbm>>
      tpu.wait_dma2 semaphore(%dma_wait3A_1014 : memref<!tpu.dma_semaphore, #tpu.memory_space<semaphore_mem>>) src(%dma_wait3A_1021 : memref<200x32xf32, #tpu.memory_space<hbm>>) dst(%dma_wait3A_1018 : memref<200x32xf32, #tpu.memory_space<vmem>>)
      %add3A_1022 = arith.constant 6 : i32
      %add3A_1023 = arith.addi %mul3A_571, %add3A_1022 : i32
      %scan3A_1024 = arith.constant 0 : i32
      %scan3A_1025 = arith.constant 20 : i32
      %scan3A_1026 = arith.addi %scan3A_1024, %scan3A_1025 : i32
      %scan3A_1027 = arith.constant 1 : i32
      %scan3A_1028:4 = scf.for %scan3A_1148 = %scan3A_1024 to %scan3A_1026 step %scan3A_1027 iter_args(%scan3A_1149 = %broadcast_in_dim3A_6, %scan3A_1150 = %broadcast_in_dim3A_6, %scan3A_1151 = %broadcast_in_dim3A_6, %scan3A_1152 = %broadcast_in_dim3A_6) -> (vector<16xf32>, vector<16xf32>, vector<16xf32>, vector<16xf32>)  : i32 {
        %mul3A_1153 = arith.constant 10 : i32
        %mul3A_1154 = arith.muli %scan3A_1148, %mul3A_1153 : i32
        %add3A_1155 = arith.constant 0 : i32
        %add3A_1156 = arith.addi %mul3A_1154, %add3A_1155 : i32
        %get3A = arith.constant 6 : i32
        %get3A_1157 = arith.index_cast %get3A : i32 to index
        %get3A_1158 = arith.index_cast %add3A_1156 : i32 to index
        %get3A_1159 = arith.constant 0 : index
        %get3A_1160 = tpu.vector_load %arg6[%get3A_1157, %get3A_1158, %get3A_1159] {strides = array<i32>} : memref<8x200x32xf32, #tpu.memory_space<vmem>>, vector<1x1x16xf32>,
        %get3A_1161 = vector.shape_cast %get3A_1160 : vector<1x1x16xf32> to vector<16xf32>
        %add3A_1162 = arith.addf %scan3A_1149, %get3A_1161 : vector<16xf32>
        %add3A_1163 = arith.constant 0 : i32
        %add3A_1164 = arith.addi %mul3A_1154, %add3A_1163 : i32
        %get3A_1165 = arith.constant 6 : i32
        %get3A_1166 = arith.index_cast %get3A_1165 : i32 to index
        %get3A_1167 = arith.index_cast %add3A_1164 : i32 to index
        %get3A_1168 = arith.constant 16 : index
        %get3A_1169 = tpu.vector_load %arg6[%get3A_1166, %get3A_1167, %get3A_1168] {strides = array<i32>} : memref<8x200x32xf32, #tpu.memory_space<vmem>>, vector<1x1x16xf32>,
        %get3A_1170 = vector.shape_cast %get3A_1169 : vector<1x1x16xf32> to vector<16xf32>
        %add3A_1171 = arith.addf %scan3A_1151, %get3A_1170 : vector<16xf32>
        %add3A_1172 = arith.constant 0 : i32
        %add3A_1173 = arith.addi %mul3A_1154, %add3A_1172 : i32
        %add3A_1174 = arith.constant 1 : i32
        %add3A_1175 = arith.addi %add3A_1173, %add3A_1174 : i32
        %get3A_1176 = arith.constant 6 : i32
        %get3A_1177 = arith.index_cast %get3A_1176 : i32 to index
        %get3A_1178 = arith.index_cast %add3A_1175 : i32 to index
        %get3A_1179 = arith.constant 0 : index
        %get3A_1180 = tpu.vector_load %arg6[%get3A_1177, %get3A_1178, %get3A_1179] {strides = array<i32>} : memref<8x200x32xf32, #tpu.memory_space<vmem>>, vector<1x1x16xf32>,
        %get3A_1181 = vector.shape_cast %get3A_1180 : vector<1x1x16xf32> to vector<16xf32>
        %add3A_1182 = arith.addf %scan3A_1150, %get3A_1181 : vector<16xf32>
        %add3A_1183 = arith.constant 0 : i32
        %add3A_1184 = arith.addi %mul3A_1154, %add3A_1183 : i32
        %add3A_1185 = arith.constant 1 : i32
        %add3A_1186 = arith.addi %add3A_1184, %add3A_1185 : i32
        %get3A_1187 = arith.constant 6 : i32
        %get3A_1188 = arith.index_cast %get3A_1187 : i32 to index
        %get3A_1189 = arith.index_cast %add3A_1186 : i32 to index
        %get3A_1190 = arith.constant 16 : index
        %get3A_1191 = tpu.vector_load %arg6[%get3A_1188, %get3A_1189, %get3A_1190] {strides = array<i32>} : memref<8x200x32xf32, #tpu.memory_space<vmem>>, vector<1x1x16xf32>,
        %get3A_1192 = vector.shape_cast %get3A_1191 : vector<1x1x16xf32> to vector<16xf32>
        %add3A_1193 = arith.addf %scan3A_1152, %get3A_1192 : vector<16xf32>
        %add3A_1194 = arith.constant 2 : i32
        %add3A_1195 = arith.addi %mul3A_1154, %add3A_1194 : i32
        %get3A_1196 = arith.constant 6 : i32
        %get3A_1197 = arith.index_cast %get3A_1196 : i32 to index
        %get3A_1198 = arith.index_cast %add3A_1195 : i32 to index
        %get3A_1199 = arith.constant 0 : index
        %get3A_1200 = tpu.vector_load %arg6[%get3A_1197, %get3A_1198, %get3A_1199] {strides = array<i32>} : memref<8x200x32xf32, #tpu.memory_space<vmem>>, vector<1x1x16xf32>,
        %get3A_1201 = vector.shape_cast %get3A_1200 : vector<1x1x16xf32> to vector<16xf32>
        %add3A_1202 = arith.addf %add3A_1162, %get3A_1201 : vector<16xf32>
        %add3A_1203 = arith.constant 2 : i32
        %add3A_1204 = arith.addi %mul3A_1154, %add3A_1203 : i32
        %get3A_1205 = arith.constant 6 : i32
        %get3A_1206 = arith.index_cast %get3A_1205 : i32 to index
        %get3A_1207 = arith.index_cast %add3A_1204 : i32 to index
        %get3A_1208 = arith.constant 16 : index
        %get3A_1209 = tpu.vector_load %arg6[%get3A_1206, %get3A_1207, %get3A_1208] {strides = array<i32>} : memref<8x200x32xf32, #tpu.memory_space<vmem>>, vector<1x1x16xf32>,
        %get3A_1210 = vector.shape_cast %get3A_1209 : vector<1x1x16xf32> to vector<16xf32>
        %add3A_1211 = arith.addf %add3A_1171, %get3A_1210 : vector<16xf32>
        %add3A_1212 = arith.constant 2 : i32
        %add3A_1213 = arith.addi %mul3A_1154, %add3A_1212 : i32
        %add3A_1214 = arith.constant 1 : i32
        %add3A_1215 = arith.addi %add3A_1213, %add3A_1214 : i32
        %get3A_1216 = arith.constant 6 : i32
        %get3A_1217 = arith.index_cast %get3A_1216 : i32 to index
        %get3A_1218 = arith.index_cast %add3A_1215 : i32 to index
        %get3A_1219 = arith.constant 0 : index
        %get3A_1220 = tpu.vector_load %arg6[%get3A_1217, %get3A_1218, %get3A_1219] {strides = array<i32>} : memref<8x200x32xf32, #tpu.memory_space<vmem>>, vector<1x1x16xf32>,
        %get3A_1221 = vector.shape_cast %get3A_1220 : vector<1x1x16xf32> to vector<16xf32>
        %add3A_1222 = arith.addf %add3A_1182, %get3A_1221 : vector<16xf32>
        %add3A_1223 = arith.constant 2 : i32
        %add3A_1224 = arith.addi %mul3A_1154, %add3A_1223 : i32
        %add3A_1225 = arith.constant 1 : i32
        %add3A_1226 = arith.addi %add3A_1224, %add3A_1225 : i32
        %get3A_1227 = arith.constant 6 : i32
        %get3A_1228 = arith.index_cast %get3A_1227 : i32 to index
        %get3A_1229 = arith.index_cast %add3A_1226 : i32 to index
        %get3A_1230 = arith.constant 16 : index
        %get3A_1231 = tpu.vector_load %arg6[%get3A_1228, %get3A_1229, %get3A_1230] {strides = array<i32>} : memref<8x200x32xf32, #tpu.memory_space<vmem>>, vector<1x1x16xf32>,
        %get3A_1232 = vector.shape_cast %get3A_1231 : vector<1x1x16xf32> to vector<16xf32>
        %add3A_1233 = arith.addf %add3A_1193, %get3A_1232 : vector<16xf32>
        %add3A_1234 = arith.constant 4 : i32
        %add3A_1235 = arith.addi %mul3A_1154, %add3A_1234 : i32
        %get3A_1236 = arith.constant 6 : i32
        %get3A_1237 = arith.index_cast %get3A_1236 : i32 to index
        %get3A_1238 = arith.index_cast %add3A_1235 : i32 to index
        %get3A_1239 = arith.constant 0 : index
        %get3A_1240 = tpu.vector_load %arg6[%get3A_1237, %get3A_1238, %get3A_1239] {strides = array<i32>} : memref<8x200x32xf32, #tpu.memory_space<vmem>>, vector<1x1x16xf32>,
        %get3A_1241 = vector.shape_cast %get3A_1240 : vector<1x1x16xf32> to vector<16xf32>
        %add3A_1242 = arith.addf %add3A_1202, %get3A_1241 : vector<16xf32>
        %add3A_1243 = arith.constant 4 : i32
        %add3A_1244 = arith.addi %mul3A_1154, %add3A_1243 : i32
        %get3A_1245 = arith.constant 6 : i32
        %get3A_1246 = arith.index_cast %get3A_1245 : i32 to index
        %get3A_1247 = arith.index_cast %add3A_1244 : i32 to index
        %get3A_1248 = arith.constant 16 : index
        %get3A_1249 = tpu.vector_load %arg6[%get3A_1246, %get3A_1247, %get3A_1248] {strides = array<i32>} : memref<8x200x32xf32, #tpu.memory_space<vmem>>, vector<1x1x16xf32>,
        %get3A_1250 = vector.shape_cast %get3A_1249 : vector<1x1x16xf32> to vector<16xf32>
        %add3A_1251 = arith.addf %add3A_1211, %get3A_1250 : vector<16xf32>
        %add3A_1252 = arith.constant 4 : i32
        %add3A_1253 = arith.addi %mul3A_1154, %add3A_1252 : i32
        %add3A_1254 = arith.constant 1 : i32
        %add3A_1255 = arith.addi %add3A_1253, %add3A_1254 : i32
        %get3A_1256 = arith.constant 6 : i32
        %get3A_1257 = arith.index_cast %get3A_1256 : i32 to index
        %get3A_1258 = arith.index_cast %add3A_1255 : i32 to index
        %get3A_1259 = arith.constant 0 : index
        %get3A_1260 = tpu.vector_load %arg6[%get3A_1257, %get3A_1258, %get3A_1259] {strides = array<i32>} : memref<8x200x32xf32, #tpu.memory_space<vmem>>, vector<1x1x16xf32>,
        %get3A_1261 = vector.shape_cast %get3A_1260 : vector<1x1x16xf32> to vector<16xf32>
        %add3A_1262 = arith.addf %add3A_1222, %get3A_1261 : vector<16xf32>
        %add3A_1263 = arith.constant 4 : i32
        %add3A_1264 = arith.addi %mul3A_1154, %add3A_1263 : i32
        %add3A_1265 = arith.constant 1 : i32
        %add3A_1266 = arith.addi %add3A_1264, %add3A_1265 : i32
        %get3A_1267 = arith.constant 6 : i32
        %get3A_1268 = arith.index_cast %get3A_1267 : i32 to index
        %get3A_1269 = arith.index_cast %add3A_1266 : i32 to index
        %get3A_1270 = arith.constant 16 : index
        %get3A_1271 = tpu.vector_load %arg6[%get3A_1268, %get3A_1269, %get3A_1270] {strides = array<i32>} : memref<8x200x32xf32, #tpu.memory_space<vmem>>, vector<1x1x16xf32>,
        %get3A_1272 = vector.shape_cast %get3A_1271 : vector<1x1x16xf32> to vector<16xf32>
        %add3A_1273 = arith.addf %add3A_1233, %get3A_1272 : vector<16xf32>
        %add3A_1274 = arith.constant 6 : i32
        %add3A_1275 = arith.addi %mul3A_1154, %add3A_1274 : i32
        %get3A_1276 = arith.constant 6 : i32
        %get3A_1277 = arith.index_cast %get3A_1276 : i32 to index
        %get3A_1278 = arith.index_cast %add3A_1275 : i32 to index
        %get3A_1279 = arith.constant 0 : index
        %get3A_1280 = tpu.vector_load %arg6[%get3A_1277, %get3A_1278, %get3A_1279] {strides = array<i32>} : memref<8x200x32xf32, #tpu.memory_space<vmem>>, vector<1x1x16xf32>,
        %get3A_1281 = vector.shape_cast %get3A_1280 : vector<1x1x16xf32> to vector<16xf32>
        %add3A_1282 = arith.addf %add3A_1242, %get3A_1281 : vector<16xf32>
        %add3A_1283 = arith.constant 6 : i32
        %add3A_1284 = arith.addi %mul3A_1154, %add3A_1283 : i32
        %get3A_1285 = arith.constant 6 : i32
        %get3A_1286 = arith.index_cast %get3A_1285 : i32 to index
        %get3A_1287 = arith.index_cast %add3A_1284 : i32 to index
        %get3A_1288 = arith.constant 16 : index
        %get3A_1289 = tpu.vector_load %arg6[%get3A_1286, %get3A_1287, %get3A_1288] {strides = array<i32>} : memref<8x200x32xf32, #tpu.memory_space<vmem>>, vector<1x1x16xf32>,
        %get3A_1290 = vector.shape_cast %get3A_1289 : vector<1x1x16xf32> to vector<16xf32>
        %add3A_1291 = arith.addf %add3A_1251, %get3A_1290 : vector<16xf32>
        %add3A_1292 = arith.constant 6 : i32
        %add3A_1293 = arith.addi %mul3A_1154, %add3A_1292 : i32
        %add3A_1294 = arith.constant 1 : i32
        %add3A_1295 = arith.addi %add3A_1293, %add3A_1294 : i32
        %get3A_1296 = arith.constant 6 : i32
        %get3A_1297 = arith.index_cast %get3A_1296 : i32 to index
        %get3A_1298 = arith.index_cast %add3A_1295 : i32 to index
        %get3A_1299 = arith.constant 0 : index
        %get3A_1300 = tpu.vector_load %arg6[%get3A_1297, %get3A_1298, %get3A_1299] {strides = array<i32>} : memref<8x200x32xf32, #tpu.memory_space<vmem>>, vector<1x1x16xf32>,
        %get3A_1301 = vector.shape_cast %get3A_1300 : vector<1x1x16xf32> to vector<16xf32>
        %add3A_1302 = arith.addf %add3A_1262, %get3A_1301 : vector<16xf32>
        %add3A_1303 = arith.constant 6 : i32
        %add3A_1304 = arith.addi %mul3A_1154, %add3A_1303 : i32
        %add3A_1305 = arith.constant 1 : i32
        %add3A_1306 = arith.addi %add3A_1304, %add3A_1305 : i32
        %get3A_1307 = arith.constant 6 : i32
        %get3A_1308 = arith.index_cast %get3A_1307 : i32 to index
        %get3A_1309 = arith.index_cast %add3A_1306 : i32 to index
        %get3A_1310 = arith.constant 16 : index
        %get3A_1311 = tpu.vector_load %arg6[%get3A_1308, %get3A_1309, %get3A_1310] {strides = array<i32>} : memref<8x200x32xf32, #tpu.memory_space<vmem>>, vector<1x1x16xf32>,
        %get3A_1312 = vector.shape_cast %get3A_1311 : vector<1x1x16xf32> to vector<16xf32>
        %add3A_1313 = arith.addf %add3A_1273, %get3A_1312 : vector<16xf32>
        %add3A_1314 = arith.constant 8 : i32
        %add3A_1315 = arith.addi %mul3A_1154, %add3A_1314 : i32
        %get3A_1316 = arith.constant 6 : i32
        %get3A_1317 = arith.index_cast %get3A_1316 : i32 to index
        %get3A_1318 = arith.index_cast %add3A_1315 : i32 to index
        %get3A_1319 = arith.constant 0 : index
        %get3A_1320 = tpu.vector_load %arg6[%get3A_1317, %get3A_1318, %get3A_1319] {strides = array<i32>} : memref<8x200x32xf32, #tpu.memory_space<vmem>>, vector<1x1x16xf32>,
        %get3A_1321 = vector.shape_cast %get3A_1320 : vector<1x1x16xf32> to vector<16xf32>
        %add3A_1322 = arith.addf %add3A_1282, %get3A_1321 : vector<16xf32>
        %add3A_1323 = arith.constant 8 : i32
        %add3A_1324 = arith.addi %mul3A_1154, %add3A_1323 : i32
        %get3A_1325 = arith.constant 6 : i32
        %get3A_1326 = arith.index_cast %get3A_1325 : i32 to index
        %get3A_1327 = arith.index_cast %add3A_1324 : i32 to index
        %get3A_1328 = arith.constant 16 : index
        %get3A_1329 = tpu.vector_load %arg6[%get3A_1326, %get3A_1327, %get3A_1328] {strides = array<i32>} : memref<8x200x32xf32, #tpu.memory_space<vmem>>, vector<1x1x16xf32>,
        %get3A_1330 = vector.shape_cast %get3A_1329 : vector<1x1x16xf32> to vector<16xf32>
        %add3A_1331 = arith.addf %add3A_1291, %get3A_1330 : vector<16xf32>
        %add3A_1332 = arith.constant 8 : i32
        %add3A_1333 = arith.addi %mul3A_1154, %add3A_1332 : i32
        %add3A_1334 = arith.constant 1 : i32
        %add3A_1335 = arith.addi %add3A_1333, %add3A_1334 : i32
        %get3A_1336 = arith.constant 6 : i32
        %get3A_1337 = arith.index_cast %get3A_1336 : i32 to index
        %get3A_1338 = arith.index_cast %add3A_1335 : i32 to index
        %get3A_1339 = arith.constant 0 : index
        %get3A_1340 = tpu.vector_load %arg6[%get3A_1337, %get3A_1338, %get3A_1339] {strides = array<i32>} : memref<8x200x32xf32, #tpu.memory_space<vmem>>, vector<1x1x16xf32>,
        %get3A_1341 = vector.shape_cast %get3A_1340 : vector<1x1x16xf32> to vector<16xf32>
        %add3A_1342 = arith.addf %add3A_1302, %get3A_1341 : vector<16xf32>
        %add3A_1343 = arith.constant 8 : i32
        %add3A_1344 = arith.addi %mul3A_1154, %add3A_1343 : i32
        %add3A_1345 = arith.constant 1 : i32
        %add3A_1346 = arith.addi %add3A_1344, %add3A_1345 : i32
        %get3A_1347 = arith.constant 6 : i32
        %get3A_1348 = arith.index_cast %get3A_1347 : i32 to index
        %get3A_1349 = arith.index_cast %add3A_1346 : i32 to index
        %get3A_1350 = arith.constant 16 : index
        %get3A_1351 = tpu.vector_load %arg6[%get3A_1348, %get3A_1349, %get3A_1350] {strides = array<i32>} : memref<8x200x32xf32, #tpu.memory_space<vmem>>, vector<1x1x16xf32>,
        %get3A_1352 = vector.shape_cast %get3A_1351 : vector<1x1x16xf32> to vector<16xf32>
        %add3A_1353 = arith.addf %add3A_1313, %get3A_1352 : vector<16xf32>
        scf.yield %add3A_1322, %add3A_1342, %add3A_1331, %add3A_1353 : vector<16xf32>, vector<16xf32>, vector<16xf32>, vector<16xf32>
      }
      %scan3A_1029 = arith.constant 20 : i32
      %add3A_1030 = arith.addf %scan3A_1028#0, %scan3A_1028#1 : vector<16xf32>
      %swap3A_1031 = arith.index_cast %add3A_1023 : i32 to index
      %swap3A_1032 = arith.constant 0 : index
      %swap3A_1033 = tpu.vector_load %arg7[%swap3A_1031, %swap3A_1032] {strides = array<i32>} : memref<128x32xf32, #tpu.memory_space<vmem>>, vector<1x16xf32>,
      %swap3A_1034 = vector.shape_cast %swap3A_1033 : vector<1x16xf32> to vector<16xf32>
      %swap3A_1035 = vector.shape_cast %add3A_1030 : vector<16xf32> to vector<1x16xf32>
      tpu.vector_store %arg7[%swap3A_1031, %swap3A_1032], %swap3A_1035 {strides = array<i32>} : memref<128x32xf32, #tpu.memory_space<vmem>>, vector<1x16xf32>,
      %add3A_1036 = arith.addf %scan3A_1028#2, %scan3A_1028#3 : vector<16xf32>
      %swap3A_1037 = arith.index_cast %add3A_1023 : i32 to index
      %swap3A_1038 = arith.constant 16 : index
      %swap3A_1039 = tpu.vector_load %arg7[%swap3A_1037, %swap3A_1038] {strides = array<i32>} : memref<128x32xf32, #tpu.memory_space<vmem>>, vector<1x16xf32>,
      %swap3A_1040 = vector.shape_cast %swap3A_1039 : vector<1x16xf32> to vector<16xf32>
      %swap3A_1041 = vector.shape_cast %add3A_1036 : vector<16xf32> to vector<1x16xf32>
      tpu.vector_store %arg7[%swap3A_1037, %swap3A_1038], %swap3A_1041 {strides = array<i32>} : memref<128x32xf32, #tpu.memory_space<vmem>>, vector<1x16xf32>,
      %add3A_1042 = arith.constant 6 : i32
      %add3A_1043 = arith.addi %mul3A_571, %add3A_1042 : i32
      %add3A_1044 = arith.constant 8 : i32
      %add3A_1045 = arith.addi %add3A_1043, %add3A_1044 : i32
      %dma_start3A_1046 = arith.constant 0 : i32
      %dma_start3A_1047 = arith.constant 6 : i32
      %dma_start3A_1048 = arith.constant 6 : i32
      %dma_start3A_1049 = arith.constant 0 : i32
      %dma_start3A_1050 = arith.constant 0 : i32
      %dma_start3A_1051 = tpu.memref_slice %arg6[%dma_start3A_1047, %dma_start3A_1049, %dma_start3A_1050] : memref<8x200x32xf32, #tpu.memory_space<vmem>> -> memref<1x128x32xf32, #tpu.memory_space<vmem>>
      %dma_start3A_1052 = tpu.memref_squeeze %dma_start3A_1051 : memref<1x128x32xf32, #tpu.memory_space<vmem>> -> memref<128x32xf32, #tpu.memory_space<vmem>>
      %dma_start3A_1053 = arith.constant 0 : i32
      %dma_start3A_1054 = tpu.memref_slice %arg5[%dma_start3A_1046, %add3A_1045, %dma_start3A_1053] : memref<2x128x128xi32, #tpu.memory_space<vmem>> -> memref<1x1x128xi32, #tpu.memory_space<vmem>>
      %dma_start3A_1055 = tpu.memref_squeeze %dma_start3A_1054 : memref<1x1x128xi32, #tpu.memory_space<vmem>> -> memref<128xi32, #tpu.memory_space<vmem>>
      %dma_start3A_1056 = arith.constant 0 : i32
      %dma_start3A_1057 = arith.constant 0 : i32
      %dma_start3A_1058 = tpu.memref_slice %arg3[%dma_start3A_1056, %dma_start3A_1057] : memref<1048576x32xf32, #tpu.memory_space<hbm>> -> memref<1048576x32xf32, #tpu.memory_space<hbm>>
      %dma_start3A_1059 = tpu.memref_slice %arg8[%dma_start3A_1048] : memref<8x!tpu.dma_semaphore, #tpu.memory_space<semaphore_mem>> -> memref<1x!tpu.dma_semaphore, #tpu.memory_space<semaphore_mem>>
      %dma_start3A_1060 = tpu.memref_squeeze %dma_start3A_1059 : memref<1x!tpu.dma_semaphore, #tpu.memory_space<semaphore_mem>> -> memref<!tpu.dma_semaphore, #tpu.memory_space<semaphore_mem>>
      tpu.enqueue_indirect_dma source(%dma_start3A_1058 : memref<1048576x32xf32, #tpu.memory_space<hbm>>) target(%dma_start3A_1052 : memref<128x32xf32, #tpu.memory_space<vmem>>) offsets(%dma_start3A_1055 : memref<128xi32, #tpu.memory_space<vmem>>) semaphore(%dma_start3A_1060 : memref<!tpu.dma_semaphore, #tpu.memory_space<semaphore_mem>>)
      %dma_start3A_1061 = arith.constant 1 : i32
      %dma_start3A_1062 = arith.constant 6 : i32
      %dma_start3A_1063 = arith.constant 6 : i32
      %dma_start3A_1064 = arith.constant 128 : i32
      %dma_start3A_1065 = arith.constant 0 : i32
      %dma_start3A_1066 = tpu.memref_slice %arg6[%dma_start3A_1062, %dma_start3A_1064, %dma_start3A_1065] : memref<8x200x32xf32, #tpu.memory_space<vmem>> -> memref<1x72x32xf32, #tpu.memory_space<vmem>>
      %dma_start3A_1067 = tpu.memref_squeeze %dma_start3A_1066 : memref<1x72x32xf32, #tpu.memory_space<vmem>> -> memref<72x32xf32, #tpu.memory_space<vmem>>
      %dma_start3A_1068 = arith.constant 0 : i32
      %dma_start3A_1069 = tpu.memref_slice %arg5[%dma_start3A_1061, %add3A_1045, %dma_start3A_1068] : memref<2x128x128xi32, #tpu.memory_space<vmem>> -> memref<1x1x72xi32, #tpu.memory_space<vmem>>
      %dma_start3A_1070 = tpu.memref_squeeze %dma_start3A_1069 : memref<1x1x72xi32, #tpu.memory_space<vmem>> -> memref<72xi32, #tpu.memory_space<vmem>>
      %dma_start3A_1071 = arith.constant 0 : i32
      %dma_start3A_1072 = arith.constant 0 : i32
      %dma_start3A_1073 = tpu.memref_slice %arg3[%dma_start3A_1071, %dma_start3A_1072] : memref<1048576x32xf32, #tpu.memory_space<hbm>> -> memref<1048576x32xf32, #tpu.memory_space<hbm>>
      %dma_start3A_1074 = tpu.memref_slice %arg8[%dma_start3A_1063] : memref<8x!tpu.dma_semaphore, #tpu.memory_space<semaphore_mem>> -> memref<1x!tpu.dma_semaphore, #tpu.memory_space<semaphore_mem>>
      %dma_start3A_1075 = tpu.memref_squeeze %dma_start3A_1074 : memref<1x!tpu.dma_semaphore, #tpu.memory_space<semaphore_mem>> -> memref<!tpu.dma_semaphore, #tpu.memory_space<semaphore_mem>>
      tpu.enqueue_indirect_dma source(%dma_start3A_1073 : memref<1048576x32xf32, #tpu.memory_space<hbm>>) target(%dma_start3A_1067 : memref<72x32xf32, #tpu.memory_space<vmem>>) offsets(%dma_start3A_1070 : memref<72xi32, #tpu.memory_space<vmem>>) semaphore(%dma_start3A_1075 : memref<!tpu.dma_semaphore, #tpu.memory_space<semaphore_mem>>)
      %dma_wait3A_1076 = arith.constant 7 : i32
      %dma_wait3A_1077 = arith.constant 7 : i32
      %dma_wait3A_1078 = arith.constant 0 : i32
      %dma_wait3A_1079 = arith.constant 0 : i32
      %dma_wait3A_1080 = tpu.memref_slice %arg6[%dma_wait3A_1076, %dma_wait3A_1078, %dma_wait3A_1079] : memref<8x200x32xf32, #tpu.memory_space<vmem>> -> memref<1x200x32xf32, #tpu.memory_space<vmem>>
      %dma_wait3A_1081 = tpu.memref_squeeze %dma_wait3A_1080 : memref<1x200x32xf32, #tpu.memory_space<vmem>> -> memref<200x32xf32, #tpu.memory_space<vmem>>
      %dma_wait3A_1082 = arith.constant 0 : i32
      %dma_wait3A_1083 = arith.constant 0 : i32
      %dma_wait3A_1084 = tpu.memref_slice %arg3[%dma_wait3A_1082, %dma_wait3A_1083] : memref<1048576x32xf32, #tpu.memory_space<hbm>> -> memref<200x32xf32, #tpu.memory_space<hbm>>
      %dma_wait3A_1085 = tpu.memref_slice %arg8[%dma_wait3A_1077] : memref<8x!tpu.dma_semaphore, #tpu.memory_space<semaphore_mem>> -> memref<1x!tpu.dma_semaphore, #tpu.memory_space<semaphore_mem>>
      %dma_wait3A_1086 = tpu.memref_squeeze %dma_wait3A_1085 : memref<1x!tpu.dma_semaphore, #tpu.memory_space<semaphore_mem>> -> memref<!tpu.dma_semaphore, #tpu.memory_space<semaphore_mem>>
      %dma_wait3A_1087 = arith.constant 0 : i32
      %dma_wait3A_1088 = arith.constant 0 : i32
      %dma_wait3A_1089 = tpu.memref_slice %arg6[%dma_wait3A_1076, %dma_wait3A_1087, %dma_wait3A_1088] : memref<8x200x32xf32, #tpu.memory_space<vmem>> -> memref<1x200x32xf32, #tpu.memory_space<vmem>>
      %dma_wait3A_1090 = tpu.memref_squeeze %dma_wait3A_1089 : memref<1x200x32xf32, #tpu.memory_space<vmem>> -> memref<200x32xf32, #tpu.memory_space<vmem>>
      %dma_wait3A_1091 = arith.constant 0 : i32
      %dma_wait3A_1092 = arith.constant 0 : i32
      %dma_wait3A_1093 = tpu.memref_slice %arg3[%dma_wait3A_1091, %dma_wait3A_1092] : memref<1048576x32xf32, #tpu.memory_space<hbm>> -> memref<200x32xf32, #tpu.memory_space<hbm>>
      tpu.wait_dma2 semaphore(%dma_wait3A_1086 : memref<!tpu.dma_semaphore, #tpu.memory_space<semaphore_mem>>) src(%dma_wait3A_1093 : memref<200x32xf32, #tpu.memory_space<hbm>>) dst(%dma_wait3A_1090 : memref<200x32xf32, #tpu.memory_space<vmem>>)
      %add3A_1094 = arith.constant 7 : i32
      %add3A_1095 = arith.addi %mul3A_571, %add3A_1094 : i32
      %scan3A_1096 = arith.constant 0 : i32
      %scan3A_1097 = arith.constant 20 : i32
      %scan3A_1098 = arith.addi %scan3A_1096, %scan3A_1097 : i32
      %scan3A_1099 = arith.constant 1 : i32
      %scan3A_1100:4 = scf.for %scan3A_1148 = %scan3A_1096 to %scan3A_1098 step %scan3A_1099 iter_args(%scan3A_1149 = %broadcast_in_dim3A_6, %scan3A_1150 = %broadcast_in_dim3A_6, %scan3A_1151 = %broadcast_in_dim3A_6, %scan3A_1152 = %broadcast_in_dim3A_6) -> (vector<16xf32>, vector<16xf32>, vector<16xf32>, vector<16xf32>)  : i32 {
        %mul3A_1153 = arith.constant 10 : i32
        %mul3A_1154 = arith.muli %scan3A_1148, %mul3A_1153 : i32
        %add3A_1155 = arith.constant 0 : i32
        %add3A_1156 = arith.addi %mul3A_1154, %add3A_1155 : i32
        %get3A = arith.constant 7 : i32
        %get3A_1157 = arith.index_cast %get3A : i32 to index
        %get3A_1158 = arith.index_cast %add3A_1156 : i32 to index
        %get3A_1159 = arith.constant 0 : index
        %get3A_1160 = tpu.vector_load %arg6[%get3A_1157, %get3A_1158, %get3A_1159] {strides = array<i32>} : memref<8x200x32xf32, #tpu.memory_space<vmem>>, vector<1x1x16xf32>,
        %get3A_1161 = vector.shape_cast %get3A_1160 : vector<1x1x16xf32> to vector<16xf32>
        %add3A_1162 = arith.addf %scan3A_1149, %get3A_1161 : vector<16xf32>
        %add3A_1163 = arith.constant 0 : i32
        %add3A_1164 = arith.addi %mul3A_1154, %add3A_1163 : i32
        %get3A_1165 = arith.constant 7 : i32
        %get3A_1166 = arith.index_cast %get3A_1165 : i32 to index
        %get3A_1167 = arith.index_cast %add3A_1164 : i32 to index
        %get3A_1168 = arith.constant 16 : index
        %get3A_1169 = tpu.vector_load %arg6[%get3A_1166, %get3A_1167, %get3A_1168] {strides = array<i32>} : memref<8x200x32xf32, #tpu.memory_space<vmem>>, vector<1x1x16xf32>,
        %get3A_1170 = vector.shape_cast %get3A_1169 : vector<1x1x16xf32> to vector<16xf32>
        %add3A_1171 = arith.addf %scan3A_1151, %get3A_1170 : vector<16xf32>
        %add3A_1172 = arith.constant 0 : i32
        %add3A_1173 = arith.addi %mul3A_1154, %add3A_1172 : i32
        %add3A_1174 = arith.constant 1 : i32
        %add3A_1175 = arith.addi %add3A_1173, %add3A_1174 : i32
        %get3A_1176 = arith.constant 7 : i32
        %get3A_1177 = arith.index_cast %get3A_1176 : i32 to index
        %get3A_1178 = arith.index_cast %add3A_1175 : i32 to index
        %get3A_1179 = arith.constant 0 : index
        %get3A_1180 = tpu.vector_load %arg6[%get3A_1177, %get3A_1178, %get3A_1179] {strides = array<i32>} : memref<8x200x32xf32, #tpu.memory_space<vmem>>, vector<1x1x16xf32>,
        %get3A_1181 = vector.shape_cast %get3A_1180 : vector<1x1x16xf32> to vector<16xf32>
        %add3A_1182 = arith.addf %scan3A_1150, %get3A_1181 : vector<16xf32>
        %add3A_1183 = arith.constant 0 : i32
        %add3A_1184 = arith.addi %mul3A_1154, %add3A_1183 : i32
        %add3A_1185 = arith.constant 1 : i32
        %add3A_1186 = arith.addi %add3A_1184, %add3A_1185 : i32
        %get3A_1187 = arith.constant 7 : i32
        %get3A_1188 = arith.index_cast %get3A_1187 : i32 to index
        %get3A_1189 = arith.index_cast %add3A_1186 : i32 to index
        %get3A_1190 = arith.constant 16 : index
        %get3A_1191 = tpu.vector_load %arg6[%get3A_1188, %get3A_1189, %get3A_1190] {strides = array<i32>} : memref<8x200x32xf32, #tpu.memory_space<vmem>>, vector<1x1x16xf32>,
        %get3A_1192 = vector.shape_cast %get3A_1191 : vector<1x1x16xf32> to vector<16xf32>
        %add3A_1193 = arith.addf %scan3A_1152, %get3A_1192 : vector<16xf32>
        %add3A_1194 = arith.constant 2 : i32
        %add3A_1195 = arith.addi %mul3A_1154, %add3A_1194 : i32
        %get3A_1196 = arith.constant 7 : i32
        %get3A_1197 = arith.index_cast %get3A_1196 : i32 to index
        %get3A_1198 = arith.index_cast %add3A_1195 : i32 to index
        %get3A_1199 = arith.constant 0 : index
        %get3A_1200 = tpu.vector_load %arg6[%get3A_1197, %get3A_1198, %get3A_1199] {strides = array<i32>} : memref<8x200x32xf32, #tpu.memory_space<vmem>>, vector<1x1x16xf32>,
        %get3A_1201 = vector.shape_cast %get3A_1200 : vector<1x1x16xf32> to vector<16xf32>
        %add3A_1202 = arith.addf %add3A_1162, %get3A_1201 : vector<16xf32>
        %add3A_1203 = arith.constant 2 : i32
        %add3A_1204 = arith.addi %mul3A_1154, %add3A_1203 : i32
        %get3A_1205 = arith.constant 7 : i32
        %get3A_1206 = arith.index_cast %get3A_1205 : i32 to index
        %get3A_1207 = arith.index_cast %add3A_1204 : i32 to index
        %get3A_1208 = arith.constant 16 : index
        %get3A_1209 = tpu.vector_load %arg6[%get3A_1206, %get3A_1207, %get3A_1208] {strides = array<i32>} : memref<8x200x32xf32, #tpu.memory_space<vmem>>, vector<1x1x16xf32>,
        %get3A_1210 = vector.shape_cast %get3A_1209 : vector<1x1x16xf32> to vector<16xf32>
        %add3A_1211 = arith.addf %add3A_1171, %get3A_1210 : vector<16xf32>
        %add3A_1212 = arith.constant 2 : i32
        %add3A_1213 = arith.addi %mul3A_1154, %add3A_1212 : i32
        %add3A_1214 = arith.constant 1 : i32
        %add3A_1215 = arith.addi %add3A_1213, %add3A_1214 : i32
        %get3A_1216 = arith.constant 7 : i32
        %get3A_1217 = arith.index_cast %get3A_1216 : i32 to index
        %get3A_1218 = arith.index_cast %add3A_1215 : i32 to index
        %get3A_1219 = arith.constant 0 : index
        %get3A_1220 = tpu.vector_load %arg6[%get3A_1217, %get3A_1218, %get3A_1219] {strides = array<i32>} : memref<8x200x32xf32, #tpu.memory_space<vmem>>, vector<1x1x16xf32>,
        %get3A_1221 = vector.shape_cast %get3A_1220 : vector<1x1x16xf32> to vector<16xf32>
        %add3A_1222 = arith.addf %add3A_1182, %get3A_1221 : vector<16xf32>
        %add3A_1223 = arith.constant 2 : i32
        %add3A_1224 = arith.addi %mul3A_1154, %add3A_1223 : i32
        %add3A_1225 = arith.constant 1 : i32
        %add3A_1226 = arith.addi %add3A_1224, %add3A_1225 : i32
        %get3A_1227 = arith.constant 7 : i32
        %get3A_1228 = arith.index_cast %get3A_1227 : i32 to index
        %get3A_1229 = arith.index_cast %add3A_1226 : i32 to index
        %get3A_1230 = arith.constant 16 : index
        %get3A_1231 = tpu.vector_load %arg6[%get3A_1228, %get3A_1229, %get3A_1230] {strides = array<i32>} : memref<8x200x32xf32, #tpu.memory_space<vmem>>, vector<1x1x16xf32>,
        %get3A_1232 = vector.shape_cast %get3A_1231 : vector<1x1x16xf32> to vector<16xf32>
        %add3A_1233 = arith.addf %add3A_1193, %get3A_1232 : vector<16xf32>
        %add3A_1234 = arith.constant 4 : i32
        %add3A_1235 = arith.addi %mul3A_1154, %add3A_1234 : i32
        %get3A_1236 = arith.constant 7 : i32
        %get3A_1237 = arith.index_cast %get3A_1236 : i32 to index
        %get3A_1238 = arith.index_cast %add3A_1235 : i32 to index
        %get3A_1239 = arith.constant 0 : index
        %get3A_1240 = tpu.vector_load %arg6[%get3A_1237, %get3A_1238, %get3A_1239] {strides = array<i32>} : memref<8x200x32xf32, #tpu.memory_space<vmem>>, vector<1x1x16xf32>,
        %get3A_1241 = vector.shape_cast %get3A_1240 : vector<1x1x16xf32> to vector<16xf32>
        %add3A_1242 = arith.addf %add3A_1202, %get3A_1241 : vector<16xf32>
        %add3A_1243 = arith.constant 4 : i32
        %add3A_1244 = arith.addi %mul3A_1154, %add3A_1243 : i32
        %get3A_1245 = arith.constant 7 : i32
        %get3A_1246 = arith.index_cast %get3A_1245 : i32 to index
        %get3A_1247 = arith.index_cast %add3A_1244 : i32 to index
        %get3A_1248 = arith.constant 16 : index
        %get3A_1249 = tpu.vector_load %arg6[%get3A_1246, %get3A_1247, %get3A_1248] {strides = array<i32>} : memref<8x200x32xf32, #tpu.memory_space<vmem>>, vector<1x1x16xf32>,
        %get3A_1250 = vector.shape_cast %get3A_1249 : vector<1x1x16xf32> to vector<16xf32>
        %add3A_1251 = arith.addf %add3A_1211, %get3A_1250 : vector<16xf32>
        %add3A_1252 = arith.constant 4 : i32
        %add3A_1253 = arith.addi %mul3A_1154, %add3A_1252 : i32
        %add3A_1254 = arith.constant 1 : i32
        %add3A_1255 = arith.addi %add3A_1253, %add3A_1254 : i32
        %get3A_1256 = arith.constant 7 : i32
        %get3A_1257 = arith.index_cast %get3A_1256 : i32 to index
        %get3A_1258 = arith.index_cast %add3A_1255 : i32 to index
        %get3A_1259 = arith.constant 0 : index
        %get3A_1260 = tpu.vector_load %arg6[%get3A_1257, %get3A_1258, %get3A_1259] {strides = array<i32>} : memref<8x200x32xf32, #tpu.memory_space<vmem>>, vector<1x1x16xf32>,
        %get3A_1261 = vector.shape_cast %get3A_1260 : vector<1x1x16xf32> to vector<16xf32>
        %add3A_1262 = arith.addf %add3A_1222, %get3A_1261 : vector<16xf32>
        %add3A_1263 = arith.constant 4 : i32
        %add3A_1264 = arith.addi %mul3A_1154, %add3A_1263 : i32
        %add3A_1265 = arith.constant 1 : i32
        %add3A_1266 = arith.addi %add3A_1264, %add3A_1265 : i32
        %get3A_1267 = arith.constant 7 : i32
        %get3A_1268 = arith.index_cast %get3A_1267 : i32 to index
        %get3A_1269 = arith.index_cast %add3A_1266 : i32 to index
        %get3A_1270 = arith.constant 16 : index
        %get3A_1271 = tpu.vector_load %arg6[%get3A_1268, %get3A_1269, %get3A_1270] {strides = array<i32>} : memref<8x200x32xf32, #tpu.memory_space<vmem>>, vector<1x1x16xf32>,
        %get3A_1272 = vector.shape_cast %get3A_1271 : vector<1x1x16xf32> to vector<16xf32>
        %add3A_1273 = arith.addf %add3A_1233, %get3A_1272 : vector<16xf32>
        %add3A_1274 = arith.constant 6 : i32
        %add3A_1275 = arith.addi %mul3A_1154, %add3A_1274 : i32
        %get3A_1276 = arith.constant 7 : i32
        %get3A_1277 = arith.index_cast %get3A_1276 : i32 to index
        %get3A_1278 = arith.index_cast %add3A_1275 : i32 to index
        %get3A_1279 = arith.constant 0 : index
        %get3A_1280 = tpu.vector_load %arg6[%get3A_1277, %get3A_1278, %get3A_1279] {strides = array<i32>} : memref<8x200x32xf32, #tpu.memory_space<vmem>>, vector<1x1x16xf32>,
        %get3A_1281 = vector.shape_cast %get3A_1280 : vector<1x1x16xf32> to vector<16xf32>
        %add3A_1282 = arith.addf %add3A_1242, %get3A_1281 : vector<16xf32>
        %add3A_1283 = arith.constant 6 : i32
        %add3A_1284 = arith.addi %mul3A_1154, %add3A_1283 : i32
        %get3A_1285 = arith.constant 7 : i32
        %get3A_1286 = arith.index_cast %get3A_1285 : i32 to index
        %get3A_1287 = arith.index_cast %add3A_1284 : i32 to index
        %get3A_1288 = arith.constant 16 : index
        %get3A_1289 = tpu.vector_load %arg6[%get3A_1286, %get3A_1287, %get3A_1288] {strides = array<i32>} : memref<8x200x32xf32, #tpu.memory_space<vmem>>, vector<1x1x16xf32>,
        %get3A_1290 = vector.shape_cast %get3A_1289 : vector<1x1x16xf32> to vector<16xf32>
        %add3A_1291 = arith.addf %add3A_1251, %get3A_1290 : vector<16xf32>
        %add3A_1292 = arith.constant 6 : i32
        %add3A_1293 = arith.addi %mul3A_1154, %add3A_1292 : i32
        %add3A_1294 = arith.constant 1 : i32
        %add3A_1295 = arith.addi %add3A_1293, %add3A_1294 : i32
        %get3A_1296 = arith.constant 7 : i32
        %get3A_1297 = arith.index_cast %get3A_1296 : i32 to index
        %get3A_1298 = arith.index_cast %add3A_1295 : i32 to index
        %get3A_1299 = arith.constant 0 : index
        %get3A_1300 = tpu.vector_load %arg6[%get3A_1297, %get3A_1298, %get3A_1299] {strides = array<i32>} : memref<8x200x32xf32, #tpu.memory_space<vmem>>, vector<1x1x16xf32>,
        %get3A_1301 = vector.shape_cast %get3A_1300 : vector<1x1x16xf32> to vector<16xf32>
        %add3A_1302 = arith.addf %add3A_1262, %get3A_1301 : vector<16xf32>
        %add3A_1303 = arith.constant 6 : i32
        %add3A_1304 = arith.addi %mul3A_1154, %add3A_1303 : i32
        %add3A_1305 = arith.constant 1 : i32
        %add3A_1306 = arith.addi %add3A_1304, %add3A_1305 : i32
        %get3A_1307 = arith.constant 7 : i32
        %get3A_1308 = arith.index_cast %get3A_1307 : i32 to index
        %get3A_1309 = arith.index_cast %add3A_1306 : i32 to index
        %get3A_1310 = arith.constant 16 : index
        %get3A_1311 = tpu.vector_load %arg6[%get3A_1308, %get3A_1309, %get3A_1310] {strides = array<i32>} : memref<8x200x32xf32, #tpu.memory_space<vmem>>, vector<1x1x16xf32>,
        %get3A_1312 = vector.shape_cast %get3A_1311 : vector<1x1x16xf32> to vector<16xf32>
        %add3A_1313 = arith.addf %add3A_1273, %get3A_1312 : vector<16xf32>
        %add3A_1314 = arith.constant 8 : i32
        %add3A_1315 = arith.addi %mul3A_1154, %add3A_1314 : i32
        %get3A_1316 = arith.constant 7 : i32
        %get3A_1317 = arith.index_cast %get3A_1316 : i32 to index
        %get3A_1318 = arith.index_cast %add3A_1315 : i32 to index
        %get3A_1319 = arith.constant 0 : index
        %get3A_1320 = tpu.vector_load %arg6[%get3A_1317, %get3A_1318, %get3A_1319] {strides = array<i32>} : memref<8x200x32xf32, #tpu.memory_space<vmem>>, vector<1x1x16xf32>,
        %get3A_1321 = vector.shape_cast %get3A_1320 : vector<1x1x16xf32> to vector<16xf32>
        %add3A_1322 = arith.addf %add3A_1282, %get3A_1321 : vector<16xf32>
        %add3A_1323 = arith.constant 8 : i32
        %add3A_1324 = arith.addi %mul3A_1154, %add3A_1323 : i32
        %get3A_1325 = arith.constant 7 : i32
        %get3A_1326 = arith.index_cast %get3A_1325 : i32 to index
        %get3A_1327 = arith.index_cast %add3A_1324 : i32 to index
        %get3A_1328 = arith.constant 16 : index
        %get3A_1329 = tpu.vector_load %arg6[%get3A_1326, %get3A_1327, %get3A_1328] {strides = array<i32>} : memref<8x200x32xf32, #tpu.memory_space<vmem>>, vector<1x1x16xf32>,
        %get3A_1330 = vector.shape_cast %get3A_1329 : vector<1x1x16xf32> to vector<16xf32>
        %add3A_1331 = arith.addf %add3A_1291, %get3A_1330 : vector<16xf32>
        %add3A_1332 = arith.constant 8 : i32
        %add3A_1333 = arith.addi %mul3A_1154, %add3A_1332 : i32
        %add3A_1334 = arith.constant 1 : i32
        %add3A_1335 = arith.addi %add3A_1333, %add3A_1334 : i32
        %get3A_1336 = arith.constant 7 : i32
        %get3A_1337 = arith.index_cast %get3A_1336 : i32 to index
        %get3A_1338 = arith.index_cast %add3A_1335 : i32 to index
        %get3A_1339 = arith.constant 0 : index
        %get3A_1340 = tpu.vector_load %arg6[%get3A_1337, %get3A_1338, %get3A_1339] {strides = array<i32>} : memref<8x200x32xf32, #tpu.memory_space<vmem>>, vector<1x1x16xf32>,
        %get3A_1341 = vector.shape_cast %get3A_1340 : vector<1x1x16xf32> to vector<16xf32>
        %add3A_1342 = arith.addf %add3A_1302, %get3A_1341 : vector<16xf32>
        %add3A_1343 = arith.constant 8 : i32
        %add3A_1344 = arith.addi %mul3A_1154, %add3A_1343 : i32
        %add3A_1345 = arith.constant 1 : i32
        %add3A_1346 = arith.addi %add3A_1344, %add3A_1345 : i32
        %get3A_1347 = arith.constant 7 : i32
        %get3A_1348 = arith.index_cast %get3A_1347 : i32 to index
        %get3A_1349 = arith.index_cast %add3A_1346 : i32 to index
        %get3A_1350 = arith.constant 16 : index
        %get3A_1351 = tpu.vector_load %arg6[%get3A_1348, %get3A_1349, %get3A_1350] {strides = array<i32>} : memref<8x200x32xf32, #tpu.memory_space<vmem>>, vector<1x1x16xf32>,
        %get3A_1352 = vector.shape_cast %get3A_1351 : vector<1x1x16xf32> to vector<16xf32>
        %add3A_1353 = arith.addf %add3A_1313, %get3A_1352 : vector<16xf32>
        scf.yield %add3A_1322, %add3A_1342, %add3A_1331, %add3A_1353 : vector<16xf32>, vector<16xf32>, vector<16xf32>, vector<16xf32>
      }
      %scan3A_1101 = arith.constant 20 : i32
      %add3A_1102 = arith.addf %scan3A_1100#0, %scan3A_1100#1 : vector<16xf32>
      %swap3A_1103 = arith.index_cast %add3A_1095 : i32 to index
      %swap3A_1104 = arith.constant 0 : index
      %swap3A_1105 = tpu.vector_load %arg7[%swap3A_1103, %swap3A_1104] {strides = array<i32>} : memref<128x32xf32, #tpu.memory_space<vmem>>, vector<1x16xf32>,
      %swap3A_1106 = vector.shape_cast %swap3A_1105 : vector<1x16xf32> to vector<16xf32>
      %swap3A_1107 = vector.shape_cast %add3A_1102 : vector<16xf32> to vector<1x16xf32>
      tpu.vector_store %arg7[%swap3A_1103, %swap3A_1104], %swap3A_1107 {strides = array<i32>} : memref<128x32xf32, #tpu.memory_space<vmem>>, vector<1x16xf32>,
      %add3A_1108 = arith.addf %scan3A_1100#2, %scan3A_1100#3 : vector<16xf32>
      %swap3A_1109 = arith.index_cast %add3A_1095 : i32 to index
      %swap3A_1110 = arith.constant 16 : index
      %swap3A_1111 = tpu.vector_load %arg7[%swap3A_1109, %swap3A_1110] {strides = array<i32>} : memref<128x32xf32, #tpu.memory_space<vmem>>, vector<1x16xf32>,
      %swap3A_1112 = vector.shape_cast %swap3A_1111 : vector<1x16xf32> to vector<16xf32>
      %swap3A_1113 = vector.shape_cast %add3A_1108 : vector<16xf32> to vector<1x16xf32>
      tpu.vector_store %arg7[%swap3A_1109, %swap3A_1110], %swap3A_1113 {strides = array<i32>} : memref<128x32xf32, #tpu.memory_space<vmem>>, vector<1x16xf32>,
      %add3A_1114 = arith.constant 7 : i32
      %add3A_1115 = arith.addi %mul3A_571, %add3A_1114 : i32
      %add3A_1116 = arith.constant 8 : i32
      %add3A_1117 = arith.addi %add3A_1115, %add3A_1116 : i32
      %dma_start3A_1118 = arith.constant 0 : i32
      %dma_start3A_1119 = arith.constant 7 : i32
      %dma_start3A_1120 = arith.constant 7 : i32
      %dma_start3A_1121 = arith.constant 0 : i32
      %dma_start3A_1122 = arith.constant 0 : i32
      %dma_start3A_1123 = tpu.memref_slice %arg6[%dma_start3A_1119, %dma_start3A_1121, %dma_start3A_1122] : memref<8x200x32xf32, #tpu.memory_space<vmem>> -> memref<1x128x32xf32, #tpu.memory_space<vmem>>
      %dma_start3A_1124 = tpu.memref_squeeze %dma_start3A_1123 : memref<1x128x32xf32, #tpu.memory_space<vmem>> -> memref<128x32xf32, #tpu.memory_space<vmem>>
      %dma_start3A_1125 = arith.constant 0 : i32
      %dma_start3A_1126 = tpu.memref_slice %arg5[%dma_start3A_1118, %add3A_1117, %dma_start3A_1125] : memref<2x128x128xi32, #tpu.memory_space<vmem>> -> memref<1x1x128xi32, #tpu.memory_space<vmem>>
      %dma_start3A_1127 = tpu.memref_squeeze %dma_start3A_1126 : memref<1x1x128xi32, #tpu.memory_space<vmem>> -> memref<128xi32, #tpu.memory_space<vmem>>
      %dma_start3A_1128 = arith.constant 0 : i32
      %dma_start3A_1129 = arith.constant 0 : i32
      %dma_start3A_1130 = tpu.memref_slice %arg3[%dma_start3A_1128, %dma_start3A_1129] : memref<1048576x32xf32, #tpu.memory_space<hbm>> -> memref<1048576x32xf32, #tpu.memory_space<hbm>>
      %dma_start3A_1131 = tpu.memref_slice %arg8[%dma_start3A_1120] : memref<8x!tpu.dma_semaphore, #tpu.memory_space<semaphore_mem>> -> memref<1x!tpu.dma_semaphore, #tpu.memory_space<semaphore_mem>>
      %dma_start3A_1132 = tpu.memref_squeeze %dma_start3A_1131 : memref<1x!tpu.dma_semaphore, #tpu.memory_space<semaphore_mem>> -> memref<!tpu.dma_semaphore, #tpu.memory_space<semaphore_mem>>
      tpu.enqueue_indirect_dma source(%dma_start3A_1130 : memref<1048576x32xf32, #tpu.memory_space<hbm>>) target(%dma_start3A_1124 : memref<128x32xf32, #tpu.memory_space<vmem>>) offsets(%dma_start3A_1127 : memref<128xi32, #tpu.memory_space<vmem>>) semaphore(%dma_start3A_1132 : memref<!tpu.dma_semaphore, #tpu.memory_space<semaphore_mem>>)
      %dma_start3A_1133 = arith.constant 1 : i32
      %dma_start3A_1134 = arith.constant 7 : i32
      %dma_start3A_1135 = arith.constant 7 : i32
      %dma_start3A_1136 = arith.constant 128 : i32
      %dma_start3A_1137 = arith.constant 0 : i32
      %dma_start3A_1138 = tpu.memref_slice %arg6[%dma_start3A_1134, %dma_start3A_1136, %dma_start3A_1137] : memref<8x200x32xf32, #tpu.memory_space<vmem>> -> memref<1x72x32xf32, #tpu.memory_space<vmem>>
      %dma_start3A_1139 = tpu.memref_squeeze %dma_start3A_1138 : memref<1x72x32xf32, #tpu.memory_space<vmem>> -> memref<72x32xf32, #tpu.memory_space<vmem>>
      %dma_start3A_1140 = arith.constant 0 : i32
      %dma_start3A_1141 = tpu.memref_slice %arg5[%dma_start3A_1133, %add3A_1117, %dma_start3A_1140] : memref<2x128x128xi32, #tpu.memory_space<vmem>> -> memref<1x1x72xi32, #tpu.memory_space<vmem>>
      %dma_start3A_1142 = tpu.memref_squeeze %dma_start3A_1141 : memref<1x1x72xi32, #tpu.memory_space<vmem>> -> memref<72xi32, #tpu.memory_space<vmem>>
      %dma_start3A_1143 = arith.constant 0 : i32
      %dma_start3A_1144 = arith.constant 0 : i32
      %dma_start3A_1145 = tpu.memref_slice %arg3[%dma_start3A_1143, %dma_start3A_1144] : memref<1048576x32xf32, #tpu.memory_space<hbm>> -> memref<1048576x32xf32, #tpu.memory_space<hbm>>
      %dma_start3A_1146 = tpu.memref_slice %arg8[%dma_start3A_1135] : memref<8x!tpu.dma_semaphore, #tpu.memory_space<semaphore_mem>> -> memref<1x!tpu.dma_semaphore, #tpu.memory_space<semaphore_mem>>
      %dma_start3A_1147 = tpu.memref_squeeze %dma_start3A_1146 : memref<1x!tpu.dma_semaphore, #tpu.memory_space<semaphore_mem>> -> memref<!tpu.dma_semaphore, #tpu.memory_space<semaphore_mem>>
      tpu.enqueue_indirect_dma source(%dma_start3A_1145 : memref<1048576x32xf32, #tpu.memory_space<hbm>>) target(%dma_start3A_1139 : memref<72x32xf32, #tpu.memory_space<vmem>>) offsets(%dma_start3A_1142 : memref<72xi32, #tpu.memory_space<vmem>>) semaphore(%dma_start3A_1147 : memref<!tpu.dma_semaphore, #tpu.memory_space<semaphore_mem>>)
    }
    %scan3A_266 = arith.constant 15 : i32
    %dma_wait3A = arith.constant 0 : i32
    %dma_wait3A_267 = arith.constant 0 : i32
    %dma_wait3A_268 = arith.constant 0 : i32
    %dma_wait3A_269 = arith.constant 0 : i32
    %dma_wait3A_270 = tpu.memref_slice %arg6[%dma_wait3A, %dma_wait3A_268, %dma_wait3A_269] : memref<8x200x32xf32, #tpu.memory_space<vmem>> -> memref<1x200x32xf32, #tpu.memory_space<vmem>>
    %dma_wait3A_271 = tpu.memref_squeeze %dma_wait3A_270 : memref<1x200x32xf32, #tpu.memory_space<vmem>> -> memref<200x32xf32, #tpu.memory_space<vmem>>
    %dma_wait3A_272 = arith.constant 0 : i32
    %dma_wait3A_273 = arith.constant 0 : i32
    %dma_wait3A_274 = tpu.memref_slice %arg3[%dma_wait3A_272, %dma_wait3A_273] : memref<1048576x32xf32, #tpu.memory_space<hbm>> -> memref<200x32xf32, #tpu.memory_space<hbm>>
    %dma_wait3A_275 = tpu.memref_slice %arg8[%dma_wait3A_267] : memref<8x!tpu.dma_semaphore, #tpu.memory_space<semaphore_mem>> -> memref<1x!tpu.dma_semaphore, #tpu.memory_space<semaphore_mem>>
    %dma_wait3A_276 = tpu.memref_squeeze %dma_wait3A_275 : memref<1x!tpu.dma_semaphore, #tpu.memory_space<semaphore_mem>> -> memref<!tpu.dma_semaphore, #tpu.memory_space<semaphore_mem>>
    %dma_wait3A_277 = arith.constant 0 : i32
    %dma_wait3A_278 = arith.constant 0 : i32
    %dma_wait3A_279 = tpu.memref_slice %arg6[%dma_wait3A, %dma_wait3A_277, %dma_wait3A_278] : memref<8x200x32xf32, #tpu.memory_space<vmem>> -> memref<1x200x32xf32, #tpu.memory_space<vmem>>
    %dma_wait3A_280 = tpu.memref_squeeze %dma_wait3A_279 : memref<1x200x32xf32, #tpu.memory_space<vmem>> -> memref<200x32xf32, #tpu.memory_space<vmem>>
    %dma_wait3A_281 = arith.constant 0 : i32
    %dma_wait3A_282 = arith.constant 0 : i32
    %dma_wait3A_283 = tpu.memref_slice %arg3[%dma_wait3A_281, %dma_wait3A_282] : memref<1048576x32xf32, #tpu.memory_space<hbm>> -> memref<200x32xf32, #tpu.memory_space<hbm>>
    tpu.wait_dma2 semaphore(%dma_wait3A_276 : memref<!tpu.dma_semaphore, #tpu.memory_space<semaphore_mem>>) src(%dma_wait3A_283 : memref<200x32xf32, #tpu.memory_space<hbm>>) dst(%dma_wait3A_280 : memref<200x32xf32, #tpu.memory_space<vmem>>)
    %scan3A_284 = arith.constant 0 : i32
    %scan3A_285 = arith.constant 20 : i32
    %scan3A_286 = arith.addi %scan3A_284, %scan3A_285 : i32
    %scan3A_287 = arith.constant 1 : i32
    %scan3A_288:4 = scf.for %scan3A_569 = %scan3A_284 to %scan3A_286 step %scan3A_287 iter_args(%scan3A_570 = %broadcast_in_dim3A_6, %scan3A_571 = %broadcast_in_dim3A_6, %scan3A_572 = %broadcast_in_dim3A_6, %scan3A_573 = %broadcast_in_dim3A_6) -> (vector<16xf32>, vector<16xf32>, vector<16xf32>, vector<16xf32>)  : i32 {
      %mul3A_574 = arith.constant 10 : i32
      %mul3A_575 = arith.muli %scan3A_569, %mul3A_574 : i32
      %add3A_576 = arith.constant 0 : i32
      %add3A_577 = arith.addi %mul3A_575, %add3A_576 : i32
      %get3A = arith.constant 0 : i32
      %get3A_578 = arith.index_cast %get3A : i32 to index
      %get3A_579 = arith.index_cast %add3A_577 : i32 to index
      %get3A_580 = arith.constant 0 : index
      %get3A_581 = tpu.vector_load %arg6[%get3A_578, %get3A_579, %get3A_580] {strides = array<i32>} : memref<8x200x32xf32, #tpu.memory_space<vmem>>, vector<1x1x16xf32>,
      %get3A_582 = vector.shape_cast %get3A_581 : vector<1x1x16xf32> to vector<16xf32>
      %add3A_583 = arith.addf %scan3A_570, %get3A_582 : vector<16xf32>
      %add3A_584 = arith.constant 0 : i32
      %add3A_585 = arith.addi %mul3A_575, %add3A_584 : i32
      %get3A_586 = arith.constant 0 : i32
      %get3A_587 = arith.index_cast %get3A_586 : i32 to index
      %get3A_588 = arith.index_cast %add3A_585 : i32 to index
      %get3A_589 = arith.constant 16 : index
      %get3A_590 = tpu.vector_load %arg6[%get3A_587, %get3A_588, %get3A_589] {strides = array<i32>} : memref<8x200x32xf32, #tpu.memory_space<vmem>>, vector<1x1x16xf32>,
      %get3A_591 = vector.shape_cast %get3A_590 : vector<1x1x16xf32> to vector<16xf32>
      %add3A_592 = arith.addf %scan3A_572, %get3A_591 : vector<16xf32>
      %add3A_593 = arith.constant 0 : i32
      %add3A_594 = arith.addi %mul3A_575, %add3A_593 : i32
      %add3A_595 = arith.constant 1 : i32
      %add3A_596 = arith.addi %add3A_594, %add3A_595 : i32
      %get3A_597 = arith.constant 0 : i32
      %get3A_598 = arith.index_cast %get3A_597 : i32 to index
      %get3A_599 = arith.index_cast %add3A_596 : i32 to index
      %get3A_600 = arith.constant 0 : index
      %get3A_601 = tpu.vector_load %arg6[%get3A_598, %get3A_599, %get3A_600] {strides = array<i32>} : memref<8x200x32xf32, #tpu.memory_space<vmem>>, vector<1x1x16xf32>,
      %get3A_602 = vector.shape_cast %get3A_601 : vector<1x1x16xf32> to vector<16xf32>
      %add3A_603 = arith.addf %scan3A_571, %get3A_602 : vector<16xf32>
      %add3A_604 = arith.constant 0 : i32
      %add3A_605 = arith.addi %mul3A_575, %add3A_604 : i32
      %add3A_606 = arith.constant 1 : i32
      %add3A_607 = arith.addi %add3A_605, %add3A_606 : i32
      %get3A_608 = arith.constant 0 : i32
      %get3A_609 = arith.index_cast %get3A_608 : i32 to index
      %get3A_610 = arith.index_cast %add3A_607 : i32 to index
      %get3A_611 = arith.constant 16 : index
      %get3A_612 = tpu.vector_load %arg6[%get3A_609, %get3A_610, %get3A_611] {strides = array<i32>} : memref<8x200x32xf32, #tpu.memory_space<vmem>>, vector<1x1x16xf32>,
      %get3A_613 = vector.shape_cast %get3A_612 : vector<1x1x16xf32> to vector<16xf32>
      %add3A_614 = arith.addf %scan3A_573, %get3A_613 : vector<16xf32>
      %add3A_615 = arith.constant 2 : i32
      %add3A_616 = arith.addi %mul3A_575, %add3A_615 : i32
      %get3A_617 = arith.constant 0 : i32
      %get3A_618 = arith.index_cast %get3A_617 : i32 to index
      %get3A_619 = arith.index_cast %add3A_616 : i32 to index
      %get3A_620 = arith.constant 0 : index
      %get3A_621 = tpu.vector_load %arg6[%get3A_618, %get3A_619, %get3A_620] {strides = array<i32>} : memref<8x200x32xf32, #tpu.memory_space<vmem>>, vector<1x1x16xf32>,
      %get3A_622 = vector.shape_cast %get3A_621 : vector<1x1x16xf32> to vector<16xf32>
      %add3A_623 = arith.addf %add3A_583, %get3A_622 : vector<16xf32>
      %add3A_624 = arith.constant 2 : i32
      %add3A_625 = arith.addi %mul3A_575, %add3A_624 : i32
      %get3A_626 = arith.constant 0 : i32
      %get3A_627 = arith.index_cast %get3A_626 : i32 to index
      %get3A_628 = arith.index_cast %add3A_625 : i32 to index
      %get3A_629 = arith.constant 16 : index
      %get3A_630 = tpu.vector_load %arg6[%get3A_627, %get3A_628, %get3A_629] {strides = array<i32>} : memref<8x200x32xf32, #tpu.memory_space<vmem>>, vector<1x1x16xf32>,
      %get3A_631 = vector.shape_cast %get3A_630 : vector<1x1x16xf32> to vector<16xf32>
      %add3A_632 = arith.addf %add3A_592, %get3A_631 : vector<16xf32>
      %add3A_633 = arith.constant 2 : i32
      %add3A_634 = arith.addi %mul3A_575, %add3A_633 : i32
      %add3A_635 = arith.constant 1 : i32
      %add3A_636 = arith.addi %add3A_634, %add3A_635 : i32
      %get3A_637 = arith.constant 0 : i32
      %get3A_638 = arith.index_cast %get3A_637 : i32 to index
      %get3A_639 = arith.index_cast %add3A_636 : i32 to index
      %get3A_640 = arith.constant 0 : index
      %get3A_641 = tpu.vector_load %arg6[%get3A_638, %get3A_639, %get3A_640] {strides = array<i32>} : memref<8x200x32xf32, #tpu.memory_space<vmem>>, vector<1x1x16xf32>,
      %get3A_642 = vector.shape_cast %get3A_641 : vector<1x1x16xf32> to vector<16xf32>
      %add3A_643 = arith.addf %add3A_603, %get3A_642 : vector<16xf32>
      %add3A_644 = arith.constant 2 : i32
      %add3A_645 = arith.addi %mul3A_575, %add3A_644 : i32
      %add3A_646 = arith.constant 1 : i32
      %add3A_647 = arith.addi %add3A_645, %add3A_646 : i32
      %get3A_648 = arith.constant 0 : i32
      %get3A_649 = arith.index_cast %get3A_648 : i32 to index
      %get3A_650 = arith.index_cast %add3A_647 : i32 to index
      %get3A_651 = arith.constant 16 : index
      %get3A_652 = tpu.vector_load %arg6[%get3A_649, %get3A_650, %get3A_651] {strides = array<i32>} : memref<8x200x32xf32, #tpu.memory_space<vmem>>, vector<1x1x16xf32>,
      %get3A_653 = vector.shape_cast %get3A_652 : vector<1x1x16xf32> to vector<16xf32>
      %add3A_654 = arith.addf %add3A_614, %get3A_653 : vector<16xf32>
      %add3A_655 = arith.constant 4 : i32
      %add3A_656 = arith.addi %mul3A_575, %add3A_655 : i32
      %get3A_657 = arith.constant 0 : i32
      %get3A_658 = arith.index_cast %get3A_657 : i32 to index
      %get3A_659 = arith.index_cast %add3A_656 : i32 to index
      %get3A_660 = arith.constant 0 : index
      %get3A_661 = tpu.vector_load %arg6[%get3A_658, %get3A_659, %get3A_660] {strides = array<i32>} : memref<8x200x32xf32, #tpu.memory_space<vmem>>, vector<1x1x16xf32>,
      %get3A_662 = vector.shape_cast %get3A_661 : vector<1x1x16xf32> to vector<16xf32>
      %add3A_663 = arith.addf %add3A_623, %get3A_662 : vector<16xf32>
      %add3A_664 = arith.constant 4 : i32
      %add3A_665 = arith.addi %mul3A_575, %add3A_664 : i32
      %get3A_666 = arith.constant 0 : i32
      %get3A_667 = arith.index_cast %get3A_666 : i32 to index
      %get3A_668 = arith.index_cast %add3A_665 : i32 to index
      %get3A_669 = arith.constant 16 : index
      %get3A_670 = tpu.vector_load %arg6[%get3A_667, %get3A_668, %get3A_669] {strides = array<i32>} : memref<8x200x32xf32, #tpu.memory_space<vmem>>, vector<1x1x16xf32>,
      %get3A_671 = vector.shape_cast %get3A_670 : vector<1x1x16xf32> to vector<16xf32>
      %add3A_672 = arith.addf %add3A_632, %get3A_671 : vector<16xf32>
      %add3A_673 = arith.constant 4 : i32
      %add3A_674 = arith.addi %mul3A_575, %add3A_673 : i32
      %add3A_675 = arith.constant 1 : i32
      %add3A_676 = arith.addi %add3A_674, %add3A_675 : i32
      %get3A_677 = arith.constant 0 : i32
      %get3A_678 = arith.index_cast %get3A_677 : i32 to index
      %get3A_679 = arith.index_cast %add3A_676 : i32 to index
      %get3A_680 = arith.constant 0 : index
      %get3A_681 = tpu.vector_load %arg6[%get3A_678, %get3A_679, %get3A_680] {strides = array<i32>} : memref<8x200x32xf32, #tpu.memory_space<vmem>>, vector<1x1x16xf32>,
      %get3A_682 = vector.shape_cast %get3A_681 : vector<1x1x16xf32> to vector<16xf32>
      %add3A_683 = arith.addf %add3A_643, %get3A_682 : vector<16xf32>
      %add3A_684 = arith.constant 4 : i32
      %add3A_685 = arith.addi %mul3A_575, %add3A_684 : i32
      %add3A_686 = arith.constant 1 : i32
      %add3A_687 = arith.addi %add3A_685, %add3A_686 : i32
      %get3A_688 = arith.constant 0 : i32
      %get3A_689 = arith.index_cast %get3A_688 : i32 to index
      %get3A_690 = arith.index_cast %add3A_687 : i32 to index
      %get3A_691 = arith.constant 16 : index
      %get3A_692 = tpu.vector_load %arg6[%get3A_689, %get3A_690, %get3A_691] {strides = array<i32>} : memref<8x200x32xf32, #tpu.memory_space<vmem>>, vector<1x1x16xf32>,
      %get3A_693 = vector.shape_cast %get3A_692 : vector<1x1x16xf32> to vector<16xf32>
      %add3A_694 = arith.addf %add3A_654, %get3A_693 : vector<16xf32>
      %add3A_695 = arith.constant 6 : i32
      %add3A_696 = arith.addi %mul3A_575, %add3A_695 : i32
      %get3A_697 = arith.constant 0 : i32
      %get3A_698 = arith.index_cast %get3A_697 : i32 to index
      %get3A_699 = arith.index_cast %add3A_696 : i32 to index
      %get3A_700 = arith.constant 0 : index
      %get3A_701 = tpu.vector_load %arg6[%get3A_698, %get3A_699, %get3A_700] {strides = array<i32>} : memref<8x200x32xf32, #tpu.memory_space<vmem>>, vector<1x1x16xf32>,
      %get3A_702 = vector.shape_cast %get3A_701 : vector<1x1x16xf32> to vector<16xf32>
      %add3A_703 = arith.addf %add3A_663, %get3A_702 : vector<16xf32>
      %add3A_704 = arith.constant 6 : i32
      %add3A_705 = arith.addi %mul3A_575, %add3A_704 : i32
      %get3A_706 = arith.constant 0 : i32
      %get3A_707 = arith.index_cast %get3A_706 : i32 to index
      %get3A_708 = arith.index_cast %add3A_705 : i32 to index
      %get3A_709 = arith.constant 16 : index
      %get3A_710 = tpu.vector_load %arg6[%get3A_707, %get3A_708, %get3A_709] {strides = array<i32>} : memref<8x200x32xf32, #tpu.memory_space<vmem>>, vector<1x1x16xf32>,
      %get3A_711 = vector.shape_cast %get3A_710 : vector<1x1x16xf32> to vector<16xf32>
      %add3A_712 = arith.addf %add3A_672, %get3A_711 : vector<16xf32>
      %add3A_713 = arith.constant 6 : i32
      %add3A_714 = arith.addi %mul3A_575, %add3A_713 : i32
      %add3A_715 = arith.constant 1 : i32
      %add3A_716 = arith.addi %add3A_714, %add3A_715 : i32
      %get3A_717 = arith.constant 0 : i32
      %get3A_718 = arith.index_cast %get3A_717 : i32 to index
      %get3A_719 = arith.index_cast %add3A_716 : i32 to index
      %get3A_720 = arith.constant 0 : index
      %get3A_721 = tpu.vector_load %arg6[%get3A_718, %get3A_719, %get3A_720] {strides = array<i32>} : memref<8x200x32xf32, #tpu.memory_space<vmem>>, vector<1x1x16xf32>,
      %get3A_722 = vector.shape_cast %get3A_721 : vector<1x1x16xf32> to vector<16xf32>
      %add3A_723 = arith.addf %add3A_683, %get3A_722 : vector<16xf32>
      %add3A_724 = arith.constant 6 : i32
      %add3A_725 = arith.addi %mul3A_575, %add3A_724 : i32
      %add3A_726 = arith.constant 1 : i32
      %add3A_727 = arith.addi %add3A_725, %add3A_726 : i32
      %get3A_728 = arith.constant 0 : i32
      %get3A_729 = arith.index_cast %get3A_728 : i32 to index
      %get3A_730 = arith.index_cast %add3A_727 : i32 to index
      %get3A_731 = arith.constant 16 : index
      %get3A_732 = tpu.vector_load %arg6[%get3A_729, %get3A_730, %get3A_731] {strides = array<i32>} : memref<8x200x32xf32, #tpu.memory_space<vmem>>, vector<1x1x16xf32>,
      %get3A_733 = vector.shape_cast %get3A_732 : vector<1x1x16xf32> to vector<16xf32>
      %add3A_734 = arith.addf %add3A_694, %get3A_733 : vector<16xf32>
      %add3A_735 = arith.constant 8 : i32
      %add3A_736 = arith.addi %mul3A_575, %add3A_735 : i32
      %get3A_737 = arith.constant 0 : i32
      %get3A_738 = arith.index_cast %get3A_737 : i32 to index
      %get3A_739 = arith.index_cast %add3A_736 : i32 to index
      %get3A_740 = arith.constant 0 : index
      %get3A_741 = tpu.vector_load %arg6[%get3A_738, %get3A_739, %get3A_740] {strides = array<i32>} : memref<8x200x32xf32, #tpu.memory_space<vmem>>, vector<1x1x16xf32>,
      %get3A_742 = vector.shape_cast %get3A_741 : vector<1x1x16xf32> to vector<16xf32>
      %add3A_743 = arith.addf %add3A_703, %get3A_742 : vector<16xf32>
      %add3A_744 = arith.constant 8 : i32
      %add3A_745 = arith.addi %mul3A_575, %add3A_744 : i32
      %get3A_746 = arith.constant 0 : i32
      %get3A_747 = arith.index_cast %get3A_746 : i32 to index
      %get3A_748 = arith.index_cast %add3A_745 : i32 to index
      %get3A_749 = arith.constant 16 : index
      %get3A_750 = tpu.vector_load %arg6[%get3A_747, %get3A_748, %get3A_749] {strides = array<i32>} : memref<8x200x32xf32, #tpu.memory_space<vmem>>, vector<1x1x16xf32>,
      %get3A_751 = vector.shape_cast %get3A_750 : vector<1x1x16xf32> to vector<16xf32>
      %add3A_752 = arith.addf %add3A_712, %get3A_751 : vector<16xf32>
      %add3A_753 = arith.constant 8 : i32
      %add3A_754 = arith.addi %mul3A_575, %add3A_753 : i32
      %add3A_755 = arith.constant 1 : i32
      %add3A_756 = arith.addi %add3A_754, %add3A_755 : i32
      %get3A_757 = arith.constant 0 : i32
      %get3A_758 = arith.index_cast %get3A_757 : i32 to index
      %get3A_759 = arith.index_cast %add3A_756 : i32 to index
      %get3A_760 = arith.constant 0 : index
      %get3A_761 = tpu.vector_load %arg6[%get3A_758, %get3A_759, %get3A_760] {strides = array<i32>} : memref<8x200x32xf32, #tpu.memory_space<vmem>>, vector<1x1x16xf32>,
      %get3A_762 = vector.shape_cast %get3A_761 : vector<1x1x16xf32> to vector<16xf32>
      %add3A_763 = arith.addf %add3A_723, %get3A_762 : vector<16xf32>
      %add3A_764 = arith.constant 8 : i32
      %add3A_765 = arith.addi %mul3A_575, %add3A_764 : i32
      %add3A_766 = arith.constant 1 : i32
      %add3A_767 = arith.addi %add3A_765, %add3A_766 : i32
      %get3A_768 = arith.constant 0 : i32
      %get3A_769 = arith.index_cast %get3A_768 : i32 to index
      %get3A_770 = arith.index_cast %add3A_767 : i32 to index
      %get3A_771 = arith.constant 16 : index
      %get3A_772 = tpu.vector_load %arg6[%get3A_769, %get3A_770, %get3A_771] {strides = array<i32>} : memref<8x200x32xf32, #tpu.memory_space<vmem>>, vector<1x1x16xf32>,
      %get3A_773 = vector.shape_cast %get3A_772 : vector<1x1x16xf32> to vector<16xf32>
      %add3A_774 = arith.addf %add3A_734, %get3A_773 : vector<16xf32>
      scf.yield %add3A_743, %add3A_763, %add3A_752, %add3A_774 : vector<16xf32>, vector<16xf32>, vector<16xf32>, vector<16xf32>
    }
    %scan3A_289 = arith.constant 20 : i32
    %add3A_290 = arith.addf %scan3A_288#0, %scan3A_288#1 : vector<16xf32>
    %swap3A = arith.constant 120 : i32
    %swap3A_291 = arith.index_cast %swap3A : i32 to index
    %swap3A_292 = arith.constant 0 : index
    %swap3A_293 = tpu.vector_load %arg7[%swap3A_291, %swap3A_292] {strides = array<i32>} : memref<128x32xf32, #tpu.memory_space<vmem>>, vector<1x16xf32>,
    %swap3A_294 = vector.shape_cast %swap3A_293 : vector<1x16xf32> to vector<16xf32>
    %swap3A_295 = vector.shape_cast %add3A_290 : vector<16xf32> to vector<1x16xf32>
    tpu.vector_store %arg7[%swap3A_291, %swap3A_292], %swap3A_295 {strides = array<i32>} : memref<128x32xf32, #tpu.memory_space<vmem>>, vector<1x16xf32>,
    %add3A_296 = arith.addf %scan3A_288#2, %scan3A_288#3 : vector<16xf32>
    %swap3A_297 = arith.constant 120 : i32
    %swap3A_298 = arith.index_cast %swap3A_297 : i32 to index
    %swap3A_299 = arith.constant 16 : index
    %swap3A_300 = tpu.vector_load %arg7[%swap3A_298, %swap3A_299] {strides = array<i32>} : memref<128x32xf32, #tpu.memory_space<vmem>>, vector<1x16xf32>,
    %swap3A_301 = vector.shape_cast %swap3A_300 : vector<1x16xf32> to vector<16xf32>
    %swap3A_302 = vector.shape_cast %add3A_296 : vector<16xf32> to vector<1x16xf32>
    tpu.vector_store %arg7[%swap3A_298, %swap3A_299], %swap3A_302 {strides = array<i32>} : memref<128x32xf32, #tpu.memory_space<vmem>>, vector<1x16xf32>,
    %dma_wait3A_303 = arith.constant 1 : i32
    %dma_wait3A_304 = arith.constant 1 : i32
    %dma_wait3A_305 = arith.constant 0 : i32
    %dma_wait3A_306 = arith.constant 0 : i32
    %dma_wait3A_307 = tpu.memref_slice %arg6[%dma_wait3A_303, %dma_wait3A_305, %dma_wait3A_306] : memref<8x200x32xf32, #tpu.memory_space<vmem>> -> memref<1x200x32xf32, #tpu.memory_space<vmem>>
    %dma_wait3A_308 = tpu.memref_squeeze %dma_wait3A_307 : memref<1x200x32xf32, #tpu.memory_space<vmem>> -> memref<200x32xf32, #tpu.memory_space<vmem>>
    %dma_wait3A_309 = arith.constant 0 : i32
    %dma_wait3A_310 = arith.constant 0 : i32
    %dma_wait3A_311 = tpu.memref_slice %arg3[%dma_wait3A_309, %dma_wait3A_310] : memref<1048576x32xf32, #tpu.memory_space<hbm>> -> memref<200x32xf32, #tpu.memory_space<hbm>>
    %dma_wait3A_312 = tpu.memref_slice %arg8[%dma_wait3A_304] : memref<8x!tpu.dma_semaphore, #tpu.memory_space<semaphore_mem>> -> memref<1x!tpu.dma_semaphore, #tpu.memory_space<semaphore_mem>>
    %dma_wait3A_313 = tpu.memref_squeeze %dma_wait3A_312 : memref<1x!tpu.dma_semaphore, #tpu.memory_space<semaphore_mem>> -> memref<!tpu.dma_semaphore, #tpu.memory_space<semaphore_mem>>
    %dma_wait3A_314 = arith.constant 0 : i32
    %dma_wait3A_315 = arith.constant 0 : i32
    %dma_wait3A_316 = tpu.memref_slice %arg6[%dma_wait3A_303, %dma_wait3A_314, %dma_wait3A_315] : memref<8x200x32xf32, #tpu.memory_space<vmem>> -> memref<1x200x32xf32, #tpu.memory_space<vmem>>
    %dma_wait3A_317 = tpu.memref_squeeze %dma_wait3A_316 : memref<1x200x32xf32, #tpu.memory_space<vmem>> -> memref<200x32xf32, #tpu.memory_space<vmem>>
    %dma_wait3A_318 = arith.constant 0 : i32
    %dma_wait3A_319 = arith.constant 0 : i32
    %dma_wait3A_320 = tpu.memref_slice %arg3[%dma_wait3A_318, %dma_wait3A_319] : memref<1048576x32xf32, #tpu.memory_space<hbm>> -> memref<200x32xf32, #tpu.memory_space<hbm>>
    tpu.wait_dma2 semaphore(%dma_wait3A_313 : memref<!tpu.dma_semaphore, #tpu.memory_space<semaphore_mem>>) src(%dma_wait3A_320 : memref<200x32xf32, #tpu.memory_space<hbm>>) dst(%dma_wait3A_317 : memref<200x32xf32, #tpu.memory_space<vmem>>)
    %scan3A_321 = arith.constant 0 : i32
    %scan3A_322 = arith.constant 20 : i32
    %scan3A_323 = arith.addi %scan3A_321, %scan3A_322 : i32
    %scan3A_324 = arith.constant 1 : i32
    %scan3A_325:4 = scf.for %scan3A_569 = %scan3A_321 to %scan3A_323 step %scan3A_324 iter_args(%scan3A_570 = %broadcast_in_dim3A_6, %scan3A_571 = %broadcast_in_dim3A_6, %scan3A_572 = %broadcast_in_dim3A_6, %scan3A_573 = %broadcast_in_dim3A_6) -> (vector<16xf32>, vector<16xf32>, vector<16xf32>, vector<16xf32>)  : i32 {
      %mul3A_574 = arith.constant 10 : i32
      %mul3A_575 = arith.muli %scan3A_569, %mul3A_574 : i32
      %add3A_576 = arith.constant 0 : i32
      %add3A_577 = arith.addi %mul3A_575, %add3A_576 : i32
      %get3A = arith.constant 1 : i32
      %get3A_578 = arith.index_cast %get3A : i32 to index
      %get3A_579 = arith.index_cast %add3A_577 : i32 to index
      %get3A_580 = arith.constant 0 : index
      %get3A_581 = tpu.vector_load %arg6[%get3A_578, %get3A_579, %get3A_580] {strides = array<i32>} : memref<8x200x32xf32, #tpu.memory_space<vmem>>, vector<1x1x16xf32>,
      %get3A_582 = vector.shape_cast %get3A_581 : vector<1x1x16xf32> to vector<16xf32>
      %add3A_583 = arith.addf %scan3A_570, %get3A_582 : vector<16xf32>
      %add3A_584 = arith.constant 0 : i32
      %add3A_585 = arith.addi %mul3A_575, %add3A_584 : i32
      %get3A_586 = arith.constant 1 : i32
      %get3A_587 = arith.index_cast %get3A_586 : i32 to index
      %get3A_588 = arith.index_cast %add3A_585 : i32 to index
      %get3A_589 = arith.constant 16 : index
      %get3A_590 = tpu.vector_load %arg6[%get3A_587, %get3A_588, %get3A_589] {strides = array<i32>} : memref<8x200x32xf32, #tpu.memory_space<vmem>>, vector<1x1x16xf32>,
      %get3A_591 = vector.shape_cast %get3A_590 : vector<1x1x16xf32> to vector<16xf32>
      %add3A_592 = arith.addf %scan3A_572, %get3A_591 : vector<16xf32>
      %add3A_593 = arith.constant 0 : i32
      %add3A_594 = arith.addi %mul3A_575, %add3A_593 : i32
      %add3A_595 = arith.constant 1 : i32
      %add3A_596 = arith.addi %add3A_594, %add3A_595 : i32
      %get3A_597 = arith.constant 1 : i32
      %get3A_598 = arith.index_cast %get3A_597 : i32 to index
      %get3A_599 = arith.index_cast %add3A_596 : i32 to index
      %get3A_600 = arith.constant 0 : index
      %get3A_601 = tpu.vector_load %arg6[%get3A_598, %get3A_599, %get3A_600] {strides = array<i32>} : memref<8x200x32xf32, #tpu.memory_space<vmem>>, vector<1x1x16xf32>,
      %get3A_602 = vector.shape_cast %get3A_601 : vector<1x1x16xf32> to vector<16xf32>
      %add3A_603 = arith.addf %scan3A_571, %get3A_602 : vector<16xf32>
      %add3A_604 = arith.constant 0 : i32
      %add3A_605 = arith.addi %mul3A_575, %add3A_604 : i32
      %add3A_606 = arith.constant 1 : i32
      %add3A_607 = arith.addi %add3A_605, %add3A_606 : i32
      %get3A_608 = arith.constant 1 : i32
      %get3A_609 = arith.index_cast %get3A_608 : i32 to index
      %get3A_610 = arith.index_cast %add3A_607 : i32 to index
      %get3A_611 = arith.constant 16 : index
      %get3A_612 = tpu.vector_load %arg6[%get3A_609, %get3A_610, %get3A_611] {strides = array<i32>} : memref<8x200x32xf32, #tpu.memory_space<vmem>>, vector<1x1x16xf32>,
      %get3A_613 = vector.shape_cast %get3A_612 : vector<1x1x16xf32> to vector<16xf32>
      %add3A_614 = arith.addf %scan3A_573, %get3A_613 : vector<16xf32>
      %add3A_615 = arith.constant 2 : i32
      %add3A_616 = arith.addi %mul3A_575, %add3A_615 : i32
      %get3A_617 = arith.constant 1 : i32
      %get3A_618 = arith.index_cast %get3A_617 : i32 to index
      %get3A_619 = arith.index_cast %add3A_616 : i32 to index
      %get3A_620 = arith.constant 0 : index
      %get3A_621 = tpu.vector_load %arg6[%get3A_618, %get3A_619, %get3A_620] {strides = array<i32>} : memref<8x200x32xf32, #tpu.memory_space<vmem>>, vector<1x1x16xf32>,
      %get3A_622 = vector.shape_cast %get3A_621 : vector<1x1x16xf32> to vector<16xf32>
      %add3A_623 = arith.addf %add3A_583, %get3A_622 : vector<16xf32>
      %add3A_624 = arith.constant 2 : i32
      %add3A_625 = arith.addi %mul3A_575, %add3A_624 : i32
      %get3A_626 = arith.constant 1 : i32
      %get3A_627 = arith.index_cast %get3A_626 : i32 to index
      %get3A_628 = arith.index_cast %add3A_625 : i32 to index
      %get3A_629 = arith.constant 16 : index
      %get3A_630 = tpu.vector_load %arg6[%get3A_627, %get3A_628, %get3A_629] {strides = array<i32>} : memref<8x200x32xf32, #tpu.memory_space<vmem>>, vector<1x1x16xf32>,
      %get3A_631 = vector.shape_cast %get3A_630 : vector<1x1x16xf32> to vector<16xf32>
      %add3A_632 = arith.addf %add3A_592, %get3A_631 : vector<16xf32>
      %add3A_633 = arith.constant 2 : i32
      %add3A_634 = arith.addi %mul3A_575, %add3A_633 : i32
      %add3A_635 = arith.constant 1 : i32
      %add3A_636 = arith.addi %add3A_634, %add3A_635 : i32
      %get3A_637 = arith.constant 1 : i32
      %get3A_638 = arith.index_cast %get3A_637 : i32 to index
      %get3A_639 = arith.index_cast %add3A_636 : i32 to index
      %get3A_640 = arith.constant 0 : index
      %get3A_641 = tpu.vector_load %arg6[%get3A_638, %get3A_639, %get3A_640] {strides = array<i32>} : memref<8x200x32xf32, #tpu.memory_space<vmem>>, vector<1x1x16xf32>,
      %get3A_642 = vector.shape_cast %get3A_641 : vector<1x1x16xf32> to vector<16xf32>
      %add3A_643 = arith.addf %add3A_603, %get3A_642 : vector<16xf32>
      %add3A_644 = arith.constant 2 : i32
      %add3A_645 = arith.addi %mul3A_575, %add3A_644 : i32
      %add3A_646 = arith.constant 1 : i32
      %add3A_647 = arith.addi %add3A_645, %add3A_646 : i32
      %get3A_648 = arith.constant 1 : i32
      %get3A_649 = arith.index_cast %get3A_648 : i32 to index
      %get3A_650 = arith.index_cast %add3A_647 : i32 to index
      %get3A_651 = arith.constant 16 : index
      %get3A_652 = tpu.vector_load %arg6[%get3A_649, %get3A_650, %get3A_651] {strides = array<i32>} : memref<8x200x32xf32, #tpu.memory_space<vmem>>, vector<1x1x16xf32>,
      %get3A_653 = vector.shape_cast %get3A_652 : vector<1x1x16xf32> to vector<16xf32>
      %add3A_654 = arith.addf %add3A_614, %get3A_653 : vector<16xf32>
      %add3A_655 = arith.constant 4 : i32
      %add3A_656 = arith.addi %mul3A_575, %add3A_655 : i32
      %get3A_657 = arith.constant 1 : i32
      %get3A_658 = arith.index_cast %get3A_657 : i32 to index
      %get3A_659 = arith.index_cast %add3A_656 : i32 to index
      %get3A_660 = arith.constant 0 : index
      %get3A_661 = tpu.vector_load %arg6[%get3A_658, %get3A_659, %get3A_660] {strides = array<i32>} : memref<8x200x32xf32, #tpu.memory_space<vmem>>, vector<1x1x16xf32>,
      %get3A_662 = vector.shape_cast %get3A_661 : vector<1x1x16xf32> to vector<16xf32>
      %add3A_663 = arith.addf %add3A_623, %get3A_662 : vector<16xf32>
      %add3A_664 = arith.constant 4 : i32
      %add3A_665 = arith.addi %mul3A_575, %add3A_664 : i32
      %get3A_666 = arith.constant 1 : i32
      %get3A_667 = arith.index_cast %get3A_666 : i32 to index
      %get3A_668 = arith.index_cast %add3A_665 : i32 to index
      %get3A_669 = arith.constant 16 : index
      %get3A_670 = tpu.vector_load %arg6[%get3A_667, %get3A_668, %get3A_669] {strides = array<i32>} : memref<8x200x32xf32, #tpu.memory_space<vmem>>, vector<1x1x16xf32>,
      %get3A_671 = vector.shape_cast %get3A_670 : vector<1x1x16xf32> to vector<16xf32>
      %add3A_672 = arith.addf %add3A_632, %get3A_671 : vector<16xf32>
      %add3A_673 = arith.constant 4 : i32
      %add3A_674 = arith.addi %mul3A_575, %add3A_673 : i32
      %add3A_675 = arith.constant 1 : i32
      %add3A_676 = arith.addi %add3A_674, %add3A_675 : i32
      %get3A_677 = arith.constant 1 : i32
      %get3A_678 = arith.index_cast %get3A_677 : i32 to index
      %get3A_679 = arith.index_cast %add3A_676 : i32 to index
      %get3A_680 = arith.constant 0 : index
      %get3A_681 = tpu.vector_load %arg6[%get3A_678, %get3A_679, %get3A_680] {strides = array<i32>} : memref<8x200x32xf32, #tpu.memory_space<vmem>>, vector<1x1x16xf32>,
      %get3A_682 = vector.shape_cast %get3A_681 : vector<1x1x16xf32> to vector<16xf32>
      %add3A_683 = arith.addf %add3A_643, %get3A_682 : vector<16xf32>
      %add3A_684 = arith.constant 4 : i32
      %add3A_685 = arith.addi %mul3A_575, %add3A_684 : i32
      %add3A_686 = arith.constant 1 : i32
      %add3A_687 = arith.addi %add3A_685, %add3A_686 : i32
      %get3A_688 = arith.constant 1 : i32
      %get3A_689 = arith.index_cast %get3A_688 : i32 to index
      %get3A_690 = arith.index_cast %add3A_687 : i32 to index
      %get3A_691 = arith.constant 16 : index
      %get3A_692 = tpu.vector_load %arg6[%get3A_689, %get3A_690, %get3A_691] {strides = array<i32>} : memref<8x200x32xf32, #tpu.memory_space<vmem>>, vector<1x1x16xf32>,
      %get3A_693 = vector.shape_cast %get3A_692 : vector<1x1x16xf32> to vector<16xf32>
      %add3A_694 = arith.addf %add3A_654, %get3A_693 : vector<16xf32>
      %add3A_695 = arith.constant 6 : i32
      %add3A_696 = arith.addi %mul3A_575, %add3A_695 : i32
      %get3A_697 = arith.constant 1 : i32
      %get3A_698 = arith.index_cast %get3A_697 : i32 to index
      %get3A_699 = arith.index_cast %add3A_696 : i32 to index
      %get3A_700 = arith.constant 0 : index
      %get3A_701 = tpu.vector_load %arg6[%get3A_698, %get3A_699, %get3A_700] {strides = array<i32>} : memref<8x200x32xf32, #tpu.memory_space<vmem>>, vector<1x1x16xf32>,
      %get3A_702 = vector.shape_cast %get3A_701 : vector<1x1x16xf32> to vector<16xf32>
      %add3A_703 = arith.addf %add3A_663, %get3A_702 : vector<16xf32>
      %add3A_704 = arith.constant 6 : i32
      %add3A_705 = arith.addi %mul3A_575, %add3A_704 : i32
      %get3A_706 = arith.constant 1 : i32
      %get3A_707 = arith.index_cast %get3A_706 : i32 to index
      %get3A_708 = arith.index_cast %add3A_705 : i32 to index
      %get3A_709 = arith.constant 16 : index
      %get3A_710 = tpu.vector_load %arg6[%get3A_707, %get3A_708, %get3A_709] {strides = array<i32>} : memref<8x200x32xf32, #tpu.memory_space<vmem>>, vector<1x1x16xf32>,
      %get3A_711 = vector.shape_cast %get3A_710 : vector<1x1x16xf32> to vector<16xf32>
      %add3A_712 = arith.addf %add3A_672, %get3A_711 : vector<16xf32>
      %add3A_713 = arith.constant 6 : i32
      %add3A_714 = arith.addi %mul3A_575, %add3A_713 : i32
      %add3A_715 = arith.constant 1 : i32
      %add3A_716 = arith.addi %add3A_714, %add3A_715 : i32
      %get3A_717 = arith.constant 1 : i32
      %get3A_718 = arith.index_cast %get3A_717 : i32 to index
      %get3A_719 = arith.index_cast %add3A_716 : i32 to index
      %get3A_720 = arith.constant 0 : index
      %get3A_721 = tpu.vector_load %arg6[%get3A_718, %get3A_719, %get3A_720] {strides = array<i32>} : memref<8x200x32xf32, #tpu.memory_space<vmem>>, vector<1x1x16xf32>,
      %get3A_722 = vector.shape_cast %get3A_721 : vector<1x1x16xf32> to vector<16xf32>
      %add3A_723 = arith.addf %add3A_683, %get3A_722 : vector<16xf32>
      %add3A_724 = arith.constant 6 : i32
      %add3A_725 = arith.addi %mul3A_575, %add3A_724 : i32
      %add3A_726 = arith.constant 1 : i32
      %add3A_727 = arith.addi %add3A_725, %add3A_726 : i32
      %get3A_728 = arith.constant 1 : i32
      %get3A_729 = arith.index_cast %get3A_728 : i32 to index
      %get3A_730 = arith.index_cast %add3A_727 : i32 to index
      %get3A_731 = arith.constant 16 : index
      %get3A_732 = tpu.vector_load %arg6[%get3A_729, %get3A_730, %get3A_731] {strides = array<i32>} : memref<8x200x32xf32, #tpu.memory_space<vmem>>, vector<1x1x16xf32>,
      %get3A_733 = vector.shape_cast %get3A_732 : vector<1x1x16xf32> to vector<16xf32>
      %add3A_734 = arith.addf %add3A_694, %get3A_733 : vector<16xf32>
      %add3A_735 = arith.constant 8 : i32
      %add3A_736 = arith.addi %mul3A_575, %add3A_735 : i32
      %get3A_737 = arith.constant 1 : i32
      %get3A_738 = arith.index_cast %get3A_737 : i32 to index
      %get3A_739 = arith.index_cast %add3A_736 : i32 to index
      %get3A_740 = arith.constant 0 : index
      %get3A_741 = tpu.vector_load %arg6[%get3A_738, %get3A_739, %get3A_740] {strides = array<i32>} : memref<8x200x32xf32, #tpu.memory_space<vmem>>, vector<1x1x16xf32>,
      %get3A_742 = vector.shape_cast %get3A_741 : vector<1x1x16xf32> to vector<16xf32>
      %add3A_743 = arith.addf %add3A_703, %get3A_742 : vector<16xf32>
      %add3A_744 = arith.constant 8 : i32
      %add3A_745 = arith.addi %mul3A_575, %add3A_744 : i32
      %get3A_746 = arith.constant 1 : i32
      %get3A_747 = arith.index_cast %get3A_746 : i32 to index
      %get3A_748 = arith.index_cast %add3A_745 : i32 to index
      %get3A_749 = arith.constant 16 : index
      %get3A_750 = tpu.vector_load %arg6[%get3A_747, %get3A_748, %get3A_749] {strides = array<i32>} : memref<8x200x32xf32, #tpu.memory_space<vmem>>, vector<1x1x16xf32>,
      %get3A_751 = vector.shape_cast %get3A_750 : vector<1x1x16xf32> to vector<16xf32>
      %add3A_752 = arith.addf %add3A_712, %get3A_751 : vector<16xf32>
      %add3A_753 = arith.constant 8 : i32
      %add3A_754 = arith.addi %mul3A_575, %add3A_753 : i32
      %add3A_755 = arith.constant 1 : i32
      %add3A_756 = arith.addi %add3A_754, %add3A_755 : i32
      %get3A_757 = arith.constant 1 : i32
      %get3A_758 = arith.index_cast %get3A_757 : i32 to index
      %get3A_759 = arith.index_cast %add3A_756 : i32 to index
      %get3A_760 = arith.constant 0 : index
      %get3A_761 = tpu.vector_load %arg6[%get3A_758, %get3A_759, %get3A_760] {strides = array<i32>} : memref<8x200x32xf32, #tpu.memory_space<vmem>>, vector<1x1x16xf32>,
      %get3A_762 = vector.shape_cast %get3A_761 : vector<1x1x16xf32> to vector<16xf32>
      %add3A_763 = arith.addf %add3A_723, %get3A_762 : vector<16xf32>
      %add3A_764 = arith.constant 8 : i32
      %add3A_765 = arith.addi %mul3A_575, %add3A_764 : i32
      %add3A_766 = arith.constant 1 : i32
      %add3A_767 = arith.addi %add3A_765, %add3A_766 : i32
      %get3A_768 = arith.constant 1 : i32
      %get3A_769 = arith.index_cast %get3A_768 : i32 to index
      %get3A_770 = arith.index_cast %add3A_767 : i32 to index
      %get3A_771 = arith.constant 16 : index
      %get3A_772 = tpu.vector_load %arg6[%get3A_769, %get3A_770, %get3A_771] {strides = array<i32>} : memref<8x200x32xf32, #tpu.memory_space<vmem>>, vector<1x1x16xf32>,
      %get3A_773 = vector.shape_cast %get3A_772 : vector<1x1x16xf32> to vector<16xf32>
      %add3A_774 = arith.addf %add3A_734, %get3A_773 : vector<16xf32>
      scf.yield %add3A_743, %add3A_763, %add3A_752, %add3A_774 : vector<16xf32>, vector<16xf32>, vector<16xf32>, vector<16xf32>
    }
    %scan3A_326 = arith.constant 20 : i32
    %add3A_327 = arith.addf %scan3A_325#0, %scan3A_325#1 : vector<16xf32>
    %swap3A_328 = arith.constant 121 : i32
    %swap3A_329 = arith.index_cast %swap3A_328 : i32 to index
    %swap3A_330 = arith.constant 0 : index
    %swap3A_331 = tpu.vector_load %arg7[%swap3A_329, %swap3A_330] {strides = array<i32>} : memref<128x32xf32, #tpu.memory_space<vmem>>, vector<1x16xf32>,
    %swap3A_332 = vector.shape_cast %swap3A_331 : vector<1x16xf32> to vector<16xf32>
    %swap3A_333 = vector.shape_cast %add3A_327 : vector<16xf32> to vector<1x16xf32>
    tpu.vector_store %arg7[%swap3A_329, %swap3A_330], %swap3A_333 {strides = array<i32>} : memref<128x32xf32, #tpu.memory_space<vmem>>, vector<1x16xf32>,
    %add3A_334 = arith.addf %scan3A_325#2, %scan3A_325#3 : vector<16xf32>
    %swap3A_335 = arith.constant 121 : i32
    %swap3A_336 = arith.index_cast %swap3A_335 : i32 to index
    %swap3A_337 = arith.constant 16 : index
    %swap3A_338 = tpu.vector_load %arg7[%swap3A_336, %swap3A_337] {strides = array<i32>} : memref<128x32xf32, #tpu.memory_space<vmem>>, vector<1x16xf32>,
    %swap3A_339 = vector.shape_cast %swap3A_338 : vector<1x16xf32> to vector<16xf32>
    %swap3A_340 = vector.shape_cast %add3A_334 : vector<16xf32> to vector<1x16xf32>
    tpu.vector_store %arg7[%swap3A_336, %swap3A_337], %swap3A_340 {strides = array<i32>} : memref<128x32xf32, #tpu.memory_space<vmem>>, vector<1x16xf32>,
    %dma_wait3A_341 = arith.constant 2 : i32
    %dma_wait3A_342 = arith.constant 2 : i32
    %dma_wait3A_343 = arith.constant 0 : i32
    %dma_wait3A_344 = arith.constant 0 : i32
    %dma_wait3A_345 = tpu.memref_slice %arg6[%dma_wait3A_341, %dma_wait3A_343, %dma_wait3A_344] : memref<8x200x32xf32, #tpu.memory_space<vmem>> -> memref<1x200x32xf32, #tpu.memory_space<vmem>>
    %dma_wait3A_346 = tpu.memref_squeeze %dma_wait3A_345 : memref<1x200x32xf32, #tpu.memory_space<vmem>> -> memref<200x32xf32, #tpu.memory_space<vmem>>
    %dma_wait3A_347 = arith.constant 0 : i32
    %dma_wait3A_348 = arith.constant 0 : i32
    %dma_wait3A_349 = tpu.memref_slice %arg3[%dma_wait3A_347, %dma_wait3A_348] : memref<1048576x32xf32, #tpu.memory_space<hbm>> -> memref<200x32xf32, #tpu.memory_space<hbm>>
    %dma_wait3A_350 = tpu.memref_slice %arg8[%dma_wait3A_342] : memref<8x!tpu.dma_semaphore, #tpu.memory_space<semaphore_mem>> -> memref<1x!tpu.dma_semaphore, #tpu.memory_space<semaphore_mem>>
    %dma_wait3A_351 = tpu.memref_squeeze %dma_wait3A_350 : memref<1x!tpu.dma_semaphore, #tpu.memory_space<semaphore_mem>> -> memref<!tpu.dma_semaphore, #tpu.memory_space<semaphore_mem>>
    %dma_wait3A_352 = arith.constant 0 : i32
    %dma_wait3A_353 = arith.constant 0 : i32
    %dma_wait3A_354 = tpu.memref_slice %arg6[%dma_wait3A_341, %dma_wait3A_352, %dma_wait3A_353] : memref<8x200x32xf32, #tpu.memory_space<vmem>> -> memref<1x200x32xf32, #tpu.memory_space<vmem>>
    %dma_wait3A_355 = tpu.memref_squeeze %dma_wait3A_354 : memref<1x200x32xf32, #tpu.memory_space<vmem>> -> memref<200x32xf32, #tpu.memory_space<vmem>>
    %dma_wait3A_356 = arith.constant 0 : i32
    %dma_wait3A_357 = arith.constant 0 : i32
    %dma_wait3A_358 = tpu.memref_slice %arg3[%dma_wait3A_356, %dma_wait3A_357] : memref<1048576x32xf32, #tpu.memory_space<hbm>> -> memref<200x32xf32, #tpu.memory_space<hbm>>
    tpu.wait_dma2 semaphore(%dma_wait3A_351 : memref<!tpu.dma_semaphore, #tpu.memory_space<semaphore_mem>>) src(%dma_wait3A_358 : memref<200x32xf32, #tpu.memory_space<hbm>>) dst(%dma_wait3A_355 : memref<200x32xf32, #tpu.memory_space<vmem>>)
    %scan3A_359 = arith.constant 0 : i32
    %scan3A_360 = arith.constant 20 : i32
    %scan3A_361 = arith.addi %scan3A_359, %scan3A_360 : i32
    %scan3A_362 = arith.constant 1 : i32
    %scan3A_363:4 = scf.for %scan3A_569 = %scan3A_359 to %scan3A_361 step %scan3A_362 iter_args(%scan3A_570 = %broadcast_in_dim3A_6, %scan3A_571 = %broadcast_in_dim3A_6, %scan3A_572 = %broadcast_in_dim3A_6, %scan3A_573 = %broadcast_in_dim3A_6) -> (vector<16xf32>, vector<16xf32>, vector<16xf32>, vector<16xf32>)  : i32 {
      %mul3A_574 = arith.constant 10 : i32
      %mul3A_575 = arith.muli %scan3A_569, %mul3A_574 : i32
      %add3A_576 = arith.constant 0 : i32
      %add3A_577 = arith.addi %mul3A_575, %add3A_576 : i32
      %get3A = arith.constant 2 : i32
      %get3A_578 = arith.index_cast %get3A : i32 to index
      %get3A_579 = arith.index_cast %add3A_577 : i32 to index
      %get3A_580 = arith.constant 0 : index
      %get3A_581 = tpu.vector_load %arg6[%get3A_578, %get3A_579, %get3A_580] {strides = array<i32>} : memref<8x200x32xf32, #tpu.memory_space<vmem>>, vector<1x1x16xf32>,
      %get3A_582 = vector.shape_cast %get3A_581 : vector<1x1x16xf32> to vector<16xf32>
      %add3A_583 = arith.addf %scan3A_570, %get3A_582 : vector<16xf32>
      %add3A_584 = arith.constant 0 : i32
      %add3A_585 = arith.addi %mul3A_575, %add3A_584 : i32
      %get3A_586 = arith.constant 2 : i32
      %get3A_587 = arith.index_cast %get3A_586 : i32 to index
      %get3A_588 = arith.index_cast %add3A_585 : i32 to index
      %get3A_589 = arith.constant 16 : index
      %get3A_590 = tpu.vector_load %arg6[%get3A_587, %get3A_588, %get3A_589] {strides = array<i32>} : memref<8x200x32xf32, #tpu.memory_space<vmem>>, vector<1x1x16xf32>,
      %get3A_591 = vector.shape_cast %get3A_590 : vector<1x1x16xf32> to vector<16xf32>
      %add3A_592 = arith.addf %scan3A_572, %get3A_591 : vector<16xf32>
      %add3A_593 = arith.constant 0 : i32
      %add3A_594 = arith.addi %mul3A_575, %add3A_593 : i32
      %add3A_595 = arith.constant 1 : i32
      %add3A_596 = arith.addi %add3A_594, %add3A_595 : i32
      %get3A_597 = arith.constant 2 : i32
      %get3A_598 = arith.index_cast %get3A_597 : i32 to index
      %get3A_599 = arith.index_cast %add3A_596 : i32 to index
      %get3A_600 = arith.constant 0 : index
      %get3A_601 = tpu.vector_load %arg6[%get3A_598, %get3A_599, %get3A_600] {strides = array<i32>} : memref<8x200x32xf32, #tpu.memory_space<vmem>>, vector<1x1x16xf32>,
      %get3A_602 = vector.shape_cast %get3A_601 : vector<1x1x16xf32> to vector<16xf32>
      %add3A_603 = arith.addf %scan3A_571, %get3A_602 : vector<16xf32>
      %add3A_604 = arith.constant 0 : i32
      %add3A_605 = arith.addi %mul3A_575, %add3A_604 : i32
      %add3A_606 = arith.constant 1 : i32
      %add3A_607 = arith.addi %add3A_605, %add3A_606 : i32
      %get3A_608 = arith.constant 2 : i32
      %get3A_609 = arith.index_cast %get3A_608 : i32 to index
      %get3A_610 = arith.index_cast %add3A_607 : i32 to index
      %get3A_611 = arith.constant 16 : index
      %get3A_612 = tpu.vector_load %arg6[%get3A_609, %get3A_610, %get3A_611] {strides = array<i32>} : memref<8x200x32xf32, #tpu.memory_space<vmem>>, vector<1x1x16xf32>,
      %get3A_613 = vector.shape_cast %get3A_612 : vector<1x1x16xf32> to vector<16xf32>
      %add3A_614 = arith.addf %scan3A_573, %get3A_613 : vector<16xf32>
      %add3A_615 = arith.constant 2 : i32
      %add3A_616 = arith.addi %mul3A_575, %add3A_615 : i32
      %get3A_617 = arith.constant 2 : i32
      %get3A_618 = arith.index_cast %get3A_617 : i32 to index
      %get3A_619 = arith.index_cast %add3A_616 : i32 to index
      %get3A_620 = arith.constant 0 : index
      %get3A_621 = tpu.vector_load %arg6[%get3A_618, %get3A_619, %get3A_620] {strides = array<i32>} : memref<8x200x32xf32, #tpu.memory_space<vmem>>, vector<1x1x16xf32>,
      %get3A_622 = vector.shape_cast %get3A_621 : vector<1x1x16xf32> to vector<16xf32>
      %add3A_623 = arith.addf %add3A_583, %get3A_622 : vector<16xf32>
      %add3A_624 = arith.constant 2 : i32
      %add3A_625 = arith.addi %mul3A_575, %add3A_624 : i32
      %get3A_626 = arith.constant 2 : i32
      %get3A_627 = arith.index_cast %get3A_626 : i32 to index
      %get3A_628 = arith.index_cast %add3A_625 : i32 to index
      %get3A_629 = arith.constant 16 : index
      %get3A_630 = tpu.vector_load %arg6[%get3A_627, %get3A_628, %get3A_629] {strides = array<i32>} : memref<8x200x32xf32, #tpu.memory_space<vmem>>, vector<1x1x16xf32>,
      %get3A_631 = vector.shape_cast %get3A_630 : vector<1x1x16xf32> to vector<16xf32>
      %add3A_632 = arith.addf %add3A_592, %get3A_631 : vector<16xf32>
      %add3A_633 = arith.constant 2 : i32
      %add3A_634 = arith.addi %mul3A_575, %add3A_633 : i32
      %add3A_635 = arith.constant 1 : i32
      %add3A_636 = arith.addi %add3A_634, %add3A_635 : i32
      %get3A_637 = arith.constant 2 : i32
      %get3A_638 = arith.index_cast %get3A_637 : i32 to index
      %get3A_639 = arith.index_cast %add3A_636 : i32 to index
      %get3A_640 = arith.constant 0 : index
      %get3A_641 = tpu.vector_load %arg6[%get3A_638, %get3A_639, %get3A_640] {strides = array<i32>} : memref<8x200x32xf32, #tpu.memory_space<vmem>>, vector<1x1x16xf32>,
      %get3A_642 = vector.shape_cast %get3A_641 : vector<1x1x16xf32> to vector<16xf32>
      %add3A_643 = arith.addf %add3A_603, %get3A_642 : vector<16xf32>
      %add3A_644 = arith.constant 2 : i32
      %add3A_645 = arith.addi %mul3A_575, %add3A_644 : i32
      %add3A_646 = arith.constant 1 : i32
      %add3A_647 = arith.addi %add3A_645, %add3A_646 : i32
      %get3A_648 = arith.constant 2 : i32
      %get3A_649 = arith.index_cast %get3A_648 : i32 to index
      %get3A_650 = arith.index_cast %add3A_647 : i32 to index
      %get3A_651 = arith.constant 16 : index
      %get3A_652 = tpu.vector_load %arg6[%get3A_649, %get3A_650, %get3A_651] {strides = array<i32>} : memref<8x200x32xf32, #tpu.memory_space<vmem>>, vector<1x1x16xf32>,
      %get3A_653 = vector.shape_cast %get3A_652 : vector<1x1x16xf32> to vector<16xf32>
      %add3A_654 = arith.addf %add3A_614, %get3A_653 : vector<16xf32>
      %add3A_655 = arith.constant 4 : i32
      %add3A_656 = arith.addi %mul3A_575, %add3A_655 : i32
      %get3A_657 = arith.constant 2 : i32
      %get3A_658 = arith.index_cast %get3A_657 : i32 to index
      %get3A_659 = arith.index_cast %add3A_656 : i32 to index
      %get3A_660 = arith.constant 0 : index
      %get3A_661 = tpu.vector_load %arg6[%get3A_658, %get3A_659, %get3A_660] {strides = array<i32>} : memref<8x200x32xf32, #tpu.memory_space<vmem>>, vector<1x1x16xf32>,
      %get3A_662 = vector.shape_cast %get3A_661 : vector<1x1x16xf32> to vector<16xf32>
      %add3A_663 = arith.addf %add3A_623, %get3A_662 : vector<16xf32>
      %add3A_664 = arith.constant 4 : i32
      %add3A_665 = arith.addi %mul3A_575, %add3A_664 : i32
      %get3A_666 = arith.constant 2 : i32
      %get3A_667 = arith.index_cast %get3A_666 : i32 to index
      %get3A_668 = arith.index_cast %add3A_665 : i32 to index
      %get3A_669 = arith.constant 16 : index
      %get3A_670 = tpu.vector_load %arg6[%get3A_667, %get3A_668, %get3A_669] {strides = array<i32>} : memref<8x200x32xf32, #tpu.memory_space<vmem>>, vector<1x1x16xf32>,
      %get3A_671 = vector.shape_cast %get3A_670 : vector<1x1x16xf32> to vector<16xf32>
      %add3A_672 = arith.addf %add3A_632, %get3A_671 : vector<16xf32>
      %add3A_673 = arith.constant 4 : i32
      %add3A_674 = arith.addi %mul3A_575, %add3A_673 : i32
      %add3A_675 = arith.constant 1 : i32
      %add3A_676 = arith.addi %add3A_674, %add3A_675 : i32
      %get3A_677 = arith.constant 2 : i32
      %get3A_678 = arith.index_cast %get3A_677 : i32 to index
      %get3A_679 = arith.index_cast %add3A_676 : i32 to index
      %get3A_680 = arith.constant 0 : index
      %get3A_681 = tpu.vector_load %arg6[%get3A_678, %get3A_679, %get3A_680] {strides = array<i32>} : memref<8x200x32xf32, #tpu.memory_space<vmem>>, vector<1x1x16xf32>,
      %get3A_682 = vector.shape_cast %get3A_681 : vector<1x1x16xf32> to vector<16xf32>
      %add3A_683 = arith.addf %add3A_643, %get3A_682 : vector<16xf32>
      %add3A_684 = arith.constant 4 : i32
      %add3A_685 = arith.addi %mul3A_575, %add3A_684 : i32
      %add3A_686 = arith.constant 1 : i32
      %add3A_687 = arith.addi %add3A_685, %add3A_686 : i32
      %get3A_688 = arith.constant 2 : i32
      %get3A_689 = arith.index_cast %get3A_688 : i32 to index
      %get3A_690 = arith.index_cast %add3A_687 : i32 to index
      %get3A_691 = arith.constant 16 : index
      %get3A_692 = tpu.vector_load %arg6[%get3A_689, %get3A_690, %get3A_691] {strides = array<i32>} : memref<8x200x32xf32, #tpu.memory_space<vmem>>, vector<1x1x16xf32>,
      %get3A_693 = vector.shape_cast %get3A_692 : vector<1x1x16xf32> to vector<16xf32>
      %add3A_694 = arith.addf %add3A_654, %get3A_693 : vector<16xf32>
      %add3A_695 = arith.constant 6 : i32
      %add3A_696 = arith.addi %mul3A_575, %add3A_695 : i32
      %get3A_697 = arith.constant 2 : i32
      %get3A_698 = arith.index_cast %get3A_697 : i32 to index
      %get3A_699 = arith.index_cast %add3A_696 : i32 to index
      %get3A_700 = arith.constant 0 : index
      %get3A_701 = tpu.vector_load %arg6[%get3A_698, %get3A_699, %get3A_700] {strides = array<i32>} : memref<8x200x32xf32, #tpu.memory_space<vmem>>, vector<1x1x16xf32>,
      %get3A_702 = vector.shape_cast %get3A_701 : vector<1x1x16xf32> to vector<16xf32>
      %add3A_703 = arith.addf %add3A_663, %get3A_702 : vector<16xf32>
      %add3A_704 = arith.constant 6 : i32
      %add3A_705 = arith.addi %mul3A_575, %add3A_704 : i32
      %get3A_706 = arith.constant 2 : i32
      %get3A_707 = arith.index_cast %get3A_706 : i32 to index
      %get3A_708 = arith.index_cast %add3A_705 : i32 to index
      %get3A_709 = arith.constant 16 : index
      %get3A_710 = tpu.vector_load %arg6[%get3A_707, %get3A_708, %get3A_709] {strides = array<i32>} : memref<8x200x32xf32, #tpu.memory_space<vmem>>, vector<1x1x16xf32>,
      %get3A_711 = vector.shape_cast %get3A_710 : vector<1x1x16xf32> to vector<16xf32>
      %add3A_712 = arith.addf %add3A_672, %get3A_711 : vector<16xf32>
      %add3A_713 = arith.constant 6 : i32
      %add3A_714 = arith.addi %mul3A_575, %add3A_713 : i32
      %add3A_715 = arith.constant 1 : i32
      %add3A_716 = arith.addi %add3A_714, %add3A_715 : i32
      %get3A_717 = arith.constant 2 : i32
      %get3A_718 = arith.index_cast %get3A_717 : i32 to index
      %get3A_719 = arith.index_cast %add3A_716 : i32 to index
      %get3A_720 = arith.constant 0 : index
      %get3A_721 = tpu.vector_load %arg6[%get3A_718, %get3A_719, %get3A_720] {strides = array<i32>} : memref<8x200x32xf32, #tpu.memory_space<vmem>>, vector<1x1x16xf32>,
      %get3A_722 = vector.shape_cast %get3A_721 : vector<1x1x16xf32> to vector<16xf32>
      %add3A_723 = arith.addf %add3A_683, %get3A_722 : vector<16xf32>
      %add3A_724 = arith.constant 6 : i32
      %add3A_725 = arith.addi %mul3A_575, %add3A_724 : i32
      %add3A_726 = arith.constant 1 : i32
      %add3A_727 = arith.addi %add3A_725, %add3A_726 : i32
      %get3A_728 = arith.constant 2 : i32
      %get3A_729 = arith.index_cast %get3A_728 : i32 to index
      %get3A_730 = arith.index_cast %add3A_727 : i32 to index
      %get3A_731 = arith.constant 16 : index
      %get3A_732 = tpu.vector_load %arg6[%get3A_729, %get3A_730, %get3A_731] {strides = array<i32>} : memref<8x200x32xf32, #tpu.memory_space<vmem>>, vector<1x1x16xf32>,
      %get3A_733 = vector.shape_cast %get3A_732 : vector<1x1x16xf32> to vector<16xf32>
      %add3A_734 = arith.addf %add3A_694, %get3A_733 : vector<16xf32>
      %add3A_735 = arith.constant 8 : i32
      %add3A_736 = arith.addi %mul3A_575, %add3A_735 : i32
      %get3A_737 = arith.constant 2 : i32
      %get3A_738 = arith.index_cast %get3A_737 : i32 to index
      %get3A_739 = arith.index_cast %add3A_736 : i32 to index
      %get3A_740 = arith.constant 0 : index
      %get3A_741 = tpu.vector_load %arg6[%get3A_738, %get3A_739, %get3A_740] {strides = array<i32>} : memref<8x200x32xf32, #tpu.memory_space<vmem>>, vector<1x1x16xf32>,
      %get3A_742 = vector.shape_cast %get3A_741 : vector<1x1x16xf32> to vector<16xf32>
      %add3A_743 = arith.addf %add3A_703, %get3A_742 : vector<16xf32>
      %add3A_744 = arith.constant 8 : i32
      %add3A_745 = arith.addi %mul3A_575, %add3A_744 : i32
      %get3A_746 = arith.constant 2 : i32
      %get3A_747 = arith.index_cast %get3A_746 : i32 to index
      %get3A_748 = arith.index_cast %add3A_745 : i32 to index
      %get3A_749 = arith.constant 16 : index
      %get3A_750 = tpu.vector_load %arg6[%get3A_747, %get3A_748, %get3A_749] {strides = array<i32>} : memref<8x200x32xf32, #tpu.memory_space<vmem>>, vector<1x1x16xf32>,
      %get3A_751 = vector.shape_cast %get3A_750 : vector<1x1x16xf32> to vector<16xf32>
      %add3A_752 = arith.addf %add3A_712, %get3A_751 : vector<16xf32>
      %add3A_753 = arith.constant 8 : i32
      %add3A_754 = arith.addi %mul3A_575, %add3A_753 : i32
      %add3A_755 = arith.constant 1 : i32
      %add3A_756 = arith.addi %add3A_754, %add3A_755 : i32
      %get3A_757 = arith.constant 2 : i32
      %get3A_758 = arith.index_cast %get3A_757 : i32 to index
      %get3A_759 = arith.index_cast %add3A_756 : i32 to index
      %get3A_760 = arith.constant 0 : index
      %get3A_761 = tpu.vector_load %arg6[%get3A_758, %get3A_759, %get3A_760] {strides = array<i32>} : memref<8x200x32xf32, #tpu.memory_space<vmem>>, vector<1x1x16xf32>,
      %get3A_762 = vector.shape_cast %get3A_761 : vector<1x1x16xf32> to vector<16xf32>
      %add3A_763 = arith.addf %add3A_723, %get3A_762 : vector<16xf32>
      %add3A_764 = arith.constant 8 : i32
      %add3A_765 = arith.addi %mul3A_575, %add3A_764 : i32
      %add3A_766 = arith.constant 1 : i32
      %add3A_767 = arith.addi %add3A_765, %add3A_766 : i32
      %get3A_768 = arith.constant 2 : i32
      %get3A_769 = arith.index_cast %get3A_768 : i32 to index
      %get3A_770 = arith.index_cast %add3A_767 : i32 to index
      %get3A_771 = arith.constant 16 : index
      %get3A_772 = tpu.vector_load %arg6[%get3A_769, %get3A_770, %get3A_771] {strides = array<i32>} : memref<8x200x32xf32, #tpu.memory_space<vmem>>, vector<1x1x16xf32>,
      %get3A_773 = vector.shape_cast %get3A_772 : vector<1x1x16xf32> to vector<16xf32>
      %add3A_774 = arith.addf %add3A_734, %get3A_773 : vector<16xf32>
      scf.yield %add3A_743, %add3A_763, %add3A_752, %add3A_774 : vector<16xf32>, vector<16xf32>, vector<16xf32>, vector<16xf32>
    }
    %scan3A_364 = arith.constant 20 : i32
    %add3A_365 = arith.addf %scan3A_363#0, %scan3A_363#1 : vector<16xf32>
    %swap3A_366 = arith.constant 122 : i32
    %swap3A_367 = arith.index_cast %swap3A_366 : i32 to index
    %swap3A_368 = arith.constant 0 : index
    %swap3A_369 = tpu.vector_load %arg7[%swap3A_367, %swap3A_368] {strides = array<i32>} : memref<128x32xf32, #tpu.memory_space<vmem>>, vector<1x16xf32>,
    %swap3A_370 = vector.shape_cast %swap3A_369 : vector<1x16xf32> to vector<16xf32>
    %swap3A_371 = vector.shape_cast %add3A_365 : vector<16xf32> to vector<1x16xf32>
    tpu.vector_store %arg7[%swap3A_367, %swap3A_368], %swap3A_371 {strides = array<i32>} : memref<128x32xf32, #tpu.memory_space<vmem>>, vector<1x16xf32>,
    %add3A_372 = arith.addf %scan3A_363#2, %scan3A_363#3 : vector<16xf32>
    %swap3A_373 = arith.constant 122 : i32
    %swap3A_374 = arith.index_cast %swap3A_373 : i32 to index
    %swap3A_375 = arith.constant 16 : index
    %swap3A_376 = tpu.vector_load %arg7[%swap3A_374, %swap3A_375] {strides = array<i32>} : memref<128x32xf32, #tpu.memory_space<vmem>>, vector<1x16xf32>,
    %swap3A_377 = vector.shape_cast %swap3A_376 : vector<1x16xf32> to vector<16xf32>
    %swap3A_378 = vector.shape_cast %add3A_372 : vector<16xf32> to vector<1x16xf32>
    tpu.vector_store %arg7[%swap3A_374, %swap3A_375], %swap3A_378 {strides = array<i32>} : memref<128x32xf32, #tpu.memory_space<vmem>>, vector<1x16xf32>,
    %dma_wait3A_379 = arith.constant 3 : i32
    %dma_wait3A_380 = arith.constant 3 : i32
    %dma_wait3A_381 = arith.constant 0 : i32
    %dma_wait3A_382 = arith.constant 0 : i32
    %dma_wait3A_383 = tpu.memref_slice %arg6[%dma_wait3A_379, %dma_wait3A_381, %dma_wait3A_382] : memref<8x200x32xf32, #tpu.memory_space<vmem>> -> memref<1x200x32xf32, #tpu.memory_space<vmem>>
    %dma_wait3A_384 = tpu.memref_squeeze %dma_wait3A_383 : memref<1x200x32xf32, #tpu.memory_space<vmem>> -> memref<200x32xf32, #tpu.memory_space<vmem>>
    %dma_wait3A_385 = arith.constant 0 : i32
    %dma_wait3A_386 = arith.constant 0 : i32
    %dma_wait3A_387 = tpu.memref_slice %arg3[%dma_wait3A_385, %dma_wait3A_386] : memref<1048576x32xf32, #tpu.memory_space<hbm>> -> memref<200x32xf32, #tpu.memory_space<hbm>>
    %dma_wait3A_388 = tpu.memref_slice %arg8[%dma_wait3A_380] : memref<8x!tpu.dma_semaphore, #tpu.memory_space<semaphore_mem>> -> memref<1x!tpu.dma_semaphore, #tpu.memory_space<semaphore_mem>>
    %dma_wait3A_389 = tpu.memref_squeeze %dma_wait3A_388 : memref<1x!tpu.dma_semaphore, #tpu.memory_space<semaphore_mem>> -> memref<!tpu.dma_semaphore, #tpu.memory_space<semaphore_mem>>
    %dma_wait3A_390 = arith.constant 0 : i32
    %dma_wait3A_391 = arith.constant 0 : i32
    %dma_wait3A_392 = tpu.memref_slice %arg6[%dma_wait3A_379, %dma_wait3A_390, %dma_wait3A_391] : memref<8x200x32xf32, #tpu.memory_space<vmem>> -> memref<1x200x32xf32, #tpu.memory_space<vmem>>
    %dma_wait3A_393 = tpu.memref_squeeze %dma_wait3A_392 : memref<1x200x32xf32, #tpu.memory_space<vmem>> -> memref<200x32xf32, #tpu.memory_space<vmem>>
    %dma_wait3A_394 = arith.constant 0 : i32
    %dma_wait3A_395 = arith.constant 0 : i32
    %dma_wait3A_396 = tpu.memref_slice %arg3[%dma_wait3A_394, %dma_wait3A_395] : memref<1048576x32xf32, #tpu.memory_space<hbm>> -> memref<200x32xf32, #tpu.memory_space<hbm>>
    tpu.wait_dma2 semaphore(%dma_wait3A_389 : memref<!tpu.dma_semaphore, #tpu.memory_space<semaphore_mem>>) src(%dma_wait3A_396 : memref<200x32xf32, #tpu.memory_space<hbm>>) dst(%dma_wait3A_393 : memref<200x32xf32, #tpu.memory_space<vmem>>)
    %scan3A_397 = arith.constant 0 : i32
    %scan3A_398 = arith.constant 20 : i32
    %scan3A_399 = arith.addi %scan3A_397, %scan3A_398 : i32
    %scan3A_400 = arith.constant 1 : i32
    %scan3A_401:4 = scf.for %scan3A_569 = %scan3A_397 to %scan3A_399 step %scan3A_400 iter_args(%scan3A_570 = %broadcast_in_dim3A_6, %scan3A_571 = %broadcast_in_dim3A_6, %scan3A_572 = %broadcast_in_dim3A_6, %scan3A_573 = %broadcast_in_dim3A_6) -> (vector<16xf32>, vector<16xf32>, vector<16xf32>, vector<16xf32>)  : i32 {
      %mul3A_574 = arith.constant 10 : i32
      %mul3A_575 = arith.muli %scan3A_569, %mul3A_574 : i32
      %add3A_576 = arith.constant 0 : i32
      %add3A_577 = arith.addi %mul3A_575, %add3A_576 : i32
      %get3A = arith.constant 3 : i32
      %get3A_578 = arith.index_cast %get3A : i32 to index
      %get3A_579 = arith.index_cast %add3A_577 : i32 to index
      %get3A_580 = arith.constant 0 : index
      %get3A_581 = tpu.vector_load %arg6[%get3A_578, %get3A_579, %get3A_580] {strides = array<i32>} : memref<8x200x32xf32, #tpu.memory_space<vmem>>, vector<1x1x16xf32>,
      %get3A_582 = vector.shape_cast %get3A_581 : vector<1x1x16xf32> to vector<16xf32>
      %add3A_583 = arith.addf %scan3A_570, %get3A_582 : vector<16xf32>
      %add3A_584 = arith.constant 0 : i32
      %add3A_585 = arith.addi %mul3A_575, %add3A_584 : i32
      %get3A_586 = arith.constant 3 : i32
      %get3A_587 = arith.index_cast %get3A_586 : i32 to index
      %get3A_588 = arith.index_cast %add3A_585 : i32 to index
      %get3A_589 = arith.constant 16 : index
      %get3A_590 = tpu.vector_load %arg6[%get3A_587, %get3A_588, %get3A_589] {strides = array<i32>} : memref<8x200x32xf32, #tpu.memory_space<vmem>>, vector<1x1x16xf32>,
      %get3A_591 = vector.shape_cast %get3A_590 : vector<1x1x16xf32> to vector<16xf32>
      %add3A_592 = arith.addf %scan3A_572, %get3A_591 : vector<16xf32>
      %add3A_593 = arith.constant 0 : i32
      %add3A_594 = arith.addi %mul3A_575, %add3A_593 : i32
      %add3A_595 = arith.constant 1 : i32
      %add3A_596 = arith.addi %add3A_594, %add3A_595 : i32
      %get3A_597 = arith.constant 3 : i32
      %get3A_598 = arith.index_cast %get3A_597 : i32 to index
      %get3A_599 = arith.index_cast %add3A_596 : i32 to index
      %get3A_600 = arith.constant 0 : index
      %get3A_601 = tpu.vector_load %arg6[%get3A_598, %get3A_599, %get3A_600] {strides = array<i32>} : memref<8x200x32xf32, #tpu.memory_space<vmem>>, vector<1x1x16xf32>,
      %get3A_602 = vector.shape_cast %get3A_601 : vector<1x1x16xf32> to vector<16xf32>
      %add3A_603 = arith.addf %scan3A_571, %get3A_602 : vector<16xf32>
      %add3A_604 = arith.constant 0 : i32
      %add3A_605 = arith.addi %mul3A_575, %add3A_604 : i32
      %add3A_606 = arith.constant 1 : i32
      %add3A_607 = arith.addi %add3A_605, %add3A_606 : i32
      %get3A_608 = arith.constant 3 : i32
      %get3A_609 = arith.index_cast %get3A_608 : i32 to index
      %get3A_610 = arith.index_cast %add3A_607 : i32 to index
      %get3A_611 = arith.constant 16 : index
      %get3A_612 = tpu.vector_load %arg6[%get3A_609, %get3A_610, %get3A_611] {strides = array<i32>} : memref<8x200x32xf32, #tpu.memory_space<vmem>>, vector<1x1x16xf32>,
      %get3A_613 = vector.shape_cast %get3A_612 : vector<1x1x16xf32> to vector<16xf32>
      %add3A_614 = arith.addf %scan3A_573, %get3A_613 : vector<16xf32>
      %add3A_615 = arith.constant 2 : i32
      %add3A_616 = arith.addi %mul3A_575, %add3A_615 : i32
      %get3A_617 = arith.constant 3 : i32
      %get3A_618 = arith.index_cast %get3A_617 : i32 to index
      %get3A_619 = arith.index_cast %add3A_616 : i32 to index
      %get3A_620 = arith.constant 0 : index
      %get3A_621 = tpu.vector_load %arg6[%get3A_618, %get3A_619, %get3A_620] {strides = array<i32>} : memref<8x200x32xf32, #tpu.memory_space<vmem>>, vector<1x1x16xf32>,
      %get3A_622 = vector.shape_cast %get3A_621 : vector<1x1x16xf32> to vector<16xf32>
      %add3A_623 = arith.addf %add3A_583, %get3A_622 : vector<16xf32>
      %add3A_624 = arith.constant 2 : i32
      %add3A_625 = arith.addi %mul3A_575, %add3A_624 : i32
      %get3A_626 = arith.constant 3 : i32
      %get3A_627 = arith.index_cast %get3A_626 : i32 to index
      %get3A_628 = arith.index_cast %add3A_625 : i32 to index
      %get3A_629 = arith.constant 16 : index
      %get3A_630 = tpu.vector_load %arg6[%get3A_627, %get3A_628, %get3A_629] {strides = array<i32>} : memref<8x200x32xf32, #tpu.memory_space<vmem>>, vector<1x1x16xf32>,
      %get3A_631 = vector.shape_cast %get3A_630 : vector<1x1x16xf32> to vector<16xf32>
      %add3A_632 = arith.addf %add3A_592, %get3A_631 : vector<16xf32>
      %add3A_633 = arith.constant 2 : i32
      %add3A_634 = arith.addi %mul3A_575, %add3A_633 : i32
      %add3A_635 = arith.constant 1 : i32
      %add3A_636 = arith.addi %add3A_634, %add3A_635 : i32
      %get3A_637 = arith.constant 3 : i32
      %get3A_638 = arith.index_cast %get3A_637 : i32 to index
      %get3A_639 = arith.index_cast %add3A_636 : i32 to index
      %get3A_640 = arith.constant 0 : index
      %get3A_641 = tpu.vector_load %arg6[%get3A_638, %get3A_639, %get3A_640] {strides = array<i32>} : memref<8x200x32xf32, #tpu.memory_space<vmem>>, vector<1x1x16xf32>,
      %get3A_642 = vector.shape_cast %get3A_641 : vector<1x1x16xf32> to vector<16xf32>
      %add3A_643 = arith.addf %add3A_603, %get3A_642 : vector<16xf32>
      %add3A_644 = arith.constant 2 : i32
      %add3A_645 = arith.addi %mul3A_575, %add3A_644 : i32
      %add3A_646 = arith.constant 1 : i32
      %add3A_647 = arith.addi %add3A_645, %add3A_646 : i32
      %get3A_648 = arith.constant 3 : i32
      %get3A_649 = arith.index_cast %get3A_648 : i32 to index
      %get3A_650 = arith.index_cast %add3A_647 : i32 to index
      %get3A_651 = arith.constant 16 : index
      %get3A_652 = tpu.vector_load %arg6[%get3A_649, %get3A_650, %get3A_651] {strides = array<i32>} : memref<8x200x32xf32, #tpu.memory_space<vmem>>, vector<1x1x16xf32>,
      %get3A_653 = vector.shape_cast %get3A_652 : vector<1x1x16xf32> to vector<16xf32>
      %add3A_654 = arith.addf %add3A_614, %get3A_653 : vector<16xf32>
      %add3A_655 = arith.constant 4 : i32
      %add3A_656 = arith.addi %mul3A_575, %add3A_655 : i32
      %get3A_657 = arith.constant 3 : i32
      %get3A_658 = arith.index_cast %get3A_657 : i32 to index
      %get3A_659 = arith.index_cast %add3A_656 : i32 to index
      %get3A_660 = arith.constant 0 : index
      %get3A_661 = tpu.vector_load %arg6[%get3A_658, %get3A_659, %get3A_660] {strides = array<i32>} : memref<8x200x32xf32, #tpu.memory_space<vmem>>, vector<1x1x16xf32>,
      %get3A_662 = vector.shape_cast %get3A_661 : vector<1x1x16xf32> to vector<16xf32>
      %add3A_663 = arith.addf %add3A_623, %get3A_662 : vector<16xf32>
      %add3A_664 = arith.constant 4 : i32
      %add3A_665 = arith.addi %mul3A_575, %add3A_664 : i32
      %get3A_666 = arith.constant 3 : i32
      %get3A_667 = arith.index_cast %get3A_666 : i32 to index
      %get3A_668 = arith.index_cast %add3A_665 : i32 to index
      %get3A_669 = arith.constant 16 : index
      %get3A_670 = tpu.vector_load %arg6[%get3A_667, %get3A_668, %get3A_669] {strides = array<i32>} : memref<8x200x32xf32, #tpu.memory_space<vmem>>, vector<1x1x16xf32>,
      %get3A_671 = vector.shape_cast %get3A_670 : vector<1x1x16xf32> to vector<16xf32>
      %add3A_672 = arith.addf %add3A_632, %get3A_671 : vector<16xf32>
      %add3A_673 = arith.constant 4 : i32
      %add3A_674 = arith.addi %mul3A_575, %add3A_673 : i32
      %add3A_675 = arith.constant 1 : i32
      %add3A_676 = arith.addi %add3A_674, %add3A_675 : i32
      %get3A_677 = arith.constant 3 : i32
      %get3A_678 = arith.index_cast %get3A_677 : i32 to index
      %get3A_679 = arith.index_cast %add3A_676 : i32 to index
      %get3A_680 = arith.constant 0 : index
      %get3A_681 = tpu.vector_load %arg6[%get3A_678, %get3A_679, %get3A_680] {strides = array<i32>} : memref<8x200x32xf32, #tpu.memory_space<vmem>>, vector<1x1x16xf32>,
      %get3A_682 = vector.shape_cast %get3A_681 : vector<1x1x16xf32> to vector<16xf32>
      %add3A_683 = arith.addf %add3A_643, %get3A_682 : vector<16xf32>
      %add3A_684 = arith.constant 4 : i32
      %add3A_685 = arith.addi %mul3A_575, %add3A_684 : i32
      %add3A_686 = arith.constant 1 : i32
      %add3A_687 = arith.addi %add3A_685, %add3A_686 : i32
      %get3A_688 = arith.constant 3 : i32
      %get3A_689 = arith.index_cast %get3A_688 : i32 to index
      %get3A_690 = arith.index_cast %add3A_687 : i32 to index
      %get3A_691 = arith.constant 16 : index
      %get3A_692 = tpu.vector_load %arg6[%get3A_689, %get3A_690, %get3A_691] {strides = array<i32>} : memref<8x200x32xf32, #tpu.memory_space<vmem>>, vector<1x1x16xf32>,
      %get3A_693 = vector.shape_cast %get3A_692 : vector<1x1x16xf32> to vector<16xf32>
      %add3A_694 = arith.addf %add3A_654, %get3A_693 : vector<16xf32>
      %add3A_695 = arith.constant 6 : i32
      %add3A_696 = arith.addi %mul3A_575, %add3A_695 : i32
      %get3A_697 = arith.constant 3 : i32
      %get3A_698 = arith.index_cast %get3A_697 : i32 to index
      %get3A_699 = arith.index_cast %add3A_696 : i32 to index
      %get3A_700 = arith.constant 0 : index
      %get3A_701 = tpu.vector_load %arg6[%get3A_698, %get3A_699, %get3A_700] {strides = array<i32>} : memref<8x200x32xf32, #tpu.memory_space<vmem>>, vector<1x1x16xf32>,
      %get3A_702 = vector.shape_cast %get3A_701 : vector<1x1x16xf32> to vector<16xf32>
      %add3A_703 = arith.addf %add3A_663, %get3A_702 : vector<16xf32>
      %add3A_704 = arith.constant 6 : i32
      %add3A_705 = arith.addi %mul3A_575, %add3A_704 : i32
      %get3A_706 = arith.constant 3 : i32
      %get3A_707 = arith.index_cast %get3A_706 : i32 to index
      %get3A_708 = arith.index_cast %add3A_705 : i32 to index
      %get3A_709 = arith.constant 16 : index
      %get3A_710 = tpu.vector_load %arg6[%get3A_707, %get3A_708, %get3A_709] {strides = array<i32>} : memref<8x200x32xf32, #tpu.memory_space<vmem>>, vector<1x1x16xf32>,
      %get3A_711 = vector.shape_cast %get3A_710 : vector<1x1x16xf32> to vector<16xf32>
      %add3A_712 = arith.addf %add3A_672, %get3A_711 : vector<16xf32>
      %add3A_713 = arith.constant 6 : i32
      %add3A_714 = arith.addi %mul3A_575, %add3A_713 : i32
      %add3A_715 = arith.constant 1 : i32
      %add3A_716 = arith.addi %add3A_714, %add3A_715 : i32
      %get3A_717 = arith.constant 3 : i32
      %get3A_718 = arith.index_cast %get3A_717 : i32 to index
      %get3A_719 = arith.index_cast %add3A_716 : i32 to index
      %get3A_720 = arith.constant 0 : index
      %get3A_721 = tpu.vector_load %arg6[%get3A_718, %get3A_719, %get3A_720] {strides = array<i32>} : memref<8x200x32xf32, #tpu.memory_space<vmem>>, vector<1x1x16xf32>,
      %get3A_722 = vector.shape_cast %get3A_721 : vector<1x1x16xf32> to vector<16xf32>
      %add3A_723 = arith.addf %add3A_683, %get3A_722 : vector<16xf32>
      %add3A_724 = arith.constant 6 : i32
      %add3A_725 = arith.addi %mul3A_575, %add3A_724 : i32
      %add3A_726 = arith.constant 1 : i32
      %add3A_727 = arith.addi %add3A_725, %add3A_726 : i32
      %get3A_728 = arith.constant 3 : i32
      %get3A_729 = arith.index_cast %get3A_728 : i32 to index
      %get3A_730 = arith.index_cast %add3A_727 : i32 to index
      %get3A_731 = arith.constant 16 : index
      %get3A_732 = tpu.vector_load %arg6[%get3A_729, %get3A_730, %get3A_731] {strides = array<i32>} : memref<8x200x32xf32, #tpu.memory_space<vmem>>, vector<1x1x16xf32>,
      %get3A_733 = vector.shape_cast %get3A_732 : vector<1x1x16xf32> to vector<16xf32>
      %add3A_734 = arith.addf %add3A_694, %get3A_733 : vector<16xf32>
      %add3A_735 = arith.constant 8 : i32
      %add3A_736 = arith.addi %mul3A_575, %add3A_735 : i32
      %get3A_737 = arith.constant 3 : i32
      %get3A_738 = arith.index_cast %get3A_737 : i32 to index
      %get3A_739 = arith.index_cast %add3A_736 : i32 to index
      %get3A_740 = arith.constant 0 : index
      %get3A_741 = tpu.vector_load %arg6[%get3A_738, %get3A_739, %get3A_740] {strides = array<i32>} : memref<8x200x32xf32, #tpu.memory_space<vmem>>, vector<1x1x16xf32>,
      %get3A_742 = vector.shape_cast %get3A_741 : vector<1x1x16xf32> to vector<16xf32>
      %add3A_743 = arith.addf %add3A_703, %get3A_742 : vector<16xf32>
      %add3A_744 = arith.constant 8 : i32
      %add3A_745 = arith.addi %mul3A_575, %add3A_744 : i32
      %get3A_746 = arith.constant 3 : i32
      %get3A_747 = arith.index_cast %get3A_746 : i32 to index
      %get3A_748 = arith.index_cast %add3A_745 : i32 to index
      %get3A_749 = arith.constant 16 : index
      %get3A_750 = tpu.vector_load %arg6[%get3A_747, %get3A_748, %get3A_749] {strides = array<i32>} : memref<8x200x32xf32, #tpu.memory_space<vmem>>, vector<1x1x16xf32>,
      %get3A_751 = vector.shape_cast %get3A_750 : vector<1x1x16xf32> to vector<16xf32>
      %add3A_752 = arith.addf %add3A_712, %get3A_751 : vector<16xf32>
      %add3A_753 = arith.constant 8 : i32
      %add3A_754 = arith.addi %mul3A_575, %add3A_753 : i32
      %add3A_755 = arith.constant 1 : i32
      %add3A_756 = arith.addi %add3A_754, %add3A_755 : i32
      %get3A_757 = arith.constant 3 : i32
      %get3A_758 = arith.index_cast %get3A_757 : i32 to index
      %get3A_759 = arith.index_cast %add3A_756 : i32 to index
      %get3A_760 = arith.constant 0 : index
      %get3A_761 = tpu.vector_load %arg6[%get3A_758, %get3A_759, %get3A_760] {strides = array<i32>} : memref<8x200x32xf32, #tpu.memory_space<vmem>>, vector<1x1x16xf32>,
      %get3A_762 = vector.shape_cast %get3A_761 : vector<1x1x16xf32> to vector<16xf32>
      %add3A_763 = arith.addf %add3A_723, %get3A_762 : vector<16xf32>
      %add3A_764 = arith.constant 8 : i32
      %add3A_765 = arith.addi %mul3A_575, %add3A_764 : i32
      %add3A_766 = arith.constant 1 : i32
      %add3A_767 = arith.addi %add3A_765, %add3A_766 : i32
      %get3A_768 = arith.constant 3 : i32
      %get3A_769 = arith.index_cast %get3A_768 : i32 to index
      %get3A_770 = arith.index_cast %add3A_767 : i32 to index
      %get3A_771 = arith.constant 16 : index
      %get3A_772 = tpu.vector_load %arg6[%get3A_769, %get3A_770, %get3A_771] {strides = array<i32>} : memref<8x200x32xf32, #tpu.memory_space<vmem>>, vector<1x1x16xf32>,
      %get3A_773 = vector.shape_cast %get3A_772 : vector<1x1x16xf32> to vector<16xf32>
      %add3A_774 = arith.addf %add3A_734, %get3A_773 : vector<16xf32>
      scf.yield %add3A_743, %add3A_763, %add3A_752, %add3A_774 : vector<16xf32>, vector<16xf32>, vector<16xf32>, vector<16xf32>
    }
    %scan3A_402 = arith.constant 20 : i32
    %add3A_403 = arith.addf %scan3A_401#0, %scan3A_401#1 : vector<16xf32>
    %swap3A_404 = arith.constant 123 : i32
    %swap3A_405 = arith.index_cast %swap3A_404 : i32 to index
    %swap3A_406 = arith.constant 0 : index
    %swap3A_407 = tpu.vector_load %arg7[%swap3A_405, %swap3A_406] {strides = array<i32>} : memref<128x32xf32, #tpu.memory_space<vmem>>, vector<1x16xf32>,
    %swap3A_408 = vector.shape_cast %swap3A_407 : vector<1x16xf32> to vector<16xf32>
    %swap3A_409 = vector.shape_cast %add3A_403 : vector<16xf32> to vector<1x16xf32>
    tpu.vector_store %arg7[%swap3A_405, %swap3A_406], %swap3A_409 {strides = array<i32>} : memref<128x32xf32, #tpu.memory_space<vmem>>, vector<1x16xf32>,
    %add3A_410 = arith.addf %scan3A_401#2, %scan3A_401#3 : vector<16xf32>
    %swap3A_411 = arith.constant 123 : i32
    %swap3A_412 = arith.index_cast %swap3A_411 : i32 to index
    %swap3A_413 = arith.constant 16 : index
    %swap3A_414 = tpu.vector_load %arg7[%swap3A_412, %swap3A_413] {strides = array<i32>} : memref<128x32xf32, #tpu.memory_space<vmem>>, vector<1x16xf32>,
    %swap3A_415 = vector.shape_cast %swap3A_414 : vector<1x16xf32> to vector<16xf32>
    %swap3A_416 = vector.shape_cast %add3A_410 : vector<16xf32> to vector<1x16xf32>
    tpu.vector_store %arg7[%swap3A_412, %swap3A_413], %swap3A_416 {strides = array<i32>} : memref<128x32xf32, #tpu.memory_space<vmem>>, vector<1x16xf32>,
    %dma_wait3A_417 = arith.constant 4 : i32
    %dma_wait3A_418 = arith.constant 4 : i32
    %dma_wait3A_419 = arith.constant 0 : i32
    %dma_wait3A_420 = arith.constant 0 : i32
    %dma_wait3A_421 = tpu.memref_slice %arg6[%dma_wait3A_417, %dma_wait3A_419, %dma_wait3A_420] : memref<8x200x32xf32, #tpu.memory_space<vmem>> -> memref<1x200x32xf32, #tpu.memory_space<vmem>>
    %dma_wait3A_422 = tpu.memref_squeeze %dma_wait3A_421 : memref<1x200x32xf32, #tpu.memory_space<vmem>> -> memref<200x32xf32, #tpu.memory_space<vmem>>
    %dma_wait3A_423 = arith.constant 0 : i32
    %dma_wait3A_424 = arith.constant 0 : i32
    %dma_wait3A_425 = tpu.memref_slice %arg3[%dma_wait3A_423, %dma_wait3A_424] : memref<1048576x32xf32, #tpu.memory_space<hbm>> -> memref<200x32xf32, #tpu.memory_space<hbm>>
    %dma_wait3A_426 = tpu.memref_slice %arg8[%dma_wait3A_418] : memref<8x!tpu.dma_semaphore, #tpu.memory_space<semaphore_mem>> -> memref<1x!tpu.dma_semaphore, #tpu.memory_space<semaphore_mem>>
    %dma_wait3A_427 = tpu.memref_squeeze %dma_wait3A_426 : memref<1x!tpu.dma_semaphore, #tpu.memory_space<semaphore_mem>> -> memref<!tpu.dma_semaphore, #tpu.memory_space<semaphore_mem>>
    %dma_wait3A_428 = arith.constant 0 : i32
    %dma_wait3A_429 = arith.constant 0 : i32
    %dma_wait3A_430 = tpu.memref_slice %arg6[%dma_wait3A_417, %dma_wait3A_428, %dma_wait3A_429] : memref<8x200x32xf32, #tpu.memory_space<vmem>> -> memref<1x200x32xf32, #tpu.memory_space<vmem>>
    %dma_wait3A_431 = tpu.memref_squeeze %dma_wait3A_430 : memref<1x200x32xf32, #tpu.memory_space<vmem>> -> memref<200x32xf32, #tpu.memory_space<vmem>>
    %dma_wait3A_432 = arith.constant 0 : i32
    %dma_wait3A_433 = arith.constant 0 : i32
    %dma_wait3A_434 = tpu.memref_slice %arg3[%dma_wait3A_432, %dma_wait3A_433] : memref<1048576x32xf32, #tpu.memory_space<hbm>> -> memref<200x32xf32, #tpu.memory_space<hbm>>
    tpu.wait_dma2 semaphore(%dma_wait3A_427 : memref<!tpu.dma_semaphore, #tpu.memory_space<semaphore_mem>>) src(%dma_wait3A_434 : memref<200x32xf32, #tpu.memory_space<hbm>>) dst(%dma_wait3A_431 : memref<200x32xf32, #tpu.memory_space<vmem>>)
    %scan3A_435 = arith.constant 0 : i32
    %scan3A_436 = arith.constant 20 : i32
    %scan3A_437 = arith.addi %scan3A_435, %scan3A_436 : i32
    %scan3A_438 = arith.constant 1 : i32
    %scan3A_439:4 = scf.for %scan3A_569 = %scan3A_435 to %scan3A_437 step %scan3A_438 iter_args(%scan3A_570 = %broadcast_in_dim3A_6, %scan3A_571 = %broadcast_in_dim3A_6, %scan3A_572 = %broadcast_in_dim3A_6, %scan3A_573 = %broadcast_in_dim3A_6) -> (vector<16xf32>, vector<16xf32>, vector<16xf32>, vector<16xf32>)  : i32 {
      %mul3A_574 = arith.constant 10 : i32
      %mul3A_575 = arith.muli %scan3A_569, %mul3A_574 : i32
      %add3A_576 = arith.constant 0 : i32
      %add3A_577 = arith.addi %mul3A_575, %add3A_576 : i32
      %get3A = arith.constant 4 : i32
      %get3A_578 = arith.index_cast %get3A : i32 to index
      %get3A_579 = arith.index_cast %add3A_577 : i32 to index
      %get3A_580 = arith.constant 0 : index
      %get3A_581 = tpu.vector_load %arg6[%get3A_578, %get3A_579, %get3A_580] {strides = array<i32>} : memref<8x200x32xf32, #tpu.memory_space<vmem>>, vector<1x1x16xf32>,
      %get3A_582 = vector.shape_cast %get3A_581 : vector<1x1x16xf32> to vector<16xf32>
      %add3A_583 = arith.addf %scan3A_570, %get3A_582 : vector<16xf32>
      %add3A_584 = arith.constant 0 : i32
      %add3A_585 = arith.addi %mul3A_575, %add3A_584 : i32
      %get3A_586 = arith.constant 4 : i32
      %get3A_587 = arith.index_cast %get3A_586 : i32 to index
      %get3A_588 = arith.index_cast %add3A_585 : i32 to index
      %get3A_589 = arith.constant 16 : index
      %get3A_590 = tpu.vector_load %arg6[%get3A_587, %get3A_588, %get3A_589] {strides = array<i32>} : memref<8x200x32xf32, #tpu.memory_space<vmem>>, vector<1x1x16xf32>,
      %get3A_591 = vector.shape_cast %get3A_590 : vector<1x1x16xf32> to vector<16xf32>
      %add3A_592 = arith.addf %scan3A_572, %get3A_591 : vector<16xf32>
      %add3A_593 = arith.constant 0 : i32
      %add3A_594 = arith.addi %mul3A_575, %add3A_593 : i32
      %add3A_595 = arith.constant 1 : i32
      %add3A_596 = arith.addi %add3A_594, %add3A_595 : i32
      %get3A_597 = arith.constant 4 : i32
      %get3A_598 = arith.index_cast %get3A_597 : i32 to index
      %get3A_599 = arith.index_cast %add3A_596 : i32 to index
      %get3A_600 = arith.constant 0 : index
      %get3A_601 = tpu.vector_load %arg6[%get3A_598, %get3A_599, %get3A_600] {strides = array<i32>} : memref<8x200x32xf32, #tpu.memory_space<vmem>>, vector<1x1x16xf32>,
      %get3A_602 = vector.shape_cast %get3A_601 : vector<1x1x16xf32> to vector<16xf32>
      %add3A_603 = arith.addf %scan3A_571, %get3A_602 : vector<16xf32>
      %add3A_604 = arith.constant 0 : i32
      %add3A_605 = arith.addi %mul3A_575, %add3A_604 : i32
      %add3A_606 = arith.constant 1 : i32
      %add3A_607 = arith.addi %add3A_605, %add3A_606 : i32
      %get3A_608 = arith.constant 4 : i32
      %get3A_609 = arith.index_cast %get3A_608 : i32 to index
      %get3A_610 = arith.index_cast %add3A_607 : i32 to index
      %get3A_611 = arith.constant 16 : index
      %get3A_612 = tpu.vector_load %arg6[%get3A_609, %get3A_610, %get3A_611] {strides = array<i32>} : memref<8x200x32xf32, #tpu.memory_space<vmem>>, vector<1x1x16xf32>,
      %get3A_613 = vector.shape_cast %get3A_612 : vector<1x1x16xf32> to vector<16xf32>
      %add3A_614 = arith.addf %scan3A_573, %get3A_613 : vector<16xf32>
      %add3A_615 = arith.constant 2 : i32
      %add3A_616 = arith.addi %mul3A_575, %add3A_615 : i32
      %get3A_617 = arith.constant 4 : i32
      %get3A_618 = arith.index_cast %get3A_617 : i32 to index
      %get3A_619 = arith.index_cast %add3A_616 : i32 to index
      %get3A_620 = arith.constant 0 : index
      %get3A_621 = tpu.vector_load %arg6[%get3A_618, %get3A_619, %get3A_620] {strides = array<i32>} : memref<8x200x32xf32, #tpu.memory_space<vmem>>, vector<1x1x16xf32>,
      %get3A_622 = vector.shape_cast %get3A_621 : vector<1x1x16xf32> to vector<16xf32>
      %add3A_623 = arith.addf %add3A_583, %get3A_622 : vector<16xf32>
      %add3A_624 = arith.constant 2 : i32
      %add3A_625 = arith.addi %mul3A_575, %add3A_624 : i32
      %get3A_626 = arith.constant 4 : i32
      %get3A_627 = arith.index_cast %get3A_626 : i32 to index
      %get3A_628 = arith.index_cast %add3A_625 : i32 to index
      %get3A_629 = arith.constant 16 : index
      %get3A_630 = tpu.vector_load %arg6[%get3A_627, %get3A_628, %get3A_629] {strides = array<i32>} : memref<8x200x32xf32, #tpu.memory_space<vmem>>, vector<1x1x16xf32>,
      %get3A_631 = vector.shape_cast %get3A_630 : vector<1x1x16xf32> to vector<16xf32>
      %add3A_632 = arith.addf %add3A_592, %get3A_631 : vector<16xf32>
      %add3A_633 = arith.constant 2 : i32
      %add3A_634 = arith.addi %mul3A_575, %add3A_633 : i32
      %add3A_635 = arith.constant 1 : i32
      %add3A_636 = arith.addi %add3A_634, %add3A_635 : i32
      %get3A_637 = arith.constant 4 : i32
      %get3A_638 = arith.index_cast %get3A_637 : i32 to index
      %get3A_639 = arith.index_cast %add3A_636 : i32 to index
      %get3A_640 = arith.constant 0 : index
      %get3A_641 = tpu.vector_load %arg6[%get3A_638, %get3A_639, %get3A_640] {strides = array<i32>} : memref<8x200x32xf32, #tpu.memory_space<vmem>>, vector<1x1x16xf32>,
      %get3A_642 = vector.shape_cast %get3A_641 : vector<1x1x16xf32> to vector<16xf32>
      %add3A_643 = arith.addf %add3A_603, %get3A_642 : vector<16xf32>
      %add3A_644 = arith.constant 2 : i32
      %add3A_645 = arith.addi %mul3A_575, %add3A_644 : i32
      %add3A_646 = arith.constant 1 : i32
      %add3A_647 = arith.addi %add3A_645, %add3A_646 : i32
      %get3A_648 = arith.constant 4 : i32
      %get3A_649 = arith.index_cast %get3A_648 : i32 to index
      %get3A_650 = arith.index_cast %add3A_647 : i32 to index
      %get3A_651 = arith.constant 16 : index
      %get3A_652 = tpu.vector_load %arg6[%get3A_649, %get3A_650, %get3A_651] {strides = array<i32>} : memref<8x200x32xf32, #tpu.memory_space<vmem>>, vector<1x1x16xf32>,
      %get3A_653 = vector.shape_cast %get3A_652 : vector<1x1x16xf32> to vector<16xf32>
      %add3A_654 = arith.addf %add3A_614, %get3A_653 : vector<16xf32>
      %add3A_655 = arith.constant 4 : i32
      %add3A_656 = arith.addi %mul3A_575, %add3A_655 : i32
      %get3A_657 = arith.constant 4 : i32
      %get3A_658 = arith.index_cast %get3A_657 : i32 to index
      %get3A_659 = arith.index_cast %add3A_656 : i32 to index
      %get3A_660 = arith.constant 0 : index
      %get3A_661 = tpu.vector_load %arg6[%get3A_658, %get3A_659, %get3A_660] {strides = array<i32>} : memref<8x200x32xf32, #tpu.memory_space<vmem>>, vector<1x1x16xf32>,
      %get3A_662 = vector.shape_cast %get3A_661 : vector<1x1x16xf32> to vector<16xf32>
      %add3A_663 = arith.addf %add3A_623, %get3A_662 : vector<16xf32>
      %add3A_664 = arith.constant 4 : i32
      %add3A_665 = arith.addi %mul3A_575, %add3A_664 : i32
      %get3A_666 = arith.constant 4 : i32
      %get3A_667 = arith.index_cast %get3A_666 : i32 to index
      %get3A_668 = arith.index_cast %add3A_665 : i32 to index
      %get3A_669 = arith.constant 16 : index
      %get3A_670 = tpu.vector_load %arg6[%get3A_667, %get3A_668, %get3A_669] {strides = array<i32>} : memref<8x200x32xf32, #tpu.memory_space<vmem>>, vector<1x1x16xf32>,
      %get3A_671 = vector.shape_cast %get3A_670 : vector<1x1x16xf32> to vector<16xf32>
      %add3A_672 = arith.addf %add3A_632, %get3A_671 : vector<16xf32>
      %add3A_673 = arith.constant 4 : i32
      %add3A_674 = arith.addi %mul3A_575, %add3A_673 : i32
      %add3A_675 = arith.constant 1 : i32
      %add3A_676 = arith.addi %add3A_674, %add3A_675 : i32
      %get3A_677 = arith.constant 4 : i32
      %get3A_678 = arith.index_cast %get3A_677 : i32 to index
      %get3A_679 = arith.index_cast %add3A_676 : i32 to index
      %get3A_680 = arith.constant 0 : index
      %get3A_681 = tpu.vector_load %arg6[%get3A_678, %get3A_679, %get3A_680] {strides = array<i32>} : memref<8x200x32xf32, #tpu.memory_space<vmem>>, vector<1x1x16xf32>,
      %get3A_682 = vector.shape_cast %get3A_681 : vector<1x1x16xf32> to vector<16xf32>
      %add3A_683 = arith.addf %add3A_643, %get3A_682 : vector<16xf32>
      %add3A_684 = arith.constant 4 : i32
      %add3A_685 = arith.addi %mul3A_575, %add3A_684 : i32
      %add3A_686 = arith.constant 1 : i32
      %add3A_687 = arith.addi %add3A_685, %add3A_686 : i32
      %get3A_688 = arith.constant 4 : i32
      %get3A_689 = arith.index_cast %get3A_688 : i32 to index
      %get3A_690 = arith.index_cast %add3A_687 : i32 to index
      %get3A_691 = arith.constant 16 : index
      %get3A_692 = tpu.vector_load %arg6[%get3A_689, %get3A_690, %get3A_691] {strides = array<i32>} : memref<8x200x32xf32, #tpu.memory_space<vmem>>, vector<1x1x16xf32>,
      %get3A_693 = vector.shape_cast %get3A_692 : vector<1x1x16xf32> to vector<16xf32>
      %add3A_694 = arith.addf %add3A_654, %get3A_693 : vector<16xf32>
      %add3A_695 = arith.constant 6 : i32
      %add3A_696 = arith.addi %mul3A_575, %add3A_695 : i32
      %get3A_697 = arith.constant 4 : i32
      %get3A_698 = arith.index_cast %get3A_697 : i32 to index
      %get3A_699 = arith.index_cast %add3A_696 : i32 to index
      %get3A_700 = arith.constant 0 : index
      %get3A_701 = tpu.vector_load %arg6[%get3A_698, %get3A_699, %get3A_700] {strides = array<i32>} : memref<8x200x32xf32, #tpu.memory_space<vmem>>, vector<1x1x16xf32>,
      %get3A_702 = vector.shape_cast %get3A_701 : vector<1x1x16xf32> to vector<16xf32>
      %add3A_703 = arith.addf %add3A_663, %get3A_702 : vector<16xf32>
      %add3A_704 = arith.constant 6 : i32
      %add3A_705 = arith.addi %mul3A_575, %add3A_704 : i32
      %get3A_706 = arith.constant 4 : i32
      %get3A_707 = arith.index_cast %get3A_706 : i32 to index
      %get3A_708 = arith.index_cast %add3A_705 : i32 to index
      %get3A_709 = arith.constant 16 : index
      %get3A_710 = tpu.vector_load %arg6[%get3A_707, %get3A_708, %get3A_709] {strides = array<i32>} : memref<8x200x32xf32, #tpu.memory_space<vmem>>, vector<1x1x16xf32>,
      %get3A_711 = vector.shape_cast %get3A_710 : vector<1x1x16xf32> to vector<16xf32>
      %add3A_712 = arith.addf %add3A_672, %get3A_711 : vector<16xf32>
      %add3A_713 = arith.constant 6 : i32
      %add3A_714 = arith.addi %mul3A_575, %add3A_713 : i32
      %add3A_715 = arith.constant 1 : i32
      %add3A_716 = arith.addi %add3A_714, %add3A_715 : i32
      %get3A_717 = arith.constant 4 : i32
      %get3A_718 = arith.index_cast %get3A_717 : i32 to index
      %get3A_719 = arith.index_cast %add3A_716 : i32 to index
      %get3A_720 = arith.constant 0 : index
      %get3A_721 = tpu.vector_load %arg6[%get3A_718, %get3A_719, %get3A_720] {strides = array<i32>} : memref<8x200x32xf32, #tpu.memory_space<vmem>>, vector<1x1x16xf32>,
      %get3A_722 = vector.shape_cast %get3A_721 : vector<1x1x16xf32> to vector<16xf32>
      %add3A_723 = arith.addf %add3A_683, %get3A_722 : vector<16xf32>
      %add3A_724 = arith.constant 6 : i32
      %add3A_725 = arith.addi %mul3A_575, %add3A_724 : i32
      %add3A_726 = arith.constant 1 : i32
      %add3A_727 = arith.addi %add3A_725, %add3A_726 : i32
      %get3A_728 = arith.constant 4 : i32
      %get3A_729 = arith.index_cast %get3A_728 : i32 to index
      %get3A_730 = arith.index_cast %add3A_727 : i32 to index
      %get3A_731 = arith.constant 16 : index
      %get3A_732 = tpu.vector_load %arg6[%get3A_729, %get3A_730, %get3A_731] {strides = array<i32>} : memref<8x200x32xf32, #tpu.memory_space<vmem>>, vector<1x1x16xf32>,
      %get3A_733 = vector.shape_cast %get3A_732 : vector<1x1x16xf32> to vector<16xf32>
      %add3A_734 = arith.addf %add3A_694, %get3A_733 : vector<16xf32>
      %add3A_735 = arith.constant 8 : i32
      %add3A_736 = arith.addi %mul3A_575, %add3A_735 : i32
      %get3A_737 = arith.constant 4 : i32
      %get3A_738 = arith.index_cast %get3A_737 : i32 to index
      %get3A_739 = arith.index_cast %add3A_736 : i32 to index
      %get3A_740 = arith.constant 0 : index
      %get3A_741 = tpu.vector_load %arg6[%get3A_738, %get3A_739, %get3A_740] {strides = array<i32>} : memref<8x200x32xf32, #tpu.memory_space<vmem>>, vector<1x1x16xf32>,
      %get3A_742 = vector.shape_cast %get3A_741 : vector<1x1x16xf32> to vector<16xf32>
      %add3A_743 = arith.addf %add3A_703, %get3A_742 : vector<16xf32>
      %add3A_744 = arith.constant 8 : i32
      %add3A_745 = arith.addi %mul3A_575, %add3A_744 : i32
      %get3A_746 = arith.constant 4 : i32
      %get3A_747 = arith.index_cast %get3A_746 : i32 to index
      %get3A_748 = arith.index_cast %add3A_745 : i32 to index
      %get3A_749 = arith.constant 16 : index
      %get3A_750 = tpu.vector_load %arg6[%get3A_747, %get3A_748, %get3A_749] {strides = array<i32>} : memref<8x200x32xf32, #tpu.memory_space<vmem>>, vector<1x1x16xf32>,
      %get3A_751 = vector.shape_cast %get3A_750 : vector<1x1x16xf32> to vector<16xf32>
      %add3A_752 = arith.addf %add3A_712, %get3A_751 : vector<16xf32>
      %add3A_753 = arith.constant 8 : i32
      %add3A_754 = arith.addi %mul3A_575, %add3A_753 : i32
      %add3A_755 = arith.constant 1 : i32
      %add3A_756 = arith.addi %add3A_754, %add3A_755 : i32
      %get3A_757 = arith.constant 4 : i32
      %get3A_758 = arith.index_cast %get3A_757 : i32 to index
      %get3A_759 = arith.index_cast %add3A_756 : i32 to index
      %get3A_760 = arith.constant 0 : index
      %get3A_761 = tpu.vector_load %arg6[%get3A_758, %get3A_759, %get3A_760] {strides = array<i32>} : memref<8x200x32xf32, #tpu.memory_space<vmem>>, vector<1x1x16xf32>,
      %get3A_762 = vector.shape_cast %get3A_761 : vector<1x1x16xf32> to vector<16xf32>
      %add3A_763 = arith.addf %add3A_723, %get3A_762 : vector<16xf32>
      %add3A_764 = arith.constant 8 : i32
      %add3A_765 = arith.addi %mul3A_575, %add3A_764 : i32
      %add3A_766 = arith.constant 1 : i32
      %add3A_767 = arith.addi %add3A_765, %add3A_766 : i32
      %get3A_768 = arith.constant 4 : i32
      %get3A_769 = arith.index_cast %get3A_768 : i32 to index
      %get3A_770 = arith.index_cast %add3A_767 : i32 to index
      %get3A_771 = arith.constant 16 : index
      %get3A_772 = tpu.vector_load %arg6[%get3A_769, %get3A_770, %get3A_771] {strides = array<i32>} : memref<8x200x32xf32, #tpu.memory_space<vmem>>, vector<1x1x16xf32>,
      %get3A_773 = vector.shape_cast %get3A_772 : vector<1x1x16xf32> to vector<16xf32>
      %add3A_774 = arith.addf %add3A_734, %get3A_773 : vector<16xf32>
      scf.yield %add3A_743, %add3A_763, %add3A_752, %add3A_774 : vector<16xf32>, vector<16xf32>, vector<16xf32>, vector<16xf32>
    }
    %scan3A_440 = arith.constant 20 : i32
    %add3A_441 = arith.addf %scan3A_439#0, %scan3A_439#1 : vector<16xf32>
    %swap3A_442 = arith.constant 124 : i32
    %swap3A_443 = arith.index_cast %swap3A_442 : i32 to index
    %swap3A_444 = arith.constant 0 : index
    %swap3A_445 = tpu.vector_load %arg7[%swap3A_443, %swap3A_444] {strides = array<i32>} : memref<128x32xf32, #tpu.memory_space<vmem>>, vector<1x16xf32>,
    %swap3A_446 = vector.shape_cast %swap3A_445 : vector<1x16xf32> to vector<16xf32>
    %swap3A_447 = vector.shape_cast %add3A_441 : vector<16xf32> to vector<1x16xf32>
    tpu.vector_store %arg7[%swap3A_443, %swap3A_444], %swap3A_447 {strides = array<i32>} : memref<128x32xf32, #tpu.memory_space<vmem>>, vector<1x16xf32>,
    %add3A_448 = arith.addf %scan3A_439#2, %scan3A_439#3 : vector<16xf32>
    %swap3A_449 = arith.constant 124 : i32
    %swap3A_450 = arith.index_cast %swap3A_449 : i32 to index
    %swap3A_451 = arith.constant 16 : index
    %swap3A_452 = tpu.vector_load %arg7[%swap3A_450, %swap3A_451] {strides = array<i32>} : memref<128x32xf32, #tpu.memory_space<vmem>>, vector<1x16xf32>,
    %swap3A_453 = vector.shape_cast %swap3A_452 : vector<1x16xf32> to vector<16xf32>
    %swap3A_454 = vector.shape_cast %add3A_448 : vector<16xf32> to vector<1x16xf32>
    tpu.vector_store %arg7[%swap3A_450, %swap3A_451], %swap3A_454 {strides = array<i32>} : memref<128x32xf32, #tpu.memory_space<vmem>>, vector<1x16xf32>,
    %dma_wait3A_455 = arith.constant 5 : i32
    %dma_wait3A_456 = arith.constant 5 : i32
    %dma_wait3A_457 = arith.constant 0 : i32
    %dma_wait3A_458 = arith.constant 0 : i32
    %dma_wait3A_459 = tpu.memref_slice %arg6[%dma_wait3A_455, %dma_wait3A_457, %dma_wait3A_458] : memref<8x200x32xf32, #tpu.memory_space<vmem>> -> memref<1x200x32xf32, #tpu.memory_space<vmem>>
    %dma_wait3A_460 = tpu.memref_squeeze %dma_wait3A_459 : memref<1x200x32xf32, #tpu.memory_space<vmem>> -> memref<200x32xf32, #tpu.memory_space<vmem>>
    %dma_wait3A_461 = arith.constant 0 : i32
    %dma_wait3A_462 = arith.constant 0 : i32
    %dma_wait3A_463 = tpu.memref_slice %arg3[%dma_wait3A_461, %dma_wait3A_462] : memref<1048576x32xf32, #tpu.memory_space<hbm>> -> memref<200x32xf32, #tpu.memory_space<hbm>>
    %dma_wait3A_464 = tpu.memref_slice %arg8[%dma_wait3A_456] : memref<8x!tpu.dma_semaphore, #tpu.memory_space<semaphore_mem>> -> memref<1x!tpu.dma_semaphore, #tpu.memory_space<semaphore_mem>>
    %dma_wait3A_465 = tpu.memref_squeeze %dma_wait3A_464 : memref<1x!tpu.dma_semaphore, #tpu.memory_space<semaphore_mem>> -> memref<!tpu.dma_semaphore, #tpu.memory_space<semaphore_mem>>
    %dma_wait3A_466 = arith.constant 0 : i32
    %dma_wait3A_467 = arith.constant 0 : i32
    %dma_wait3A_468 = tpu.memref_slice %arg6[%dma_wait3A_455, %dma_wait3A_466, %dma_wait3A_467] : memref<8x200x32xf32, #tpu.memory_space<vmem>> -> memref<1x200x32xf32, #tpu.memory_space<vmem>>
    %dma_wait3A_469 = tpu.memref_squeeze %dma_wait3A_468 : memref<1x200x32xf32, #tpu.memory_space<vmem>> -> memref<200x32xf32, #tpu.memory_space<vmem>>
    %dma_wait3A_470 = arith.constant 0 : i32
    %dma_wait3A_471 = arith.constant 0 : i32
    %dma_wait3A_472 = tpu.memref_slice %arg3[%dma_wait3A_470, %dma_wait3A_471] : memref<1048576x32xf32, #tpu.memory_space<hbm>> -> memref<200x32xf32, #tpu.memory_space<hbm>>
    tpu.wait_dma2 semaphore(%dma_wait3A_465 : memref<!tpu.dma_semaphore, #tpu.memory_space<semaphore_mem>>) src(%dma_wait3A_472 : memref<200x32xf32, #tpu.memory_space<hbm>>) dst(%dma_wait3A_469 : memref<200x32xf32, #tpu.memory_space<vmem>>)
    %scan3A_473 = arith.constant 0 : i32
    %scan3A_474 = arith.constant 20 : i32
    %scan3A_475 = arith.addi %scan3A_473, %scan3A_474 : i32
    %scan3A_476 = arith.constant 1 : i32
    %scan3A_477:4 = scf.for %scan3A_569 = %scan3A_473 to %scan3A_475 step %scan3A_476 iter_args(%scan3A_570 = %broadcast_in_dim3A_6, %scan3A_571 = %broadcast_in_dim3A_6, %scan3A_572 = %broadcast_in_dim3A_6, %scan3A_573 = %broadcast_in_dim3A_6) -> (vector<16xf32>, vector<16xf32>, vector<16xf32>, vector<16xf32>)  : i32 {
      %mul3A_574 = arith.constant 10 : i32
      %mul3A_575 = arith.muli %scan3A_569, %mul3A_574 : i32
      %add3A_576 = arith.constant 0 : i32
      %add3A_577 = arith.addi %mul3A_575, %add3A_576 : i32
      %get3A = arith.constant 5 : i32
      %get3A_578 = arith.index_cast %get3A : i32 to index
      %get3A_579 = arith.index_cast %add3A_577 : i32 to index
      %get3A_580 = arith.constant 0 : index
      %get3A_581 = tpu.vector_load %arg6[%get3A_578, %get3A_579, %get3A_580] {strides = array<i32>} : memref<8x200x32xf32, #tpu.memory_space<vmem>>, vector<1x1x16xf32>,
      %get3A_582 = vector.shape_cast %get3A_581 : vector<1x1x16xf32> to vector<16xf32>
      %add3A_583 = arith.addf %scan3A_570, %get3A_582 : vector<16xf32>
      %add3A_584 = arith.constant 0 : i32
      %add3A_585 = arith.addi %mul3A_575, %add3A_584 : i32
      %get3A_586 = arith.constant 5 : i32
      %get3A_587 = arith.index_cast %get3A_586 : i32 to index
      %get3A_588 = arith.index_cast %add3A_585 : i32 to index
      %get3A_589 = arith.constant 16 : index
      %get3A_590 = tpu.vector_load %arg6[%get3A_587, %get3A_588, %get3A_589] {strides = array<i32>} : memref<8x200x32xf32, #tpu.memory_space<vmem>>, vector<1x1x16xf32>,
      %get3A_591 = vector.shape_cast %get3A_590 : vector<1x1x16xf32> to vector<16xf32>
      %add3A_592 = arith.addf %scan3A_572, %get3A_591 : vector<16xf32>
      %add3A_593 = arith.constant 0 : i32
      %add3A_594 = arith.addi %mul3A_575, %add3A_593 : i32
      %add3A_595 = arith.constant 1 : i32
      %add3A_596 = arith.addi %add3A_594, %add3A_595 : i32
      %get3A_597 = arith.constant 5 : i32
      %get3A_598 = arith.index_cast %get3A_597 : i32 to index
      %get3A_599 = arith.index_cast %add3A_596 : i32 to index
      %get3A_600 = arith.constant 0 : index
      %get3A_601 = tpu.vector_load %arg6[%get3A_598, %get3A_599, %get3A_600] {strides = array<i32>} : memref<8x200x32xf32, #tpu.memory_space<vmem>>, vector<1x1x16xf32>,
      %get3A_602 = vector.shape_cast %get3A_601 : vector<1x1x16xf32> to vector<16xf32>
      %add3A_603 = arith.addf %scan3A_571, %get3A_602 : vector<16xf32>
      %add3A_604 = arith.constant 0 : i32
      %add3A_605 = arith.addi %mul3A_575, %add3A_604 : i32
      %add3A_606 = arith.constant 1 : i32
      %add3A_607 = arith.addi %add3A_605, %add3A_606 : i32
      %get3A_608 = arith.constant 5 : i32
      %get3A_609 = arith.index_cast %get3A_608 : i32 to index
      %get3A_610 = arith.index_cast %add3A_607 : i32 to index
      %get3A_611 = arith.constant 16 : index
      %get3A_612 = tpu.vector_load %arg6[%get3A_609, %get3A_610, %get3A_611] {strides = array<i32>} : memref<8x200x32xf32, #tpu.memory_space<vmem>>, vector<1x1x16xf32>,
      %get3A_613 = vector.shape_cast %get3A_612 : vector<1x1x16xf32> to vector<16xf32>
      %add3A_614 = arith.addf %scan3A_573, %get3A_613 : vector<16xf32>
      %add3A_615 = arith.constant 2 : i32
      %add3A_616 = arith.addi %mul3A_575, %add3A_615 : i32
      %get3A_617 = arith.constant 5 : i32
      %get3A_618 = arith.index_cast %get3A_617 : i32 to index
      %get3A_619 = arith.index_cast %add3A_616 : i32 to index
      %get3A_620 = arith.constant 0 : index
      %get3A_621 = tpu.vector_load %arg6[%get3A_618, %get3A_619, %get3A_620] {strides = array<i32>} : memref<8x200x32xf32, #tpu.memory_space<vmem>>, vector<1x1x16xf32>,
      %get3A_622 = vector.shape_cast %get3A_621 : vector<1x1x16xf32> to vector<16xf32>
      %add3A_623 = arith.addf %add3A_583, %get3A_622 : vector<16xf32>
      %add3A_624 = arith.constant 2 : i32
      %add3A_625 = arith.addi %mul3A_575, %add3A_624 : i32
      %get3A_626 = arith.constant 5 : i32
      %get3A_627 = arith.index_cast %get3A_626 : i32 to index
      %get3A_628 = arith.index_cast %add3A_625 : i32 to index
      %get3A_629 = arith.constant 16 : index
      %get3A_630 = tpu.vector_load %arg6[%get3A_627, %get3A_628, %get3A_629] {strides = array<i32>} : memref<8x200x32xf32, #tpu.memory_space<vmem>>, vector<1x1x16xf32>,
      %get3A_631 = vector.shape_cast %get3A_630 : vector<1x1x16xf32> to vector<16xf32>
      %add3A_632 = arith.addf %add3A_592, %get3A_631 : vector<16xf32>
      %add3A_633 = arith.constant 2 : i32
      %add3A_634 = arith.addi %mul3A_575, %add3A_633 : i32
      %add3A_635 = arith.constant 1 : i32
      %add3A_636 = arith.addi %add3A_634, %add3A_635 : i32
      %get3A_637 = arith.constant 5 : i32
      %get3A_638 = arith.index_cast %get3A_637 : i32 to index
      %get3A_639 = arith.index_cast %add3A_636 : i32 to index
      %get3A_640 = arith.constant 0 : index
      %get3A_641 = tpu.vector_load %arg6[%get3A_638, %get3A_639, %get3A_640] {strides = array<i32>} : memref<8x200x32xf32, #tpu.memory_space<vmem>>, vector<1x1x16xf32>,
      %get3A_642 = vector.shape_cast %get3A_641 : vector<1x1x16xf32> to vector<16xf32>
      %add3A_643 = arith.addf %add3A_603, %get3A_642 : vector<16xf32>
      %add3A_644 = arith.constant 2 : i32
      %add3A_645 = arith.addi %mul3A_575, %add3A_644 : i32
      %add3A_646 = arith.constant 1 : i32
      %add3A_647 = arith.addi %add3A_645, %add3A_646 : i32
      %get3A_648 = arith.constant 5 : i32
      %get3A_649 = arith.index_cast %get3A_648 : i32 to index
      %get3A_650 = arith.index_cast %add3A_647 : i32 to index
      %get3A_651 = arith.constant 16 : index
      %get3A_652 = tpu.vector_load %arg6[%get3A_649, %get3A_650, %get3A_651] {strides = array<i32>} : memref<8x200x32xf32, #tpu.memory_space<vmem>>, vector<1x1x16xf32>,
      %get3A_653 = vector.shape_cast %get3A_652 : vector<1x1x16xf32> to vector<16xf32>
      %add3A_654 = arith.addf %add3A_614, %get3A_653 : vector<16xf32>
      %add3A_655 = arith.constant 4 : i32
      %add3A_656 = arith.addi %mul3A_575, %add3A_655 : i32
      %get3A_657 = arith.constant 5 : i32
      %get3A_658 = arith.index_cast %get3A_657 : i32 to index
      %get3A_659 = arith.index_cast %add3A_656 : i32 to index
      %get3A_660 = arith.constant 0 : index
      %get3A_661 = tpu.vector_load %arg6[%get3A_658, %get3A_659, %get3A_660] {strides = array<i32>} : memref<8x200x32xf32, #tpu.memory_space<vmem>>, vector<1x1x16xf32>,
      %get3A_662 = vector.shape_cast %get3A_661 : vector<1x1x16xf32> to vector<16xf32>
      %add3A_663 = arith.addf %add3A_623, %get3A_662 : vector<16xf32>
      %add3A_664 = arith.constant 4 : i32
      %add3A_665 = arith.addi %mul3A_575, %add3A_664 : i32
      %get3A_666 = arith.constant 5 : i32
      %get3A_667 = arith.index_cast %get3A_666 : i32 to index
      %get3A_668 = arith.index_cast %add3A_665 : i32 to index
      %get3A_669 = arith.constant 16 : index
      %get3A_670 = tpu.vector_load %arg6[%get3A_667, %get3A_668, %get3A_669] {strides = array<i32>} : memref<8x200x32xf32, #tpu.memory_space<vmem>>, vector<1x1x16xf32>,
      %get3A_671 = vector.shape_cast %get3A_670 : vector<1x1x16xf32> to vector<16xf32>
      %add3A_672 = arith.addf %add3A_632, %get3A_671 : vector<16xf32>
      %add3A_673 = arith.constant 4 : i32
      %add3A_674 = arith.addi %mul3A_575, %add3A_673 : i32
      %add3A_675 = arith.constant 1 : i32
      %add3A_676 = arith.addi %add3A_674, %add3A_675 : i32
      %get3A_677 = arith.constant 5 : i32
      %get3A_678 = arith.index_cast %get3A_677 : i32 to index
      %get3A_679 = arith.index_cast %add3A_676 : i32 to index
      %get3A_680 = arith.constant 0 : index
      %get3A_681 = tpu.vector_load %arg6[%get3A_678, %get3A_679, %get3A_680] {strides = array<i32>} : memref<8x200x32xf32, #tpu.memory_space<vmem>>, vector<1x1x16xf32>,
      %get3A_682 = vector.shape_cast %get3A_681 : vector<1x1x16xf32> to vector<16xf32>
      %add3A_683 = arith.addf %add3A_643, %get3A_682 : vector<16xf32>
      %add3A_684 = arith.constant 4 : i32
      %add3A_685 = arith.addi %mul3A_575, %add3A_684 : i32
      %add3A_686 = arith.constant 1 : i32
      %add3A_687 = arith.addi %add3A_685, %add3A_686 : i32
      %get3A_688 = arith.constant 5 : i32
      %get3A_689 = arith.index_cast %get3A_688 : i32 to index
      %get3A_690 = arith.index_cast %add3A_687 : i32 to index
      %get3A_691 = arith.constant 16 : index
      %get3A_692 = tpu.vector_load %arg6[%get3A_689, %get3A_690, %get3A_691] {strides = array<i32>} : memref<8x200x32xf32, #tpu.memory_space<vmem>>, vector<1x1x16xf32>,
      %get3A_693 = vector.shape_cast %get3A_692 : vector<1x1x16xf32> to vector<16xf32>
      %add3A_694 = arith.addf %add3A_654, %get3A_693 : vector<16xf32>
      %add3A_695 = arith.constant 6 : i32
      %add3A_696 = arith.addi %mul3A_575, %add3A_695 : i32
      %get3A_697 = arith.constant 5 : i32
      %get3A_698 = arith.index_cast %get3A_697 : i32 to index
      %get3A_699 = arith.index_cast %add3A_696 : i32 to index
      %get3A_700 = arith.constant 0 : index
      %get3A_701 = tpu.vector_load %arg6[%get3A_698, %get3A_699, %get3A_700] {strides = array<i32>} : memref<8x200x32xf32, #tpu.memory_space<vmem>>, vector<1x1x16xf32>,
      %get3A_702 = vector.shape_cast %get3A_701 : vector<1x1x16xf32> to vector<16xf32>
      %add3A_703 = arith.addf %add3A_663, %get3A_702 : vector<16xf32>
      %add3A_704 = arith.constant 6 : i32
      %add3A_705 = arith.addi %mul3A_575, %add3A_704 : i32
      %get3A_706 = arith.constant 5 : i32
      %get3A_707 = arith.index_cast %get3A_706 : i32 to index
      %get3A_708 = arith.index_cast %add3A_705 : i32 to index
      %get3A_709 = arith.constant 16 : index
      %get3A_710 = tpu.vector_load %arg6[%get3A_707, %get3A_708, %get3A_709] {strides = array<i32>} : memref<8x200x32xf32, #tpu.memory_space<vmem>>, vector<1x1x16xf32>,
      %get3A_711 = vector.shape_cast %get3A_710 : vector<1x1x16xf32> to vector<16xf32>
      %add3A_712 = arith.addf %add3A_672, %get3A_711 : vector<16xf32>
      %add3A_713 = arith.constant 6 : i32
      %add3A_714 = arith.addi %mul3A_575, %add3A_713 : i32
      %add3A_715 = arith.constant 1 : i32
      %add3A_716 = arith.addi %add3A_714, %add3A_715 : i32
      %get3A_717 = arith.constant 5 : i32
      %get3A_718 = arith.index_cast %get3A_717 : i32 to index
      %get3A_719 = arith.index_cast %add3A_716 : i32 to index
      %get3A_720 = arith.constant 0 : index
      %get3A_721 = tpu.vector_load %arg6[%get3A_718, %get3A_719, %get3A_720] {strides = array<i32>} : memref<8x200x32xf32, #tpu.memory_space<vmem>>, vector<1x1x16xf32>,
      %get3A_722 = vector.shape_cast %get3A_721 : vector<1x1x16xf32> to vector<16xf32>
      %add3A_723 = arith.addf %add3A_683, %get3A_722 : vector<16xf32>
      %add3A_724 = arith.constant 6 : i32
      %add3A_725 = arith.addi %mul3A_575, %add3A_724 : i32
      %add3A_726 = arith.constant 1 : i32
      %add3A_727 = arith.addi %add3A_725, %add3A_726 : i32
      %get3A_728 = arith.constant 5 : i32
      %get3A_729 = arith.index_cast %get3A_728 : i32 to index
      %get3A_730 = arith.index_cast %add3A_727 : i32 to index
      %get3A_731 = arith.constant 16 : index
      %get3A_732 = tpu.vector_load %arg6[%get3A_729, %get3A_730, %get3A_731] {strides = array<i32>} : memref<8x200x32xf32, #tpu.memory_space<vmem>>, vector<1x1x16xf32>,
      %get3A_733 = vector.shape_cast %get3A_732 : vector<1x1x16xf32> to vector<16xf32>
      %add3A_734 = arith.addf %add3A_694, %get3A_733 : vector<16xf32>
      %add3A_735 = arith.constant 8 : i32
      %add3A_736 = arith.addi %mul3A_575, %add3A_735 : i32
      %get3A_737 = arith.constant 5 : i32
      %get3A_738 = arith.index_cast %get3A_737 : i32 to index
      %get3A_739 = arith.index_cast %add3A_736 : i32 to index
      %get3A_740 = arith.constant 0 : index
      %get3A_741 = tpu.vector_load %arg6[%get3A_738, %get3A_739, %get3A_740] {strides = array<i32>} : memref<8x200x32xf32, #tpu.memory_space<vmem>>, vector<1x1x16xf32>,
      %get3A_742 = vector.shape_cast %get3A_741 : vector<1x1x16xf32> to vector<16xf32>
      %add3A_743 = arith.addf %add3A_703, %get3A_742 : vector<16xf32>
      %add3A_744 = arith.constant 8 : i32
      %add3A_745 = arith.addi %mul3A_575, %add3A_744 : i32
      %get3A_746 = arith.constant 5 : i32
      %get3A_747 = arith.index_cast %get3A_746 : i32 to index
      %get3A_748 = arith.index_cast %add3A_745 : i32 to index
      %get3A_749 = arith.constant 16 : index
      %get3A_750 = tpu.vector_load %arg6[%get3A_747, %get3A_748, %get3A_749] {strides = array<i32>} : memref<8x200x32xf32, #tpu.memory_space<vmem>>, vector<1x1x16xf32>,
      %get3A_751 = vector.shape_cast %get3A_750 : vector<1x1x16xf32> to vector<16xf32>
      %add3A_752 = arith.addf %add3A_712, %get3A_751 : vector<16xf32>
      %add3A_753 = arith.constant 8 : i32
      %add3A_754 = arith.addi %mul3A_575, %add3A_753 : i32
      %add3A_755 = arith.constant 1 : i32
      %add3A_756 = arith.addi %add3A_754, %add3A_755 : i32
      %get3A_757 = arith.constant 5 : i32
      %get3A_758 = arith.index_cast %get3A_757 : i32 to index
      %get3A_759 = arith.index_cast %add3A_756 : i32 to index
      %get3A_760 = arith.constant 0 : index
      %get3A_761 = tpu.vector_load %arg6[%get3A_758, %get3A_759, %get3A_760] {strides = array<i32>} : memref<8x200x32xf32, #tpu.memory_space<vmem>>, vector<1x1x16xf32>,
      %get3A_762 = vector.shape_cast %get3A_761 : vector<1x1x16xf32> to vector<16xf32>
      %add3A_763 = arith.addf %add3A_723, %get3A_762 : vector<16xf32>
      %add3A_764 = arith.constant 8 : i32
      %add3A_765 = arith.addi %mul3A_575, %add3A_764 : i32
      %add3A_766 = arith.constant 1 : i32
      %add3A_767 = arith.addi %add3A_765, %add3A_766 : i32
      %get3A_768 = arith.constant 5 : i32
      %get3A_769 = arith.index_cast %get3A_768 : i32 to index
      %get3A_770 = arith.index_cast %add3A_767 : i32 to index
      %get3A_771 = arith.constant 16 : index
      %get3A_772 = tpu.vector_load %arg6[%get3A_769, %get3A_770, %get3A_771] {strides = array<i32>} : memref<8x200x32xf32, #tpu.memory_space<vmem>>, vector<1x1x16xf32>,
      %get3A_773 = vector.shape_cast %get3A_772 : vector<1x1x16xf32> to vector<16xf32>
      %add3A_774 = arith.addf %add3A_734, %get3A_773 : vector<16xf32>
      scf.yield %add3A_743, %add3A_763, %add3A_752, %add3A_774 : vector<16xf32>, vector<16xf32>, vector<16xf32>, vector<16xf32>
    }
    %scan3A_478 = arith.constant 20 : i32
    %add3A_479 = arith.addf %scan3A_477#0, %scan3A_477#1 : vector<16xf32>
    %swap3A_480 = arith.constant 125 : i32
    %swap3A_481 = arith.index_cast %swap3A_480 : i32 to index
    %swap3A_482 = arith.constant 0 : index
    %swap3A_483 = tpu.vector_load %arg7[%swap3A_481, %swap3A_482] {strides = array<i32>} : memref<128x32xf32, #tpu.memory_space<vmem>>, vector<1x16xf32>,
    %swap3A_484 = vector.shape_cast %swap3A_483 : vector<1x16xf32> to vector<16xf32>
    %swap3A_485 = vector.shape_cast %add3A_479 : vector<16xf32> to vector<1x16xf32>
    tpu.vector_store %arg7[%swap3A_481, %swap3A_482], %swap3A_485 {strides = array<i32>} : memref<128x32xf32, #tpu.memory_space<vmem>>, vector<1x16xf32>,
    %add3A_486 = arith.addf %scan3A_477#2, %scan3A_477#3 : vector<16xf32>
    %swap3A_487 = arith.constant 125 : i32
    %swap3A_488 = arith.index_cast %swap3A_487 : i32 to index
    %swap3A_489 = arith.constant 16 : index
    %swap3A_490 = tpu.vector_load %arg7[%swap3A_488, %swap3A_489] {strides = array<i32>} : memref<128x32xf32, #tpu.memory_space<vmem>>, vector<1x16xf32>,
    %swap3A_491 = vector.shape_cast %swap3A_490 : vector<1x16xf32> to vector<16xf32>
    %swap3A_492 = vector.shape_cast %add3A_486 : vector<16xf32> to vector<1x16xf32>
    tpu.vector_store %arg7[%swap3A_488, %swap3A_489], %swap3A_492 {strides = array<i32>} : memref<128x32xf32, #tpu.memory_space<vmem>>, vector<1x16xf32>,
    %dma_wait3A_493 = arith.constant 6 : i32
    %dma_wait3A_494 = arith.constant 6 : i32
    %dma_wait3A_495 = arith.constant 0 : i32
    %dma_wait3A_496 = arith.constant 0 : i32
    %dma_wait3A_497 = tpu.memref_slice %arg6[%dma_wait3A_493, %dma_wait3A_495, %dma_wait3A_496] : memref<8x200x32xf32, #tpu.memory_space<vmem>> -> memref<1x200x32xf32, #tpu.memory_space<vmem>>
    %dma_wait3A_498 = tpu.memref_squeeze %dma_wait3A_497 : memref<1x200x32xf32, #tpu.memory_space<vmem>> -> memref<200x32xf32, #tpu.memory_space<vmem>>
    %dma_wait3A_499 = arith.constant 0 : i32
    %dma_wait3A_500 = arith.constant 0 : i32
    %dma_wait3A_501 = tpu.memref_slice %arg3[%dma_wait3A_499, %dma_wait3A_500] : memref<1048576x32xf32, #tpu.memory_space<hbm>> -> memref<200x32xf32, #tpu.memory_space<hbm>>
    %dma_wait3A_502 = tpu.memref_slice %arg8[%dma_wait3A_494] : memref<8x!tpu.dma_semaphore, #tpu.memory_space<semaphore_mem>> -> memref<1x!tpu.dma_semaphore, #tpu.memory_space<semaphore_mem>>
    %dma_wait3A_503 = tpu.memref_squeeze %dma_wait3A_502 : memref<1x!tpu.dma_semaphore, #tpu.memory_space<semaphore_mem>> -> memref<!tpu.dma_semaphore, #tpu.memory_space<semaphore_mem>>
    %dma_wait3A_504 = arith.constant 0 : i32
    %dma_wait3A_505 = arith.constant 0 : i32
    %dma_wait3A_506 = tpu.memref_slice %arg6[%dma_wait3A_493, %dma_wait3A_504, %dma_wait3A_505] : memref<8x200x32xf32, #tpu.memory_space<vmem>> -> memref<1x200x32xf32, #tpu.memory_space<vmem>>
    %dma_wait3A_507 = tpu.memref_squeeze %dma_wait3A_506 : memref<1x200x32xf32, #tpu.memory_space<vmem>> -> memref<200x32xf32, #tpu.memory_space<vmem>>
    %dma_wait3A_508 = arith.constant 0 : i32
    %dma_wait3A_509 = arith.constant 0 : i32
    %dma_wait3A_510 = tpu.memref_slice %arg3[%dma_wait3A_508, %dma_wait3A_509] : memref<1048576x32xf32, #tpu.memory_space<hbm>> -> memref<200x32xf32, #tpu.memory_space<hbm>>
    tpu.wait_dma2 semaphore(%dma_wait3A_503 : memref<!tpu.dma_semaphore, #tpu.memory_space<semaphore_mem>>) src(%dma_wait3A_510 : memref<200x32xf32, #tpu.memory_space<hbm>>) dst(%dma_wait3A_507 : memref<200x32xf32, #tpu.memory_space<vmem>>)
    %scan3A_511 = arith.constant 0 : i32
    %scan3A_512 = arith.constant 20 : i32
    %scan3A_513 = arith.addi %scan3A_511, %scan3A_512 : i32
    %scan3A_514 = arith.constant 1 : i32
    %scan3A_515:4 = scf.for %scan3A_569 = %scan3A_511 to %scan3A_513 step %scan3A_514 iter_args(%scan3A_570 = %broadcast_in_dim3A_6, %scan3A_571 = %broadcast_in_dim3A_6, %scan3A_572 = %broadcast_in_dim3A_6, %scan3A_573 = %broadcast_in_dim3A_6) -> (vector<16xf32>, vector<16xf32>, vector<16xf32>, vector<16xf32>)  : i32 {
      %mul3A_574 = arith.constant 10 : i32
      %mul3A_575 = arith.muli %scan3A_569, %mul3A_574 : i32
      %add3A_576 = arith.constant 0 : i32
      %add3A_577 = arith.addi %mul3A_575, %add3A_576 : i32
      %get3A = arith.constant 6 : i32
      %get3A_578 = arith.index_cast %get3A : i32 to index
      %get3A_579 = arith.index_cast %add3A_577 : i32 to index
      %get3A_580 = arith.constant 0 : index
      %get3A_581 = tpu.vector_load %arg6[%get3A_578, %get3A_579, %get3A_580] {strides = array<i32>} : memref<8x200x32xf32, #tpu.memory_space<vmem>>, vector<1x1x16xf32>,
      %get3A_582 = vector.shape_cast %get3A_581 : vector<1x1x16xf32> to vector<16xf32>
      %add3A_583 = arith.addf %scan3A_570, %get3A_582 : vector<16xf32>
      %add3A_584 = arith.constant 0 : i32
      %add3A_585 = arith.addi %mul3A_575, %add3A_584 : i32
      %get3A_586 = arith.constant 6 : i32
      %get3A_587 = arith.index_cast %get3A_586 : i32 to index
      %get3A_588 = arith.index_cast %add3A_585 : i32 to index
      %get3A_589 = arith.constant 16 : index
      %get3A_590 = tpu.vector_load %arg6[%get3A_587, %get3A_588, %get3A_589] {strides = array<i32>} : memref<8x200x32xf32, #tpu.memory_space<vmem>>, vector<1x1x16xf32>,
      %get3A_591 = vector.shape_cast %get3A_590 : vector<1x1x16xf32> to vector<16xf32>
      %add3A_592 = arith.addf %scan3A_572, %get3A_591 : vector<16xf32>
      %add3A_593 = arith.constant 0 : i32
      %add3A_594 = arith.addi %mul3A_575, %add3A_593 : i32
      %add3A_595 = arith.constant 1 : i32
      %add3A_596 = arith.addi %add3A_594, %add3A_595 : i32
      %get3A_597 = arith.constant 6 : i32
      %get3A_598 = arith.index_cast %get3A_597 : i32 to index
      %get3A_599 = arith.index_cast %add3A_596 : i32 to index
      %get3A_600 = arith.constant 0 : index
      %get3A_601 = tpu.vector_load %arg6[%get3A_598, %get3A_599, %get3A_600] {strides = array<i32>} : memref<8x200x32xf32, #tpu.memory_space<vmem>>, vector<1x1x16xf32>,
      %get3A_602 = vector.shape_cast %get3A_601 : vector<1x1x16xf32> to vector<16xf32>
      %add3A_603 = arith.addf %scan3A_571, %get3A_602 : vector<16xf32>
      %add3A_604 = arith.constant 0 : i32
      %add3A_605 = arith.addi %mul3A_575, %add3A_604 : i32
      %add3A_606 = arith.constant 1 : i32
      %add3A_607 = arith.addi %add3A_605, %add3A_606 : i32
      %get3A_608 = arith.constant 6 : i32
      %get3A_609 = arith.index_cast %get3A_608 : i32 to index
      %get3A_610 = arith.index_cast %add3A_607 : i32 to index
      %get3A_611 = arith.constant 16 : index
      %get3A_612 = tpu.vector_load %arg6[%get3A_609, %get3A_610, %get3A_611] {strides = array<i32>} : memref<8x200x32xf32, #tpu.memory_space<vmem>>, vector<1x1x16xf32>,
      %get3A_613 = vector.shape_cast %get3A_612 : vector<1x1x16xf32> to vector<16xf32>
      %add3A_614 = arith.addf %scan3A_573, %get3A_613 : vector<16xf32>
      %add3A_615 = arith.constant 2 : i32
      %add3A_616 = arith.addi %mul3A_575, %add3A_615 : i32
      %get3A_617 = arith.constant 6 : i32
      %get3A_618 = arith.index_cast %get3A_617 : i32 to index
      %get3A_619 = arith.index_cast %add3A_616 : i32 to index
      %get3A_620 = arith.constant 0 : index
      %get3A_621 = tpu.vector_load %arg6[%get3A_618, %get3A_619, %get3A_620] {strides = array<i32>} : memref<8x200x32xf32, #tpu.memory_space<vmem>>, vector<1x1x16xf32>,
      %get3A_622 = vector.shape_cast %get3A_621 : vector<1x1x16xf32> to vector<16xf32>
      %add3A_623 = arith.addf %add3A_583, %get3A_622 : vector<16xf32>
      %add3A_624 = arith.constant 2 : i32
      %add3A_625 = arith.addi %mul3A_575, %add3A_624 : i32
      %get3A_626 = arith.constant 6 : i32
      %get3A_627 = arith.index_cast %get3A_626 : i32 to index
      %get3A_628 = arith.index_cast %add3A_625 : i32 to index
      %get3A_629 = arith.constant 16 : index
      %get3A_630 = tpu.vector_load %arg6[%get3A_627, %get3A_628, %get3A_629] {strides = array<i32>} : memref<8x200x32xf32, #tpu.memory_space<vmem>>, vector<1x1x16xf32>,
      %get3A_631 = vector.shape_cast %get3A_630 : vector<1x1x16xf32> to vector<16xf32>
      %add3A_632 = arith.addf %add3A_592, %get3A_631 : vector<16xf32>
      %add3A_633 = arith.constant 2 : i32
      %add3A_634 = arith.addi %mul3A_575, %add3A_633 : i32
      %add3A_635 = arith.constant 1 : i32
      %add3A_636 = arith.addi %add3A_634, %add3A_635 : i32
      %get3A_637 = arith.constant 6 : i32
      %get3A_638 = arith.index_cast %get3A_637 : i32 to index
      %get3A_639 = arith.index_cast %add3A_636 : i32 to index
      %get3A_640 = arith.constant 0 : index
      %get3A_641 = tpu.vector_load %arg6[%get3A_638, %get3A_639, %get3A_640] {strides = array<i32>} : memref<8x200x32xf32, #tpu.memory_space<vmem>>, vector<1x1x16xf32>,
      %get3A_642 = vector.shape_cast %get3A_641 : vector<1x1x16xf32> to vector<16xf32>
      %add3A_643 = arith.addf %add3A_603, %get3A_642 : vector<16xf32>
      %add3A_644 = arith.constant 2 : i32
      %add3A_645 = arith.addi %mul3A_575, %add3A_644 : i32
      %add3A_646 = arith.constant 1 : i32
      %add3A_647 = arith.addi %add3A_645, %add3A_646 : i32
      %get3A_648 = arith.constant 6 : i32
      %get3A_649 = arith.index_cast %get3A_648 : i32 to index
      %get3A_650 = arith.index_cast %add3A_647 : i32 to index
      %get3A_651 = arith.constant 16 : index
      %get3A_652 = tpu.vector_load %arg6[%get3A_649, %get3A_650, %get3A_651] {strides = array<i32>} : memref<8x200x32xf32, #tpu.memory_space<vmem>>, vector<1x1x16xf32>,
      %get3A_653 = vector.shape_cast %get3A_652 : vector<1x1x16xf32> to vector<16xf32>
      %add3A_654 = arith.addf %add3A_614, %get3A_653 : vector<16xf32>
      %add3A_655 = arith.constant 4 : i32
      %add3A_656 = arith.addi %mul3A_575, %add3A_655 : i32
      %get3A_657 = arith.constant 6 : i32
      %get3A_658 = arith.index_cast %get3A_657 : i32 to index
      %get3A_659 = arith.index_cast %add3A_656 : i32 to index
      %get3A_660 = arith.constant 0 : index
      %get3A_661 = tpu.vector_load %arg6[%get3A_658, %get3A_659, %get3A_660] {strides = array<i32>} : memref<8x200x32xf32, #tpu.memory_space<vmem>>, vector<1x1x16xf32>,
      %get3A_662 = vector.shape_cast %get3A_661 : vector<1x1x16xf32> to vector<16xf32>
      %add3A_663 = arith.addf %add3A_623, %get3A_662 : vector<16xf32>
      %add3A_664 = arith.constant 4 : i32
      %add3A_665 = arith.addi %mul3A_575, %add3A_664 : i32
      %get3A_666 = arith.constant 6 : i32
      %get3A_667 = arith.index_cast %get3A_666 : i32 to index
      %get3A_668 = arith.index_cast %add3A_665 : i32 to index
      %get3A_669 = arith.constant 16 : index
      %get3A_670 = tpu.vector_load %arg6[%get3A_667, %get3A_668, %get3A_669] {strides = array<i32>} : memref<8x200x32xf32, #tpu.memory_space<vmem>>, vector<1x1x16xf32>,
      %get3A_671 = vector.shape_cast %get3A_670 : vector<1x1x16xf32> to vector<16xf32>
      %add3A_672 = arith.addf %add3A_632, %get3A_671 : vector<16xf32>
      %add3A_673 = arith.constant 4 : i32
      %add3A_674 = arith.addi %mul3A_575, %add3A_673 : i32
      %add3A_675 = arith.constant 1 : i32
      %add3A_676 = arith.addi %add3A_674, %add3A_675 : i32
      %get3A_677 = arith.constant 6 : i32
      %get3A_678 = arith.index_cast %get3A_677 : i32 to index
      %get3A_679 = arith.index_cast %add3A_676 : i32 to index
      %get3A_680 = arith.constant 0 : index
      %get3A_681 = tpu.vector_load %arg6[%get3A_678, %get3A_679, %get3A_680] {strides = array<i32>} : memref<8x200x32xf32, #tpu.memory_space<vmem>>, vector<1x1x16xf32>,
      %get3A_682 = vector.shape_cast %get3A_681 : vector<1x1x16xf32> to vector<16xf32>
      %add3A_683 = arith.addf %add3A_643, %get3A_682 : vector<16xf32>
      %add3A_684 = arith.constant 4 : i32
      %add3A_685 = arith.addi %mul3A_575, %add3A_684 : i32
      %add3A_686 = arith.constant 1 : i32
      %add3A_687 = arith.addi %add3A_685, %add3A_686 : i32
      %get3A_688 = arith.constant 6 : i32
      %get3A_689 = arith.index_cast %get3A_688 : i32 to index
      %get3A_690 = arith.index_cast %add3A_687 : i32 to index
      %get3A_691 = arith.constant 16 : index
      %get3A_692 = tpu.vector_load %arg6[%get3A_689, %get3A_690, %get3A_691] {strides = array<i32>} : memref<8x200x32xf32, #tpu.memory_space<vmem>>, vector<1x1x16xf32>,
      %get3A_693 = vector.shape_cast %get3A_692 : vector<1x1x16xf32> to vector<16xf32>
      %add3A_694 = arith.addf %add3A_654, %get3A_693 : vector<16xf32>
      %add3A_695 = arith.constant 6 : i32
      %add3A_696 = arith.addi %mul3A_575, %add3A_695 : i32
      %get3A_697 = arith.constant 6 : i32
      %get3A_698 = arith.index_cast %get3A_697 : i32 to index
      %get3A_699 = arith.index_cast %add3A_696 : i32 to index
      %get3A_700 = arith.constant 0 : index
      %get3A_701 = tpu.vector_load %arg6[%get3A_698, %get3A_699, %get3A_700] {strides = array<i32>} : memref<8x200x32xf32, #tpu.memory_space<vmem>>, vector<1x1x16xf32>,
      %get3A_702 = vector.shape_cast %get3A_701 : vector<1x1x16xf32> to vector<16xf32>
      %add3A_703 = arith.addf %add3A_663, %get3A_702 : vector<16xf32>
      %add3A_704 = arith.constant 6 : i32
      %add3A_705 = arith.addi %mul3A_575, %add3A_704 : i32
      %get3A_706 = arith.constant 6 : i32
      %get3A_707 = arith.index_cast %get3A_706 : i32 to index
      %get3A_708 = arith.index_cast %add3A_705 : i32 to index
      %get3A_709 = arith.constant 16 : index
      %get3A_710 = tpu.vector_load %arg6[%get3A_707, %get3A_708, %get3A_709] {strides = array<i32>} : memref<8x200x32xf32, #tpu.memory_space<vmem>>, vector<1x1x16xf32>,
      %get3A_711 = vector.shape_cast %get3A_710 : vector<1x1x16xf32> to vector<16xf32>
      %add3A_712 = arith.addf %add3A_672, %get3A_711 : vector<16xf32>
      %add3A_713 = arith.constant 6 : i32
      %add3A_714 = arith.addi %mul3A_575, %add3A_713 : i32
      %add3A_715 = arith.constant 1 : i32
      %add3A_716 = arith.addi %add3A_714, %add3A_715 : i32
      %get3A_717 = arith.constant 6 : i32
      %get3A_718 = arith.index_cast %get3A_717 : i32 to index
      %get3A_719 = arith.index_cast %add3A_716 : i32 to index
      %get3A_720 = arith.constant 0 : index
      %get3A_721 = tpu.vector_load %arg6[%get3A_718, %get3A_719, %get3A_720] {strides = array<i32>} : memref<8x200x32xf32, #tpu.memory_space<vmem>>, vector<1x1x16xf32>,
      %get3A_722 = vector.shape_cast %get3A_721 : vector<1x1x16xf32> to vector<16xf32>
      %add3A_723 = arith.addf %add3A_683, %get3A_722 : vector<16xf32>
      %add3A_724 = arith.constant 6 : i32
      %add3A_725 = arith.addi %mul3A_575, %add3A_724 : i32
      %add3A_726 = arith.constant 1 : i32
      %add3A_727 = arith.addi %add3A_725, %add3A_726 : i32
      %get3A_728 = arith.constant 6 : i32
      %get3A_729 = arith.index_cast %get3A_728 : i32 to index
      %get3A_730 = arith.index_cast %add3A_727 : i32 to index
      %get3A_731 = arith.constant 16 : index
      %get3A_732 = tpu.vector_load %arg6[%get3A_729, %get3A_730, %get3A_731] {strides = array<i32>} : memref<8x200x32xf32, #tpu.memory_space<vmem>>, vector<1x1x16xf32>,
      %get3A_733 = vector.shape_cast %get3A_732 : vector<1x1x16xf32> to vector<16xf32>
      %add3A_734 = arith.addf %add3A_694, %get3A_733 : vector<16xf32>
      %add3A_735 = arith.constant 8 : i32
      %add3A_736 = arith.addi %mul3A_575, %add3A_735 : i32
      %get3A_737 = arith.constant 6 : i32
      %get3A_738 = arith.index_cast %get3A_737 : i32 to index
      %get3A_739 = arith.index_cast %add3A_736 : i32 to index
      %get3A_740 = arith.constant 0 : index
      %get3A_741 = tpu.vector_load %arg6[%get3A_738, %get3A_739, %get3A_740] {strides = array<i32>} : memref<8x200x32xf32, #tpu.memory_space<vmem>>, vector<1x1x16xf32>,
      %get3A_742 = vector.shape_cast %get3A_741 : vector<1x1x16xf32> to vector<16xf32>
      %add3A_743 = arith.addf %add3A_703, %get3A_742 : vector<16xf32>
      %add3A_744 = arith.constant 8 : i32
      %add3A_745 = arith.addi %mul3A_575, %add3A_744 : i32
      %get3A_746 = arith.constant 6 : i32
      %get3A_747 = arith.index_cast %get3A_746 : i32 to index
      %get3A_748 = arith.index_cast %add3A_745 : i32 to index
      %get3A_749 = arith.constant 16 : index
      %get3A_750 = tpu.vector_load %arg6[%get3A_747, %get3A_748, %get3A_749] {strides = array<i32>} : memref<8x200x32xf32, #tpu.memory_space<vmem>>, vector<1x1x16xf32>,
      %get3A_751 = vector.shape_cast %get3A_750 : vector<1x1x16xf32> to vector<16xf32>
      %add3A_752 = arith.addf %add3A_712, %get3A_751 : vector<16xf32>
      %add3A_753 = arith.constant 8 : i32
      %add3A_754 = arith.addi %mul3A_575, %add3A_753 : i32
      %add3A_755 = arith.constant 1 : i32
      %add3A_756 = arith.addi %add3A_754, %add3A_755 : i32
      %get3A_757 = arith.constant 6 : i32
      %get3A_758 = arith.index_cast %get3A_757 : i32 to index
      %get3A_759 = arith.index_cast %add3A_756 : i32 to index
      %get3A_760 = arith.constant 0 : index
      %get3A_761 = tpu.vector_load %arg6[%get3A_758, %get3A_759, %get3A_760] {strides = array<i32>} : memref<8x200x32xf32, #tpu.memory_space<vmem>>, vector<1x1x16xf32>,
      %get3A_762 = vector.shape_cast %get3A_761 : vector<1x1x16xf32> to vector<16xf32>
      %add3A_763 = arith.addf %add3A_723, %get3A_762 : vector<16xf32>
      %add3A_764 = arith.constant 8 : i32
      %add3A_765 = arith.addi %mul3A_575, %add3A_764 : i32
      %add3A_766 = arith.constant 1 : i32
      %add3A_767 = arith.addi %add3A_765, %add3A_766 : i32
      %get3A_768 = arith.constant 6 : i32
      %get3A_769 = arith.index_cast %get3A_768 : i32 to index
      %get3A_770 = arith.index_cast %add3A_767 : i32 to index
      %get3A_771 = arith.constant 16 : index
      %get3A_772 = tpu.vector_load %arg6[%get3A_769, %get3A_770, %get3A_771] {strides = array<i32>} : memref<8x200x32xf32, #tpu.memory_space<vmem>>, vector<1x1x16xf32>,
      %get3A_773 = vector.shape_cast %get3A_772 : vector<1x1x16xf32> to vector<16xf32>
      %add3A_774 = arith.addf %add3A_734, %get3A_773 : vector<16xf32>
      scf.yield %add3A_743, %add3A_763, %add3A_752, %add3A_774 : vector<16xf32>, vector<16xf32>, vector<16xf32>, vector<16xf32>
    }
    %scan3A_516 = arith.constant 20 : i32
    %add3A_517 = arith.addf %scan3A_515#0, %scan3A_515#1 : vector<16xf32>
    %swap3A_518 = arith.constant 126 : i32
    %swap3A_519 = arith.index_cast %swap3A_518 : i32 to index
    %swap3A_520 = arith.constant 0 : index
    %swap3A_521 = tpu.vector_load %arg7[%swap3A_519, %swap3A_520] {strides = array<i32>} : memref<128x32xf32, #tpu.memory_space<vmem>>, vector<1x16xf32>,
    %swap3A_522 = vector.shape_cast %swap3A_521 : vector<1x16xf32> to vector<16xf32>
    %swap3A_523 = vector.shape_cast %add3A_517 : vector<16xf32> to vector<1x16xf32>
    tpu.vector_store %arg7[%swap3A_519, %swap3A_520], %swap3A_523 {strides = array<i32>} : memref<128x32xf32, #tpu.memory_space<vmem>>, vector<1x16xf32>,
    %add3A_524 = arith.addf %scan3A_515#2, %scan3A_515#3 : vector<16xf32>
    %swap3A_525 = arith.constant 126 : i32
    %swap3A_526 = arith.index_cast %swap3A_525 : i32 to index
    %swap3A_527 = arith.constant 16 : index
    %swap3A_528 = tpu.vector_load %arg7[%swap3A_526, %swap3A_527] {strides = array<i32>} : memref<128x32xf32, #tpu.memory_space<vmem>>, vector<1x16xf32>,
    %swap3A_529 = vector.shape_cast %swap3A_528 : vector<1x16xf32> to vector<16xf32>
    %swap3A_530 = vector.shape_cast %add3A_524 : vector<16xf32> to vector<1x16xf32>
    tpu.vector_store %arg7[%swap3A_526, %swap3A_527], %swap3A_530 {strides = array<i32>} : memref<128x32xf32, #tpu.memory_space<vmem>>, vector<1x16xf32>,
    %dma_wait3A_531 = arith.constant 7 : i32
    %dma_wait3A_532 = arith.constant 7 : i32
    %dma_wait3A_533 = arith.constant 0 : i32
    %dma_wait3A_534 = arith.constant 0 : i32
    %dma_wait3A_535 = tpu.memref_slice %arg6[%dma_wait3A_531, %dma_wait3A_533, %dma_wait3A_534] : memref<8x200x32xf32, #tpu.memory_space<vmem>> -> memref<1x200x32xf32, #tpu.memory_space<vmem>>
    %dma_wait3A_536 = tpu.memref_squeeze %dma_wait3A_535 : memref<1x200x32xf32, #tpu.memory_space<vmem>> -> memref<200x32xf32, #tpu.memory_space<vmem>>
    %dma_wait3A_537 = arith.constant 0 : i32
    %dma_wait3A_538 = arith.constant 0 : i32
    %dma_wait3A_539 = tpu.memref_slice %arg3[%dma_wait3A_537, %dma_wait3A_538] : memref<1048576x32xf32, #tpu.memory_space<hbm>> -> memref<200x32xf32, #tpu.memory_space<hbm>>
    %dma_wait3A_540 = tpu.memref_slice %arg8[%dma_wait3A_532] : memref<8x!tpu.dma_semaphore, #tpu.memory_space<semaphore_mem>> -> memref<1x!tpu.dma_semaphore, #tpu.memory_space<semaphore_mem>>
    %dma_wait3A_541 = tpu.memref_squeeze %dma_wait3A_540 : memref<1x!tpu.dma_semaphore, #tpu.memory_space<semaphore_mem>> -> memref<!tpu.dma_semaphore, #tpu.memory_space<semaphore_mem>>
    %dma_wait3A_542 = arith.constant 0 : i32
    %dma_wait3A_543 = arith.constant 0 : i32
    %dma_wait3A_544 = tpu.memref_slice %arg6[%dma_wait3A_531, %dma_wait3A_542, %dma_wait3A_543] : memref<8x200x32xf32, #tpu.memory_space<vmem>> -> memref<1x200x32xf32, #tpu.memory_space<vmem>>
    %dma_wait3A_545 = tpu.memref_squeeze %dma_wait3A_544 : memref<1x200x32xf32, #tpu.memory_space<vmem>> -> memref<200x32xf32, #tpu.memory_space<vmem>>
    %dma_wait3A_546 = arith.constant 0 : i32
    %dma_wait3A_547 = arith.constant 0 : i32
    %dma_wait3A_548 = tpu.memref_slice %arg3[%dma_wait3A_546, %dma_wait3A_547] : memref<1048576x32xf32, #tpu.memory_space<hbm>> -> memref<200x32xf32, #tpu.memory_space<hbm>>
    tpu.wait_dma2 semaphore(%dma_wait3A_541 : memref<!tpu.dma_semaphore, #tpu.memory_space<semaphore_mem>>) src(%dma_wait3A_548 : memref<200x32xf32, #tpu.memory_space<hbm>>) dst(%dma_wait3A_545 : memref<200x32xf32, #tpu.memory_space<vmem>>)
    %scan3A_549 = arith.constant 0 : i32
    %scan3A_550 = arith.constant 20 : i32
    %scan3A_551 = arith.addi %scan3A_549, %scan3A_550 : i32
    %scan3A_552 = arith.constant 1 : i32
    %scan3A_553:4 = scf.for %scan3A_569 = %scan3A_549 to %scan3A_551 step %scan3A_552 iter_args(%scan3A_570 = %broadcast_in_dim3A_6, %scan3A_571 = %broadcast_in_dim3A_6, %scan3A_572 = %broadcast_in_dim3A_6, %scan3A_573 = %broadcast_in_dim3A_6) -> (vector<16xf32>, vector<16xf32>, vector<16xf32>, vector<16xf32>)  : i32 {
      %mul3A_574 = arith.constant 10 : i32
      %mul3A_575 = arith.muli %scan3A_569, %mul3A_574 : i32
      %add3A_576 = arith.constant 0 : i32
      %add3A_577 = arith.addi %mul3A_575, %add3A_576 : i32
      %get3A = arith.constant 7 : i32
      %get3A_578 = arith.index_cast %get3A : i32 to index
      %get3A_579 = arith.index_cast %add3A_577 : i32 to index
      %get3A_580 = arith.constant 0 : index
      %get3A_581 = tpu.vector_load %arg6[%get3A_578, %get3A_579, %get3A_580] {strides = array<i32>} : memref<8x200x32xf32, #tpu.memory_space<vmem>>, vector<1x1x16xf32>,
      %get3A_582 = vector.shape_cast %get3A_581 : vector<1x1x16xf32> to vector<16xf32>
      %add3A_583 = arith.addf %scan3A_570, %get3A_582 : vector<16xf32>
      %add3A_584 = arith.constant 0 : i32
      %add3A_585 = arith.addi %mul3A_575, %add3A_584 : i32
      %get3A_586 = arith.constant 7 : i32
      %get3A_587 = arith.index_cast %get3A_586 : i32 to index
      %get3A_588 = arith.index_cast %add3A_585 : i32 to index
      %get3A_589 = arith.constant 16 : index
      %get3A_590 = tpu.vector_load %arg6[%get3A_587, %get3A_588, %get3A_589] {strides = array<i32>} : memref<8x200x32xf32, #tpu.memory_space<vmem>>, vector<1x1x16xf32>,
      %get3A_591 = vector.shape_cast %get3A_590 : vector<1x1x16xf32> to vector<16xf32>
      %add3A_592 = arith.addf %scan3A_572, %get3A_591 : vector<16xf32>
      %add3A_593 = arith.constant 0 : i32
      %add3A_594 = arith.addi %mul3A_575, %add3A_593 : i32
      %add3A_595 = arith.constant 1 : i32
      %add3A_596 = arith.addi %add3A_594, %add3A_595 : i32
      %get3A_597 = arith.constant 7 : i32
      %get3A_598 = arith.index_cast %get3A_597 : i32 to index
      %get3A_599 = arith.index_cast %add3A_596 : i32 to index
      %get3A_600 = arith.constant 0 : index
      %get3A_601 = tpu.vector_load %arg6[%get3A_598, %get3A_599, %get3A_600] {strides = array<i32>} : memref<8x200x32xf32, #tpu.memory_space<vmem>>, vector<1x1x16xf32>,
      %get3A_602 = vector.shape_cast %get3A_601 : vector<1x1x16xf32> to vector<16xf32>
      %add3A_603 = arith.addf %scan3A_571, %get3A_602 : vector<16xf32>
      %add3A_604 = arith.constant 0 : i32
      %add3A_605 = arith.addi %mul3A_575, %add3A_604 : i32
      %add3A_606 = arith.constant 1 : i32
      %add3A_607 = arith.addi %add3A_605, %add3A_606 : i32
      %get3A_608 = arith.constant 7 : i32
      %get3A_609 = arith.index_cast %get3A_608 : i32 to index
      %get3A_610 = arith.index_cast %add3A_607 : i32 to index
      %get3A_611 = arith.constant 16 : index
      %get3A_612 = tpu.vector_load %arg6[%get3A_609, %get3A_610, %get3A_611] {strides = array<i32>} : memref<8x200x32xf32, #tpu.memory_space<vmem>>, vector<1x1x16xf32>,
      %get3A_613 = vector.shape_cast %get3A_612 : vector<1x1x16xf32> to vector<16xf32>
      %add3A_614 = arith.addf %scan3A_573, %get3A_613 : vector<16xf32>
      %add3A_615 = arith.constant 2 : i32
      %add3A_616 = arith.addi %mul3A_575, %add3A_615 : i32
      %get3A_617 = arith.constant 7 : i32
      %get3A_618 = arith.index_cast %get3A_617 : i32 to index
      %get3A_619 = arith.index_cast %add3A_616 : i32 to index
      %get3A_620 = arith.constant 0 : index
      %get3A_621 = tpu.vector_load %arg6[%get3A_618, %get3A_619, %get3A_620] {strides = array<i32>} : memref<8x200x32xf32, #tpu.memory_space<vmem>>, vector<1x1x16xf32>,
      %get3A_622 = vector.shape_cast %get3A_621 : vector<1x1x16xf32> to vector<16xf32>
      %add3A_623 = arith.addf %add3A_583, %get3A_622 : vector<16xf32>
      %add3A_624 = arith.constant 2 : i32
      %add3A_625 = arith.addi %mul3A_575, %add3A_624 : i32
      %get3A_626 = arith.constant 7 : i32
      %get3A_627 = arith.index_cast %get3A_626 : i32 to index
      %get3A_628 = arith.index_cast %add3A_625 : i32 to index
      %get3A_629 = arith.constant 16 : index
      %get3A_630 = tpu.vector_load %arg6[%get3A_627, %get3A_628, %get3A_629] {strides = array<i32>} : memref<8x200x32xf32, #tpu.memory_space<vmem>>, vector<1x1x16xf32>,
      %get3A_631 = vector.shape_cast %get3A_630 : vector<1x1x16xf32> to vector<16xf32>
      %add3A_632 = arith.addf %add3A_592, %get3A_631 : vector<16xf32>
      %add3A_633 = arith.constant 2 : i32
      %add3A_634 = arith.addi %mul3A_575, %add3A_633 : i32
      %add3A_635 = arith.constant 1 : i32
      %add3A_636 = arith.addi %add3A_634, %add3A_635 : i32
      %get3A_637 = arith.constant 7 : i32
      %get3A_638 = arith.index_cast %get3A_637 : i32 to index
      %get3A_639 = arith.index_cast %add3A_636 : i32 to index
      %get3A_640 = arith.constant 0 : index
      %get3A_641 = tpu.vector_load %arg6[%get3A_638, %get3A_639, %get3A_640] {strides = array<i32>} : memref<8x200x32xf32, #tpu.memory_space<vmem>>, vector<1x1x16xf32>,
      %get3A_642 = vector.shape_cast %get3A_641 : vector<1x1x16xf32> to vector<16xf32>
      %add3A_643 = arith.addf %add3A_603, %get3A_642 : vector<16xf32>
      %add3A_644 = arith.constant 2 : i32
      %add3A_645 = arith.addi %mul3A_575, %add3A_644 : i32
      %add3A_646 = arith.constant 1 : i32
      %add3A_647 = arith.addi %add3A_645, %add3A_646 : i32
      %get3A_648 = arith.constant 7 : i32
      %get3A_649 = arith.index_cast %get3A_648 : i32 to index
      %get3A_650 = arith.index_cast %add3A_647 : i32 to index
      %get3A_651 = arith.constant 16 : index
      %get3A_652 = tpu.vector_load %arg6[%get3A_649, %get3A_650, %get3A_651] {strides = array<i32>} : memref<8x200x32xf32, #tpu.memory_space<vmem>>, vector<1x1x16xf32>,
      %get3A_653 = vector.shape_cast %get3A_652 : vector<1x1x16xf32> to vector<16xf32>
      %add3A_654 = arith.addf %add3A_614, %get3A_653 : vector<16xf32>
      %add3A_655 = arith.constant 4 : i32
      %add3A_656 = arith.addi %mul3A_575, %add3A_655 : i32
      %get3A_657 = arith.constant 7 : i32
      %get3A_658 = arith.index_cast %get3A_657 : i32 to index
      %get3A_659 = arith.index_cast %add3A_656 : i32 to index
      %get3A_660 = arith.constant 0 : index
      %get3A_661 = tpu.vector_load %arg6[%get3A_658, %get3A_659, %get3A_660] {strides = array<i32>} : memref<8x200x32xf32, #tpu.memory_space<vmem>>, vector<1x1x16xf32>,
      %get3A_662 = vector.shape_cast %get3A_661 : vector<1x1x16xf32> to vector<16xf32>
      %add3A_663 = arith.addf %add3A_623, %get3A_662 : vector<16xf32>
      %add3A_664 = arith.constant 4 : i32
      %add3A_665 = arith.addi %mul3A_575, %add3A_664 : i32
      %get3A_666 = arith.constant 7 : i32
      %get3A_667 = arith.index_cast %get3A_666 : i32 to index
      %get3A_668 = arith.index_cast %add3A_665 : i32 to index
      %get3A_669 = arith.constant 16 : index
      %get3A_670 = tpu.vector_load %arg6[%get3A_667, %get3A_668, %get3A_669] {strides = array<i32>} : memref<8x200x32xf32, #tpu.memory_space<vmem>>, vector<1x1x16xf32>,
      %get3A_671 = vector.shape_cast %get3A_670 : vector<1x1x16xf32> to vector<16xf32>
      %add3A_672 = arith.addf %add3A_632, %get3A_671 : vector<16xf32>
      %add3A_673 = arith.constant 4 : i32
      %add3A_674 = arith.addi %mul3A_575, %add3A_673 : i32
      %add3A_675 = arith.constant 1 : i32
      %add3A_676 = arith.addi %add3A_674, %add3A_675 : i32
      %get3A_677 = arith.constant 7 : i32
      %get3A_678 = arith.index_cast %get3A_677 : i32 to index
      %get3A_679 = arith.index_cast %add3A_676 : i32 to index
      %get3A_680 = arith.constant 0 : index
      %get3A_681 = tpu.vector_load %arg6[%get3A_678, %get3A_679, %get3A_680] {strides = array<i32>} : memref<8x200x32xf32, #tpu.memory_space<vmem>>, vector<1x1x16xf32>,
      %get3A_682 = vector.shape_cast %get3A_681 : vector<1x1x16xf32> to vector<16xf32>
      %add3A_683 = arith.addf %add3A_643, %get3A_682 : vector<16xf32>
      %add3A_684 = arith.constant 4 : i32
      %add3A_685 = arith.addi %mul3A_575, %add3A_684 : i32
      %add3A_686 = arith.constant 1 : i32
      %add3A_687 = arith.addi %add3A_685, %add3A_686 : i32
      %get3A_688 = arith.constant 7 : i32
      %get3A_689 = arith.index_cast %get3A_688 : i32 to index
      %get3A_690 = arith.index_cast %add3A_687 : i32 to index
      %get3A_691 = arith.constant 16 : index
      %get3A_692 = tpu.vector_load %arg6[%get3A_689, %get3A_690, %get3A_691] {strides = array<i32>} : memref<8x200x32xf32, #tpu.memory_space<vmem>>, vector<1x1x16xf32>,
      %get3A_693 = vector.shape_cast %get3A_692 : vector<1x1x16xf32> to vector<16xf32>
      %add3A_694 = arith.addf %add3A_654, %get3A_693 : vector<16xf32>
      %add3A_695 = arith.constant 6 : i32
      %add3A_696 = arith.addi %mul3A_575, %add3A_695 : i32
      %get3A_697 = arith.constant 7 : i32
      %get3A_698 = arith.index_cast %get3A_697 : i32 to index
      %get3A_699 = arith.index_cast %add3A_696 : i32 to index
      %get3A_700 = arith.constant 0 : index
      %get3A_701 = tpu.vector_load %arg6[%get3A_698, %get3A_699, %get3A_700] {strides = array<i32>} : memref<8x200x32xf32, #tpu.memory_space<vmem>>, vector<1x1x16xf32>,
      %get3A_702 = vector.shape_cast %get3A_701 : vector<1x1x16xf32> to vector<16xf32>
      %add3A_703 = arith.addf %add3A_663, %get3A_702 : vector<16xf32>
      %add3A_704 = arith.constant 6 : i32
      %add3A_705 = arith.addi %mul3A_575, %add3A_704 : i32
      %get3A_706 = arith.constant 7 : i32
      %get3A_707 = arith.index_cast %get3A_706 : i32 to index
      %get3A_708 = arith.index_cast %add3A_705 : i32 to index
      %get3A_709 = arith.constant 16 : index
      %get3A_710 = tpu.vector_load %arg6[%get3A_707, %get3A_708, %get3A_709] {strides = array<i32>} : memref<8x200x32xf32, #tpu.memory_space<vmem>>, vector<1x1x16xf32>,
      %get3A_711 = vector.shape_cast %get3A_710 : vector<1x1x16xf32> to vector<16xf32>
      %add3A_712 = arith.addf %add3A_672, %get3A_711 : vector<16xf32>
      %add3A_713 = arith.constant 6 : i32
      %add3A_714 = arith.addi %mul3A_575, %add3A_713 : i32
      %add3A_715 = arith.constant 1 : i32
      %add3A_716 = arith.addi %add3A_714, %add3A_715 : i32
      %get3A_717 = arith.constant 7 : i32
      %get3A_718 = arith.index_cast %get3A_717 : i32 to index
      %get3A_719 = arith.index_cast %add3A_716 : i32 to index
      %get3A_720 = arith.constant 0 : index
      %get3A_721 = tpu.vector_load %arg6[%get3A_718, %get3A_719, %get3A_720] {strides = array<i32>} : memref<8x200x32xf32, #tpu.memory_space<vmem>>, vector<1x1x16xf32>,
      %get3A_722 = vector.shape_cast %get3A_721 : vector<1x1x16xf32> to vector<16xf32>
      %add3A_723 = arith.addf %add3A_683, %get3A_722 : vector<16xf32>
      %add3A_724 = arith.constant 6 : i32
      %add3A_725 = arith.addi %mul3A_575, %add3A_724 : i32
      %add3A_726 = arith.constant 1 : i32
      %add3A_727 = arith.addi %add3A_725, %add3A_726 : i32
      %get3A_728 = arith.constant 7 : i32
      %get3A_729 = arith.index_cast %get3A_728 : i32 to index
      %get3A_730 = arith.index_cast %add3A_727 : i32 to index
      %get3A_731 = arith.constant 16 : index
      %get3A_732 = tpu.vector_load %arg6[%get3A_729, %get3A_730, %get3A_731] {strides = array<i32>} : memref<8x200x32xf32, #tpu.memory_space<vmem>>, vector<1x1x16xf32>,
      %get3A_733 = vector.shape_cast %get3A_732 : vector<1x1x16xf32> to vector<16xf32>
      %add3A_734 = arith.addf %add3A_694, %get3A_733 : vector<16xf32>
      %add3A_735 = arith.constant 8 : i32
      %add3A_736 = arith.addi %mul3A_575, %add3A_735 : i32
      %get3A_737 = arith.constant 7 : i32
      %get3A_738 = arith.index_cast %get3A_737 : i32 to index
      %get3A_739 = arith.index_cast %add3A_736 : i32 to index
      %get3A_740 = arith.constant 0 : index
      %get3A_741 = tpu.vector_load %arg6[%get3A_738, %get3A_739, %get3A_740] {strides = array<i32>} : memref<8x200x32xf32, #tpu.memory_space<vmem>>, vector<1x1x16xf32>,
      %get3A_742 = vector.shape_cast %get3A_741 : vector<1x1x16xf32> to vector<16xf32>
      %add3A_743 = arith.addf %add3A_703, %get3A_742 : vector<16xf32>
      %add3A_744 = arith.constant 8 : i32
      %add3A_745 = arith.addi %mul3A_575, %add3A_744 : i32
      %get3A_746 = arith.constant 7 : i32
      %get3A_747 = arith.index_cast %get3A_746 : i32 to index
      %get3A_748 = arith.index_cast %add3A_745 : i32 to index
      %get3A_749 = arith.constant 16 : index
      %get3A_750 = tpu.vector_load %arg6[%get3A_747, %get3A_748, %get3A_749] {strides = array<i32>} : memref<8x200x32xf32, #tpu.memory_space<vmem>>, vector<1x1x16xf32>,
      %get3A_751 = vector.shape_cast %get3A_750 : vector<1x1x16xf32> to vector<16xf32>
      %add3A_752 = arith.addf %add3A_712, %get3A_751 : vector<16xf32>
      %add3A_753 = arith.constant 8 : i32
      %add3A_754 = arith.addi %mul3A_575, %add3A_753 : i32
      %add3A_755 = arith.constant 1 : i32
      %add3A_756 = arith.addi %add3A_754, %add3A_755 : i32
      %get3A_757 = arith.constant 7 : i32
      %get3A_758 = arith.index_cast %get3A_757 : i32 to index
      %get3A_759 = arith.index_cast %add3A_756 : i32 to index
      %get3A_760 = arith.constant 0 : index
      %get3A_761 = tpu.vector_load %arg6[%get3A_758, %get3A_759, %get3A_760] {strides = array<i32>} : memref<8x200x32xf32, #tpu.memory_space<vmem>>, vector<1x1x16xf32>,
      %get3A_762 = vector.shape_cast %get3A_761 : vector<1x1x16xf32> to vector<16xf32>
      %add3A_763 = arith.addf %add3A_723, %get3A_762 : vector<16xf32>
      %add3A_764 = arith.constant 8 : i32
      %add3A_765 = arith.addi %mul3A_575, %add3A_764 : i32
      %add3A_766 = arith.constant 1 : i32
      %add3A_767 = arith.addi %add3A_765, %add3A_766 : i32
      %get3A_768 = arith.constant 7 : i32
      %get3A_769 = arith.index_cast %get3A_768 : i32 to index
      %get3A_770 = arith.index_cast %add3A_767 : i32 to index
      %get3A_771 = arith.constant 16 : index
      %get3A_772 = tpu.vector_load %arg6[%get3A_769, %get3A_770, %get3A_771] {strides = array<i32>} : memref<8x200x32xf32, #tpu.memory_space<vmem>>, vector<1x1x16xf32>,
      %get3A_773 = vector.shape_cast %get3A_772 : vector<1x1x16xf32> to vector<16xf32>
      %add3A_774 = arith.addf %add3A_734, %get3A_773 : vector<16xf32>
      scf.yield %add3A_743, %add3A_763, %add3A_752, %add3A_774 : vector<16xf32>, vector<16xf32>, vector<16xf32>, vector<16xf32>
    }
    %scan3A_554 = arith.constant 20 : i32
    %add3A_555 = arith.addf %scan3A_553#0, %scan3A_553#1 : vector<16xf32>
    %swap3A_556 = arith.constant 127 : i32
    %swap3A_557 = arith.index_cast %swap3A_556 : i32 to index
    %swap3A_558 = arith.constant 0 : index
    %swap3A_559 = tpu.vector_load %arg7[%swap3A_557, %swap3A_558] {strides = array<i32>} : memref<128x32xf32, #tpu.memory_space<vmem>>, vector<1x16xf32>,
    %swap3A_560 = vector.shape_cast %swap3A_559 : vector<1x16xf32> to vector<16xf32>
    %swap3A_561 = vector.shape_cast %add3A_555 : vector<16xf32> to vector<1x16xf32>
    tpu.vector_store %arg7[%swap3A_557, %swap3A_558], %swap3A_561 {strides = array<i32>} : memref<128x32xf32, #tpu.memory_space<vmem>>, vector<1x16xf32>,
    %add3A_562 = arith.addf %scan3A_553#2, %scan3A_553#3 : vector<16xf32>
    %swap3A_563 = arith.constant 127 : i32
    %swap3A_564 = arith.index_cast %swap3A_563 : i32 to index
    %swap3A_565 = arith.constant 16 : index
    %swap3A_566 = tpu.vector_load %arg7[%swap3A_564, %swap3A_565] {strides = array<i32>} : memref<128x32xf32, #tpu.memory_space<vmem>>, vector<1x16xf32>,
    %swap3A_567 = vector.shape_cast %swap3A_566 : vector<1x16xf32> to vector<16xf32>
    %swap3A_568 = vector.shape_cast %add3A_562 : vector<16xf32> to vector<1x16xf32>
    tpu.vector_store %arg7[%swap3A_564, %swap3A_565], %swap3A_568 {strides = array<i32>} : memref<128x32xf32, #tpu.memory_space<vmem>>, vector<1x16xf32>,
    "tpu.region"() ({
      %run_scoped3A_569 = tpu.sem_alloc : memref<!tpu.dma_semaphore, #tpu.memory_space<semaphore_mem>>
      %dma_start3A_570 = arith.constant 0 : i32
      %dma_start3A_571 = tpu.memref_slice %arg4[%mul3A_2, %dma_start3A_570] : memref<4096x32xf32, #tpu.memory_space<hbm>> -> memref<128x32xf32, #tpu.memory_space<hbm>>
      %dma_start3A_572 = arith.constant 0 : i32
      %dma_start3A_573 = tpu.memref_slice %arg4[%mul3A_2, %dma_start3A_572] : memref<4096x32xf32, #tpu.memory_space<hbm>> -> memref<128x32xf32, #tpu.memory_space<hbm>>
      tpu.enqueue_dma source(%arg7 : memref<128x32xf32, #tpu.memory_space<vmem>>) target(%dma_start3A_573 : memref<128x32xf32, #tpu.memory_space<hbm>>) target_semaphore(%run_scoped3A_569 : memref<!tpu.dma_semaphore, #tpu.memory_space<semaphore_mem>>)
      %dma_wait3A_574 = arith.constant 0 : i32
      %dma_wait3A_575 = tpu.memref_slice %arg4[%mul3A_2, %dma_wait3A_574] : memref<4096x32xf32, #tpu.memory_space<hbm>> -> memref<128x32xf32, #tpu.memory_space<hbm>>
      %dma_wait3A_576 = arith.constant 0 : i32
      %dma_wait3A_577 = tpu.memref_slice %arg4[%mul3A_2, %dma_wait3A_576] : memref<4096x32xf32, #tpu.memory_space<hbm>> -> memref<128x32xf32, #tpu.memory_space<hbm>>
      tpu.wait_dma2 semaphore(%run_scoped3A_569 : memref<!tpu.dma_semaphore, #tpu.memory_space<semaphore_mem>>) src(%arg7 : memref<128x32xf32, #tpu.memory_space<vmem>>) dst(%dma_wait3A_577 : memref<128x32xf32, #tpu.memory_space<hbm>>)
      tpu.yield
    }) : () -> ()
    return
  }
}

module attributes {stable_mosaic.version = 14 : i64} {
  func.func @body(%arg0: memref<4096x32xf32, #tpu.memory_space<vmem>>, %arg1: memref<32x100xf32, #tpu.memory_space<vmem>>, %arg2: memref<100x1xf32, #tpu.memory_space<vmem>>, %arg3: memref<100x4096xf32, #tpu.memory_space<vmem>>) attributes {dimension_semantics = [], scalar_prefetch = 0 : i64, scratch_operands = 0 : i64, tpu.core_type = #tpu.core_type<tc>} {
    %get3A = arith.constant 0 : index
    %get3A_0 = arith.constant 0 : index
    %get3A_1 = vector.load %arg1[%get3A, %get3A_0] : memref<32x100xf32, #tpu.memory_space<vmem>>, vector<32x100xf32>
    %mul3A = arith.constant 5.000000e-03 : f32
    %mul3A_2 = vector.broadcast %mul3A : f32 to vector<32x100xf32>
    %mul3A_3 = arith.mulf %get3A_1, %mul3A_2 : vector<32x100xf32>
    %get3A_4 = arith.constant 0 : index
    %get3A_5 = arith.constant 0 : index
    %get3A_6 = vector.load %arg0[%get3A_4, %get3A_5] : memref<4096x32xf32, #tpu.memory_space<vmem>>, vector<4096x32xf32>
    %dot_general3A = arith.constant dense<0.000000e+00> : vector<100x4096xf32>
    %dot_general3A_7 = tpu.matmul %mul3A_3, %get3A_6, %dot_general3A {dimension_numbers = #tpu.dot_dimension_numbers<[0], [1], [1], [0], [0, 1, 1, 0], [], []>, precision = #tpu.contract_precision<fp32>, transpose_lhs_hint = false} : vector<32x100xf32>, vector<4096x32xf32>, vector<100x4096xf32> -> vector<100x4096xf32>
    %get3A_8 = arith.constant 0 : index
    %get3A_9 = arith.constant 0 : index
    %get3A_10 = vector.load %arg2[%get3A_8, %get3A_9] : memref<100x1xf32, #tpu.memory_space<vmem>>, vector<100x1xf32>
    %add3A = vector.broadcast %get3A_10 : vector<100x1xf32> to vector<100x4096xf32>
    %add3A_11 = arith.addf %dot_general3A_7, %add3A : vector<100x4096xf32>
    %swap3A = arith.constant 0 : index
    %swap3A_12 = arith.constant 0 : index
    %swap3A_13 = vector.load %arg3[%swap3A, %swap3A_12] : memref<100x4096xf32, #tpu.memory_space<vmem>>, vector<100x4096xf32>
    tpu.vector_store %arg3[%swap3A, %swap3A_12], %add3A_11 {strides = array<i32>} : memref<100x4096xf32, #tpu.memory_space<vmem>>, vector<100x4096xf32>,
    return
  }
}

module attributes {stable_mosaic.version = 14 : i64} {
  func.func @body(%arg0: i32, %arg1: memref<32x8192xf32, #tpu.memory_space<vmem>>, %arg2: memref<32x8192xf32, #tpu.memory_space<vmem>>, %arg3: memref<32x8192xf32, #tpu.memory_space<vmem>>, %arg4: memref<32x8192xf32, #tpu.memory_space<vmem>>, %arg5: memref<128x256xi32, #tpu.memory_space<vmem>>, %arg6: memref<8192x128xf32, #tpu.memory_space<vmem>>, %arg7: memref<256x128xi32, #tpu.memory_space<vmem>>) attributes {dimension_semantics = [#tpu.dimension_semantics<arbitrary>], iteration_bounds = array<i64: 32>, scalar_prefetch = 0 : i64, scratch_operands = 0 : i64, tpu.core_type = #tpu.core_type<tc>, window_params = [{transform_indices = @transform_0, window_bounds = array<i64: 32, 8192>}, {transform_indices = @transform_1, window_bounds = array<i64: 32, 8192>}, {transform_indices = @transform_2, window_bounds = array<i64: 32, 8192>}, {transform_indices = @transform_3, window_bounds = array<i64: 32, 8192>}, {transform_indices = @transform_4, window_bounds = array<i64: 128, 256>}, {transform_indices = @transform_5, window_bounds = array<i64: 8192, 128>}, {transform_indices = @transform_6, window_bounds = array<i64: 256, 128>}]} {
    %get3A = arith.constant 0 : index
    %get3A_0 = arith.constant 0 : index
    %get3A_1 = vector.load %arg1[%get3A, %get3A_0] : memref<32x8192xf32, #tpu.memory_space<vmem>>, vector<32x8192xf32>
    %get3A_2 = arith.constant 0 : index
    %get3A_3 = arith.constant 0 : index
    %get3A_4 = vector.load %arg2[%get3A_2, %get3A_3] : memref<32x8192xf32, #tpu.memory_space<vmem>>, vector<32x8192xf32>
    %get3A_5 = arith.constant 0 : index
    %get3A_6 = arith.constant 0 : index
    %get3A_7 = vector.load %arg3[%get3A_5, %get3A_6] : memref<32x8192xf32, #tpu.memory_space<vmem>>, vector<32x8192xf32>
    %get3A_8 = arith.constant 0 : index
    %get3A_9 = arith.constant 0 : index
    %get3A_10 = vector.load %arg4[%get3A_8, %get3A_9] : memref<32x8192xf32, #tpu.memory_space<vmem>>, vector<32x8192xf32>
    %concatenate3A = tpu.concatenate %get3A_1, %get3A_4, %get3A_7, %get3A_10 in 0 : vector<32x8192xf32>, vector<32x8192xf32>, vector<32x8192xf32>, vector<32x8192xf32> -> vector<128x8192xf32>
    %transpose3A = tpu.transpose %concatenate3A, [1, 0] : vector<128x8192xf32> -> vector<8192x128xf32>
    %swap3A = arith.constant 0 : index
    %swap3A_11 = arith.constant 0 : index
    %swap3A_12 = vector.load %arg6[%swap3A, %swap3A_11] : memref<8192x128xf32, #tpu.memory_space<vmem>>, vector<8192x128xf32>
    tpu.vector_store %arg6[%swap3A, %swap3A_11], %transpose3A {strides = array<i32>} : memref<8192x128xf32, #tpu.memory_space<vmem>>, vector<8192x128xf32>,
    %get3A_13 = arith.constant 0 : index
    %get3A_14 = arith.constant 0 : index
    %get3A_15 = vector.load %arg5[%get3A_13, %get3A_14] : memref<128x256xi32, #tpu.memory_space<vmem>>, vector<128x256xi32>
    %transpose3A_16 = tpu.transpose %get3A_15, [1, 0] : vector<128x256xi32> -> vector<256x128xi32>
    %and3A = arith.constant 262143 : i32
    %and3A_17 = vector.broadcast %and3A : i32 to vector<256x128xi32>
    %and3A_18 = arith.andi %transpose3A_16, %and3A_17 : vector<256x128xi32>
    %shift_left3A = arith.constant 2 : i32
    %shift_left3A_19 = vector.broadcast %shift_left3A : i32 to vector<256x128xi32>
    %shift_left3A_20 = arith.shli %and3A_18, %shift_left3A_19 : vector<256x128xi32>
    %shift_right_logical3A = arith.constant 18 : i32
    %shift_right_logical3A_21 = vector.broadcast %shift_right_logical3A : i32 to vector<256x128xi32>
    %shift_right_logical3A_22 = arith.shrui %transpose3A_16, %shift_right_logical3A_21 : vector<256x128xi32>
    %or3A = arith.ori %shift_left3A_20, %shift_right_logical3A_22 : vector<256x128xi32>
    %swap3A_23 = arith.constant 0 : index
    %swap3A_24 = arith.constant 0 : index
    %swap3A_25 = vector.load %arg7[%swap3A_23, %swap3A_24] : memref<256x128xi32, #tpu.memory_space<vmem>>, vector<256x128xi32>
    tpu.vector_store %arg7[%swap3A_23, %swap3A_24], %or3A {strides = array<i32>} : memref<256x128xi32, #tpu.memory_space<vmem>>, vector<256x128xi32>,
    return
  }
  func.func @transform_0(%arg0: i32) -> (i32, i32) {
    %add3A = arith.constant 0 : i32
    %add3A_0 = arith.addi %add3A, %arg0 : i32
    %min3A = arith.constant 122 : i32
    %min3A_1 = arith.minsi %add3A_0, %min3A : i32
    %c0_i32 = arith.constant 0 : i32
    %c0_i32_2 = arith.constant 0 : i32
    return %c0_i32, %min3A_1 : i32, i32
  }
  func.func @transform_1(%arg0: i32) -> (i32, i32) {
    %add3A = arith.constant 32 : i32
    %add3A_0 = arith.addi %add3A, %arg0 : i32
    %min3A = arith.constant 122 : i32
    %min3A_1 = arith.minsi %add3A_0, %min3A : i32
    %c0_i32 = arith.constant 0 : i32
    %c0_i32_2 = arith.constant 0 : i32
    return %c0_i32, %min3A_1 : i32, i32
  }
  func.func @transform_2(%arg0: i32) -> (i32, i32) {
    %add3A = arith.constant 64 : i32
    %add3A_0 = arith.addi %add3A, %arg0 : i32
    %min3A = arith.constant 122 : i32
    %min3A_1 = arith.minsi %add3A_0, %min3A : i32
    %c0_i32 = arith.constant 0 : i32
    %c0_i32_2 = arith.constant 0 : i32
    return %c0_i32, %min3A_1 : i32, i32
  }
  func.func @transform_3(%arg0: i32) -> (i32, i32) {
    %add3A = arith.constant 96 : i32
    %add3A_0 = arith.addi %add3A, %arg0 : i32
    %min3A = arith.constant 122 : i32
    %min3A_1 = arith.minsi %add3A_0, %min3A : i32
    %c0_i32 = arith.constant 0 : i32
    %c0_i32_2 = arith.constant 0 : i32
    return %c0_i32, %min3A_1 : i32, i32
  }
  func.func @transform_4(%arg0: i32) -> (i32, i32) {
    %jit3A = arith.constant 16 : i32
    %div3A = arith.divsi %arg0, %jit3A : i32
    %sign3A = arith.constant 0 : i32
    %sign3A_0 = arith.cmpi sgt, %arg0, %sign3A : i32
    %sign3A_1 = arith.extui %sign3A_0 : i1 to i32
    %sign3A_2 = arith.constant 0 : i32
    %sign3A_3 = arith.cmpi slt, %arg0, %sign3A_2 : i32
    %sign3A_4 = arith.extui %sign3A_3 : i1 to i32
    %sign3A_5 = arith.subi %sign3A_1, %sign3A_4 : i32
    %sign3A_6 = arith.constant 0 : i32
    %sign3A_7 = arith.cmpi sgt, %jit3A, %sign3A_6 : i32
    %sign3A_8 = arith.extui %sign3A_7 : i1 to i32
    %sign3A_9 = arith.constant 0 : i32
    %sign3A_10 = arith.cmpi slt, %jit3A, %sign3A_9 : i32
    %sign3A_11 = arith.extui %sign3A_10 : i1 to i32
    %sign3A_12 = arith.subi %sign3A_8, %sign3A_11 : i32
    %ne3A = arith.cmpi ne, %sign3A_5, %sign3A_12 : i32
    %rem3A = arith.remsi %arg0, %jit3A : i32
    %ne3A_13 = arith.constant 0 : i32
    %ne3A_14 = arith.cmpi ne, %rem3A, %ne3A_13 : i32
    %and3A = arith.andi %ne3A, %ne3A_14 : i1
    %sub3A = arith.constant 1 : i32
    %sub3A_15 = arith.subi %div3A, %sub3A : i32
    %select_n3A = arith.select %and3A, %sub3A_15, %div3A : i32
    %jit3A_16 = arith.constant 16 : i32
    %eq3A = arith.constant 0 : i32
    %eq3A_17 = arith.cmpi eq, %jit3A_16, %eq3A : i32
    %jit3A_18 = arith.constant 1 : i32
    %select_n3A_19 = arith.select %eq3A_17, %jit3A_18, %jit3A_16 : i32
    %rem3A_20 = arith.remsi %arg0, %select_n3A_19 : i32
    %ne3A_21 = arith.constant 0 : i32
    %ne3A_22 = arith.cmpi ne, %rem3A_20, %ne3A_21 : i32
    %lt3A = arith.constant 0 : i32
    %lt3A_23 = arith.cmpi slt, %rem3A_20, %lt3A : i32
    %lt3A_24 = arith.constant 0 : i32
    %lt3A_25 = arith.cmpi slt, %select_n3A_19, %lt3A_24 : i32
    %ne3A_26 = arith.xori %lt3A_23, %lt3A_25 : i1
    %and3A_27 = arith.andi %ne3A_26, %ne3A_22 : i1
    %add3A = arith.addi %rem3A_20, %select_n3A_19 : i32
    %select_n3A_28 = arith.select %and3A_27, %add3A, %rem3A_20 : i32
    %c0_i32 = arith.constant 0 : i32
    return %select_n3A, %select_n3A_28 : i32, i32
  }
  func.func @transform_5(%arg0: i32) -> (i32, i32) {
    %c0_i32 = arith.constant 0 : i32
    %c0_i32_0 = arith.constant 0 : i32
    return %arg0, %c0_i32 : i32, i32
  }
  func.func @transform_6(%arg0: i32) -> (i32, i32) {
    %c0_i32 = arith.constant 0 : i32
    %c0_i32_0 = arith.constant 0 : i32
    return %arg0, %c0_i32 : i32, i32
  }
}

</mosaic_0001>

<sc_bundles>
// kernel: kernel.5.cloned.1.call-start
scs
__scs_entry_jumppad:
0x0: {  	(pc) =	sbr.rel $0x88, $3  }
0x1: {  	(tag) =	ssettag $0x0;
	lr =	simm.s32 $0x1  }
0x2: {  	[smem:$0x3F9D] =	sst lr;
	_ =	strace $0xD0000000  }
0x3: {  	_ = 	snop  }
0x4: {  	_ = 	snop  }
0x5: {  	_ = 	snop  }
0x6: {  	_ = 	snop  }
0x7: {  	_ = 	snop  }
__scs_overlays_trampoline_lowered:
0x8: {  	[smem:$0x3FAC] =	sst s0  }
0x9: {  	[smem:$0x3FAD] =	sst s1  }
0xa: {  	[smem:$0x3FAE] =	sst s2  }
0xb: {  	[smem:$0x3FAF] =	sst s3  }
0xc: {  	[smem:$0x3FB0] =	sst s4  }
0xd: {  	[smem:$0x3FB1] =	sst s5  }
0xe: {  	[smem:$0x3FB2] =	sst s6  }
0xf: {  	[smem:$0x3FB3] =	sst s7  }
0x10: {  	[smem:$0x3FB4] =	sst s8  }
0x11: {  	[smem:$0x3FB5] =	sst s9;
	s0 =	simm.s32 @!p0 $0x0  }
0x12: {  	s1 =	sld [smem:$0x3F9B];
	s0 =	simm.s32 @p0 $0x1  }
0x13: {  	[smem:$0x3FB6] =	sst s0;
	s0 =	simm.s32 @!p1 $0x0  }
0x14: {  	s2 =	sld [smem:$0x3F9A];
	s0 =	simm.s32 @p1 $0x1  }
0x15: {  	[smem:$0x3FB7] =	sst s0;
	s0 =	simm.s32 @!p2 $0x0  }
0x16: {  	s3 =	sld [smem:$0x3FDB];
	s0 =	simm.s32 @p2 $0x1  }
0x17: {  	s4 =	simm.s32 $0x1BF5;
	[smem:$0x3FB9] =	sst s0  }
0x18: {  	s0 =	sld [smem:$0x3F9C];
	_ =	swait.ge [sflag:s4], $0x0  }
0x19: {  	s7 =	sld [smem:$0x3F9D]  }
0x1a: {  	s8 =	sadd.s32 $0xFFFFE003, lr  }
0x1b: {  	s9 =	sadd.s32 $0xFFFFFEF7, lr;
	s5 =	simm.s32 $0xFFFFFFFF;
	p2 =	slt.u32 s8, $0xFFFFF086  }
0x1c: {  	p1 =	slt.u32 s9, $0xF7A;
	s5 =	simm.s32 @!p2 $0x0  }
0x1d: {  	s5 =	simm.s32 @p1 $0x1;
	p0 =	seq.s32 s7, s2  }
0x1e: {  	s7 =	smul.u32 @!p0 $0xF7A, s2;
	p2 =	seq.s32 @!p0 s5, $0x0  }
0x1f: {  	s9 =	smul.u32 $0xF7A, s1;
	s8 =	simm.s32 @!p0 $0x1BF5;
	p2 =	por !p2, p0  }
0x20: {  	[sflag:s8] =	ssyncset.s32 @!p0 $0xFFFFF086;
	s6 =	sadd.s32 @!p0 s3, s7;
	s7 =	simm.s32 @!p0 $0x108  }
0x21: {  	s3 =	sadd.s32 s3, s9;
	s6 =	sadd.s32 @!p0 $0x88, s6;
	s7 =	simm.s32 @p2 $0x1082  }
0x22: {  	[simem:s7], [sflag:s8] =	dma.local @!p0 [hbm:s6], $0xF7A  }
0x23: {  	s9 =	sor.u32 $0xD0000000, s2;
	s6 =	simm.s32 $0x108;
	_ =	swait.ge @!p0 [sflag:s8], $0x0  }
0x24: {  	s3 =	sadd.s32 $0x88, s3;
	s6 =	simm.s32 @!p1 $0x1082;
	[sflag:s4] =	ssyncset.s32 $0xFFFFF086  }
0x25: {  	[simem:s6], [sflag:s4] =	dma.local [hbm:s3], $0xF7A  }
0x26: {  	[smem:$0x3F9D] =	sst s1;
	(tag) =	ssettag s2;
	_ =	strace s9  }
0x27: {  	s1 =	sld [smem:$0x3FAD]  }
0x28: {  	s2 =	sld [smem:$0x3FAE]  }
0x29: {  	s4 =	sld [smem:$0x3FB0]  }
0x2a: {  	p0 =	seq.s32 s5, $0x0;
	s5 =	sld [smem:$0x3FB1]  }
0x2b: {  	s6 =	sld [smem:$0x3FB2]  }
0x2c: {  	s7 =	sld [smem:$0x3FB3]  }
0x2d: {  	s3 =	simm.s32 $0x108;
	s8 =	sld [smem:$0x3FB4]  }
0x2e: {  	s3 =	simm.s32 @!p0 $0x1082;
	s9 =	sld [smem:$0x3FB5]  }
0x2f: {  	lr =	sadd.s32 s0, s3;
	s0 =	sld [smem:$0x3FAC]  }
0x30: {  	s3 =	sld [smem:$0x3FAF]  }
0x31: {  	[smem:$0x3FB8] =	sst s10  }
0x32: {  	s10 =	sld [smem:$0x3FB6];
	_ =	sdelay $0x3  }
0x33: {  	p0 =	seq.s32 s10, $0x1;
	s10 =	sld [smem:$0x3FB8];
	_ =	sdelay $0x3  }
0x34: {  	[smem:$0x3FB8] =	sst s10  }
0x35: {  	s10 =	sld [smem:$0x3FB7];
	_ =	sdelay $0x3  }
0x36: {  	p1 =	seq.s32 s10, $0x1;
	s10 =	sld [smem:$0x3FB8];
	_ =	sdelay $0x3  }
0x37: {  	[smem:$0x3FB8] =	sst s10  }
0x38: {  	s10 =	sld [smem:$0x3FB9]  }
0x39: {  	_ = 	snop;
	(pc) =	sbr.ind lr, $3  }
0x3a: {  	_ = 	snop  }
0x3b: {  	_ = 	snop  }
0x3c: {  	p2 =	seq.s32 s10, $0x1;
	s10 =	sld [smem:$0x3FB8]  }
0x3d: {  	_ =	shalt  }
0x3e: {  	_ =	shalt  }
0x3f: {  	_ =	shalt  }
0x40: {  	_ =	shalt  }
0x41: {  	_ =	shalt  }
0x42: {  	_ =	shalt  }
0x43: {  	_ =	shalt  }
0x44: {  	_ =	shalt  }
0x45: {  	_ =	shalt  }
0x46: {  	_ =	shalt  }
0x47: {  	_ =	shalt  }
0x48: {  	_ =	shalt  }
0x49: {  	_ =	shalt  }
0x4a: {  	_ =	shalt  }
0x4b: {  	_ =	shalt  }
0x4c: {  	_ =	shalt  }
0x4d: {  	_ =	shalt  }
0x4e: {  	_ =	shalt  }
0x4f: {  	_ =	shalt  }
0x50: {  	_ =	shalt  }
0x51: {  	_ =	shalt  }
0x52: {  	_ =	shalt  }
0x53: {  	_ =	shalt  }
0x54: {  	_ =	shalt  }
0x55: {  	_ =	shalt  }
0x56: {  	_ =	shalt  }
0x57: {  	_ =	shalt  }
0x58: {  	_ =	shalt  }
0x59: {  	_ =	shalt  }
0x5a: {  	_ =	shalt  }
0x5b: {  	_ =	shalt  }
0x5c: {  	_ =	shalt  }
0x5d: {  	_ =	shalt  }
0x5e: {  	_ =	shalt  }
0x5f: {  	_ =	shalt  }
0x60: {  	_ =	shalt  }
0x61: {  	_ =	shalt  }
0x62: {  	_ =	shalt  }
0x63: {  	_ =	shalt  }
0x64: {  	_ =	shalt  }
0x65: {  	_ =	shalt  }
0x66: {  	_ =	shalt  }
0x67: {  	_ =	shalt  }
0x68: {  	_ =	shalt  }
0x69: {  	_ =	shalt  }
0x6a: {  	_ =	shalt  }
0x6b: {  	_ =	shalt  }
0x6c: {  	_ =	shalt  }
0x6d: {  	_ =	shalt  }
0x6e: {  	_ =	shalt  }
0x6f: {  	_ =	shalt  }
0x70: {  	_ =	shalt  }
0x71: {  	_ =	shalt  }
0x72: {  	_ =	shalt  }
0x73: {  	_ =	shalt  }
0x74: {  	_ =	shalt  }
0x75: {  	_ =	shalt  }
0x76: {  	_ =	shalt  }
0x77: {  	_ =	shalt  }
0x78: {  	_ =	shalt  }
0x79: {  	_ =	shalt  }
0x7a: {  	_ =	shalt  }
0x7b: {  	_ =	shalt  }
0x7c: {  	_ =	shalt  }
0x7d: {  	_ =	shalt  }
0x7e: {  	_ =	shalt  }
0x7f: {  	_ =	shalt  }
0x80: {  	_ =	shalt  }
0x81: {  	_ =	shalt  }
0x82: {  	_ =	shalt  }
0x83: {  	_ =	shalt  }
0x84: {  	_ =	shalt  }
0x85: {  	_ =	shalt  }
0x86: {  	_ =	shalt  }
0x87: {  	_ =	shalt  }
.Lfunc_end0:
.L_simem_size_0:
called_computation_lowered:
.L_overlay_start_0:
0x88: {  	s2 =	sld [smem:$0x3FD9]  }
0x89: {  	s3 =	sld [smem:$0x3FFE];
	_ =	sdelay $0x1  }
0x8a: {  	s1 =	srdreg.scid  }
0x8b: {  	s0 =	sand.u32 $0x1, s1  }
0x8c: {  	s17 =	sshll.u32 s0, $0xA;
	s2 =	sadd.s32 s3, s2  }
0x8d: {  	s2 =	sadd.s32 s2, s17  }
0x8e: {  	[smem:$0x3FC4] =	sst s2  }
0x8f: {  	_ = 	snop  }
0x90: {  	s2 =	sld [smem:$0x3FD0];
	(tm) =	ssettm $0x1  }
0x91: {  	s18 =	sld [smem:$0x3FFB];
	_ =	sdelay $0x3  }
0x92: {  	_ =	strace s18  }
0x93: {  	s3 =	sld [smem:$0x3FFC];
	_ =	sdelay $0x3  }
0x94: {  	_ =	strace s3  }
0x95: {  	s3 =	sld [smem:$0x3FFD];
	_ =	sdelay $0x3  }
0x96: {  	_ =	strace s3  }
0x97: {  	_ =	strace $0x8FFFFFFF  }
0x98: {  	s19 =	sld [smem:$0x3FDB];
	_ =	sdelay $0x1  }
0x99: {  	s4 =	simm.s32 $_scs_section_size  }
0x9a: {  	s5 =	simm.s32 $_size__tile_overlayer_lowered;
	s6 =	simm.s32 $_tile_overlayer_lowered  }
0x9b: {  	s22 =	simm.s32 $0x1BFF;
	s21 =	sshll.u32 s6, $0x1;
	s3 =	sadd.s32 s4, s19  }
0x9c: {  	s7 =	simm.s32 $0x0;
	s20 =	sshll.u32 s5, $0x1;
	s5 =	sadd.s32 s21, s3  }
0x9d: {  	[timem:s7], [sflag:s22] =	dma.local [hbm:s5], s20  }
0x9e: {  	_ =	swait.ge [sflag:s22], s20  }
0x9f: {  	s4 =	ssub.s32 $0x0, s20;
	[sflag:s22] =	ssyncset.done $0x0  }
0xa0: {  	[sflag:s22] =	ssyncadd.s32 s4;
	_ =	sdelay $0x1  }
0xa1: {  	s23 =	simm.s32 $0x1B8B  }
0xa2: {  	_ =	swait.ge [sflag:s23], $0x1  }
0xa3: {  	[sflag:s23] =	ssyncset.done $0x0  }
0xa4: {  	s25 =	simm.s32 $0x1B8E;
	s24 =	sld [smem:$0x3FFE];
	[sflag:s23] =	ssyncadd.s32 $0xFFFFFFFF  }
0xa5: {  	s26 =	simm.s32 $execute0_lowered;
	[smem:$0x3FD2] =	sst s25  }
0xa6: {  	s5 =	sshll.u32 s26, $0x1;
	_ =	strace $0x80000046;
	[dreg:$0x1] =	wrdreg $0xFFFFFFFF  }
0xa7: {  	s28 =	simm.s32 $_size_execute0_lowered;
	s3 =	sadd.s32 s3, s5;
	[dreg:$0x0] =	wrdreg $0x0  }
0xa8: {  	s5 =	sshll.u32 s28, $0x1;
	[dreg:$0x2] =	wrdreg s3  }
0xa9: {  	[dreg:$0x3] =	wrdreg s5  }
0xaa: {  	[dreg:$0x4] =	wrdreg $0xC0  }
0xab: {  	_ =	task [dreg:s7], $0x5FFFF  }
0xac: {  	[dreg:$0x1] =	wrdreg $0xFFFFFFFF  }
0xad: {  	[dreg:$0x0] =	wrdreg $0x60  }
0xae: {  	[dreg:$0x2] =	wrdreg s24  }
0xaf: {  	[dreg:$0x3] =	wrdreg s2  }
0xb0: {  	[dreg:$0x4] =	wrdreg $0x9  }
0xb1: {  	_ =	task.clear_ibuf [dreg:s7], $0x5FFFF;
	_ =	strace $0x90000046  }
0xb2: {  	s29 =	simm.s32 $0x9;
	_ =	strace $0x80000048  }
0xb3: {  	_ =	swait.ge [sflag:s29], $0x1  }
0xb4: {  	[sflag:s29] =	ssyncadd.s32 $0xFFFFFFFF  }
0xb5: {  	_ =	strace $0x90000048  }
0xb6: {  	_ =	sfence  }
0xb7: {  	s30 =	sld [smem:$0x0];
	_ =	sdelay $0x2  }
0xb8: {  	s31 =	sshll.u32 s1, $0xD;
	s1 =	sshrl.u32 s1, $0x2  }
0xb9: {  	s3 =	sand.u32 $0x4000, s31;
	s1 =	sadd.s32 s1, s30  }
0xba: {  	s0 =	sor.u32 s3, s0;
	s1 =	sshll.u32 s1, $0x11  }
0xbb: {  	s0 =	sor.u32 s1, s0  }
0xbc: {  	s0 =	sadd.s32 $0x8F2B, s0  }
0xbd: {  	[sflag:s0] =	ssyncadd.remote.s32 $0x1  }
0xbe: {  	_ =	sfence.sel $0xFFFF  }
0xbf: {  	[dreg:$0x0] =	wrdreg $0xFFFFFFFF;
	(pc) =	sbr.abs _section_cstart, $3  }
0xc0: {  	[dreg:$0x1] =	wrdreg $0xFFFFFFFF  }
0xc1: {  	_ =	task.clear_ibuf [dreg:s7], $0x2FFFF;
	_ =	strace $0x9FFFFFFF  }
0xc2: {  	(tm) =	ssettm $0x7FFFFFFF  }
0xc3: {  	_ =	shalt  }
tec
execute0_lowered:
.L_overlay_start_1:
0x0: {  	(tag) =	ssettag $0x1  }
0x1: {  	s0 =	rddreg [dreg:$0x0]  }
0x2: {  	s1 =	rddreg [dreg:$0x1]  }
0x3: {  	s2 =	srdreg.scid;
	s3 =	stileid.u32;
	s7 =	simm.s32 $0x0  }
0x4: {  	s10 =	simm.s32 $0x80;
	s12 =	simm.s32 $0x48;
	s13 =	simm.s32 $0x9000  }
0x5: {  	s14 =	simm.s32 $0x9900;
	s16 =	simm.s32 $0xA900;
	s18 =	simm.s32 $0xB200  }
0x6: {  	s20 =	simm.s32 $0xC200;
	s22 =	simm.s32 $0xCB00;
	s29 =	simm.s32 $0xF400  }
0x7: {  	s31 =	simm.s32 $0xFD00;
	s17 =	simm.s32 $0x11600;
	s21 =	simm.s32 $0x12600  }
0x8: {  	s30 =	simm.s32 $0x13F00;
	s15 =	simm.s32 $0x2;
	s19 =	simm.s32 $0x3  }
0x9: {  	s28 =	simm.s32 $0x5;
	s9 =	simm.s32 $0x6;
	s2 =	sand.u32 $0x1, s2  }
0xa: {  	s8 =	simm.s32 $0x0;
	s3 =	sshll.u32 s3, $0x8;
	s4 =	sshll.u32 s2, $0x7  }
0xb: {  	[smem:$0x7FF] =	sst s7;
	s2 =	ssub.s32 $0x2, s2;
	s4 =	sor.u32 s4, s3  }
0xc: {  	_ =	strace $0x80000047;
	s5 =	sshrl.u32 s2, $0x1;
	s3 =	sshll.u32 s4, $0x4  }
0xd: {  	s23 =	ssub.s32 s2, s5;
	s26 =	sshll.u32 s4, $0x2;
	s4 =	simm.s32 $0x7  }
0xe: {  	s5 =	simm.s32 $0x8;
	s6 =	sadd.s32 s3, s0;
	s3 =	sadd.s32 $0xE00, s0  }
0xf: {  	s1 =	sadd.s32 s1, s26;
	s0 =	smax.u32 s23, $0x1;
	s26 =	simm.s32 $0xE400  }
0x10: {  	s23 =	simm.s32 $0x4;
	s24 =	sadd.s32 $0x400E00, s6;
	[dreg:$0x5] =	wrdreg s1  }
0x11: {  	s25 =	sadd.s32 $0x410E00, s6;
	[dreg:$0x6] =	wrdreg s0;
	s6 =	simm.s32 $0x9  }
0x12: {  	s1 =	simm.s32 $0x10D00;
	s0 =	simm.s32 $0x1;
	[dreg:$0x3] =	wrdreg s24  }
0x13: {  	[dreg:$0x4] =	wrdreg s25;
	s24 =	simm.s32 $0xDB00;
	s25 =	simm.s32 $0x12F00  }
.LBB2_1:
0x14: {  	[dreg:$0x7] =	wrdreg s8  }
0x15: {  	s2 =	rddreg [dreg:$0x3]  }
0x16: {  	[tilespmem:s7], [sflag:$0x9] =	stream.linear.gather [hbm4b:s2+s7], $0x4000, $0x38;
	[tilespmem:$0x15800] =	vst v63  }
0x17: {  	_ =	swait.ge [sflag:s6], $0x4000  }
0x18: {  	[sflag:s6] =	ssyncset.done $0x0  }
0x19: {  	s11 =	simm.s32 $0x4000;
	s8 =	rddreg [dreg:$0x4];
	[sflag:s6] =	ssyncadd.s32 $0xFFFFC000  }
0x1a: {  	[tilespmem:s11], [sflag:$0x9] =	stream.linear.gather [hbm4b:s8+s7], $0x4000, $0x38;
	[tilespmem:$0x15800] =	vst v63  }
0x1b: {  	_ =	swait.ge [sflag:s6], $0x4000  }
0x1c: {  	[sflag:s6] =	ssyncset.done $0x0  }
0x1d: {  	[sflag:s6] =	ssyncadd.s32 $0xFFFFC000;
	s6 =	simm.s32 $0x8000  }
0x1e: {  	[tilespmem:s6], [sflag:$0x1] =	stream.indirect.gather [hbm4b:s3+s10], $0x20, s7, s10, $0xb8;
	[tilespmem:$0x15800] =	vst v63  }
0x1f: {  	_ = 	snop  }
0x20: {  	[tilespmem:s13], [sflag:$0x1] =	stream.indirect.gather [hbm4b:s3+s12], $0x20, s11, s12, $0xb8;
	[tilespmem:$0x15800] =	vst v63  }
0x21: {  	_ = 	snop  }
0x22: {  	[tilespmem:s14], [sflag:$0x2] =	stream.indirect.gather [hbm4b:s3+s10], $0x20, s10, s10, $0xb8;
	[tilespmem:$0x15800] =	vst v63  }
0x23: {  	s11 =	simm.s32 $0x4080  }
0x24: {  	[tilespmem:s16], [sflag:$0x2] =	stream.indirect.gather [hbm4b:s3+s12], $0x20, s11, s12, $0xb8;
	[tilespmem:$0x15800] =	vst v63  }
0x25: {  	s6 =	simm.s32 $0x100  }
0x26: {  	[tilespmem:s18], [sflag:$0x3] =	stream.indirect.gather [hbm4b:s3+s10], $0x20, s6, s10, $0xb8;
	[tilespmem:$0x15800] =	vst v63  }
0x27: {  	s7 =	simm.s32 $0x4100  }
0x28: {  	[tilespmem:s20], [sflag:$0x3] =	stream.indirect.gather [hbm4b:s3+s12], $0x20, s7, s12, $0xb8;
	[tilespmem:$0x15800] =	vst v63  }
0x29: {  	s8 =	simm.s32 $0x180  }
0x2a: {  	[tilespmem:s22], [sflag:$0x4] =	stream.indirect.gather [hbm4b:s3+s10], $0x20, s8, s10, $0xb8;
	[tilespmem:$0x15800] =	vst v63  }
0x2b: {  	s11 =	simm.s32 $0x4180  }
0x2c: {  	[tilespmem:s24], [sflag:$0x4] =	stream.indirect.gather [hbm4b:s3+s12], $0x20, s11, s12, $0xb8;
	[tilespmem:$0x15800] =	vst v63  }
0x2d: {  	s6 =	simm.s32 $0x200  }
0x2e: {  	[tilespmem:s26], [sflag:$0x5] =	stream.indirect.gather [hbm4b:s3+s10], $0x20, s6, s10, $0xb8;
	[tilespmem:$0x15800] =	vst v63  }
0x2f: {  	s7 =	simm.s32 $0x4200  }
0x30: {  	[tilespmem:s29], [sflag:$0x5] =	stream.indirect.gather [hbm4b:s3+s12], $0x20, s7, s12, $0xb8;
	[tilespmem:$0x15800] =	vst v63  }
0x31: {  	s8 =	simm.s32 $0x280  }
0x32: {  	[tilespmem:s31], [sflag:$0x6] =	stream.indirect.gather [hbm4b:s3+s10], $0x20, s8, s10, $0xb8;
	[tilespmem:$0x15800] =	vst v63  }
0x33: {  	s11 =	simm.s32 $0x4280  }
0x34: {  	[tilespmem:s1], [sflag:$0x6] =	stream.indirect.gather [hbm4b:s3+s12], $0x20, s11, s12, $0xb8;
	[tilespmem:$0x15800] =	vst v63  }
0x35: {  	s6 =	simm.s32 $0x300  }
0x36: {  	[tilespmem:s17], [sflag:$0x7] =	stream.indirect.gather [hbm4b:s3+s10], $0x20, s6, s10, $0xb8;
	[tilespmem:$0x15800] =	vst v63  }
0x37: {  	s7 =	simm.s32 $0x4300  }
0x38: {  	[tilespmem:s21], [sflag:$0x7] =	stream.indirect.gather [hbm4b:s3+s12], $0x20, s7, s12, $0xb8;
	[tilespmem:$0x15800] =	vst v63  }
0x39: {  	s8 =	simm.s32 $0x380  }
0x3a: {  	[tilespmem:s25], [sflag:$0x8] =	stream.indirect.gather [hbm4b:s3+s10], $0x20, s8, s10, $0xb8;
	[tilespmem:$0x15800] =	vst v63  }
0x3b: {  	s11 =	simm.s32 $0x4380;
	s7 =	simm.s32 $0x0  }
0x3c: {  	[tilespmem:s30], [sflag:$0x8] =	stream.indirect.gather [hbm4b:s3+s12], $0x20, s11, s12, $0xb8;
	[tilespmem:$0x15800] =	vst v63  }
.LBB2_2:
0x3d: {  	_ =	swait.ge [sflag:s0], $0x1900  }
0x3e: {  	[sflag:s0] =	ssyncset.done $0x0  }
0x3f: {  	s2 =	simm.s32 $0x0;
	[sflag:s0] =	ssyncadd.s32 $0xFFFFE700  }
0x40: {  	v0 =	vld [tilespmem:s2+$0x8100]  }
0x41: {  	v1 =	vld [tilespmem:s2+$0x8110]  }
0x42: {  	v2 =	vld [tilespmem:s2+$0x80C0]  }
0x43: {  	v3 =	vld [tilespmem:s2+$0x80D0]  }
0x44: {  	v4 =	vld [tilespmem:s2+$0x8080]  }
0x45: {  	v5 =	vld [tilespmem:s2+$0x8090]  }
0x46: {  	v6 =	vld [tilespmem:s2+$0x8040]  }
0x47: {  	v7 =	vld [tilespmem:s2+$0x8050]  }
0x48: {  	v12 =	vld [tilespmem:s2+$0x8000]  }
0x49: {  	v8 =	vimm.f32 $0.0e+00;
	v13 =	vld [tilespmem:s2+$0x8010]  }
0x4a: {  	s6 =	simm.s32 $0x500;
	v9 =	vimm.f32 $0.0e+00;
	v11 =	vimm.f32 $0.0e+00;
	v10 =	vimm.f32 $0.0e+00;
	v14 =	vld [tilespmem:s2+$0x8020]  }
.LBB2_3:
0x4b: {  	p0 =	sne.s32 s6, $0x5F00;
	v15 =	vld [tilespmem:s2+$0x8030]  }
0x4c: {  	v16 =	vld [tilespmem:s2+$0x8060]  }
0x4d: {  	v17 =	vld [tilespmem:s2+$0x8070]  }
0x4e: {  	v18 =	vld [tilespmem:s2+$0x80A0]  }
0x4f: {  	v8 =	vadd.f32 v12, v8;
	v9 =	vadd.f32 v13, v9;
	v12 =	vld [tilespmem:s2+$0x80B0]  }
0x50: {  	v11 =	vadd.f32 v14, v11;
	v10 =	vadd.f32 v15, v10;
	v13 =	vld [tilespmem:s2+$0x80E0]  }
0x51: {  	v6 =	vadd.f32 v6, v8;
	v7 =	vadd.f32 v7, v9;
	v8 =	vld [tilespmem:s2+$0x80F0]  }
0x52: {  	v9 =	vadd.f32 v16, v11;
	v10 =	vadd.f32 v17, v10;
	v11 =	vld [tilespmem:s2+$0x8120]  }
0x53: {  	v4 =	vadd.f32 v4, v6;
	v5 =	vadd.f32 v5, v7;
	v6 =	vld [tilespmem:s2+$0x8130];
	s2 =	sshra.s32 s6, $0x2  }
0x54: {  	v9 =	vadd.f32 v18, v9;
	v7 =	vld [tilespmem:s2+$0x8100];
	v10 =	vadd.f32 v12, v10  }
0x55: {  	v4 =	vadd.f32 v2, v4;
	v5 =	vadd.f32 v3, v5;
	v12 =	vld [tilespmem:s2+$0x8110]  }
0x56: {  	v13 =	vadd.f32 v13, v9;
	v2 =	vld [tilespmem:s2+$0x80C0];
	v10 =	vadd.f32 v8, v10  }
0x57: {  	v8 =	vadd.f32 v0, v4;
	v9 =	vadd.f32 v1, v5;
	v3 =	vld [tilespmem:s2+$0x80D0]  }
0x58: {  	v11 =	vadd.f32 v11, v13;
	v4 =	vld [tilespmem:s2+$0x8080];
	v10 =	vadd.f32 v6, v10  }
0x59: {  	v5 =	vld [tilespmem:s2+$0x8090];
	v0 =	vmov v7  }
.Ltmp0:
0x5a: {  	v6 =	vld [tilespmem:s2+$0x8040];
	v1 =	vmov v12;
	(pc) =	sbr.rel @p0 .LBB2_3-.Ltmp0, $4  }
0x5b: {  	v7 =	vld [tilespmem:s2+$0x8050]  }
0x5c: {  	v12 =	vld [tilespmem:s2+$0x8000]  }
0x5d: {  	v13 =	vld [tilespmem:s2+$0x8010]  }
0x5e: {  	s6 =	sadd.s32 $0x500, s6;
	v14 =	vld [tilespmem:s2+$0x8020]  }
0x5f: {  	v15 =	vld [tilespmem:s2+$0x8030]  }
0x60: {  	v16 =	vld [tilespmem:s2+$0x8060]  }
0x61: {  	v17 =	vld [tilespmem:s2+$0x8070]  }
0x62: {  	v18 =	vld [tilespmem:s2+$0x80A0]  }
0x63: {  	v8 =	vadd.f32 v12, v8;
	v12 =	vld [tilespmem:s2+$0x80B0];
	v11 =	vadd.f32 v14, v11  }
0x64: {  	v9 =	vadd.f32 v13, v9;
	v13 =	vld [tilespmem:s2+$0x80E0];
	v10 =	vadd.f32 v15, v10  }
0x65: {  	v6 =	vadd.f32 v6, v8;
	v8 =	vld [tilespmem:s2+$0x80F0];
	v11 =	vadd.f32 v16, v11  }
0x66: {  	v7 =	vadd.f32 v7, v9;
	v9 =	vadd.f32 v17, v10;
	v10 =	vld [tilespmem:s2+$0x8120]  }
0x67: {  	v4 =	vadd.f32 v4, v6;
	v6 =	vld [tilespmem:s2+$0x8130];
	v11 =	vadd.f32 v18, v11  }
0x68: {  	v5 =	vadd.f32 v5, v7;
	v7 =	vadd.f32 v12, v9  }
0x69: {  	v2 =	vadd.f32 v2, v4;
	v4 =	vadd.f32 v13, v11  }
0x6a: {  	v3 =	vadd.f32 v3, v5;
	v5 =	vadd.f32 v8, v7  }
0x6b: {  	v0 =	vadd.f32 v0, v2;
	v2 =	vadd.f32 v10, v4  }
0x6c: {  	v1 =	vadd.f32 v1, v3;
	v3 =	vadd.f32 v6, v5  }
0x6d: {  	s6 =	sshll.u32 s7, $0xA;
	v0 =	vadd.f32 v2, v0  }
0x6e: {  	s2 =	sshra.s32 s6, $0x2;
	v1 =	vadd.f32 v3, v1  }
0x6f: {  	s8 =	sand.u32 $0x3FFFFC00, s6;
	[tilespmem:s2+$0x14800] =	vst v0  }
0x70: {  	s11 =	simm.s32 $0x8000;
	s6 =	sadd.s32 $0x400, s8;
	[tilespmem:s2+$0x14810] =	vst v1  }
0x71: {  	[tilespmem:s11], [sflag:$0x1] =	stream.indirect.gather [hbm4b:s3+s10], $0x20, s6, s10, $0xb8;
	[tilespmem:$0x15800] =	vst v63  }
0x72: {  	s11 =	sadd.s32 $0x4400, s8  }
0x73: {  	[tilespmem:s13], [sflag:$0x1] =	stream.indirect.gather [hbm4b:s3+s12], $0x20, s11, s12, $0xb8;
	[tilespmem:$0x15800] =	vst v63  }
0x74: {  	_ =	swait.ge [sflag:s15], $0x1900  }
0x75: {  	[sflag:s15] =	ssyncset.done $0x0  }
0x76: {  	s6 =	simm.s32 $0x0;
	[sflag:s15] =	ssyncadd.s32 $0xFFFFE700  }
0x77: {  	v0 =	vld [tilespmem:s6+$0x9A00]  }
0x78: {  	v1 =	vld [tilespmem:s6+$0x9A10]  }
0x79: {  	v2 =	vld [tilespmem:s6+$0x99C0]  }
0x7a: {  	v3 =	vld [tilespmem:s6+$0x99D0]  }
0x7b: {  	v4 =	vld [tilespmem:s6+$0x9980]  }
0x7c: {  	v5 =	vld [tilespmem:s6+$0x9990]  }
0x7d: {  	v6 =	vld [tilespmem:s6+$0x9940]  }
0x7e: {  	v7 =	vld [tilespmem:s6+$0x9950]  }
0x7f: {  	v12 =	vld [tilespmem:s6+$0x9900]  }
0x80: {  	v9 =	vimm.f32 $0.0e+00;
	v13 =	vld [tilespmem:s6+$0x9910]  }
0x81: {  	v11 =	vimm.f32 $0.0e+00;
	v8 =	vimm.f32 $0.0e+00;
	v10 =	vimm.f32 $0.0e+00;
	s11 =	simm.s32 $0x500;
	v14 =	vld [tilespmem:s6+$0x9920]  }
.LBB2_5:
0x82: {  	p0 =	sne.s32 s11, $0x5F00;
	v15 =	vld [tilespmem:s6+$0x9930]  }
0x83: {  	v16 =	vld [tilespmem:s6+$0x9960]  }
0x84: {  	v17 =	vld [tilespmem:s6+$0x9970]  }
0x85: {  	v18 =	vld [tilespmem:s6+$0x99A0]  }
0x86: {  	v8 =	vadd.f32 v12, v8;
	v9 =	vadd.f32 v13, v9;
	v12 =	vld [tilespmem:s6+$0x99B0]  }
0x87: {  	v11 =	vadd.f32 v14, v11;
	v10 =	vadd.f32 v15, v10;
	v13 =	vld [tilespmem:s6+$0x99E0]  }
0x88: {  	v6 =	vadd.f32 v6, v8;
	v7 =	vadd.f32 v7, v9;
	v8 =	vld [tilespmem:s6+$0x99F0]  }
0x89: {  	v9 =	vadd.f32 v16, v11;
	v10 =	vadd.f32 v17, v10;
	v11 =	vld [tilespmem:s6+$0x9A20]  }
0x8a: {  	v4 =	vadd.f32 v4, v6;
	v5 =	vadd.f32 v5, v7;
	v6 =	vld [tilespmem:s6+$0x9A30];
	s6 =	sshra.s32 s11, $0x2  }
0x8b: {  	v9 =	vadd.f32 v18, v9;
	v7 =	vld [tilespmem:s6+$0x9A00];
	v10 =	vadd.f32 v12, v10  }
0x8c: {  	v4 =	vadd.f32 v2, v4;
	v5 =	vadd.f32 v3, v5;
	v12 =	vld [tilespmem:s6+$0x9A10]  }
0x8d: {  	v13 =	vadd.f32 v13, v9;
	v2 =	vld [tilespmem:s6+$0x99C0];
	v10 =	vadd.f32 v8, v10  }
0x8e: {  	v8 =	vadd.f32 v0, v4;
	v9 =	vadd.f32 v1, v5;
	v3 =	vld [tilespmem:s6+$0x99D0]  }
0x8f: {  	v11 =	vadd.f32 v11, v13;
	v4 =	vld [tilespmem:s6+$0x9980];
	v10 =	vadd.f32 v6, v10  }
0x90: {  	v5 =	vld [tilespmem:s6+$0x9990];
	v0 =	vmov v7  }
.Ltmp1:
0x91: {  	v6 =	vld [tilespmem:s6+$0x9940];
	v1 =	vmov v12;
	(pc) =	sbr.rel @p0 .LBB2_5-.Ltmp1, $4  }
0x92: {  	v7 =	vld [tilespmem:s6+$0x9950]  }
0x93: {  	v12 =	vld [tilespmem:s6+$0x9900]  }
0x94: {  	v13 =	vld [tilespmem:s6+$0x9910]  }
0x95: {  	s11 =	sadd.s32 $0x500, s11;
	v14 =	vld [tilespmem:s6+$0x9920]  }
0x96: {  	v15 =	vld [tilespmem:s6+$0x9930]  }
0x97: {  	v16 =	vld [tilespmem:s6+$0x9960]  }
0x98: {  	v17 =	vld [tilespmem:s6+$0x9970]  }
0x99: {  	v18 =	vld [tilespmem:s6+$0x99A0]  }
0x9a: {  	v8 =	vadd.f32 v12, v8;
	v12 =	vld [tilespmem:s6+$0x99B0];
	v11 =	vadd.f32 v14, v11  }
0x9b: {  	v9 =	vadd.f32 v13, v9;
	v13 =	vld [tilespmem:s6+$0x99E0];
	v10 =	vadd.f32 v15, v10  }
0x9c: {  	v6 =	vadd.f32 v6, v8;
	v8 =	vld [tilespmem:s6+$0x99F0];
	v11 =	vadd.f32 v16, v11  }
0x9d: {  	v7 =	vadd.f32 v7, v9;
	v9 =	vadd.f32 v17, v10;
	v10 =	vld [tilespmem:s6+$0x9A20]  }
0x9e: {  	v4 =	vadd.f32 v4, v6;
	v6 =	vld [tilespmem:s6+$0x9A30];
	v11 =	vadd.f32 v18, v11  }
0x9f: {  	v5 =	vadd.f32 v5, v7;
	v7 =	vadd.f32 v12, v9  }
0xa0: {  	v2 =	vadd.f32 v2, v4;
	v4 =	vadd.f32 v13, v11  }
0xa1: {  	v3 =	vadd.f32 v3, v5;
	v5 =	vadd.f32 v8, v7  }
0xa2: {  	v0 =	vadd.f32 v0, v2;
	v2 =	vadd.f32 v10, v4  }
0xa3: {  	v1 =	vadd.f32 v1, v3;
	v3 =	vadd.f32 v6, v5  }
0xa4: {  	v0 =	vadd.f32 v2, v0  }
0xa5: {  	v1 =	vadd.f32 v3, v1  }
0xa6: {  	[tilespmem:s2+$0x14820] =	vst v0  }
0xa7: {  	s11 =	sadd.s32 $0x480, s8;
	[tilespmem:s2+$0x14830] =	vst v1  }
0xa8: {  	[tilespmem:s14], [sflag:$0x2] =	stream.indirect.gather [hbm4b:s3+s10], $0x20, s11, s10, $0xb8;
	[tilespmem:$0x15800] =	vst v63  }
0xa9: {  	s11 =	sadd.s32 $0x4480, s8  }
0xaa: {  	[tilespmem:s16], [sflag:$0x2] =	stream.indirect.gather [hbm4b:s3+s12], $0x20, s11, s12, $0xb8;
	[tilespmem:$0x15800] =	vst v63  }
0xab: {  	_ =	swait.ge [sflag:s19], $0x1900  }
0xac: {  	[sflag:s19] =	ssyncset.done $0x0  }
0xad: {  	s6 =	simm.s32 $0x0;
	[sflag:s19] =	ssyncadd.s32 $0xFFFFE700  }
0xae: {  	v0 =	vld [tilespmem:s6+$0xB300]  }
0xaf: {  	v1 =	vld [tilespmem:s6+$0xB310]  }
0xb0: {  	v2 =	vld [tilespmem:s6+$0xB2C0]  }
0xb1: {  	v3 =	vld [tilespmem:s6+$0xB2D0]  }
0xb2: {  	v4 =	vld [tilespmem:s6+$0xB280]  }
0xb3: {  	v5 =	vld [tilespmem:s6+$0xB290]  }
0xb4: {  	v6 =	vld [tilespmem:s6+$0xB240]  }
0xb5: {  	v7 =	vld [tilespmem:s6+$0xB250]  }
0xb6: {  	v12 =	vld [tilespmem:s6+$0xB200]  }
0xb7: {  	v9 =	vimm.f32 $0.0e+00;
	v13 =	vld [tilespmem:s6+$0xB210]  }
0xb8: {  	v11 =	vimm.f32 $0.0e+00;
	v8 =	vimm.f32 $0.0e+00;
	v10 =	vimm.f32 $0.0e+00;
	s11 =	simm.s32 $0x500;
	v14 =	vld [tilespmem:s6+$0xB220]  }
.LBB2_7:
0xb9: {  	p0 =	sne.s32 s11, $0x5F00;
	v15 =	vld [tilespmem:s6+$0xB230]  }
0xba: {  	v16 =	vld [tilespmem:s6+$0xB260]  }
0xbb: {  	v17 =	vld [tilespmem:s6+$0xB270]  }
0xbc: {  	v18 =	vld [tilespmem:s6+$0xB2A0]  }
0xbd: {  	v8 =	vadd.f32 v12, v8;
	v9 =	vadd.f32 v13, v9;
	v12 =	vld [tilespmem:s6+$0xB2B0]  }
0xbe: {  	v11 =	vadd.f32 v14, v11;
	v10 =	vadd.f32 v15, v10;
	v13 =	vld [tilespmem:s6+$0xB2E0]  }
0xbf: {  	v6 =	vadd.f32 v6, v8;
	v7 =	vadd.f32 v7, v9;
	v8 =	vld [tilespmem:s6+$0xB2F0]  }
0xc0: {  	v9 =	vadd.f32 v16, v11;
	v10 =	vadd.f32 v17, v10;
	v11 =	vld [tilespmem:s6+$0xB320]  }
0xc1: {  	v4 =	vadd.f32 v4, v6;
	v5 =	vadd.f32 v5, v7;
	v6 =	vld [tilespmem:s6+$0xB330];
	s6 =	sshra.s32 s11, $0x2  }
0xc2: {  	v9 =	vadd.f32 v18, v9;
	v7 =	vld [tilespmem:s6+$0xB300];
	v10 =	vadd.f32 v12, v10  }
0xc3: {  	v4 =	vadd.f32 v2, v4;
	v5 =	vadd.f32 v3, v5;
	v12 =	vld [tilespmem:s6+$0xB310]  }
0xc4: {  	v13 =	vadd.f32 v13, v9;
	v2 =	vld [tilespmem:s6+$0xB2C0];
	v10 =	vadd.f32 v8, v10  }
0xc5: {  	v8 =	vadd.f32 v0, v4;
	v9 =	vadd.f32 v1, v5;
	v3 =	vld [tilespmem:s6+$0xB2D0]  }
0xc6: {  	v11 =	vadd.f32 v11, v13;
	v4 =	vld [tilespmem:s6+$0xB280];
	v10 =	vadd.f32 v6, v10  }
0xc7: {  	v5 =	vld [tilespmem:s6+$0xB290];
	v0 =	vmov v7  }
.Ltmp2:
0xc8: {  	v6 =	vld [tilespmem:s6+$0xB240];
	v1 =	vmov v12;
	(pc) =	sbr.rel @p0 .LBB2_7-.Ltmp2, $4  }
0xc9: {  	v7 =	vld [tilespmem:s6+$0xB250]  }
0xca: {  	v12 =	vld [tilespmem:s6+$0xB200]  }
0xcb: {  	v13 =	vld [tilespmem:s6+$0xB210]  }
0xcc: {  	s11 =	sadd.s32 $0x500, s11;
	v14 =	vld [tilespmem:s6+$0xB220]  }
0xcd: {  	v15 =	vld [tilespmem:s6+$0xB230]  }
0xce: {  	v16 =	vld [tilespmem:s6+$0xB260]  }
0xcf: {  	v17 =	vld [tilespmem:s6+$0xB270]  }
0xd0: {  	v18 =	vld [tilespmem:s6+$0xB2A0]  }
0xd1: {  	v8 =	vadd.f32 v12, v8;
	v12 =	vld [tilespmem:s6+$0xB2B0];
	v11 =	vadd.f32 v14, v11  }
0xd2: {  	v9 =	vadd.f32 v13, v9;
	v13 =	vld [tilespmem:s6+$0xB2E0];
	v10 =	vadd.f32 v15, v10  }
0xd3: {  	v6 =	vadd.f32 v6, v8;
	v8 =	vld [tilespmem:s6+$0xB2F0];
	v11 =	vadd.f32 v16, v11  }
0xd4: {  	v7 =	vadd.f32 v7, v9;
	v9 =	vadd.f32 v17, v10;
	v10 =	vld [tilespmem:s6+$0xB320]  }
0xd5: {  	v4 =	vadd.f32 v4, v6;
	v6 =	vld [tilespmem:s6+$0xB330];
	v11 =	vadd.f32 v18, v11  }
0xd6: {  	v5 =	vadd.f32 v5, v7;
	v7 =	vadd.f32 v12, v9  }
0xd7: {  	v2 =	vadd.f32 v2, v4;
	v4 =	vadd.f32 v13, v11  }
0xd8: {  	v3 =	vadd.f32 v3, v5;
	v5 =	vadd.f32 v8, v7  }
0xd9: {  	v0 =	vadd.f32 v0, v2;
	v2 =	vadd.f32 v10, v4  }
0xda: {  	v1 =	vadd.f32 v1, v3;
	v3 =	vadd.f32 v6, v5  }
0xdb: {  	v0 =	vadd.f32 v2, v0  }
0xdc: {  	v1 =	vadd.f32 v3, v1  }
0xdd: {  	[tilespmem:s2+$0x14840] =	vst v0  }
0xde: {  	s11 =	sadd.s32 $0x500, s8;
	[tilespmem:s2+$0x14850] =	vst v1  }
0xdf: {  	[tilespmem:s18], [sflag:$0x3] =	stream.indirect.gather [hbm4b:s3+s10], $0x20, s11, s10, $0xb8;
	[tilespmem:$0x15800] =	vst v63  }
0xe0: {  	s11 =	sadd.s32 $0x4500, s8  }
0xe1: {  	[tilespmem:s20], [sflag:$0x3] =	stream.indirect.gather [hbm4b:s3+s12], $0x20, s11, s12, $0xb8;
	[tilespmem:$0x15800] =	vst v63  }
0xe2: {  	_ =	swait.ge [sflag:s23], $0x1900  }
0xe3: {  	[sflag:s23] =	ssyncset.done $0x0  }
0xe4: {  	s6 =	simm.s32 $0x0;
	[sflag:s23] =	ssyncadd.s32 $0xFFFFE700  }
0xe5: {  	v0 =	vld [tilespmem:s6+$0xCC00]  }
0xe6: {  	v1 =	vld [tilespmem:s6+$0xCC10]  }
0xe7: {  	v2 =	vld [tilespmem:s6+$0xCBC0]  }
0xe8: {  	v3 =	vld [tilespmem:s6+$0xCBD0]  }
0xe9: {  	v4 =	vld [tilespmem:s6+$0xCB80]  }
0xea: {  	v5 =	vld [tilespmem:s6+$0xCB90]  }
0xeb: {  	v6 =	vld [tilespmem:s6+$0xCB40]  }
0xec: {  	v7 =	vld [tilespmem:s6+$0xCB50]  }
0xed: {  	v12 =	vld [tilespmem:s6+$0xCB00]  }
0xee: {  	v9 =	vimm.f32 $0.0e+00;
	v13 =	vld [tilespmem:s6+$0xCB10]  }
0xef: {  	v11 =	vimm.f32 $0.0e+00;
	v8 =	vimm.f32 $0.0e+00;
	v10 =	vimm.f32 $0.0e+00;
	s11 =	simm.s32 $0x500;
	v14 =	vld [tilespmem:s6+$0xCB20]  }
.LBB2_9:
0xf0: {  	p0 =	sne.s32 s11, $0x5F00;
	v15 =	vld [tilespmem:s6+$0xCB30]  }
0xf1: {  	v16 =	vld [tilespmem:s6+$0xCB60]  }
0xf2: {  	v17 =	vld [tilespmem:s6+$0xCB70]  }
0xf3: {  	v18 =	vld [tilespmem:s6+$0xCBA0]  }
0xf4: {  	v8 =	vadd.f32 v12, v8;
	v9 =	vadd.f32 v13, v9;
	v12 =	vld [tilespmem:s6+$0xCBB0]  }
0xf5: {  	v11 =	vadd.f32 v14, v11;
	v10 =	vadd.f32 v15, v10;
	v13 =	vld [tilespmem:s6+$0xCBE0]  }
0xf6: {  	v6 =	vadd.f32 v6, v8;
	v7 =	vadd.f32 v7, v9;
	v8 =	vld [tilespmem:s6+$0xCBF0]  }
0xf7: {  	v9 =	vadd.f32 v16, v11;
	v10 =	vadd.f32 v17, v10;
	v11 =	vld [tilespmem:s6+$0xCC20]  }
0xf8: {  	v4 =	vadd.f32 v4, v6;
	v5 =	vadd.f32 v5, v7;
	v6 =	vld [tilespmem:s6+$0xCC30];
	s6 =	sshra.s32 s11, $0x2  }
0xf9: {  	v9 =	vadd.f32 v18, v9;
	v7 =	vld [tilespmem:s6+$0xCC00];
	v10 =	vadd.f32 v12, v10  }
0xfa: {  	v4 =	vadd.f32 v2, v4;
	v5 =	vadd.f32 v3, v5;
	v12 =	vld [tilespmem:s6+$0xCC10]  }
0xfb: {  	v13 =	vadd.f32 v13, v9;
	v2 =	vld [tilespmem:s6+$0xCBC0];
	v10 =	vadd.f32 v8, v10  }
0xfc: {  	v8 =	vadd.f32 v0, v4;
	v9 =	vadd.f32 v1, v5;
	v3 =	vld [tilespmem:s6+$0xCBD0]  }
0xfd: {  	v11 =	vadd.f32 v11, v13;
	v4 =	vld [tilespmem:s6+$0xCB80];
	v10 =	vadd.f32 v6, v10  }
0xfe: {  	v5 =	vld [tilespmem:s6+$0xCB90];
	v0 =	vmov v7  }
.Ltmp3:
0xff: {  	v6 =	vld [tilespmem:s6+$0xCB40];
	v1 =	vmov v12;
	(pc) =	sbr.rel @p0 .LBB2_9-.Ltmp3, $4  }
0x100: {  	v7 =	vld [tilespmem:s6+$0xCB50]  }
0x101: {  	v12 =	vld [tilespmem:s6+$0xCB00]  }
0x102: {  	v13 =	vld [tilespmem:s6+$0xCB10]  }
0x103: {  	s11 =	sadd.s32 $0x500, s11;
	v14 =	vld [tilespmem:s6+$0xCB20]  }
0x104: {  	v15 =	vld [tilespmem:s6+$0xCB30]  }
0x105: {  	v16 =	vld [tilespmem:s6+$0xCB60]  }
0x106: {  	v17 =	vld [tilespmem:s6+$0xCB70]  }
0x107: {  	v18 =	vld [tilespmem:s6+$0xCBA0]  }
0x108: {  	v8 =	vadd.f32 v12, v8;
	v12 =	vld [tilespmem:s6+$0xCBB0];
	v11 =	vadd.f32 v14, v11  }
0x109: {  	v9 =	vadd.f32 v13, v9;
	v13 =	vld [tilespmem:s6+$0xCBE0];
	v10 =	vadd.f32 v15, v10  }
0x10a: {  	v6 =	vadd.f32 v6, v8;
	v8 =	vld [tilespmem:s6+$0xCBF0];
	v11 =	vadd.f32 v16, v11  }
0x10b: {  	v7 =	vadd.f32 v7, v9;
	v9 =	vadd.f32 v17, v10;
	v10 =	vld [tilespmem:s6+$0xCC20]  }
0x10c: {  	v4 =	vadd.f32 v4, v6;
	v6 =	vld [tilespmem:s6+$0xCC30];
	v11 =	vadd.f32 v18, v11  }
0x10d: {  	v5 =	vadd.f32 v5, v7;
	v7 =	vadd.f32 v12, v9  }
0x10e: {  	v2 =	vadd.f32 v2, v4;
	v4 =	vadd.f32 v13, v11  }
0x10f: {  	v3 =	vadd.f32 v3, v5;
	v5 =	vadd.f32 v8, v7  }
0x110: {  	v0 =	vadd.f32 v0, v2;
	v2 =	vadd.f32 v10, v4  }
0x111: {  	v1 =	vadd.f32 v1, v3;
	v3 =	vadd.f32 v6, v5  }
0x112: {  	v0 =	vadd.f32 v2, v0  }
0x113: {  	v1 =	vadd.f32 v3, v1  }
0x114: {  	[tilespmem:s2+$0x14860] =	vst v0  }
0x115: {  	s11 =	sadd.s32 $0x580, s8;
	[tilespmem:s2+$0x14870] =	vst v1  }
0x116: {  	[tilespmem:s22], [sflag:$0x4] =	stream.indirect.gather [hbm4b:s3+s10], $0x20, s11, s10, $0xb8;
	[tilespmem:$0x15800] =	vst v63  }
0x117: {  	s11 =	sadd.s32 $0x4580, s8  }
0x118: {  	[tilespmem:s24], [sflag:$0x4] =	stream.indirect.gather [hbm4b:s3+s12], $0x20, s11, s12, $0xb8;
	[tilespmem:$0x15800] =	vst v63  }
0x119: {  	_ =	swait.ge [sflag:s28], $0x1900  }
0x11a: {  	[sflag:s28] =	ssyncset.done $0x0  }
0x11b: {  	s6 =	simm.s32 $0x0;
	[sflag:s28] =	ssyncadd.s32 $0xFFFFE700  }
0x11c: {  	v0 =	vld [tilespmem:s6+$0xE500]  }
0x11d: {  	v1 =	vld [tilespmem:s6+$0xE510]  }
0x11e: {  	v2 =	vld [tilespmem:s6+$0xE4C0]  }
0x11f: {  	v3 =	vld [tilespmem:s6+$0xE4D0]  }
0x120: {  	v4 =	vld [tilespmem:s6+$0xE480]  }
0x121: {  	v5 =	vld [tilespmem:s6+$0xE490]  }
0x122: {  	v6 =	vld [tilespmem:s6+$0xE440]  }
0x123: {  	v7 =	vld [tilespmem:s6+$0xE450]  }
0x124: {  	v12 =	vld [tilespmem:s6+$0xE400]  }
0x125: {  	v9 =	vimm.f32 $0.0e+00;
	v13 =	vld [tilespmem:s6+$0xE410]  }
0x126: {  	v11 =	vimm.f32 $0.0e+00;
	v8 =	vimm.f32 $0.0e+00;
	v10 =	vimm.f32 $0.0e+00;
	s11 =	simm.s32 $0x500;
	v14 =	vld [tilespmem:s6+$0xE420]  }
.LBB2_11:
0x127: {  	p0 =	sne.s32 s11, $0x5F00;
	v15 =	vld [tilespmem:s6+$0xE430]  }
0x128: {  	v16 =	vld [tilespmem:s6+$0xE460]  }
0x129: {  	v17 =	vld [tilespmem:s6+$0xE470]  }
0x12a: {  	v18 =	vld [tilespmem:s6+$0xE4A0]  }
0x12b: {  	v8 =	vadd.f32 v12, v8;
	v9 =	vadd.f32 v13, v9;
	v12 =	vld [tilespmem:s6+$0xE4B0]  }
0x12c: {  	v11 =	vadd.f32 v14, v11;
	v10 =	vadd.f32 v15, v10;
	v13 =	vld [tilespmem:s6+$0xE4E0]  }
0x12d: {  	v6 =	vadd.f32 v6, v8;
	v7 =	vadd.f32 v7, v9;
	v8 =	vld [tilespmem:s6+$0xE4F0]  }
0x12e: {  	v9 =	vadd.f32 v16, v11;
	v10 =	vadd.f32 v17, v10;
	v11 =	vld [tilespmem:s6+$0xE520]  }
0x12f: {  	v4 =	vadd.f32 v4, v6;
	v5 =	vadd.f32 v5, v7;
	v6 =	vld [tilespmem:s6+$0xE530];
	s6 =	sshra.s32 s11, $0x2  }
0x130: {  	v9 =	vadd.f32 v18, v9;
	v7 =	vld [tilespmem:s6+$0xE500];
	v10 =	vadd.f32 v12, v10  }
0x131: {  	v4 =	vadd.f32 v2, v4;
	v5 =	vadd.f32 v3, v5;
	v12 =	vld [tilespmem:s6+$0xE510]  }
0x132: {  	v13 =	vadd.f32 v13, v9;
	v2 =	vld [tilespmem:s6+$0xE4C0];
	v10 =	vadd.f32 v8, v10  }
0x133: {  	v8 =	vadd.f32 v0, v4;
	v9 =	vadd.f32 v1, v5;
	v3 =	vld [tilespmem:s6+$0xE4D0]  }
0x134: {  	v11 =	vadd.f32 v11, v13;
	v4 =	vld [tilespmem:s6+$0xE480];
	v10 =	vadd.f32 v6, v10  }
0x135: {  	v5 =	vld [tilespmem:s6+$0xE490];
	v0 =	vmov v7  }
.Ltmp4:
0x136: {  	v6 =	vld [tilespmem:s6+$0xE440];
	v1 =	vmov v12;
	(pc) =	sbr.rel @p0 .LBB2_11-.Ltmp4, $4  }
0x137: {  	v7 =	vld [tilespmem:s6+$0xE450]  }
0x138: {  	v12 =	vld [tilespmem:s6+$0xE400]  }
0x139: {  	v13 =	vld [tilespmem:s6+$0xE410]  }
0x13a: {  	s11 =	sadd.s32 $0x500, s11;
	v14 =	vld [tilespmem:s6+$0xE420]  }
0x13b: {  	v15 =	vld [tilespmem:s6+$0xE430]  }
0x13c: {  	v16 =	vld [tilespmem:s6+$0xE460]  }
0x13d: {  	v17 =	vld [tilespmem:s6+$0xE470]  }
0x13e: {  	v18 =	vld [tilespmem:s6+$0xE4A0]  }
0x13f: {  	v8 =	vadd.f32 v12, v8;
	v12 =	vld [tilespmem:s6+$0xE4B0];
	v11 =	vadd.f32 v14, v11  }
0x140: {  	v9 =	vadd.f32 v13, v9;
	v13 =	vld [tilespmem:s6+$0xE4E0];
	v10 =	vadd.f32 v15, v10  }
0x141: {  	v6 =	vadd.f32 v6, v8;
	v8 =	vld [tilespmem:s6+$0xE4F0];
	v11 =	vadd.f32 v16, v11  }
0x142: {  	v7 =	vadd.f32 v7, v9;
	v9 =	vadd.f32 v17, v10;
	v10 =	vld [tilespmem:s6+$0xE520]  }
0x143: {  	v4 =	vadd.f32 v4, v6;
	v6 =	vld [tilespmem:s6+$0xE530];
	v11 =	vadd.f32 v18, v11  }
0x144: {  	v5 =	vadd.f32 v5, v7;
	v7 =	vadd.f32 v12, v9  }
0x145: {  	v2 =	vadd.f32 v2, v4;
	v4 =	vadd.f32 v13, v11  }
0x146: {  	v3 =	vadd.f32 v3, v5;
	v5 =	vadd.f32 v8, v7  }
0x147: {  	v0 =	vadd.f32 v0, v2;
	v2 =	vadd.f32 v10, v4  }
0x148: {  	v1 =	vadd.f32 v1, v3;
	v3 =	vadd.f32 v6, v5  }
0x149: {  	v0 =	vadd.f32 v2, v0  }
0x14a: {  	v1 =	vadd.f32 v3, v1  }
0x14b: {  	[tilespmem:s2+$0x14880] =	vst v0  }
0x14c: {  	s11 =	sadd.s32 $0x600, s8;
	[tilespmem:s2+$0x14890] =	vst v1  }
0x14d: {  	[tilespmem:s26], [sflag:$0x5] =	stream.indirect.gather [hbm4b:s3+s10], $0x20, s11, s10, $0xb8;
	[tilespmem:$0x15800] =	vst v63  }
0x14e: {  	s11 =	sadd.s32 $0x4600, s8  }
0x14f: {  	[tilespmem:s29], [sflag:$0x5] =	stream.indirect.gather [hbm4b:s3+s12], $0x20, s11, s12, $0xb8;
	[tilespmem:$0x15800] =	vst v63  }
0x150: {  	_ =	swait.ge [sflag:s9], $0x1900  }
0x151: {  	[sflag:s9] =	ssyncset.done $0x0  }
0x152: {  	s6 =	simm.s32 $0x0;
	[sflag:s9] =	ssyncadd.s32 $0xFFFFE700  }
0x153: {  	v0 =	vld [tilespmem:s6+$0xFE00]  }
0x154: {  	v1 =	vld [tilespmem:s6+$0xFE10]  }
0x155: {  	v2 =	vld [tilespmem:s6+$0xFDC0]  }
0x156: {  	v3 =	vld [tilespmem:s6+$0xFDD0]  }
0x157: {  	v4 =	vld [tilespmem:s6+$0xFD80]  }
0x158: {  	v5 =	vld [tilespmem:s6+$0xFD90]  }
0x159: {  	v6 =	vld [tilespmem:s6+$0xFD40]  }
0x15a: {  	v7 =	vld [tilespmem:s6+$0xFD50]  }
0x15b: {  	v12 =	vld [tilespmem:s6+$0xFD00]  }
0x15c: {  	v9 =	vimm.f32 $0.0e+00;
	v13 =	vld [tilespmem:s6+$0xFD10]  }
0x15d: {  	v11 =	vimm.f32 $0.0e+00;
	v8 =	vimm.f32 $0.0e+00;
	v10 =	vimm.f32 $0.0e+00;
	s11 =	simm.s32 $0x500;
	v14 =	vld [tilespmem:s6+$0xFD20]  }
.LBB2_13:
0x15e: {  	p0 =	sne.s32 s11, $0x5F00;
	v15 =	vld [tilespmem:s6+$0xFD30]  }
0x15f: {  	v16 =	vld [tilespmem:s6+$0xFD60]  }
0x160: {  	v17 =	vld [tilespmem:s6+$0xFD70]  }
0x161: {  	v18 =	vld [tilespmem:s6+$0xFDA0]  }
0x162: {  	v8 =	vadd.f32 v12, v8;
	v9 =	vadd.f32 v13, v9;
	v12 =	vld [tilespmem:s6+$0xFDB0]  }
0x163: {  	v11 =	vadd.f32 v14, v11;
	v10 =	vadd.f32 v15, v10;
	v13 =	vld [tilespmem:s6+$0xFDE0]  }
0x164: {  	v6 =	vadd.f32 v6, v8;
	v7 =	vadd.f32 v7, v9;
	v8 =	vld [tilespmem:s6+$0xFDF0]  }
0x165: {  	v9 =	vadd.f32 v16, v11;
	v10 =	vadd.f32 v17, v10;
	v11 =	vld [tilespmem:s6+$0xFE20]  }
0x166: {  	v4 =	vadd.f32 v4, v6;
	v5 =	vadd.f32 v5, v7;
	v6 =	vld [tilespmem:s6+$0xFE30];
	s6 =	sshra.s32 s11, $0x2  }
0x167: {  	v9 =	vadd.f32 v18, v9;
	v7 =	vld [tilespmem:s6+$0xFE00];
	v10 =	vadd.f32 v12, v10  }
0x168: {  	v4 =	vadd.f32 v2, v4;
	v5 =	vadd.f32 v3, v5;
	v12 =	vld [tilespmem:s6+$0xFE10]  }
0x169: {  	v13 =	vadd.f32 v13, v9;
	v2 =	vld [tilespmem:s6+$0xFDC0];
	v10 =	vadd.f32 v8, v10  }
0x16a: {  	v8 =	vadd.f32 v0, v4;
	v9 =	vadd.f32 v1, v5;
	v3 =	vld [tilespmem:s6+$0xFDD0]  }
0x16b: {  	v11 =	vadd.f32 v11, v13;
	v4 =	vld [tilespmem:s6+$0xFD80];
	v10 =	vadd.f32 v6, v10  }
0x16c: {  	v5 =	vld [tilespmem:s6+$0xFD90];
	v0 =	vmov v7  }
.Ltmp5:
0x16d: {  	v6 =	vld [tilespmem:s6+$0xFD40];
	v1 =	vmov v12;
	(pc) =	sbr.rel @p0 .LBB2_13-.Ltmp5, $4  }
0x16e: {  	v7 =	vld [tilespmem:s6+$0xFD50]  }
0x16f: {  	v12 =	vld [tilespmem:s6+$0xFD00]  }
0x170: {  	v13 =	vld [tilespmem:s6+$0xFD10]  }
0x171: {  	s11 =	sadd.s32 $0x500, s11;
	v14 =	vld [tilespmem:s6+$0xFD20]  }
0x172: {  	v15 =	vld [tilespmem:s6+$0xFD30]  }
0x173: {  	v16 =	vld [tilespmem:s6+$0xFD60]  }
0x174: {  	v17 =	vld [tilespmem:s6+$0xFD70]  }
0x175: {  	v18 =	vld [tilespmem:s6+$0xFDA0]  }
0x176: {  	v8 =	vadd.f32 v12, v8;
	v12 =	vld [tilespmem:s6+$0xFDB0];
	v11 =	vadd.f32 v14, v11  }
0x177: {  	v9 =	vadd.f32 v13, v9;
	v13 =	vld [tilespmem:s6+$0xFDE0];
	v10 =	vadd.f32 v15, v10  }
0x178: {  	v6 =	vadd.f32 v6, v8;
	v8 =	vld [tilespmem:s6+$0xFDF0];
	v11 =	vadd.f32 v16, v11  }
0x179: {  	v7 =	vadd.f32 v7, v9;
	v9 =	vadd.f32 v17, v10;
	v10 =	vld [tilespmem:s6+$0xFE20]  }
0x17a: {  	v4 =	vadd.f32 v4, v6;
	v6 =	vld [tilespmem:s6+$0xFE30];
	v11 =	vadd.f32 v18, v11  }
0x17b: {  	v5 =	vadd.f32 v5, v7;
	v7 =	vadd.f32 v12, v9  }
0x17c: {  	v2 =	vadd.f32 v2, v4;
	v4 =	vadd.f32 v13, v11  }
0x17d: {  	v3 =	vadd.f32 v3, v5;
	v5 =	vadd.f32 v8, v7  }
0x17e: {  	v0 =	vadd.f32 v0, v2;
	v2 =	vadd.f32 v10, v4  }
0x17f: {  	v1 =	vadd.f32 v1, v3;
	v3 =	vadd.f32 v6, v5  }
0x180: {  	v0 =	vadd.f32 v2, v0  }
0x181: {  	v1 =	vadd.f32 v3, v1  }
0x182: {  	[tilespmem:s2+$0x148A0] =	vst v0  }
0x183: {  	s11 =	sadd.s32 $0x680, s8;
	[tilespmem:s2+$0x148B0] =	vst v1  }
0x184: {  	[tilespmem:s31], [sflag:$0x6] =	stream.indirect.gather [hbm4b:s3+s10], $0x20, s11, s10, $0xb8;
	[tilespmem:$0x15800] =	vst v63  }
0x185: {  	s11 =	sadd.s32 $0x4680, s8  }
0x186: {  	[tilespmem:s1], [sflag:$0x6] =	stream.indirect.gather [hbm4b:s3+s12], $0x20, s11, s12, $0xb8;
	[tilespmem:$0x15800] =	vst v63  }
0x187: {  	_ =	swait.ge [sflag:s4], $0x1900  }
0x188: {  	[sflag:s4] =	ssyncset.done $0x0  }
0x189: {  	s6 =	simm.s32 $0x0;
	[sflag:s4] =	ssyncadd.s32 $0xFFFFE700  }
0x18a: {  	v0 =	vld [tilespmem:s6+$0x11700]  }
0x18b: {  	v1 =	vld [tilespmem:s6+$0x11710]  }
0x18c: {  	v2 =	vld [tilespmem:s6+$0x116C0]  }
0x18d: {  	v3 =	vld [tilespmem:s6+$0x116D0]  }
0x18e: {  	v4 =	vld [tilespmem:s6+$0x11680]  }
0x18f: {  	v5 =	vld [tilespmem:s6+$0x11690]  }
0x190: {  	v6 =	vld [tilespmem:s6+$0x11640]  }
0x191: {  	v7 =	vld [tilespmem:s6+$0x11650]  }
0x192: {  	v12 =	vld [tilespmem:s6+$0x11600]  }
0x193: {  	v9 =	vimm.f32 $0.0e+00;
	v13 =	vld [tilespmem:s6+$0x11610]  }
0x194: {  	v11 =	vimm.f32 $0.0e+00;
	v8 =	vimm.f32 $0.0e+00;
	v10 =	vimm.f32 $0.0e+00;
	s11 =	simm.s32 $0x500;
	v14 =	vld [tilespmem:s6+$0x11620]  }
.LBB2_15:
0x195: {  	p0 =	sne.s32 s11, $0x5F00;
	v15 =	vld [tilespmem:s6+$0x11630]  }
0x196: {  	v16 =	vld [tilespmem:s6+$0x11660]  }
0x197: {  	v17 =	vld [tilespmem:s6+$0x11670]  }
0x198: {  	v18 =	vld [tilespmem:s6+$0x116A0]  }
0x199: {  	v8 =	vadd.f32 v12, v8;
	v9 =	vadd.f32 v13, v9;
	v12 =	vld [tilespmem:s6+$0x116B0]  }
0x19a: {  	v11 =	vadd.f32 v14, v11;
	v10 =	vadd.f32 v15, v10;
	v13 =	vld [tilespmem:s6+$0x116E0]  }
0x19b: {  	v6 =	vadd.f32 v6, v8;
	v7 =	vadd.f32 v7, v9;
	v8 =	vld [tilespmem:s6+$0x116F0]  }
0x19c: {  	v9 =	vadd.f32 v16, v11;
	v10 =	vadd.f32 v17, v10;
	v11 =	vld [tilespmem:s6+$0x11720]  }
0x19d: {  	v4 =	vadd.f32 v4, v6;
	v5 =	vadd.f32 v5, v7;
	v6 =	vld [tilespmem:s6+$0x11730];
	s6 =	sshra.s32 s11, $0x2  }
0x19e: {  	v9 =	vadd.f32 v18, v9;
	v7 =	vld [tilespmem:s6+$0x11700];
	v10 =	vadd.f32 v12, v10  }
0x19f: {  	v4 =	vadd.f32 v2, v4;
	v5 =	vadd.f32 v3, v5;
	v12 =	vld [tilespmem:s6+$0x11710]  }
0x1a0: {  	v13 =	vadd.f32 v13, v9;
	v2 =	vld [tilespmem:s6+$0x116C0];
	v10 =	vadd.f32 v8, v10  }
0x1a1: {  	v8 =	vadd.f32 v0, v4;
	v9 =	vadd.f32 v1, v5;
	v3 =	vld [tilespmem:s6+$0x116D0]  }
0x1a2: {  	v11 =	vadd.f32 v11, v13;
	v4 =	vld [tilespmem:s6+$0x11680];
	v10 =	vadd.f32 v6, v10  }
0x1a3: {  	v5 =	vld [tilespmem:s6+$0x11690];
	v0 =	vmov v7  }
.Ltmp6:
0x1a4: {  	v6 =	vld [tilespmem:s6+$0x11640];
	v1 =	vmov v12;
	(pc) =	sbr.rel @p0 .LBB2_15-.Ltmp6, $4  }
0x1a5: {  	v7 =	vld [tilespmem:s6+$0x11650]  }
0x1a6: {  	v12 =	vld [tilespmem:s6+$0x11600]  }
0x1a7: {  	v13 =	vld [tilespmem:s6+$0x11610]  }
0x1a8: {  	s11 =	sadd.s32 $0x500, s11;
	v14 =	vld [tilespmem:s6+$0x11620]  }
0x1a9: {  	v15 =	vld [tilespmem:s6+$0x11630]  }
0x1aa: {  	v16 =	vld [tilespmem:s6+$0x11660]  }
0x1ab: {  	v17 =	vld [tilespmem:s6+$0x11670]  }
0x1ac: {  	v18 =	vld [tilespmem:s6+$0x116A0]  }
0x1ad: {  	v8 =	vadd.f32 v12, v8;
	v12 =	vld [tilespmem:s6+$0x116B0];
	v11 =	vadd.f32 v14, v11  }
0x1ae: {  	v9 =	vadd.f32 v13, v9;
	v13 =	vld [tilespmem:s6+$0x116E0];
	v10 =	vadd.f32 v15, v10  }
0x1af: {  	v6 =	vadd.f32 v6, v8;
	v8 =	vld [tilespmem:s6+$0x116F0];
	v11 =	vadd.f32 v16, v11  }
0x1b0: {  	v7 =	vadd.f32 v7, v9;
	v9 =	vadd.f32 v17, v10;
	v10 =	vld [tilespmem:s6+$0x11720]  }
0x1b1: {  	v4 =	vadd.f32 v4, v6;
	v6 =	vld [tilespmem:s6+$0x11730];
	v11 =	vadd.f32 v18, v11  }
0x1b2: {  	v5 =	vadd.f32 v5, v7;
	v7 =	vadd.f32 v12, v9  }
0x1b3: {  	v2 =	vadd.f32 v2, v4;
	v4 =	vadd.f32 v13, v11  }
0x1b4: {  	v3 =	vadd.f32 v3, v5;
	v5 =	vadd.f32 v8, v7  }
0x1b5: {  	v0 =	vadd.f32 v0, v2;
	v2 =	vadd.f32 v10, v4  }
0x1b6: {  	v1 =	vadd.f32 v1, v3;
	v3 =	vadd.f32 v6, v5  }
0x1b7: {  	v0 =	vadd.f32 v2, v0  }
0x1b8: {  	v1 =	vadd.f32 v3, v1  }
0x1b9: {  	[tilespmem:s2+$0x148C0] =	vst v0  }
0x1ba: {  	s11 =	sadd.s32 $0x700, s8;
	[tilespmem:s2+$0x148D0] =	vst v1  }
0x1bb: {  	[tilespmem:s17], [sflag:$0x7] =	stream.indirect.gather [hbm4b:s3+s10], $0x20, s11, s10, $0xb8;
	[tilespmem:$0x15800] =	vst v63  }
0x1bc: {  	s11 =	sadd.s32 $0x4700, s8  }
0x1bd: {  	[tilespmem:s21], [sflag:$0x7] =	stream.indirect.gather [hbm4b:s3+s12], $0x20, s11, s12, $0xb8;
	[tilespmem:$0x15800] =	vst v63  }
0x1be: {  	_ =	swait.ge [sflag:s5], $0x1900  }
0x1bf: {  	[sflag:s5] =	ssyncset.done $0x0  }
0x1c0: {  	s6 =	simm.s32 $0x0;
	[sflag:s5] =	ssyncadd.s32 $0xFFFFE700  }
0x1c1: {  	v0 =	vld [tilespmem:s6+$0x13000]  }
0x1c2: {  	v1 =	vld [tilespmem:s6+$0x13010]  }
0x1c3: {  	v2 =	vld [tilespmem:s6+$0x12FC0]  }
0x1c4: {  	v3 =	vld [tilespmem:s6+$0x12FD0]  }
0x1c5: {  	v4 =	vld [tilespmem:s6+$0x12F80]  }
0x1c6: {  	v5 =	vld [tilespmem:s6+$0x12F90]  }
0x1c7: {  	v6 =	vld [tilespmem:s6+$0x12F40]  }
0x1c8: {  	v7 =	vld [tilespmem:s6+$0x12F50]  }
0x1c9: {  	v12 =	vld [tilespmem:s6+$0x12F00]  }
0x1ca: {  	v9 =	vimm.f32 $0.0e+00;
	v13 =	vld [tilespmem:s6+$0x12F10]  }
0x1cb: {  	v11 =	vimm.f32 $0.0e+00;
	v8 =	vimm.f32 $0.0e+00;
	v10 =	vimm.f32 $0.0e+00;
	s11 =	simm.s32 $0x500;
	v14 =	vld [tilespmem:s6+$0x12F20]  }
.LBB2_17:
0x1cc: {  	p0 =	sne.s32 s11, $0x5F00;
	v15 =	vld [tilespmem:s6+$0x12F30]  }
0x1cd: {  	v16 =	vld [tilespmem:s6+$0x12F60]  }
0x1ce: {  	v17 =	vld [tilespmem:s6+$0x12F70]  }
0x1cf: {  	v18 =	vld [tilespmem:s6+$0x12FA0]  }
0x1d0: {  	v8 =	vadd.f32 v12, v8;
	v9 =	vadd.f32 v13, v9;
	v12 =	vld [tilespmem:s6+$0x12FB0]  }
0x1d1: {  	v11 =	vadd.f32 v14, v11;
	v10 =	vadd.f32 v15, v10;
	v13 =	vld [tilespmem:s6+$0x12FE0]  }
0x1d2: {  	v6 =	vadd.f32 v6, v8;
	v7 =	vadd.f32 v7, v9;
	v8 =	vld [tilespmem:s6+$0x12FF0]  }
0x1d3: {  	v9 =	vadd.f32 v16, v11;
	v10 =	vadd.f32 v17, v10;
	v11 =	vld [tilespmem:s6+$0x13020]  }
0x1d4: {  	v4 =	vadd.f32 v4, v6;
	v5 =	vadd.f32 v5, v7;
	v6 =	vld [tilespmem:s6+$0x13030];
	s6 =	sshra.s32 s11, $0x2  }
0x1d5: {  	v9 =	vadd.f32 v18, v9;
	v7 =	vld [tilespmem:s6+$0x13000];
	v10 =	vadd.f32 v12, v10  }
0x1d6: {  	v4 =	vadd.f32 v2, v4;
	v5 =	vadd.f32 v3, v5;
	v12 =	vld [tilespmem:s6+$0x13010]  }
0x1d7: {  	v13 =	vadd.f32 v13, v9;
	v2 =	vld [tilespmem:s6+$0x12FC0];
	v10 =	vadd.f32 v8, v10  }
0x1d8: {  	v8 =	vadd.f32 v0, v4;
	v9 =	vadd.f32 v1, v5;
	v3 =	vld [tilespmem:s6+$0x12FD0]  }
0x1d9: {  	v11 =	vadd.f32 v11, v13;
	v4 =	vld [tilespmem:s6+$0x12F80];
	v10 =	vadd.f32 v6, v10  }
0x1da: {  	v5 =	vld [tilespmem:s6+$0x12F90];
	v0 =	vmov v7  }
.Ltmp7:
0x1db: {  	v6 =	vld [tilespmem:s6+$0x12F40];
	v1 =	vmov v12;
	(pc) =	sbr.rel @p0 .LBB2_17-.Ltmp7, $4  }
0x1dc: {  	v7 =	vld [tilespmem:s6+$0x12F50]  }
0x1dd: {  	v12 =	vld [tilespmem:s6+$0x12F00]  }
0x1de: {  	v13 =	vld [tilespmem:s6+$0x12F10]  }
0x1df: {  	s11 =	sadd.s32 $0x500, s11;
	v14 =	vld [tilespmem:s6+$0x12F20]  }
0x1e0: {  	v15 =	vld [tilespmem:s6+$0x12F30]  }
0x1e1: {  	v16 =	vld [tilespmem:s6+$0x12F60]  }
0x1e2: {  	v17 =	vld [tilespmem:s6+$0x12F70]  }
0x1e3: {  	v18 =	vld [tilespmem:s6+$0x12FA0]  }
0x1e4: {  	v53 =	vld [tilespmem:s6+$0x12FB0];
	v8 =	vadd.f32 v12, v8;
	v11 =	vadd.f32 v14, v11  }
0x1e5: {  	v54 =	vld [tilespmem:s6+$0x12FE0];
	v9 =	vadd.f32 v13, v9;
	v10 =	vadd.f32 v15, v10  }
0x1e6: {  	v55 =	vld [tilespmem:s6+$0x12FF0];
	v6 =	vadd.f32 v6, v8;
	v11 =	vadd.f32 v16, v11  }
0x1e7: {  	v57 =	vld [tilespmem:s6+$0x13020];
	v7 =	vadd.f32 v7, v9;
	v56 =	vadd.f32 v17, v10  }
0x1e8: {  	v58 =	vld [tilespmem:s6+$0x13030];
	v4 =	vadd.f32 v4, v6;
	v11 =	vadd.f32 v18, v11  }
0x1e9: {  	v5 =	vadd.f32 v5, v7;
	v59 =	vadd.f32 v53, v56  }
0x1ea: {  	v2 =	vadd.f32 v2, v4;
	v60 =	vadd.f32 v54, v11  }
0x1eb: {  	v3 =	vadd.f32 v3, v5;
	v61 =	vadd.f32 v55, v59  }
0x1ec: {  	v0 =	vadd.f32 v0, v2;
	v62 =	vadd.f32 v57, v60  }
0x1ed: {  	v1 =	vadd.f32 v1, v3;
	v63 =	vadd.f32 v58, v61  }
0x1ee: {  	s7 =	sadd.s32 $0x1, s7;
	v0 =	vadd.f32 v62, v0  }
0x1ef: {  	p0 =	sne.s32 s7, $0xF;
	v1 =	vadd.f32 v63, v1  }
.Ltmp8:
0x1f0: {  	[tilespmem:s2+$0x148E0] =	vst v0;
	(pc) =	sbr.rel @p0 .LBB2_2-.Ltmp8, $4  }
0x1f1: {  	s6 =	sadd.s32 $0x780, s8;
	[tilespmem:s2+$0x148F0] =	vst v1  }
0x1f2: {  	[tilespmem:s25], [sflag:$0x8] =	stream.indirect.gather [hbm4b:s3+s10], $0x20, s6, s10, $0xb8;
	[tilespmem:$0x15800] =	vst v63  }
0x1f3: {  	s11 =	sadd.s32 $0x4780, s8  }
0x1f4: {  	[tilespmem:s30], [sflag:$0x8] =	stream.indirect.gather [hbm4b:s3+s12], $0x20, s11, s12, $0xb8;
	[tilespmem:$0x15800] =	vst v63  }
0x1f5: {  	_ =	swait.ge [sflag:s0], $0x1900  }
0x1f6: {  	[sflag:s0] =	ssyncset.done $0x0  }
0x1f7: {  	s2 =	simm.s32 $0x0;
	[sflag:s0] =	ssyncadd.s32 $0xFFFFE700  }
0x1f8: {  	v0 =	vld [tilespmem:s2+$0x8100]  }
0x1f9: {  	v1 =	vld [tilespmem:s2+$0x8110]  }
0x1fa: {  	v2 =	vld [tilespmem:s2+$0x80C0]  }
0x1fb: {  	v3 =	vld [tilespmem:s2+$0x80D0]  }
0x1fc: {  	v4 =	vld [tilespmem:s2+$0x8080]  }
0x1fd: {  	v5 =	vld [tilespmem:s2+$0x8090]  }
0x1fe: {  	v6 =	vld [tilespmem:s2+$0x8040]  }
0x1ff: {  	v7 =	vld [tilespmem:s2+$0x8050]  }
0x200: {  	v12 =	vld [tilespmem:s2+$0x8000]  }
0x201: {  	v8 =	vimm.f32 $0.0e+00;
	v13 =	vld [tilespmem:s2+$0x8010]  }
0x202: {  	s6 =	simm.s32 $0x500;
	v9 =	vimm.f32 $0.0e+00;
	v11 =	vimm.f32 $0.0e+00;
	v10 =	vimm.f32 $0.0e+00;
	v14 =	vld [tilespmem:s2+$0x8020]  }
.LBB2_20:
0x203: {  	p0 =	sne.s32 s6, $0x5F00;
	v15 =	vld [tilespmem:s2+$0x8030]  }
0x204: {  	v16 =	vld [tilespmem:s2+$0x8060]  }
0x205: {  	v17 =	vld [tilespmem:s2+$0x8070]  }
0x206: {  	v18 =	vld [tilespmem:s2+$0x80A0]  }
0x207: {  	v8 =	vadd.f32 v12, v8;
	v9 =	vadd.f32 v13, v9;
	v12 =	vld [tilespmem:s2+$0x80B0]  }
0x208: {  	v11 =	vadd.f32 v14, v11;
	v10 =	vadd.f32 v15, v10;
	v13 =	vld [tilespmem:s2+$0x80E0]  }
0x209: {  	v6 =	vadd.f32 v6, v8;
	v7 =	vadd.f32 v7, v9;
	v8 =	vld [tilespmem:s2+$0x80F0]  }
0x20a: {  	v9 =	vadd.f32 v16, v11;
	v10 =	vadd.f32 v17, v10;
	v11 =	vld [tilespmem:s2+$0x8120]  }
0x20b: {  	v4 =	vadd.f32 v4, v6;
	v5 =	vadd.f32 v5, v7;
	v6 =	vld [tilespmem:s2+$0x8130];
	s2 =	sshra.s32 s6, $0x2  }
0x20c: {  	v9 =	vadd.f32 v18, v9;
	v7 =	vld [tilespmem:s2+$0x8100];
	v10 =	vadd.f32 v12, v10  }
0x20d: {  	v4 =	vadd.f32 v2, v4;
	v5 =	vadd.f32 v3, v5;
	v12 =	vld [tilespmem:s2+$0x8110]  }
0x20e: {  	v13 =	vadd.f32 v13, v9;
	v2 =	vld [tilespmem:s2+$0x80C0];
	v10 =	vadd.f32 v8, v10  }
0x20f: {  	v8 =	vadd.f32 v0, v4;
	v9 =	vadd.f32 v1, v5;
	v3 =	vld [tilespmem:s2+$0x80D0]  }
0x210: {  	v11 =	vadd.f32 v11, v13;
	v4 =	vld [tilespmem:s2+$0x8080];
	v10 =	vadd.f32 v6, v10  }
0x211: {  	v5 =	vld [tilespmem:s2+$0x8090];
	v0 =	vmov v7  }
.Ltmp9:
0x212: {  	v6 =	vld [tilespmem:s2+$0x8040];
	v1 =	vmov v12;
	(pc) =	sbr.rel @p0 .LBB2_20-.Ltmp9, $4  }
0x213: {  	v7 =	vld [tilespmem:s2+$0x8050]  }
0x214: {  	v12 =	vld [tilespmem:s2+$0x8000]  }
0x215: {  	v13 =	vld [tilespmem:s2+$0x8010]  }
0x216: {  	s6 =	sadd.s32 $0x500, s6;
	v14 =	vld [tilespmem:s2+$0x8020]  }
0x217: {  	v15 =	vld [tilespmem:s2+$0x8030]  }
0x218: {  	v16 =	vld [tilespmem:s2+$0x8060]  }
0x219: {  	v17 =	vld [tilespmem:s2+$0x8070]  }
0x21a: {  	v18 =	vld [tilespmem:s2+$0x80A0]  }
0x21b: {  	v8 =	vadd.f32 v12, v8;
	v12 =	vld [tilespmem:s2+$0x80B0];
	v11 =	vadd.f32 v14, v11  }
0x21c: {  	v9 =	vadd.f32 v13, v9;
	v13 =	vld [tilespmem:s2+$0x80E0];
	v10 =	vadd.f32 v15, v10  }
0x21d: {  	v6 =	vadd.f32 v6, v8;
	v8 =	vld [tilespmem:s2+$0x80F0];
	v11 =	vadd.f32 v16, v11  }
0x21e: {  	v7 =	vadd.f32 v7, v9;
	v9 =	vadd.f32 v17, v10;
	v10 =	vld [tilespmem:s2+$0x8120]  }
0x21f: {  	v4 =	vadd.f32 v4, v6;
	v6 =	vld [tilespmem:s2+$0x8130];
	v11 =	vadd.f32 v18, v11  }
0x220: {  	v5 =	vadd.f32 v5, v7;
	v7 =	vadd.f32 v12, v9  }
0x221: {  	v2 =	vadd.f32 v2, v4;
	v4 =	vadd.f32 v13, v11  }
0x222: {  	v3 =	vadd.f32 v3, v5;
	v5 =	vadd.f32 v8, v7  }
0x223: {  	v0 =	vadd.f32 v0, v2;
	v2 =	vadd.f32 v10, v4  }
0x224: {  	v1 =	vadd.f32 v1, v3;
	v3 =	vadd.f32 v6, v5  }
0x225: {  	v0 =	vadd.f32 v2, v0  }
0x226: {  	v1 =	vadd.f32 v3, v1  }
0x227: {  	[tilespmem:$0x15700] =	vst v0  }
0x228: {  	[tilespmem:$0x15710] =	vst v1  }
0x229: {  	_ =	swait.ge [sflag:s15], $0x1900  }
0x22a: {  	[sflag:s15] =	ssyncset.done $0x0  }
0x22b: {  	s2 =	simm.s32 $0x0;
	[sflag:s15] =	ssyncadd.s32 $0xFFFFE700  }
0x22c: {  	v0 =	vld [tilespmem:s2+$0x9A00]  }
0x22d: {  	v1 =	vld [tilespmem:s2+$0x9A10]  }
0x22e: {  	v2 =	vld [tilespmem:s2+$0x99C0]  }
0x22f: {  	v3 =	vld [tilespmem:s2+$0x99D0]  }
0x230: {  	v4 =	vld [tilespmem:s2+$0x9980]  }
0x231: {  	v5 =	vld [tilespmem:s2+$0x9990]  }
0x232: {  	v6 =	vld [tilespmem:s2+$0x9940]  }
0x233: {  	v7 =	vld [tilespmem:s2+$0x9950]  }
0x234: {  	v12 =	vld [tilespmem:s2+$0x9900]  }
0x235: {  	v9 =	vimm.f32 $0.0e+00;
	v13 =	vld [tilespmem:s2+$0x9910]  }
0x236: {  	s6 =	simm.s32 $0x500;
	s7 =	simm.s32 $0x0;
	v11 =	vimm.f32 $0.0e+00;
	v8 =	vimm.f32 $0.0e+00;
	v10 =	vimm.f32 $0.0e+00;
	s8 =	rddreg [dreg:$0x7];
	v14 =	vld [tilespmem:s2+$0x9920]  }
.LBB2_22:
0x237: {  	p0 =	sne.s32 s6, $0x5F00;
	v15 =	vld [tilespmem:s2+$0x9930]  }
0x238: {  	v16 =	vld [tilespmem:s2+$0x9960]  }
0x239: {  	v17 =	vld [tilespmem:s2+$0x9970]  }
0x23a: {  	v18 =	vld [tilespmem:s2+$0x99A0]  }
0x23b: {  	v8 =	vadd.f32 v12, v8;
	v9 =	vadd.f32 v13, v9;
	v12 =	vld [tilespmem:s2+$0x99B0]  }
0x23c: {  	v11 =	vadd.f32 v14, v11;
	v10 =	vadd.f32 v15, v10;
	v13 =	vld [tilespmem:s2+$0x99E0]  }
0x23d: {  	v6 =	vadd.f32 v6, v8;
	v7 =	vadd.f32 v7, v9;
	v8 =	vld [tilespmem:s2+$0x99F0]  }
0x23e: {  	v9 =	vadd.f32 v16, v11;
	v10 =	vadd.f32 v17, v10;
	v11 =	vld [tilespmem:s2+$0x9A20]  }
0x23f: {  	v4 =	vadd.f32 v4, v6;
	v5 =	vadd.f32 v5, v7;
	v6 =	vld [tilespmem:s2+$0x9A30];
	s2 =	sshra.s32 s6, $0x2  }
0x240: {  	v9 =	vadd.f32 v18, v9;
	v7 =	vld [tilespmem:s2+$0x9A00];
	v10 =	vadd.f32 v12, v10  }
0x241: {  	v4 =	vadd.f32 v2, v4;
	v5 =	vadd.f32 v3, v5;
	v12 =	vld [tilespmem:s2+$0x9A10]  }
0x242: {  	v13 =	vadd.f32 v13, v9;
	v2 =	vld [tilespmem:s2+$0x99C0];
	v10 =	vadd.f32 v8, v10  }
0x243: {  	v8 =	vadd.f32 v0, v4;
	v9 =	vadd.f32 v1, v5;
	v3 =	vld [tilespmem:s2+$0x99D0]  }
0x244: {  	v11 =	vadd.f32 v11, v13;
	v4 =	vld [tilespmem:s2+$0x9980];
	v10 =	vadd.f32 v6, v10  }
0x245: {  	v5 =	vld [tilespmem:s2+$0x9990];
	v0 =	vmov v7  }
.Ltmp10:
0x246: {  	v6 =	vld [tilespmem:s2+$0x9940];
	v1 =	vmov v12;
	(pc) =	sbr.rel @p0 .LBB2_22-.Ltmp10, $4  }
0x247: {  	v7 =	vld [tilespmem:s2+$0x9950]  }
0x248: {  	v12 =	vld [tilespmem:s2+$0x9900]  }
0x249: {  	v13 =	vld [tilespmem:s2+$0x9910]  }
0x24a: {  	s6 =	sadd.s32 $0x500, s6;
	v14 =	vld [tilespmem:s2+$0x9920]  }
0x24b: {  	v15 =	vld [tilespmem:s2+$0x9930]  }
0x24c: {  	v16 =	vld [tilespmem:s2+$0x9960]  }
0x24d: {  	v17 =	vld [tilespmem:s2+$0x9970]  }
0x24e: {  	v18 =	vld [tilespmem:s2+$0x99A0]  }
0x24f: {  	v8 =	vadd.f32 v12, v8;
	v12 =	vld [tilespmem:s2+$0x99B0];
	v11 =	vadd.f32 v14, v11  }
0x250: {  	v9 =	vadd.f32 v13, v9;
	v13 =	vld [tilespmem:s2+$0x99E0];
	v10 =	vadd.f32 v15, v10  }
0x251: {  	v6 =	vadd.f32 v6, v8;
	v8 =	vld [tilespmem:s2+$0x99F0];
	v11 =	vadd.f32 v16, v11  }
0x252: {  	v7 =	vadd.f32 v7, v9;
	v9 =	vadd.f32 v17, v10;
	v10 =	vld [tilespmem:s2+$0x9A20]  }
0x253: {  	v4 =	vadd.f32 v4, v6;
	v6 =	vld [tilespmem:s2+$0x9A30];
	v11 =	vadd.f32 v18, v11  }
0x254: {  	v5 =	vadd.f32 v5, v7;
	v7 =	vadd.f32 v12, v9  }
0x255: {  	v2 =	vadd.f32 v2, v4;
	v4 =	vadd.f32 v13, v11  }
0x256: {  	v3 =	vadd.f32 v3, v5;
	v5 =	vadd.f32 v8, v7  }
0x257: {  	v0 =	vadd.f32 v0, v2;
	v2 =	vadd.f32 v10, v4  }
0x258: {  	v1 =	vadd.f32 v1, v3;
	v3 =	vadd.f32 v6, v5  }
0x259: {  	v0 =	vadd.f32 v2, v0  }
0x25a: {  	v1 =	vadd.f32 v3, v1  }
0x25b: {  	[tilespmem:$0x15720] =	vst v0  }
0x25c: {  	[tilespmem:$0x15730] =	vst v1  }
0x25d: {  	_ =	swait.ge [sflag:s19], $0x1900  }
0x25e: {  	[sflag:s19] =	ssyncset.done $0x0  }
0x25f: {  	s2 =	simm.s32 $0x0;
	[sflag:s19] =	ssyncadd.s32 $0xFFFFE700  }
0x260: {  	v0 =	vld [tilespmem:s2+$0xB300]  }
0x261: {  	v1 =	vld [tilespmem:s2+$0xB310]  }
0x262: {  	v2 =	vld [tilespmem:s2+$0xB2C0]  }
0x263: {  	v3 =	vld [tilespmem:s2+$0xB2D0]  }
0x264: {  	v4 =	vld [tilespmem:s2+$0xB280]  }
0x265: {  	v5 =	vld [tilespmem:s2+$0xB290]  }
0x266: {  	v6 =	vld [tilespmem:s2+$0xB240]  }
0x267: {  	v7 =	vld [tilespmem:s2+$0xB250]  }
0x268: {  	v12 =	vld [tilespmem:s2+$0xB200]  }
0x269: {  	v9 =	vimm.f32 $0.0e+00;
	v13 =	vld [tilespmem:s2+$0xB210]  }
0x26a: {  	s6 =	simm.s32 $0x500;
	v11 =	vimm.f32 $0.0e+00;
	v8 =	vimm.f32 $0.0e+00;
	v10 =	vimm.f32 $0.0e+00;
	v14 =	vld [tilespmem:s2+$0xB220]  }
.LBB2_24:
0x26b: {  	p0 =	sne.s32 s6, $0x5F00;
	v15 =	vld [tilespmem:s2+$0xB230]  }
0x26c: {  	v16 =	vld [tilespmem:s2+$0xB260]  }
0x26d: {  	v17 =	vld [tilespmem:s2+$0xB270]  }
0x26e: {  	v18 =	vld [tilespmem:s2+$0xB2A0]  }
0x26f: {  	v8 =	vadd.f32 v12, v8;
	v9 =	vadd.f32 v13, v9;
	v12 =	vld [tilespmem:s2+$0xB2B0]  }
0x270: {  	v11 =	vadd.f32 v14, v11;
	v10 =	vadd.f32 v15, v10;
	v13 =	vld [tilespmem:s2+$0xB2E0]  }
0x271: {  	v6 =	vadd.f32 v6, v8;
	v7 =	vadd.f32 v7, v9;
	v8 =	vld [tilespmem:s2+$0xB2F0]  }
0x272: {  	v9 =	vadd.f32 v16, v11;
	v10 =	vadd.f32 v17, v10;
	v11 =	vld [tilespmem:s2+$0xB320]  }
0x273: {  	v4 =	vadd.f32 v4, v6;
	v5 =	vadd.f32 v5, v7;
	v6 =	vld [tilespmem:s2+$0xB330];
	s2 =	sshra.s32 s6, $0x2  }
0x274: {  	v9 =	vadd.f32 v18, v9;
	v7 =	vld [tilespmem:s2+$0xB300];
	v10 =	vadd.f32 v12, v10  }
0x275: {  	v4 =	vadd.f32 v2, v4;
	v5 =	vadd.f32 v3, v5;
	v12 =	vld [tilespmem:s2+$0xB310]  }
0x276: {  	v13 =	vadd.f32 v13, v9;
	v2 =	vld [tilespmem:s2+$0xB2C0];
	v10 =	vadd.f32 v8, v10  }
0x277: {  	v8 =	vadd.f32 v0, v4;
	v9 =	vadd.f32 v1, v5;
	v3 =	vld [tilespmem:s2+$0xB2D0]  }
0x278: {  	v11 =	vadd.f32 v11, v13;
	v4 =	vld [tilespmem:s2+$0xB280];
	v10 =	vadd.f32 v6, v10  }
0x279: {  	v5 =	vld [tilespmem:s2+$0xB290];
	v0 =	vmov v7  }
.Ltmp11:
0x27a: {  	v6 =	vld [tilespmem:s2+$0xB240];
	v1 =	vmov v12;
	(pc) =	sbr.rel @p0 .LBB2_24-.Ltmp11, $4  }
0x27b: {  	v7 =	vld [tilespmem:s2+$0xB250]  }
0x27c: {  	v12 =	vld [tilespmem:s2+$0xB200]  }
0x27d: {  	v13 =	vld [tilespmem:s2+$0xB210]  }
0x27e: {  	s6 =	sadd.s32 $0x500, s6;
	v14 =	vld [tilespmem:s2+$0xB220]  }
0x27f: {  	v15 =	vld [tilespmem:s2+$0xB230]  }
0x280: {  	v16 =	vld [tilespmem:s2+$0xB260]  }
0x281: {  	v17 =	vld [tilespmem:s2+$0xB270]  }
0x282: {  	v18 =	vld [tilespmem:s2+$0xB2A0]  }
0x283: {  	v8 =	vadd.f32 v12, v8;
	v12 =	vld [tilespmem:s2+$0xB2B0];
	v11 =	vadd.f32 v14, v11  }
0x284: {  	v9 =	vadd.f32 v13, v9;
	v13 =	vld [tilespmem:s2+$0xB2E0];
	v10 =	vadd.f32 v15, v10  }
0x285: {  	v6 =	vadd.f32 v6, v8;
	v8 =	vld [tilespmem:s2+$0xB2F0];
	v11 =	vadd.f32 v16, v11  }
0x286: {  	v7 =	vadd.f32 v7, v9;
	v9 =	vadd.f32 v17, v10;
	v10 =	vld [tilespmem:s2+$0xB320]  }
0x287: {  	v4 =	vadd.f32 v4, v6;
	v6 =	vld [tilespmem:s2+$0xB330];
	v11 =	vadd.f32 v18, v11  }
0x288: {  	v5 =	vadd.f32 v5, v7;
	v7 =	vadd.f32 v12, v9  }
0x289: {  	v2 =	vadd.f32 v2, v4;
	v4 =	vadd.f32 v13, v11  }
0x28a: {  	v3 =	vadd.f32 v3, v5;
	v5 =	vadd.f32 v8, v7  }
0x28b: {  	v0 =	vadd.f32 v0, v2;
	v2 =	vadd.f32 v10, v4  }
0x28c: {  	v1 =	vadd.f32 v1, v3;
	v3 =	vadd.f32 v6, v5  }
0x28d: {  	v0 =	vadd.f32 v2, v0  }
0x28e: {  	v1 =	vadd.f32 v3, v1  }
0x28f: {  	[tilespmem:$0x15740] =	vst v0  }
0x290: {  	[tilespmem:$0x15750] =	vst v1  }
0x291: {  	_ =	swait.ge [sflag:s23], $0x1900  }
0x292: {  	[sflag:s23] =	ssyncset.done $0x0  }
0x293: {  	s2 =	simm.s32 $0x0;
	[sflag:s23] =	ssyncadd.s32 $0xFFFFE700  }
0x294: {  	v0 =	vld [tilespmem:s2+$0xCC00]  }
0x295: {  	v1 =	vld [tilespmem:s2+$0xCC10]  }
0x296: {  	v2 =	vld [tilespmem:s2+$0xCBC0]  }
0x297: {  	v3 =	vld [tilespmem:s2+$0xCBD0]  }
0x298: {  	v4 =	vld [tilespmem:s2+$0xCB80]  }
0x299: {  	v5 =	vld [tilespmem:s2+$0xCB90]  }
0x29a: {  	v6 =	vld [tilespmem:s2+$0xCB40]  }
0x29b: {  	v7 =	vld [tilespmem:s2+$0xCB50]  }
0x29c: {  	v12 =	vld [tilespmem:s2+$0xCB00]  }
0x29d: {  	v9 =	vimm.f32 $0.0e+00;
	v13 =	vld [tilespmem:s2+$0xCB10]  }
0x29e: {  	s6 =	simm.s32 $0x500;
	v11 =	vimm.f32 $0.0e+00;
	v8 =	vimm.f32 $0.0e+00;
	v10 =	vimm.f32 $0.0e+00;
	v14 =	vld [tilespmem:s2+$0xCB20]  }
.LBB2_26:
0x29f: {  	p0 =	sne.s32 s6, $0x5F00;
	v15 =	vld [tilespmem:s2+$0xCB30]  }
0x2a0: {  	v16 =	vld [tilespmem:s2+$0xCB60]  }
0x2a1: {  	v17 =	vld [tilespmem:s2+$0xCB70]  }
0x2a2: {  	v18 =	vld [tilespmem:s2+$0xCBA0]  }
0x2a3: {  	v8 =	vadd.f32 v12, v8;
	v9 =	vadd.f32 v13, v9;
	v12 =	vld [tilespmem:s2+$0xCBB0]  }
0x2a4: {  	v11 =	vadd.f32 v14, v11;
	v10 =	vadd.f32 v15, v10;
	v13 =	vld [tilespmem:s2+$0xCBE0]  }
0x2a5: {  	v6 =	vadd.f32 v6, v8;
	v7 =	vadd.f32 v7, v9;
	v8 =	vld [tilespmem:s2+$0xCBF0]  }
0x2a6: {  	v9 =	vadd.f32 v16, v11;
	v10 =	vadd.f32 v17, v10;
	v11 =	vld [tilespmem:s2+$0xCC20]  }
0x2a7: {  	v4 =	vadd.f32 v4, v6;
	v5 =	vadd.f32 v5, v7;
	v6 =	vld [tilespmem:s2+$0xCC30];
	s2 =	sshra.s32 s6, $0x2  }
0x2a8: {  	v9 =	vadd.f32 v18, v9;
	v7 =	vld [tilespmem:s2+$0xCC00];
	v10 =	vadd.f32 v12, v10  }
0x2a9: {  	v4 =	vadd.f32 v2, v4;
	v5 =	vadd.f32 v3, v5;
	v12 =	vld [tilespmem:s2+$0xCC10]  }
0x2aa: {  	v13 =	vadd.f32 v13, v9;
	v2 =	vld [tilespmem:s2+$0xCBC0];
	v10 =	vadd.f32 v8, v10  }
0x2ab: {  	v8 =	vadd.f32 v0, v4;
	v9 =	vadd.f32 v1, v5;
	v3 =	vld [tilespmem:s2+$0xCBD0]  }
0x2ac: {  	v11 =	vadd.f32 v11, v13;
	v4 =	vld [tilespmem:s2+$0xCB80];
	v10 =	vadd.f32 v6, v10  }
0x2ad: {  	v5 =	vld [tilespmem:s2+$0xCB90];
	v0 =	vmov v7  }
.Ltmp12:
0x2ae: {  	v6 =	vld [tilespmem:s2+$0xCB40];
	v1 =	vmov v12;
	(pc) =	sbr.rel @p0 .LBB2_26-.Ltmp12, $4  }
0x2af: {  	v7 =	vld [tilespmem:s2+$0xCB50]  }
0x2b0: {  	v12 =	vld [tilespmem:s2+$0xCB00]  }
0x2b1: {  	v13 =	vld [tilespmem:s2+$0xCB10]  }
0x2b2: {  	s6 =	sadd.s32 $0x500, s6;
	v14 =	vld [tilespmem:s2+$0xCB20]  }
0x2b3: {  	v15 =	vld [tilespmem:s2+$0xCB30]  }
0x2b4: {  	v16 =	vld [tilespmem:s2+$0xCB60]  }
0x2b5: {  	v17 =	vld [tilespmem:s2+$0xCB70]  }
0x2b6: {  	v18 =	vld [tilespmem:s2+$0xCBA0]  }
0x2b7: {  	v8 =	vadd.f32 v12, v8;
	v12 =	vld [tilespmem:s2+$0xCBB0];
	v11 =	vadd.f32 v14, v11  }
0x2b8: {  	v9 =	vadd.f32 v13, v9;
	v13 =	vld [tilespmem:s2+$0xCBE0];
	v10 =	vadd.f32 v15, v10  }
0x2b9: {  	v6 =	vadd.f32 v6, v8;
	v8 =	vld [tilespmem:s2+$0xCBF0];
	v11 =	vadd.f32 v16, v11  }
0x2ba: {  	v7 =	vadd.f32 v7, v9;
	v9 =	vadd.f32 v17, v10;
	v10 =	vld [tilespmem:s2+$0xCC20]  }
0x2bb: {  	v4 =	vadd.f32 v4, v6;
	v6 =	vld [tilespmem:s2+$0xCC30];
	v11 =	vadd.f32 v18, v11  }
0x2bc: {  	v5 =	vadd.f32 v5, v7;
	v7 =	vadd.f32 v12, v9  }
0x2bd: {  	v2 =	vadd.f32 v2, v4;
	v4 =	vadd.f32 v13, v11  }
0x2be: {  	v3 =	vadd.f32 v3, v5;
	v5 =	vadd.f32 v8, v7  }
0x2bf: {  	v0 =	vadd.f32 v0, v2;
	v2 =	vadd.f32 v10, v4  }
0x2c0: {  	v1 =	vadd.f32 v1, v3;
	v3 =	vadd.f32 v6, v5  }
0x2c1: {  	v0 =	vadd.f32 v2, v0  }
0x2c2: {  	v1 =	vadd.f32 v3, v1  }
0x2c3: {  	[tilespmem:$0x15760] =	vst v0  }
0x2c4: {  	[tilespmem:$0x15770] =	vst v1  }
0x2c5: {  	_ =	swait.ge [sflag:s28], $0x1900  }
0x2c6: {  	[sflag:s28] =	ssyncset.done $0x0  }
0x2c7: {  	s2 =	simm.s32 $0x0;
	[sflag:s28] =	ssyncadd.s32 $0xFFFFE700  }
0x2c8: {  	v0 =	vld [tilespmem:s2+$0xE500]  }
0x2c9: {  	v1 =	vld [tilespmem:s2+$0xE510]  }
0x2ca: {  	v2 =	vld [tilespmem:s2+$0xE4C0]  }
0x2cb: {  	v3 =	vld [tilespmem:s2+$0xE4D0]  }
0x2cc: {  	v4 =	vld [tilespmem:s2+$0xE480]  }
0x2cd: {  	v5 =	vld [tilespmem:s2+$0xE490]  }
0x2ce: {  	v6 =	vld [tilespmem:s2+$0xE440]  }
0x2cf: {  	v7 =	vld [tilespmem:s2+$0xE450]  }
0x2d0: {  	v12 =	vld [tilespmem:s2+$0xE400]  }
0x2d1: {  	v9 =	vimm.f32 $0.0e+00;
	v13 =	vld [tilespmem:s2+$0xE410]  }
0x2d2: {  	s6 =	simm.s32 $0x500;
	v11 =	vimm.f32 $0.0e+00;
	v8 =	vimm.f32 $0.0e+00;
	v10 =	vimm.f32 $0.0e+00;
	v14 =	vld [tilespmem:s2+$0xE420]  }
.LBB2_28:
0x2d3: {  	p0 =	sne.s32 s6, $0x5F00;
	v15 =	vld [tilespmem:s2+$0xE430]  }
0x2d4: {  	v16 =	vld [tilespmem:s2+$0xE460]  }
0x2d5: {  	v17 =	vld [tilespmem:s2+$0xE470]  }
0x2d6: {  	v18 =	vld [tilespmem:s2+$0xE4A0]  }
0x2d7: {  	v8 =	vadd.f32 v12, v8;
	v9 =	vadd.f32 v13, v9;
	v12 =	vld [tilespmem:s2+$0xE4B0]  }
0x2d8: {  	v11 =	vadd.f32 v14, v11;
	v10 =	vadd.f32 v15, v10;
	v13 =	vld [tilespmem:s2+$0xE4E0]  }
0x2d9: {  	v6 =	vadd.f32 v6, v8;
	v7 =	vadd.f32 v7, v9;
	v8 =	vld [tilespmem:s2+$0xE4F0]  }
0x2da: {  	v9 =	vadd.f32 v16, v11;
	v10 =	vadd.f32 v17, v10;
	v11 =	vld [tilespmem:s2+$0xE520]  }
0x2db: {  	v4 =	vadd.f32 v4, v6;
	v5 =	vadd.f32 v5, v7;
	v6 =	vld [tilespmem:s2+$0xE530];
	s2 =	sshra.s32 s6, $0x2  }
0x2dc: {  	v9 =	vadd.f32 v18, v9;
	v7 =	vld [tilespmem:s2+$0xE500];
	v10 =	vadd.f32 v12, v10  }
0x2dd: {  	v4 =	vadd.f32 v2, v4;
	v5 =	vadd.f32 v3, v5;
	v12 =	vld [tilespmem:s2+$0xE510]  }
0x2de: {  	v13 =	vadd.f32 v13, v9;
	v2 =	vld [tilespmem:s2+$0xE4C0];
	v10 =	vadd.f32 v8, v10  }
0x2df: {  	v8 =	vadd.f32 v0, v4;
	v9 =	vadd.f32 v1, v5;
	v3 =	vld [tilespmem:s2+$0xE4D0]  }
0x2e0: {  	v11 =	vadd.f32 v11, v13;
	v4 =	vld [tilespmem:s2+$0xE480];
	v10 =	vadd.f32 v6, v10  }
0x2e1: {  	v5 =	vld [tilespmem:s2+$0xE490];
	v0 =	vmov v7  }
.Ltmp13:
0x2e2: {  	v6 =	vld [tilespmem:s2+$0xE440];
	v1 =	vmov v12;
	(pc) =	sbr.rel @p0 .LBB2_28-.Ltmp13, $4  }
0x2e3: {  	v7 =	vld [tilespmem:s2+$0xE450]  }
0x2e4: {  	v12 =	vld [tilespmem:s2+$0xE400]  }
0x2e5: {  	v13 =	vld [tilespmem:s2+$0xE410]  }
0x2e6: {  	s6 =	sadd.s32 $0x500, s6;
	v14 =	vld [tilespmem:s2+$0xE420]  }
0x2e7: {  	v15 =	vld [tilespmem:s2+$0xE430]  }
0x2e8: {  	v16 =	vld [tilespmem:s2+$0xE460]  }
0x2e9: {  	v17 =	vld [tilespmem:s2+$0xE470]  }
0x2ea: {  	v18 =	vld [tilespmem:s2+$0xE4A0]  }
0x2eb: {  	v8 =	vadd.f32 v12, v8;
	v12 =	vld [tilespmem:s2+$0xE4B0];
	v11 =	vadd.f32 v14, v11  }
0x2ec: {  	v9 =	vadd.f32 v13, v9;
	v13 =	vld [tilespmem:s2+$0xE4E0];
	v10 =	vadd.f32 v15, v10  }
0x2ed: {  	v6 =	vadd.f32 v6, v8;
	v8 =	vld [tilespmem:s2+$0xE4F0];
	v11 =	vadd.f32 v16, v11  }
0x2ee: {  	v7 =	vadd.f32 v7, v9;
	v9 =	vadd.f32 v17, v10;
	v10 =	vld [tilespmem:s2+$0xE520]  }
0x2ef: {  	v4 =	vadd.f32 v4, v6;
	v6 =	vld [tilespmem:s2+$0xE530];
	v11 =	vadd.f32 v18, v11  }
0x2f0: {  	v5 =	vadd.f32 v5, v7;
	v7 =	vadd.f32 v12, v9  }
0x2f1: {  	v2 =	vadd.f32 v2, v4;
	v4 =	vadd.f32 v13, v11  }
0x2f2: {  	v3 =	vadd.f32 v3, v5;
	v5 =	vadd.f32 v8, v7  }
0x2f3: {  	v0 =	vadd.f32 v0, v2;
	v2 =	vadd.f32 v10, v4  }
0x2f4: {  	v1 =	vadd.f32 v1, v3;
	v3 =	vadd.f32 v6, v5  }
0x2f5: {  	v0 =	vadd.f32 v2, v0  }
0x2f6: {  	v1 =	vadd.f32 v3, v1  }
0x2f7: {  	[tilespmem:$0x15780] =	vst v0  }
0x2f8: {  	[tilespmem:$0x15790] =	vst v1  }
0x2f9: {  	_ =	swait.ge [sflag:s9], $0x1900  }
0x2fa: {  	[sflag:s9] =	ssyncset.done $0x0  }
0x2fb: {  	s2 =	simm.s32 $0x0;
	[sflag:s9] =	ssyncadd.s32 $0xFFFFE700  }
0x2fc: {  	v0 =	vld [tilespmem:s2+$0xFE00]  }
0x2fd: {  	v1 =	vld [tilespmem:s2+$0xFE10]  }
0x2fe: {  	v2 =	vld [tilespmem:s2+$0xFDC0]  }
0x2ff: {  	v3 =	vld [tilespmem:s2+$0xFDD0]  }
0x300: {  	v4 =	vld [tilespmem:s2+$0xFD80]  }
0x301: {  	v5 =	vld [tilespmem:s2+$0xFD90]  }
0x302: {  	v6 =	vld [tilespmem:s2+$0xFD40]  }
0x303: {  	v7 =	vld [tilespmem:s2+$0xFD50]  }
0x304: {  	v12 =	vld [tilespmem:s2+$0xFD00]  }
0x305: {  	v9 =	vimm.f32 $0.0e+00;
	v13 =	vld [tilespmem:s2+$0xFD10]  }
0x306: {  	s6 =	simm.s32 $0x500;
	v11 =	vimm.f32 $0.0e+00;
	v8 =	vimm.f32 $0.0e+00;
	v10 =	vimm.f32 $0.0e+00;
	v14 =	vld [tilespmem:s2+$0xFD20]  }
.LBB2_30:
0x307: {  	p0 =	sne.s32 s6, $0x5F00;
	v15 =	vld [tilespmem:s2+$0xFD30]  }
0x308: {  	v16 =	vld [tilespmem:s2+$0xFD60]  }
0x309: {  	v17 =	vld [tilespmem:s2+$0xFD70]  }
0x30a: {  	v18 =	vld [tilespmem:s2+$0xFDA0]  }
0x30b: {  	v8 =	vadd.f32 v12, v8;
	v9 =	vadd.f32 v13, v9;
	v12 =	vld [tilespmem:s2+$0xFDB0]  }
0x30c: {  	v11 =	vadd.f32 v14, v11;
	v10 =	vadd.f32 v15, v10;
	v13 =	vld [tilespmem:s2+$0xFDE0]  }
0x30d: {  	v6 =	vadd.f32 v6, v8;
	v7 =	vadd.f32 v7, v9;
	v8 =	vld [tilespmem:s2+$0xFDF0]  }
0x30e: {  	v9 =	vadd.f32 v16, v11;
	v10 =	vadd.f32 v17, v10;
	v11 =	vld [tilespmem:s2+$0xFE20]  }
0x30f: {  	v4 =	vadd.f32 v4, v6;
	v5 =	vadd.f32 v5, v7;
	v6 =	vld [tilespmem:s2+$0xFE30];
	s2 =	sshra.s32 s6, $0x2  }
0x310: {  	v9 =	vadd.f32 v18, v9;
	v7 =	vld [tilespmem:s2+$0xFE00];
	v10 =	vadd.f32 v12, v10  }
0x311: {  	v4 =	vadd.f32 v2, v4;
	v5 =	vadd.f32 v3, v5;
	v12 =	vld [tilespmem:s2+$0xFE10]  }
0x312: {  	v13 =	vadd.f32 v13, v9;
	v2 =	vld [tilespmem:s2+$0xFDC0];
	v10 =	vadd.f32 v8, v10  }
0x313: {  	v8 =	vadd.f32 v0, v4;
	v9 =	vadd.f32 v1, v5;
	v3 =	vld [tilespmem:s2+$0xFDD0]  }
0x314: {  	v11 =	vadd.f32 v11, v13;
	v4 =	vld [tilespmem:s2+$0xFD80];
	v10 =	vadd.f32 v6, v10  }
0x315: {  	v5 =	vld [tilespmem:s2+$0xFD90];
	v0 =	vmov v7  }
.Ltmp14:
0x316: {  	v6 =	vld [tilespmem:s2+$0xFD40];
	v1 =	vmov v12;
	(pc) =	sbr.rel @p0 .LBB2_30-.Ltmp14, $4  }
0x317: {  	v7 =	vld [tilespmem:s2+$0xFD50]  }
0x318: {  	v12 =	vld [tilespmem:s2+$0xFD00]  }
0x319: {  	v13 =	vld [tilespmem:s2+$0xFD10]  }
0x31a: {  	s6 =	sadd.s32 $0x500, s6;
	v14 =	vld [tilespmem:s2+$0xFD20]  }
0x31b: {  	v15 =	vld [tilespmem:s2+$0xFD30]  }
0x31c: {  	v16 =	vld [tilespmem:s2+$0xFD60]  }
0x31d: {  	v17 =	vld [tilespmem:s2+$0xFD70]  }
0x31e: {  	v18 =	vld [tilespmem:s2+$0xFDA0]  }
0x31f: {  	v8 =	vadd.f32 v12, v8;
	v12 =	vld [tilespmem:s2+$0xFDB0];
	v11 =	vadd.f32 v14, v11  }
0x320: {  	v9 =	vadd.f32 v13, v9;
	v13 =	vld [tilespmem:s2+$0xFDE0];
	v10 =	vadd.f32 v15, v10  }
0x321: {  	v6 =	vadd.f32 v6, v8;
	v8 =	vld [tilespmem:s2+$0xFDF0];
	v11 =	vadd.f32 v16, v11  }
0x322: {  	v7 =	vadd.f32 v7, v9;
	v9 =	vadd.f32 v17, v10;
	v10 =	vld [tilespmem:s2+$0xFE20]  }
0x323: {  	v4 =	vadd.f32 v4, v6;
	v6 =	vld [tilespmem:s2+$0xFE30];
	v11 =	vadd.f32 v18, v11  }
0x324: {  	v5 =	vadd.f32 v5, v7;
	v7 =	vadd.f32 v12, v9  }
0x325: {  	v2 =	vadd.f32 v2, v4;
	v4 =	vadd.f32 v13, v11  }
0x326: {  	v3 =	vadd.f32 v3, v5;
	v5 =	vadd.f32 v8, v7  }
0x327: {  	v0 =	vadd.f32 v0, v2;
	v2 =	vadd.f32 v10, v4  }
0x328: {  	v1 =	vadd.f32 v1, v3;
	v3 =	vadd.f32 v6, v5  }
0x329: {  	v0 =	vadd.f32 v2, v0  }
0x32a: {  	v1 =	vadd.f32 v3, v1  }
0x32b: {  	[tilespmem:$0x157A0] =	vst v0  }
0x32c: {  	[tilespmem:$0x157B0] =	vst v1  }
0x32d: {  	_ =	swait.ge [sflag:s4], $0x1900  }
0x32e: {  	[sflag:s4] =	ssyncset.done $0x0  }
0x32f: {  	s2 =	simm.s32 $0x0;
	[sflag:s4] =	ssyncadd.s32 $0xFFFFE700  }
0x330: {  	v0 =	vld [tilespmem:s2+$0x11700]  }
0x331: {  	v1 =	vld [tilespmem:s2+$0x11710]  }
0x332: {  	v2 =	vld [tilespmem:s2+$0x116C0]  }
0x333: {  	v3 =	vld [tilespmem:s2+$0x116D0]  }
0x334: {  	v4 =	vld [tilespmem:s2+$0x11680]  }
0x335: {  	v5 =	vld [tilespmem:s2+$0x11690]  }
0x336: {  	v6 =	vld [tilespmem:s2+$0x11640]  }
0x337: {  	v7 =	vld [tilespmem:s2+$0x11650]  }
0x338: {  	v12 =	vld [tilespmem:s2+$0x11600]  }
0x339: {  	v9 =	vimm.f32 $0.0e+00;
	v13 =	vld [tilespmem:s2+$0x11610]  }
0x33a: {  	s6 =	simm.s32 $0x500;
	v11 =	vimm.f32 $0.0e+00;
	v8 =	vimm.f32 $0.0e+00;
	v10 =	vimm.f32 $0.0e+00;
	v14 =	vld [tilespmem:s2+$0x11620]  }
.LBB2_32:
0x33b: {  	p0 =	sne.s32 s6, $0x5F00;
	v15 =	vld [tilespmem:s2+$0x11630]  }
0x33c: {  	v16 =	vld [tilespmem:s2+$0x11660]  }
0x33d: {  	v17 =	vld [tilespmem:s2+$0x11670]  }
0x33e: {  	v18 =	vld [tilespmem:s2+$0x116A0]  }
0x33f: {  	v8 =	vadd.f32 v12, v8;
	v9 =	vadd.f32 v13, v9;
	v12 =	vld [tilespmem:s2+$0x116B0]  }
0x340: {  	v11 =	vadd.f32 v14, v11;
	v10 =	vadd.f32 v15, v10;
	v13 =	vld [tilespmem:s2+$0x116E0]  }
0x341: {  	v6 =	vadd.f32 v6, v8;
	v7 =	vadd.f32 v7, v9;
	v8 =	vld [tilespmem:s2+$0x116F0]  }
0x342: {  	v9 =	vadd.f32 v16, v11;
	v10 =	vadd.f32 v17, v10;
	v11 =	vld [tilespmem:s2+$0x11720]  }
0x343: {  	v4 =	vadd.f32 v4, v6;
	v5 =	vadd.f32 v5, v7;
	v6 =	vld [tilespmem:s2+$0x11730];
	s2 =	sshra.s32 s6, $0x2  }
0x344: {  	v9 =	vadd.f32 v18, v9;
	v7 =	vld [tilespmem:s2+$0x11700];
	v10 =	vadd.f32 v12, v10  }
0x345: {  	v4 =	vadd.f32 v2, v4;
	v5 =	vadd.f32 v3, v5;
	v12 =	vld [tilespmem:s2+$0x11710]  }
0x346: {  	v13 =	vadd.f32 v13, v9;
	v2 =	vld [tilespmem:s2+$0x116C0];
	v10 =	vadd.f32 v8, v10  }
0x347: {  	v8 =	vadd.f32 v0, v4;
	v9 =	vadd.f32 v1, v5;
	v3 =	vld [tilespmem:s2+$0x116D0]  }
0x348: {  	v11 =	vadd.f32 v11, v13;
	v4 =	vld [tilespmem:s2+$0x11680];
	v10 =	vadd.f32 v6, v10  }
0x349: {  	v5 =	vld [tilespmem:s2+$0x11690];
	v0 =	vmov v7  }
.Ltmp15:
0x34a: {  	v6 =	vld [tilespmem:s2+$0x11640];
	v1 =	vmov v12;
	(pc) =	sbr.rel @p0 .LBB2_32-.Ltmp15, $4  }
0x34b: {  	v7 =	vld [tilespmem:s2+$0x11650]  }
0x34c: {  	v12 =	vld [tilespmem:s2+$0x11600]  }
0x34d: {  	v13 =	vld [tilespmem:s2+$0x11610]  }
0x34e: {  	s6 =	sadd.s32 $0x500, s6;
	v14 =	vld [tilespmem:s2+$0x11620]  }
0x34f: {  	v15 =	vld [tilespmem:s2+$0x11630]  }
0x350: {  	v16 =	vld [tilespmem:s2+$0x11660]  }
0x351: {  	v17 =	vld [tilespmem:s2+$0x11670]  }
0x352: {  	v18 =	vld [tilespmem:s2+$0x116A0]  }
0x353: {  	v8 =	vadd.f32 v12, v8;
	v12 =	vld [tilespmem:s2+$0x116B0];
	v11 =	vadd.f32 v14, v11  }
0x354: {  	v9 =	vadd.f32 v13, v9;
	v13 =	vld [tilespmem:s2+$0x116E0];
	v10 =	vadd.f32 v15, v10  }
0x355: {  	v6 =	vadd.f32 v6, v8;
	v8 =	vld [tilespmem:s2+$0x116F0];
	v11 =	vadd.f32 v16, v11  }
0x356: {  	v7 =	vadd.f32 v7, v9;
	v9 =	vadd.f32 v17, v10;
	v10 =	vld [tilespmem:s2+$0x11720]  }
0x357: {  	v4 =	vadd.f32 v4, v6;
	v6 =	vld [tilespmem:s2+$0x11730];
	v11 =	vadd.f32 v18, v11  }
0x358: {  	v5 =	vadd.f32 v5, v7;
	v7 =	vadd.f32 v12, v9  }
0x359: {  	v2 =	vadd.f32 v2, v4;
	v4 =	vadd.f32 v13, v11  }
0x35a: {  	v3 =	vadd.f32 v3, v5;
	v5 =	vadd.f32 v8, v7  }
0x35b: {  	v0 =	vadd.f32 v0, v2;
	v2 =	vadd.f32 v10, v4  }
0x35c: {  	v1 =	vadd.f32 v1, v3;
	v3 =	vadd.f32 v6, v5  }
0x35d: {  	v0 =	vadd.f32 v2, v0  }
0x35e: {  	v1 =	vadd.f32 v3, v1  }
0x35f: {  	[tilespmem:$0x157C0] =	vst v0  }
0x360: {  	[tilespmem:$0x157D0] =	vst v1  }
0x361: {  	_ =	swait.ge [sflag:s5], $0x1900  }
0x362: {  	[sflag:s5] =	ssyncset.done $0x0  }
0x363: {  	s2 =	simm.s32 $0x0;
	[sflag:s5] =	ssyncadd.s32 $0xFFFFE700  }
0x364: {  	v0 =	vld [tilespmem:s2+$0x13000]  }
0x365: {  	v1 =	vld [tilespmem:s2+$0x13010]  }
0x366: {  	v2 =	vld [tilespmem:s2+$0x12FC0]  }
0x367: {  	v3 =	vld [tilespmem:s2+$0x12FD0]  }
0x368: {  	v4 =	vld [tilespmem:s2+$0x12F80]  }
0x369: {  	v5 =	vld [tilespmem:s2+$0x12F90]  }
0x36a: {  	v6 =	vld [tilespmem:s2+$0x12F40]  }
0x36b: {  	v7 =	vld [tilespmem:s2+$0x12F50]  }
0x36c: {  	v12 =	vld [tilespmem:s2+$0x12F00]  }
0x36d: {  	v9 =	vimm.f32 $0.0e+00;
	v13 =	vld [tilespmem:s2+$0x12F10]  }
0x36e: {  	s6 =	simm.s32 $0x500;
	v11 =	vimm.f32 $0.0e+00;
	v8 =	vimm.f32 $0.0e+00;
	v10 =	vimm.f32 $0.0e+00;
	v14 =	vld [tilespmem:s2+$0x12F20]  }
.LBB2_34:
0x36f: {  	p0 =	sne.s32 s6, $0x5F00;
	v15 =	vld [tilespmem:s2+$0x12F30]  }
0x370: {  	v16 =	vld [tilespmem:s2+$0x12F60]  }
0x371: {  	v17 =	vld [tilespmem:s2+$0x12F70]  }
0x372: {  	v18 =	vld [tilespmem:s2+$0x12FA0]  }
0x373: {  	v8 =	vadd.f32 v12, v8;
	v9 =	vadd.f32 v13, v9;
	v12 =	vld [tilespmem:s2+$0x12FB0]  }
0x374: {  	v11 =	vadd.f32 v14, v11;
	v10 =	vadd.f32 v15, v10;
	v13 =	vld [tilespmem:s2+$0x12FE0]  }
0x375: {  	v6 =	vadd.f32 v6, v8;
	v7 =	vadd.f32 v7, v9;
	v8 =	vld [tilespmem:s2+$0x12FF0]  }
0x376: {  	v9 =	vadd.f32 v16, v11;
	v10 =	vadd.f32 v17, v10;
	v11 =	vld [tilespmem:s2+$0x13020]  }
0x377: {  	v4 =	vadd.f32 v4, v6;
	v5 =	vadd.f32 v5, v7;
	v6 =	vld [tilespmem:s2+$0x13030];
	s2 =	sshra.s32 s6, $0x2  }
0x378: {  	v9 =	vadd.f32 v18, v9;
	v7 =	vld [tilespmem:s2+$0x13000];
	v10 =	vadd.f32 v12, v10  }
0x379: {  	v4 =	vadd.f32 v2, v4;
	v5 =	vadd.f32 v3, v5;
	v12 =	vld [tilespmem:s2+$0x13010]  }
0x37a: {  	v13 =	vadd.f32 v13, v9;
	v2 =	vld [tilespmem:s2+$0x12FC0];
	v10 =	vadd.f32 v8, v10  }
0x37b: {  	v8 =	vadd.f32 v0, v4;
	v9 =	vadd.f32 v1, v5;
	v3 =	vld [tilespmem:s2+$0x12FD0]  }
0x37c: {  	v11 =	vadd.f32 v11, v13;
	v4 =	vld [tilespmem:s2+$0x12F80];
	v10 =	vadd.f32 v6, v10  }
0x37d: {  	v5 =	vld [tilespmem:s2+$0x12F90];
	v0 =	vmov v7  }
.Ltmp16:
0x37e: {  	v6 =	vld [tilespmem:s2+$0x12F40];
	v1 =	vmov v12;
	(pc) =	sbr.rel @p0 .LBB2_34-.Ltmp16, $4  }
0x37f: {  	v7 =	vld [tilespmem:s2+$0x12F50]  }
0x380: {  	v12 =	vld [tilespmem:s2+$0x12F00]  }
0x381: {  	v13 =	vld [tilespmem:s2+$0x12F10]  }
0x382: {  	s6 =	sadd.s32 $0x500, s6;
	v14 =	vld [tilespmem:s2+$0x12F20]  }
0x383: {  	v15 =	vld [tilespmem:s2+$0x12F30]  }
0x384: {  	v16 =	vld [tilespmem:s2+$0x12F60]  }
0x385: {  	v17 =	vld [tilespmem:s2+$0x12F70]  }
0x386: {  	v18 =	vld [tilespmem:s2+$0x12FA0]  }
0x387: {  	v53 =	vld [tilespmem:s2+$0x12FB0];
	v8 =	vadd.f32 v12, v8;
	v11 =	vadd.f32 v14, v11  }
0x388: {  	v54 =	vld [tilespmem:s2+$0x12FE0];
	v9 =	vadd.f32 v13, v9;
	v10 =	vadd.f32 v15, v10  }
0x389: {  	v55 =	vld [tilespmem:s2+$0x12FF0];
	v6 =	vadd.f32 v6, v8;
	v11 =	vadd.f32 v16, v11  }
0x38a: {  	v57 =	vld [tilespmem:s2+$0x13020];
	v7 =	vadd.f32 v7, v9;
	v56 =	vadd.f32 v17, v10  }
0x38b: {  	v58 =	vld [tilespmem:s2+$0x13030];
	v4 =	vadd.f32 v4, v6;
	v11 =	vadd.f32 v18, v11  }
0x38c: {  	v5 =	vadd.f32 v5, v7;
	v59 =	vadd.f32 v53, v56  }
0x38d: {  	v2 =	vadd.f32 v2, v4;
	v60 =	vadd.f32 v54, v11  }
0x38e: {  	v3 =	vadd.f32 v3, v5;
	v61 =	vadd.f32 v55, v59  }
0x38f: {  	v0 =	vadd.f32 v0, v2;
	v62 =	vadd.f32 v57, v60  }
0x390: {  	v1 =	vadd.f32 v1, v3;
	v63 =	vadd.f32 v58, v61  }
0x391: {  	v0 =	vadd.f32 v62, v0  }
0x392: {  	v1 =	vadd.f32 v63, v1  }
0x393: {  	[tilespmem:$0x157E0] =	vst v0  }
0x394: {  	s11 =	rddreg [dreg:$0x5];
	s6 =	simm.s32 $0x14800;
	[tilespmem:$0x157F0] =	vst v1  }
0x395: {  	[hbm4b:s11+s7] =	stream.linear.scatter [tilespmem:s6], [sflag:$0x9], $0x1000, $0x38;
	[tilespmem:$0x15800] =	vst v63  }
0x396: {  	s6 =	simm.s32 $0x9  }
0x397: {  	_ =	swait.ge [sflag:s6], $0x1000  }
0x398: {  	s8 =	sadd.s32 $0x1, s8;
	s11 =	rddreg [dreg:$0x6]  }
0x399: {  	p0 =	sne.s32 s8, s11  }
.Ltmp17:
0x39a: {  	_ = 	snop;
	(pc) =	sbr.rel @p0 .LBB2_1-.Ltmp17, $3  }
0x39b: {  	_ =	sdelay $0x1  }
0x39c: {  	[sflag:s6] =	ssyncset.done $0x0  }
0x39d: {  	[sflag:s6] =	ssyncadd.s32 $0xFFFFF000  }
0x39e: {  	_ =	sfence.sel $0x180000  }
0x39f: {  	[bflag:$0x0] =	sbarrier.arrive $0xFFFF  }
0x3a0: {  	_ =	strace $0x90000047  }
0x3a1: {  	s0 =	stileid.u32;
	[bflag:$0x2] =	sbarrier.arrive $0xFFFF  }
0x3a2: {  	p0 =	sne.s32 s0, $0x0;
	s0 =	rddreg [dreg:$0x2]  }
0x3a3: {  	s0 =	sadd.s32 @!p0 $0x100000, s0  }
0x3a4: {  	[sflag:s0] =	ssyncadd.tile.s32 @!p0 $0x1;
	_ =	shalt  }
.Lfunc_end2:
_tile_overlayer_lowered:
.L_overlay_start_2:
0x3a5: {  	(tag) =	ssettag $0x2  }
0x3a6: {  	s0 =	rddreg [dreg:$0x0];
	s2 =	stileid.u32  }
0x3a7: {  	s1 =	rddreg [dreg:$0x1];
	p0 =	sne.s32 s2, $0x0  }
0x3a8: {  	s3 =	rddreg [dreg:$0x2];
	[bflag:$0x3] =	sbarrier.arrive $0xFFFF;
	s2 =	simm.s32 @!p0 $0x1C09  }
0x3a9: {  	[timem:s3], [sflag:s2] =	dma.local @!p0 [hbm:s0], s1  }
0x3aa: {  	s0 =	simm.s32 @!p0 $0x9  }
0x3ab: {  	_ =	swait.ge @!p0 [sflag:s0], s1  }
0x3ac: {  	s1 =	ssub.s32 @!p0 $0x0, s1;
	[sflag:s0] =	ssyncset.done @!p0 $0x0  }
0x3ad: {  	[sflag:s0] =	ssyncadd.s32 @!p0 s1  }
0x3ae: {  	[bflag:$0x3] =	sbarrier.arrive $0xFFFF  }
0x3af: {  	_ =	shalt  }

</sc_bundles>
